<compile_context>
chip_gen: v7x
topology: tpu7x:2x2x1
jax: 0.10.2.dev20260603
libtpu: 0.0.44.dev20260713+nightly
codegen_flags: <defaults>
</compile_context>

<pallas_src>
import functools

import jax
import jax.numpy as jnp
from jax import lax
from jax.experimental import pallas as pl
from jax.experimental.pallas import tpu as pltpu
from jax.experimental.pallas import tpu_sc as plsc

_N = 10000
_E = 160000
_D = 256
_H = 128
_NPAD = 10240
_CHUNK = 128
_SCHUNK = 64

_NC = 2
_NS = 16
_NW = _NC * _NS

_E_PAD = 163840
_DEG_CH = _E_PAD // _NW // _CHUNK
_SEG_CH = _E_PAD // _NS // _SCHUNK
_SEG_PASSES = 4
_PASS_CH = _SEG_CH // _SEG_PASSES
_NBUF = 4
_ROWS_PER_TILE = _NPAD // _NS

_mesh = plsc.VectorSubcoreMesh(core_axis_name="c", subcore_axis_name="s")


@functools.partial(
    pl.kernel,
    mesh=_mesh,
    out_type=jax.ShapeDtypeStruct((_NC, _NPAD), jnp.float32),
    scratch_types=[
        pltpu.VMEM((_CHUNK,), jnp.float32),
        pltpu.VMEM((_DEG_CH, _CHUNK), jnp.int32),
        pltpu.VMEM_SHARED((_NPAD,), jnp.float32),
        pltpu.SemaphoreType.DMA,
    ],
)
def _deg_kernel(dst_hbm, zeros_hbm, ones_hbm, out_hbm, ones_v, idx_v, hist_sh, sem):
    c = lax.axis_index("c")
    s = lax.axis_index("s")
    w = s * _NC + c
    pltpu.sync_copy(ones_hbm, ones_v)
    pltpu.sync_copy(dst_hbm.at[pl.ds(w * _DEG_CH, _DEG_CH)], idx_v)

    @pl.when(s == 0)
    def _():
        pltpu.sync_copy(zeros_hbm, hist_sh)

    plsc.subcore_barrier()

    def fire(j, carry):
        pltpu.async_copy(ones_v, hist_sh.at[idx_v.at[j]], sem, add=True)
        return carry

    lax.fori_loop(0, _DEG_CH, fire, 0)

    def drain(j, carry):
        pltpu.make_async_copy(ones_v, hist_sh.at[idx_v.at[0]], sem).wait()
        return carry

    lax.fori_loop(0, _DEG_CH, drain, 0)
    plsc.subcore_barrier()

    @pl.when(s == 0)
    def _():
        pltpu.sync_copy(hist_sh, out_hbm.at[c])


@functools.partial(
    pl.kernel,
    mesh=_mesh,
    out_type=jax.ShapeDtypeStruct((_NC, _NPAD, _H), jnp.float32),
    scratch_types=[
        pltpu.VMEM((_PASS_CH, _SCHUNK), jnp.int32),
        pltpu.VMEM((_PASS_CH, _SCHUNK), jnp.int32),
        pltpu.VMEM((_SCHUNK, _H), jnp.float32),
        pltpu.VMEM((_SCHUNK, _H), jnp.float32),
        pltpu.VMEM((_SCHUNK, _H), jnp.float32),
        pltpu.VMEM((_SCHUNK, _H), jnp.float32),
        pltpu.VMEM_SHARED((_NPAD, _H), jnp.float32),
        pltpu.SemaphoreType.DMA,
        pltpu.SemaphoreType.DMA,
        pltpu.SemaphoreType.DMA,
        pltpu.SemaphoreType.DMA,
    ],
)
def _seg_kernel(y0, y1, src_hbm, dst_hbm, zrow_hbm, out_hbm,
                src_v, dst_v, b0, b1, b2, b3, seg_sh,
                g0, g1, g2, g3):
    c = lax.axis_index("c")
    s = lax.axis_index("s")
    bufs = (b0, b1, b2, b3)
    gsems = (g0, g1, g2, g3)
    pltpu.sync_copy(zrow_hbm, seg_sh.at[pl.ds(s * _ROWS_PER_TILE, _ROWS_PER_TILE)])
    plsc.subcore_barrier()

    def run(y_hbm):
        def g_fire(j, buf, sem):
            pltpu.async_copy(y_hbm.at[src_v.at[j]], buf, sem)

        def g_wait(buf, sem):
            pltpu.make_async_copy(y_hbm.at[src_v.at[0]], buf, sem).wait()

        for p in range(_SEG_PASSES):
            base = s * _SEG_CH + p * _PASS_CH
            pltpu.sync_copy(src_hbm.at[pl.ds(base, _PASS_CH)], src_v)
            pltpu.sync_copy(dst_hbm.at[pl.ds(base, _PASS_CH)], dst_v)
            g_fire(0, b0, g0)
            g_fire(1, b1, g1)
            g_fire(2, b2, g2)

            def body(i, carry):
                for k in range(_NBUF):
                    jj = _NBUF * i + k
                    q = (k + 3) % _NBUF
                    jn = jj + 3

                    @pl.when(jn < _PASS_CH)
                    def _(jn=jn, q=q):
                        g_fire(jn, bufs[q], gsems[q])
                    g_wait(bufs[k], gsems[k])
                    pltpu.sync_copy(bufs[k], seg_sh.at[dst_v.at[jj]], add=True)
                return carry

            lax.fori_loop(0, _PASS_CH // _NBUF, body, 0)

    @pl.when(c == 0)
    def _():
        run(y0)

    @pl.when(c == 1)
    def _():
        run(y1)

    plsc.subcore_barrier()
    pltpu.sync_copy(
        seg_sh.at[pl.ds(s * _ROWS_PER_TILE, _ROWS_PER_TILE)],
        out_hbm.at[c, pl.ds(s * _ROWS_PER_TILE, _ROWS_PER_TILE)],
    )


_BM = 1000


def _mm_body(x_ref, w_ref, xw_ref):
    xw_ref[...] = jnp.dot(x_ref[...], w_ref[...],
                          preferred_element_type=jnp.float32)


def _mm_call(x, w1):
    return pl.pallas_call(
        _mm_body,
        grid=(_N // _BM,),
        in_specs=[
            pl.BlockSpec((_BM, _D), lambda i: (i, 0)),
            pl.BlockSpec((_D, _D), lambda i: (0, 0)),
        ],
        out_specs=pl.BlockSpec((_BM, _D), lambda i: (i, 0)),
        out_shape=jax.ShapeDtypeStruct((_N, _D), jnp.float32),
    )(x, w1)


def _y_body(xw_ref, dp_ref, y0_ref, y1_ref):
    deg = dp_ref[:, 0] + dp_ref[:, 1] + 1.0
    dinv = lax.rsqrt(deg)[:, None]
    y = xw_ref[...] * dinv
    y0_ref[...] = y[:, :_H]
    y1_ref[...] = y[:, _H:]


def _y_call(xw, deg_parts):
    return pl.pallas_call(
        _y_body,
        grid=(_N // _BM,),
        in_specs=[
            pl.BlockSpec((_BM, _D), lambda i: (i, 0)),
            pl.BlockSpec((_BM, _NC), lambda i: (i, 0)),
        ],
        out_specs=[
            pl.BlockSpec((_BM, _H), lambda i: (i, 0)),
            pl.BlockSpec((_BM, _H), lambda i: (i, 0)),
        ],
        out_shape=[
            jax.ShapeDtypeStruct((_N, _H), jnp.float32),
            jax.ShapeDtypeStruct((_N, _H), jnp.float32),
        ],
    )(xw, deg_parts)


def _epi_body(seg_ref, y0_ref, y1_ref, dp_ref, b1_ref, wl_ref, bl_ref,
              h_ref, out_ref, acc_ref):
    i = pl.program_id(0)
    deg = dp_ref[:, 0] + dp_ref[:, 1] + 1.0
    dinv = lax.rsqrt(deg)[:, None]
    h0 = jnp.maximum(dinv * (seg_ref[0] + y0_ref[...]) + b1_ref[0, :_H], 0.0)
    h1 = jnp.maximum(dinv * (seg_ref[1] + y1_ref[...]) + b1_ref[0, _H:], 0.0)
    h_ref[:, :_H] = h0
    h_ref[:, _H:] = h1

    @pl.when(i == 0)
    def _():
        acc_ref[...] = jnp.zeros_like(acc_ref)

    acc_ref[0, :_H] += jnp.sum(h0, axis=0)
    acc_ref[0, _H:] += jnp.sum(h1, axis=0)

    @pl.when(i == pl.num_programs(0) - 1)
    def _():
        mean = acc_ref[...] * (1.0 / _N)
        out_ref[...] = lax.dot_general(
            mean, wl_ref[...], (((1,), (1,)), ((), ()))) + bl_ref[...]


def _epi_call(seg, y0, y1, deg_parts, b1, wl, bl):
    return pl.pallas_call(
        _epi_body,
        grid=(_N // _BM,),
        in_specs=[
            pl.BlockSpec((_NC, _BM, _H), lambda i: (0, i, 0)),
            pl.BlockSpec((_BM, _H), lambda i: (i, 0)),
            pl.BlockSpec((_BM, _H), lambda i: (i, 0)),
            pl.BlockSpec((_BM, _NC), lambda i: (i, 0)),
            pl.BlockSpec((1, _D), lambda i: (0, 0)),
            pl.BlockSpec((_D, _D), lambda i: (0, 0)),
            pl.BlockSpec((1, _D), lambda i: (0, 0)),
        ],
        out_specs=[
            pl.BlockSpec((_BM, _D), lambda i: (i, 0)),
            pl.BlockSpec((1, _D), lambda i: (0, 0)),
        ],
        out_shape=[
            jax.ShapeDtypeStruct((_N, _D), jnp.float32),
            jax.ShapeDtypeStruct((1, _D), jnp.float32),
        ],
        scratch_shapes=[pltpu.VMEM((1, _D), jnp.float32)],
    )(seg, y0, y1, deg_parts, b1, wl, bl)


def kernel(graph_x, graph_edge, W1, b1, Wl, bl):
    src = graph_edge[0]
    dst = graph_edge[1]
    pad = _E_PAD - _E
    src_p = jnp.concatenate([src, jnp.zeros((pad,), jnp.int32)])
    dst_p = jnp.concatenate([dst, jnp.full((pad,), _N, jnp.int32)])
    dst2d = dst_p.reshape(_E_PAD // _CHUNK, _CHUNK)
    srcs = src_p.reshape(_E_PAD // _SCHUNK, _SCHUNK)
    dsts = dst_p.reshape(_E_PAD // _SCHUNK, _SCHUNK)

    zeros_n = jnp.zeros((_NPAD,), jnp.float32)
    ones_c = jnp.ones((_CHUNK,), jnp.float32)
    zrow = jnp.zeros((_ROWS_PER_TILE, _H), jnp.float32)

    xw = _mm_call(graph_x, W1)
    deg_parts = _deg_kernel(dst2d, zeros_n, ones_c).T
    y0, y1 = _y_call(xw, deg_parts)
    seg = _seg_kernel(y0, y1, srcs, dsts, zrow)
    h, out = _epi_call(seg, y0, y1, deg_parts,
                       b1.reshape(1, _D), Wl, bl.reshape(1, _D))
    return (h, out)

# --- scband reference (transcript-rebuilt; emitter-appended) ---
"""Pipeline reference for scband-graph-emb-44684839748391 (READ-ONLY COPY).

The authoritative reference and input builder live on the scoring server;
editing this copy changes nothing except your own understanding.
"""

import jax, jax.numpy as jnp
import numpy as np

N = 10000
E = 160000
D = 256

def setup_inputs(seed: int = 0) -> dict:
    key = jax.random.key(seed)
    ks = jax.random.split(key, 6)
    graph_x = jax.random.normal(ks[0], (N, D), dtype=jnp.float32)
    graph_edge = jax.random.randint(ks[1], (2, E), 0, N, dtype=jnp.int32)
    W1 = jax.random.normal(ks[2], (D, D), dtype=jnp.float32) * (1.0 / np.sqrt(D))
    b1 = jnp.zeros((D,), dtype=jnp.float32)
    Wl = jax.random.normal(ks[3], (D, D), dtype=jnp.float32) * (1.0 / np.sqrt(D))
    bl = jnp.zeros((D,), dtype=jnp.float32)
    return {"graph_x": graph_x, "graph_edge": graph_edge, "W1": W1, "b1": b1, "Wl": Wl, "bl": bl}

def _gcn_conv(x, edge_index, W, b):
    n = x.shape[0]
    src = edge_index[0]
    dst = edge_index[1]
    # add self-loops (PyG GCNConv default add_self_loops=True)
    loop = jnp.arange(n, dtype=src.dtype)
    src = jnp.concatenate([src, loop], axis=0)
    dst = jnp.concatenate([dst, loop], axis=0)
    # symmetric normalization: deg computed on target index (col)
    deg = jnp.zeros((n,), dtype=x.dtype).at[dst].add(1.0)
    deg_inv_sqrt = jnp.where(deg > 0, jax.lax.rsqrt(jnp.maximum(deg, 1e-12)), 0.0)
    norm = deg_inv_sqrt[src] * deg_inv_sqrt[dst]
    # lin (no bias) then propagate
    xw = x @ W
    msg = xw[src] * norm[:, None]
    out = jnp.zeros((n, xw.shape[1]), dtype=x.dtype).at[dst].add(msg)
    return out + b

def reference(graph_x, graph_edge, W1, b1, Wl, bl):
    # Note: conv2/conv3 are defined in __init__ but unused in forward; faithful translation uses only conv1.
    h = _gcn_conv(graph_x, graph_edge, W1, b1)
    h = jax.nn.relu(h)
    out = h @ Wl.T + bl
    # global_mean_pool with batch=None -> mean over all nodes, keepdim -> [1, D]
    out = jnp.mean(out, axis=0, keepdims=True)
    return (h, out)

if __name__ == "__main__":
    import jax
    _d = setup_inputs()
    print(jax.jit(kernel)(*tuple(_d.values())))

</pallas_src>

<mosaic_0001>
#map = affine_map<(d0, d1) -> (0, 0)>
#map1 = affine_map<(d0, d1) -> (0)>
module attributes {stable_mosaic.version = 14 : i64} {
  func.func @_deg_kernel(%arg0: i32, %arg1: i32, %arg2: memref<1280x128xi32, #tpu.memory_space<hbm>>, %arg3: memref<10240xf32, #tpu.memory_space<hbm>>, %arg4: memref<128xf32, #tpu.memory_space<hbm>>, %arg5: memref<2x10240xf32, #tpu.memory_space<hbm>>, %arg6: memref<128xf32, #tpu.memory_space<vmem>>, %arg7: memref<40x128xi32, #tpu.memory_space<vmem>>, %arg8: memref<10240xf32, #tpu.memory_space<vmem_shared>>, %arg9: memref<!tpu.dma_semaphore, #tpu.memory_space<semaphore_mem>>) attributes {dimension_semantics = [#tpu.dimension_semantics<core_parallel>, #tpu.dimension_semantics<subcore_parallel>], iteration_bounds = array<i64: 2, 16>, scalar_prefetch = 0 : i64, scratch_operands = 4 : i64, tpu.core_type = #tpu.core_type<sc_vector_subcore>, window_params = [{transform_indices = #map}, {transform_indices = #map1}, {transform_indices = #map1}, {transform_indices = #map}]} {
    %mul3A = arith.constant 2 : i32
    %mul3A_0 = arith.muli %arg1, %mul3A : i32
    %add3A = arith.addi %mul3A_0, %arg0 : i32
    "tpu.region"() ({
      %run_scoped3A = tpu.sem_alloc : memref<!tpu.dma_semaphore, #tpu.memory_space<semaphore_mem>>
      tpu.enqueue_dma source(%arg4 : memref<128xf32, #tpu.memory_space<hbm>>) target(%arg6 : memref<128xf32, #tpu.memory_space<vmem>>) target_semaphore(%run_scoped3A : memref<!tpu.dma_semaphore, #tpu.memory_space<semaphore_mem>>)
      tpu.wait_dma2 semaphore(%run_scoped3A : memref<!tpu.dma_semaphore, #tpu.memory_space<semaphore_mem>>) src(%arg4 : memref<128xf32, #tpu.memory_space<hbm>>) dst(%arg6 : memref<128xf32, #tpu.memory_space<vmem>>)
      tpu.yield
    }) : () -> ()
    %mul3A_1 = arith.constant 40 : i32
    %mul3A_2 = arith.muli %add3A, %mul3A_1 : i32
    "tpu.region"() ({
      %run_scoped3A = tpu.sem_alloc : memref<!tpu.dma_semaphore, #tpu.memory_space<semaphore_mem>>
      %dma_start3A = arith.constant 0 : i32
      %dma_start3A_22 = tpu.memref_slice %arg2[%mul3A_2, %dma_start3A] : memref<1280x128xi32, #tpu.memory_space<hbm>> -> memref<40x128xi32, #tpu.memory_space<hbm>>
      %dma_start3A_23 = arith.constant 0 : i32
      %dma_start3A_24 = tpu.memref_slice %arg2[%mul3A_2, %dma_start3A_23] : memref<1280x128xi32, #tpu.memory_space<hbm>> -> memref<40x128xi32, #tpu.memory_space<hbm>>
      tpu.enqueue_dma source(%dma_start3A_24 : memref<40x128xi32, #tpu.memory_space<hbm>>) target(%arg7 : memref<40x128xi32, #tpu.memory_space<vmem>>) target_semaphore(%run_scoped3A : memref<!tpu.dma_semaphore, #tpu.memory_space<semaphore_mem>>)
      %dma_wait3A = arith.constant 0 : i32
      %dma_wait3A_25 = tpu.memref_slice %arg2[%mul3A_2, %dma_wait3A] : memref<1280x128xi32, #tpu.memory_space<hbm>> -> memref<40x128xi32, #tpu.memory_space<hbm>>
      %dma_wait3A_26 = arith.constant 0 : i32
      %dma_wait3A_27 = tpu.memref_slice %arg2[%mul3A_2, %dma_wait3A_26] : memref<1280x128xi32, #tpu.memory_space<hbm>> -> memref<40x128xi32, #tpu.memory_space<hbm>>
      tpu.wait_dma2 semaphore(%run_scoped3A : memref<!tpu.dma_semaphore, #tpu.memory_space<semaphore_mem>>) src(%dma_wait3A_27 : memref<40x128xi32, #tpu.memory_space<hbm>>) dst(%arg7 : memref<40x128xi32, #tpu.memory_space<vmem>>)
      tpu.yield
    }) : () -> ()
    %eq3A = arith.constant 0 : i32
    %eq3A_3 = arith.cmpi eq, %arg1, %eq3A : i32
    %convert_element_type3A = arith.extui %eq3A_3 : i1 to i32
    %cond3A = arith.constant 0 : i32
    %cond3A_4 = arith.cmpi ne, %convert_element_type3A, %cond3A : i32
    scf.if %cond3A_4 {
      "tpu.region"() ({
        %run_scoped3A = tpu.sem_alloc : memref<!tpu.dma_semaphore, #tpu.memory_space<semaphore_mem>>
        tpu.enqueue_dma source(%arg3 : memref<10240xf32, #tpu.memory_space<hbm>>) target(%arg8 : memref<10240xf32, #tpu.memory_space<vmem_shared>>) target_semaphore(%run_scoped3A : memref<!tpu.dma_semaphore, #tpu.memory_space<semaphore_mem>>)
        tpu.wait_dma2 semaphore(%run_scoped3A : memref<!tpu.dma_semaphore, #tpu.memory_space<semaphore_mem>>) src(%arg3 : memref<10240xf32, #tpu.memory_space<hbm>>) dst(%arg8 : memref<10240xf32, #tpu.memory_space<vmem_shared>>)
        tpu.yield
      }) : () -> ()
    } else {
    }
    %barrier3A = arith.constant 0 : index
    tpu.barrier barrier_id(%barrier3A)
    %scan3A = arith.constant 0 : i32
    %scan3A_5 = arith.constant 0 : i32
    %scan3A_6 = arith.constant 40 : i32
    %scan3A_7 = arith.addi %scan3A_5, %scan3A_6 : i32
    %scan3A_8 = arith.constant 1 : i32
    scf.for %scan3A_22 = %scan3A_5 to %scan3A_7 step %scan3A_8  : i32 {
      %dma_start3A = arith.constant 0 : i32
      %dma_start3A_23 = tpu.memref_slice %arg7[%scan3A_22, %dma_start3A] : memref<40x128xi32, #tpu.memory_space<vmem>> -> memref<1x128xi32, #tpu.memory_space<vmem>>
      %dma_start3A_24 = tpu.memref_squeeze %dma_start3A_23 : memref<1x128xi32, #tpu.memory_space<vmem>> -> memref<128xi32, #tpu.memory_space<vmem>>
      %dma_start3A_25 = arith.constant 0 : i32
      %dma_start3A_26 = tpu.memref_slice %arg8[%dma_start3A_25] : memref<10240xf32, #tpu.memory_space<vmem_shared>> -> memref<10240xf32, #tpu.memory_space<vmem_shared>>
      tpu.enqueue_indirect_dma source(%arg6 : memref<128xf32, #tpu.memory_space<vmem>>) target(%dma_start3A_26 : memref<10240xf32, #tpu.memory_space<vmem_shared>>) offsets(%dma_start3A_24 : memref<128xi32, #tpu.memory_space<vmem>>) semaphore(%arg9 : memref<!tpu.dma_semaphore, #tpu.memory_space<semaphore_mem>>) {add = true}
    }
    %scan3A_9 = arith.constant 40 : i32
    %scan3A_10 = arith.constant 0 : i32
    %scan3A_11 = arith.constant 0 : i32
    %scan3A_12 = arith.constant 40 : i32
    %scan3A_13 = arith.addi %scan3A_11, %scan3A_12 : i32
    %scan3A_14 = arith.constant 1 : i32
    scf.for %scan3A_22 = %scan3A_11 to %scan3A_13 step %scan3A_14  : i32 {
      %dma_wait3A = arith.constant 0 : i32
      %dma_wait3A_23 = arith.constant 0 : i32
      %dma_wait3A_24 = tpu.memref_slice %arg7[%dma_wait3A, %dma_wait3A_23] : memref<40x128xi32, #tpu.memory_space<vmem>> -> memref<1x128xi32, #tpu.memory_space<vmem>>
      %dma_wait3A_25 = tpu.memref_squeeze %dma_wait3A_24 : memref<1x128xi32, #tpu.memory_space<vmem>> -> memref<128xi32, #tpu.memory_space<vmem>>
      %dma_wait3A_26 = arith.constant 0 : i32
      %dma_wait3A_27 = tpu.memref_slice %arg8[%dma_wait3A_26] : memref<10240xf32, #tpu.memory_space<vmem_shared>> -> memref<10240xf32, #tpu.memory_space<vmem_shared>>
      tpu.wait_indirect_dma semaphore(%arg9 : memref<!tpu.dma_semaphore, #tpu.memory_space<semaphore_mem>>) src(%arg6 : memref<128xf32, #tpu.memory_space<vmem>>) dst(%dma_wait3A_27 : memref<10240xf32, #tpu.memory_space<vmem_shared>>)
    }
    %scan3A_15 = arith.constant 40 : i32
    %barrier3A_16 = arith.constant 0 : index
    tpu.barrier barrier_id(%barrier3A_16)
    %eq3A_17 = arith.constant 0 : i32
    %eq3A_18 = arith.cmpi eq, %arg1, %eq3A_17 : i32
    %convert_element_type3A_19 = arith.extui %eq3A_18 : i1 to i32
    %cond3A_20 = arith.constant 0 : i32
    %cond3A_21 = arith.cmpi ne, %convert_element_type3A_19, %cond3A_20 : i32
    scf.if %cond3A_21 {
      "tpu.region"() ({
        %run_scoped3A = tpu.sem_alloc : memref<!tpu.dma_semaphore, #tpu.memory_space<semaphore_mem>>
        %dma_start3A = arith.constant 0 : i32
        %dma_start3A_22 = tpu.memref_slice %arg5[%arg0, %dma_start3A] : memref<2x10240xf32, #tpu.memory_space<hbm>> -> memref<1x10240xf32, #tpu.memory_space<hbm>>
        %dma_start3A_23 = tpu.memref_squeeze %dma_start3A_22 : memref<1x10240xf32, #tpu.memory_space<hbm>> -> memref<10240xf32, #tpu.memory_space<hbm>>
        tpu.enqueue_dma source(%arg8 : memref<10240xf32, #tpu.memory_space<vmem_shared>>) target(%dma_start3A_23 : memref<10240xf32, #tpu.memory_space<hbm>>) target_semaphore(%run_scoped3A : memref<!tpu.dma_semaphore, #tpu.memory_space<semaphore_mem>>)
        %dma_wait3A = arith.constant 0 : i32
        %dma_wait3A_24 = tpu.memref_slice %arg5[%arg0, %dma_wait3A] : memref<2x10240xf32, #tpu.memory_space<hbm>> -> memref<1x10240xf32, #tpu.memory_space<hbm>>
        %dma_wait3A_25 = tpu.memref_squeeze %dma_wait3A_24 : memref<1x10240xf32, #tpu.memory_space<hbm>> -> memref<10240xf32, #tpu.memory_space<hbm>>
        tpu.wait_dma2 semaphore(%run_scoped3A : memref<!tpu.dma_semaphore, #tpu.memory_space<semaphore_mem>>) src(%arg8 : memref<10240xf32, #tpu.memory_space<vmem_shared>>) dst(%dma_wait3A_25 : memref<10240xf32, #tpu.memory_space<hbm>>)
        tpu.yield
      }) : () -> ()
    } else {
    }
    return
  }
}

#map = affine_map<(d0, d1) -> (0, 0)>
#map1 = affine_map<(d0, d1) -> (0, 0, 0)>
module attributes {stable_mosaic.version = 14 : i64} {
  func.func @_seg_kernel(%arg0: i32, %arg1: i32, %arg2: memref<10000x128xf32, #tpu.memory_space<hbm>>, %arg3: memref<10000x128xf32, #tpu.memory_space<hbm>>, %arg4: memref<2560x64xi32, #tpu.memory_space<hbm>>, %arg5: memref<2560x64xi32, #tpu.memory_space<hbm>>, %arg6: memref<640x128xf32, #tpu.memory_space<hbm>>, %arg7: memref<2x10240x128xf32, #tpu.memory_space<hbm>>, %arg8: memref<40x64xi32, #tpu.memory_space<vmem>>, %arg9: memref<40x64xi32, #tpu.memory_space<vmem>>, %arg10: memref<64x128xf32, #tpu.memory_space<vmem>>, %arg11: memref<64x128xf32, #tpu.memory_space<vmem>>, %arg12: memref<64x128xf32, #tpu.memory_space<vmem>>, %arg13: memref<64x128xf32, #tpu.memory_space<vmem>>, %arg14: memref<10240x128xf32, #tpu.memory_space<vmem_shared>>, %arg15: memref<!tpu.dma_semaphore, #tpu.memory_space<semaphore_mem>>, %arg16: memref<!tpu.dma_semaphore, #tpu.memory_space<semaphore_mem>>, %arg17: memref<!tpu.dma_semaphore, #tpu.memory_space<semaphore_mem>>, %arg18: memref<!tpu.dma_semaphore, #tpu.memory_space<semaphore_mem>>) attributes {dimension_semantics = [#tpu.dimension_semantics<core_parallel>, #tpu.dimension_semantics<subcore_parallel>], iteration_bounds = array<i64: 2, 16>, scalar_prefetch = 0 : i64, scratch_operands = 11 : i64, tpu.core_type = #tpu.core_type<sc_vector_subcore>, window_params = [{transform_indices = #map}, {transform_indices = #map}, {transform_indices = #map}, {transform_indices = #map}, {transform_indices = #map}, {transform_indices = #map1}]} {
    %mul3A = arith.constant 640 : i32
    %mul3A_0 = arith.muli %arg1, %mul3A : i32
    "tpu.region"() ({
      %run_scoped3A = tpu.sem_alloc : memref<!tpu.dma_semaphore, #tpu.memory_space<semaphore_mem>>
      %dma_start3A = arith.constant 0 : i32
      %dma_start3A_13 = tpu.memref_slice %arg14[%mul3A_0, %dma_start3A] : memref<10240x128xf32, #tpu.memory_space<vmem_shared>> -> memref<640x128xf32, #tpu.memory_space<vmem_shared>>
      tpu.enqueue_dma source(%arg6 : memref<640x128xf32, #tpu.memory_space<hbm>>) target(%dma_start3A_13 : memref<640x128xf32, #tpu.memory_space<vmem_shared>>) target_semaphore(%run_scoped3A : memref<!tpu.dma_semaphore, #tpu.memory_space<semaphore_mem>>)
      %dma_wait3A = arith.constant 0 : i32
      %dma_wait3A_14 = tpu.memref_slice %arg14[%mul3A_0, %dma_wait3A] : memref<10240x128xf32, #tpu.memory_space<vmem_shared>> -> memref<640x128xf32, #tpu.memory_space<vmem_shared>>
      tpu.wait_dma2 semaphore(%run_scoped3A : memref<!tpu.dma_semaphore, #tpu.memory_space<semaphore_mem>>) src(%arg6 : memref<640x128xf32, #tpu.memory_space<hbm>>) dst(%dma_wait3A_14 : memref<640x128xf32, #tpu.memory_space<vmem_shared>>)
      tpu.yield
    }) : () -> ()
    %barrier3A = arith.constant 0 : index
    tpu.barrier barrier_id(%barrier3A)
    %eq3A = arith.constant 0 : i32
    %eq3A_1 = arith.cmpi eq, %arg0, %eq3A : i32
    %convert_element_type3A = arith.extui %eq3A_1 : i1 to i32
    %cond3A = arith.constant 0 : i32
    %cond3A_2 = arith.cmpi ne, %convert_element_type3A, %cond3A : i32
    scf.if %cond3A_2 {
      %mul3A_13 = arith.constant 160 : i32
      %mul3A_14 = arith.muli %arg1, %mul3A_13 : i32
      %add3A = arith.constant 0 : i32
      %add3A_15 = arith.addi %mul3A_14, %add3A : i32
      "tpu.region"() ({
        %run_scoped3A = tpu.sem_alloc : memref<!tpu.dma_semaphore, #tpu.memory_space<semaphore_mem>>
        %dma_start3A_134 = arith.constant 0 : i32
        %dma_start3A_135 = tpu.memref_slice %arg4[%add3A_15, %dma_start3A_134] : memref<2560x64xi32, #tpu.memory_space<hbm>> -> memref<40x64xi32, #tpu.memory_space<hbm>>
        %dma_start3A_136 = arith.constant 0 : i32
        %dma_start3A_137 = tpu.memref_slice %arg4[%add3A_15, %dma_start3A_136] : memref<2560x64xi32, #tpu.memory_space<hbm>> -> memref<40x64xi32, #tpu.memory_space<hbm>>
        tpu.enqueue_dma source(%dma_start3A_137 : memref<40x64xi32, #tpu.memory_space<hbm>>) target(%arg8 : memref<40x64xi32, #tpu.memory_space<vmem>>) target_semaphore(%run_scoped3A : memref<!tpu.dma_semaphore, #tpu.memory_space<semaphore_mem>>)
        %dma_wait3A = arith.constant 0 : i32
        %dma_wait3A_138 = tpu.memref_slice %arg4[%add3A_15, %dma_wait3A] : memref<2560x64xi32, #tpu.memory_space<hbm>> -> memref<40x64xi32, #tpu.memory_space<hbm>>
        %dma_wait3A_139 = arith.constant 0 : i32
        %dma_wait3A_140 = tpu.memref_slice %arg4[%add3A_15, %dma_wait3A_139] : memref<2560x64xi32, #tpu.memory_space<hbm>> -> memref<40x64xi32, #tpu.memory_space<hbm>>
        tpu.wait_dma2 semaphore(%run_scoped3A : memref<!tpu.dma_semaphore, #tpu.memory_space<semaphore_mem>>) src(%dma_wait3A_140 : memref<40x64xi32, #tpu.memory_space<hbm>>) dst(%arg8 : memref<40x64xi32, #tpu.memory_space<vmem>>)
        tpu.yield
      }) : () -> ()
      "tpu.region"() ({
        %run_scoped3A = tpu.sem_alloc : memref<!tpu.dma_semaphore, #tpu.memory_space<semaphore_mem>>
        %dma_start3A_134 = arith.constant 0 : i32
        %dma_start3A_135 = tpu.memref_slice %arg5[%add3A_15, %dma_start3A_134] : memref<2560x64xi32, #tpu.memory_space<hbm>> -> memref<40x64xi32, #tpu.memory_space<hbm>>
        %dma_start3A_136 = arith.constant 0 : i32
        %dma_start3A_137 = tpu.memref_slice %arg5[%add3A_15, %dma_start3A_136] : memref<2560x64xi32, #tpu.memory_space<hbm>> -> memref<40x64xi32, #tpu.memory_space<hbm>>
        tpu.enqueue_dma source(%dma_start3A_137 : memref<40x64xi32, #tpu.memory_space<hbm>>) target(%arg9 : memref<40x64xi32, #tpu.memory_space<vmem>>) target_semaphore(%run_scoped3A : memref<!tpu.dma_semaphore, #tpu.memory_space<semaphore_mem>>)
        %dma_wait3A = arith.constant 0 : i32
        %dma_wait3A_138 = tpu.memref_slice %arg5[%add3A_15, %dma_wait3A] : memref<2560x64xi32, #tpu.memory_space<hbm>> -> memref<40x64xi32, #tpu.memory_space<hbm>>
        %dma_wait3A_139 = arith.constant 0 : i32
        %dma_wait3A_140 = tpu.memref_slice %arg5[%add3A_15, %dma_wait3A_139] : memref<2560x64xi32, #tpu.memory_space<hbm>> -> memref<40x64xi32, #tpu.memory_space<hbm>>
        tpu.wait_dma2 semaphore(%run_scoped3A : memref<!tpu.dma_semaphore, #tpu.memory_space<semaphore_mem>>) src(%dma_wait3A_140 : memref<40x64xi32, #tpu.memory_space<hbm>>) dst(%arg9 : memref<40x64xi32, #tpu.memory_space<vmem>>)
        tpu.yield
      }) : () -> ()
      %dma_start3A = arith.constant 0 : i32
      %dma_start3A_16 = arith.constant 0 : i32
      %dma_start3A_17 = tpu.memref_slice %arg8[%dma_start3A, %dma_start3A_16] : memref<40x64xi32, #tpu.memory_space<vmem>> -> memref<1x64xi32, #tpu.memory_space<vmem>>
      %dma_start3A_18 = tpu.memref_squeeze %dma_start3A_17 : memref<1x64xi32, #tpu.memory_space<vmem>> -> memref<64xi32, #tpu.memory_space<vmem>>
      %dma_start3A_19 = arith.constant 0 : i32
      %dma_start3A_20 = arith.constant 0 : i32
      %dma_start3A_21 = tpu.memref_slice %arg2[%dma_start3A_19, %dma_start3A_20] : memref<10000x128xf32, #tpu.memory_space<hbm>> -> memref<10000x128xf32, #tpu.memory_space<hbm>>
      tpu.enqueue_indirect_dma source(%dma_start3A_21 : memref<10000x128xf32, #tpu.memory_space<hbm>>) target(%arg10 : memref<64x128xf32, #tpu.memory_space<vmem>>) offsets(%dma_start3A_18 : memref<64xi32, #tpu.memory_space<vmem>>) semaphore(%arg15 : memref<!tpu.dma_semaphore, #tpu.memory_space<semaphore_mem>>)
      %dma_start3A_22 = arith.constant 1 : i32
      %dma_start3A_23 = arith.constant 0 : i32
      %dma_start3A_24 = tpu.memref_slice %arg8[%dma_start3A_22, %dma_start3A_23] : memref<40x64xi32, #tpu.memory_space<vmem>> -> memref<1x64xi32, #tpu.memory_space<vmem>>
      %dma_start3A_25 = tpu.memref_squeeze %dma_start3A_24 : memref<1x64xi32, #tpu.memory_space<vmem>> -> memref<64xi32, #tpu.memory_space<vmem>>
      %dma_start3A_26 = arith.constant 0 : i32
      %dma_start3A_27 = arith.constant 0 : i32
      %dma_start3A_28 = tpu.memref_slice %arg2[%dma_start3A_26, %dma_start3A_27] : memref<10000x128xf32, #tpu.memory_space<hbm>> -> memref<10000x128xf32, #tpu.memory_space<hbm>>
      tpu.enqueue_indirect_dma source(%dma_start3A_28 : memref<10000x128xf32, #tpu.memory_space<hbm>>) target(%arg11 : memref<64x128xf32, #tpu.memory_space<vmem>>) offsets(%dma_start3A_25 : memref<64xi32, #tpu.memory_space<vmem>>) semaphore(%arg16 : memref<!tpu.dma_semaphore, #tpu.memory_space<semaphore_mem>>)
      %dma_start3A_29 = arith.constant 2 : i32
      %dma_start3A_30 = arith.constant 0 : i32
      %dma_start3A_31 = tpu.memref_slice %arg8[%dma_start3A_29, %dma_start3A_30] : memref<40x64xi32, #tpu.memory_space<vmem>> -> memref<1x64xi32, #tpu.memory_space<vmem>>
      %dma_start3A_32 = tpu.memref_squeeze %dma_start3A_31 : memref<1x64xi32, #tpu.memory_space<vmem>> -> memref<64xi32, #tpu.memory_space<vmem>>
      %dma_start3A_33 = arith.constant 0 : i32
      %dma_start3A_34 = arith.constant 0 : i32
      %dma_start3A_35 = tpu.memref_slice %arg2[%dma_start3A_33, %dma_start3A_34] : memref<10000x128xf32, #tpu.memory_space<hbm>> -> memref<10000x128xf32, #tpu.memory_space<hbm>>
      tpu.enqueue_indirect_dma source(%dma_start3A_35 : memref<10000x128xf32, #tpu.memory_space<hbm>>) target(%arg12 : memref<64x128xf32, #tpu.memory_space<vmem>>) offsets(%dma_start3A_32 : memref<64xi32, #tpu.memory_space<vmem>>) semaphore(%arg17 : memref<!tpu.dma_semaphore, #tpu.memory_space<semaphore_mem>>)
      %scan3A = arith.constant 0 : i32
      %scan3A_36 = arith.constant 0 : i32
      %scan3A_37 = arith.constant 10 : i32
      %scan3A_38 = arith.addi %scan3A_36, %scan3A_37 : i32
      %scan3A_39 = arith.constant 1 : i32
      scf.for %scan3A_134 = %scan3A_36 to %scan3A_38 step %scan3A_39  : i32 {
        %mul3A_135 = arith.constant 4 : i32
        %mul3A_136 = arith.muli %mul3A_135, %scan3A_134 : i32
        %add3A_137 = arith.constant 0 : i32
        %add3A_138 = arith.addi %mul3A_136, %add3A_137 : i32
        %add3A_139 = arith.constant 3 : i32
        %add3A_140 = arith.addi %add3A_138, %add3A_139 : i32
        %lt3A = arith.constant 40 : i32
        %lt3A_141 = arith.cmpi slt, %add3A_140, %lt3A : i32
        %convert_element_type3A_142 = arith.extui %lt3A_141 : i1 to i32
        %cond3A_143 = arith.constant 0 : i32
        %cond3A_144 = arith.cmpi ne, %convert_element_type3A_142, %cond3A_143 : i32
        scf.if %cond3A_144 {
          %dma_start3A_205 = arith.constant 0 : i32
          %dma_start3A_206 = tpu.memref_slice %arg8[%add3A_140, %dma_start3A_205] : memref<40x64xi32, #tpu.memory_space<vmem>> -> memref<1x64xi32, #tpu.memory_space<vmem>>
          %dma_start3A_207 = tpu.memref_squeeze %dma_start3A_206 : memref<1x64xi32, #tpu.memory_space<vmem>> -> memref<64xi32, #tpu.memory_space<vmem>>
          %dma_start3A_208 = arith.constant 0 : i32
          %dma_start3A_209 = arith.constant 0 : i32
          %dma_start3A_210 = tpu.memref_slice %arg2[%dma_start3A_208, %dma_start3A_209] : memref<10000x128xf32, #tpu.memory_space<hbm>> -> memref<10000x128xf32, #tpu.memory_space<hbm>>
          tpu.enqueue_indirect_dma source(%dma_start3A_210 : memref<10000x128xf32, #tpu.memory_space<hbm>>) target(%arg13 : memref<64x128xf32, #tpu.memory_space<vmem>>) offsets(%dma_start3A_207 : memref<64xi32, #tpu.memory_space<vmem>>) semaphore(%arg18 : memref<!tpu.dma_semaphore, #tpu.memory_space<semaphore_mem>>)
        } else {
        }
        %dma_wait3A = arith.constant 0 : i32
        %dma_wait3A_145 = arith.constant 0 : i32
        %dma_wait3A_146 = tpu.memref_slice %arg8[%dma_wait3A, %dma_wait3A_145] : memref<40x64xi32, #tpu.memory_space<vmem>> -> memref<1x64xi32, #tpu.memory_space<vmem>>
        %dma_wait3A_147 = tpu.memref_squeeze %dma_wait3A_146 : memref<1x64xi32, #tpu.memory_space<vmem>> -> memref<64xi32, #tpu.memory_space<vmem>>
        %dma_wait3A_148 = arith.constant 0 : i32
        %dma_wait3A_149 = arith.constant 0 : i32
        %dma_wait3A_150 = tpu.memref_slice %arg2[%dma_wait3A_148, %dma_wait3A_149] : memref<10000x128xf32, #tpu.memory_space<hbm>> -> memref<10000x128xf32, #tpu.memory_space<hbm>>
        tpu.wait_indirect_dma semaphore(%arg15 : memref<!tpu.dma_semaphore, #tpu.memory_space<semaphore_mem>>) src(%dma_wait3A_150 : memref<10000x128xf32, #tpu.memory_space<hbm>>) dst(%arg10 : memref<64x128xf32, #tpu.memory_space<vmem>>)
        "tpu.region"() ({
          %run_scoped3A = tpu.sem_alloc : memref<!tpu.dma_semaphore, #tpu.memory_space<semaphore_mem>>
          %dma_start3A_205 = arith.constant 0 : i32
          %dma_start3A_206 = tpu.memref_slice %arg9[%add3A_138, %dma_start3A_205] : memref<40x64xi32, #tpu.memory_space<vmem>> -> memref<1x64xi32, #tpu.memory_space<vmem>>
          %dma_start3A_207 = tpu.memref_squeeze %dma_start3A_206 : memref<1x64xi32, #tpu.memory_space<vmem>> -> memref<64xi32, #tpu.memory_space<vmem>>
          %dma_start3A_208 = arith.constant 0 : i32
          %dma_start3A_209 = arith.constant 0 : i32
          %dma_start3A_210 = tpu.memref_slice %arg14[%dma_start3A_208, %dma_start3A_209] : memref<10240x128xf32, #tpu.memory_space<vmem_shared>> -> memref<10240x128xf32, #tpu.memory_space<vmem_shared>>
          tpu.enqueue_indirect_dma source(%arg10 : memref<64x128xf32, #tpu.memory_space<vmem>>) target(%dma_start3A_210 : memref<10240x128xf32, #tpu.memory_space<vmem_shared>>) offsets(%dma_start3A_207 : memref<64xi32, #tpu.memory_space<vmem>>) semaphore(%run_scoped3A : memref<!tpu.dma_semaphore, #tpu.memory_space<semaphore_mem>>) {add = true}
          %dma_wait3A_211 = arith.constant 0 : i32
          %dma_wait3A_212 = tpu.memref_slice %arg9[%add3A_138, %dma_wait3A_211] : memref<40x64xi32, #tpu.memory_space<vmem>> -> memref<1x64xi32, #tpu.memory_space<vmem>>
          %dma_wait3A_213 = tpu.memref_squeeze %dma_wait3A_212 : memref<1x64xi32, #tpu.memory_space<vmem>> -> memref<64xi32, #tpu.memory_space<vmem>>
          %dma_wait3A_214 = arith.constant 0 : i32
          %dma_wait3A_215 = arith.constant 0 : i32
          %dma_wait3A_216 = tpu.memref_slice %arg14[%dma_wait3A_214, %dma_wait3A_215] : memref<10240x128xf32, #tpu.memory_space<vmem_shared>> -> memref<10240x128xf32, #tpu.memory_space<vmem_shared>>
          tpu.wait_indirect_dma semaphore(%run_scoped3A : memref<!tpu.dma_semaphore, #tpu.memory_space<semaphore_mem>>) src(%arg10 : memref<64x128xf32, #tpu.memory_space<vmem>>) dst(%dma_wait3A_216 : memref<10240x128xf32, #tpu.memory_space<vmem_shared>>)
          tpu.yield
        }) : () -> ()
        %mul3A_151 = arith.constant 4 : i32
        %mul3A_152 = arith.muli %mul3A_151, %scan3A_134 : i32
        %add3A_153 = arith.constant 1 : i32
        %add3A_154 = arith.addi %mul3A_152, %add3A_153 : i32
        %add3A_155 = arith.constant 3 : i32
        %add3A_156 = arith.addi %add3A_154, %add3A_155 : i32
        %lt3A_157 = arith.constant 40 : i32
        %lt3A_158 = arith.cmpi slt, %add3A_156, %lt3A_157 : i32
        %convert_element_type3A_159 = arith.extui %lt3A_158 : i1 to i32
        %cond3A_160 = arith.constant 0 : i32
        %cond3A_161 = arith.cmpi ne, %convert_element_type3A_159, %cond3A_160 : i32
        scf.if %cond3A_161 {
          %dma_start3A_205 = arith.constant 0 : i32
          %dma_start3A_206 = tpu.memref_slice %arg8[%add3A_156, %dma_start3A_205] : memref<40x64xi32, #tpu.memory_space<vmem>> -> memref<1x64xi32, #tpu.memory_space<vmem>>
          %dma_start3A_207 = tpu.memref_squeeze %dma_start3A_206 : memref<1x64xi32, #tpu.memory_space<vmem>> -> memref<64xi32, #tpu.memory_space<vmem>>
          %dma_start3A_208 = arith.constant 0 : i32
          %dma_start3A_209 = arith.constant 0 : i32
          %dma_start3A_210 = tpu.memref_slice %arg2[%dma_start3A_208, %dma_start3A_209] : memref<10000x128xf32, #tpu.memory_space<hbm>> -> memref<10000x128xf32, #tpu.memory_space<hbm>>
          tpu.enqueue_indirect_dma source(%dma_start3A_210 : memref<10000x128xf32, #tpu.memory_space<hbm>>) target(%arg10 : memref<64x128xf32, #tpu.memory_space<vmem>>) offsets(%dma_start3A_207 : memref<64xi32, #tpu.memory_space<vmem>>) semaphore(%arg15 : memref<!tpu.dma_semaphore, #tpu.memory_space<semaphore_mem>>)
        } else {
        }
        %dma_wait3A_162 = arith.constant 0 : i32
        %dma_wait3A_163 = arith.constant 0 : i32
        %dma_wait3A_164 = tpu.memref_slice %arg8[%dma_wait3A_162, %dma_wait3A_163] : memref<40x64xi32, #tpu.memory_space<vmem>> -> memref<1x64xi32, #tpu.memory_space<vmem>>
        %dma_wait3A_165 = tpu.memref_squeeze %dma_wait3A_164 : memref<1x64xi32, #tpu.memory_space<vmem>> -> memref<64xi32, #tpu.memory_space<vmem>>
        %dma_wait3A_166 = arith.constant 0 : i32
        %dma_wait3A_167 = arith.constant 0 : i32
        %dma_wait3A_168 = tpu.memref_slice %arg2[%dma_wait3A_166, %dma_wait3A_167] : memref<10000x128xf32, #tpu.memory_space<hbm>> -> memref<10000x128xf32, #tpu.memory_space<hbm>>
        tpu.wait_indirect_dma semaphore(%arg16 : memref<!tpu.dma_semaphore, #tpu.memory_space<semaphore_mem>>) src(%dma_wait3A_168 : memref<10000x128xf32, #tpu.memory_space<hbm>>) dst(%arg11 : memref<64x128xf32, #tpu.memory_space<vmem>>)
        "tpu.region"() ({
          %run_scoped3A = tpu.sem_alloc : memref<!tpu.dma_semaphore, #tpu.memory_space<semaphore_mem>>
          %dma_start3A_205 = arith.constant 0 : i32
          %dma_start3A_206 = tpu.memref_slice %arg9[%add3A_154, %dma_start3A_205] : memref<40x64xi32, #tpu.memory_space<vmem>> -> memref<1x64xi32, #tpu.memory_space<vmem>>
          %dma_start3A_207 = tpu.memref_squeeze %dma_start3A_206 : memref<1x64xi32, #tpu.memory_space<vmem>> -> memref<64xi32, #tpu.memory_space<vmem>>
          %dma_start3A_208 = arith.constant 0 : i32
          %dma_start3A_209 = arith.constant 0 : i32
          %dma_start3A_210 = tpu.memref_slice %arg14[%dma_start3A_208, %dma_start3A_209] : memref<10240x128xf32, #tpu.memory_space<vmem_shared>> -> memref<10240x128xf32, #tpu.memory_space<vmem_shared>>
          tpu.enqueue_indirect_dma source(%arg11 : memref<64x128xf32, #tpu.memory_space<vmem>>) target(%dma_start3A_210 : memref<10240x128xf32, #tpu.memory_space<vmem_shared>>) offsets(%dma_start3A_207 : memref<64xi32, #tpu.memory_space<vmem>>) semaphore(%run_scoped3A : memref<!tpu.dma_semaphore, #tpu.memory_space<semaphore_mem>>) {add = true}
          %dma_wait3A_211 = arith.constant 0 : i32
          %dma_wait3A_212 = tpu.memref_slice %arg9[%add3A_154, %dma_wait3A_211] : memref<40x64xi32, #tpu.memory_space<vmem>> -> memref<1x64xi32, #tpu.memory_space<vmem>>
          %dma_wait3A_213 = tpu.memref_squeeze %dma_wait3A_212 : memref<1x64xi32, #tpu.memory_space<vmem>> -> memref<64xi32, #tpu.memory_space<vmem>>
          %dma_wait3A_214 = arith.constant 0 : i32
          %dma_wait3A_215 = arith.constant 0 : i32
          %dma_wait3A_216 = tpu.memref_slice %arg14[%dma_wait3A_214, %dma_wait3A_215] : memref<10240x128xf32, #tpu.memory_space<vmem_shared>> -> memref<10240x128xf32, #tpu.memory_space<vmem_shared>>
          tpu.wait_indirect_dma semaphore(%run_scoped3A : memref<!tpu.dma_semaphore, #tpu.memory_space<semaphore_mem>>) src(%arg11 : memref<64x128xf32, #tpu.memory_space<vmem>>) dst(%dma_wait3A_216 : memref<10240x128xf32, #tpu.memory_space<vmem_shared>>)
          tpu.yield
        }) : () -> ()
        %mul3A_169 = arith.constant 4 : i32
        %mul3A_170 = arith.muli %mul3A_169, %scan3A_134 : i32
        %add3A_171 = arith.constant 2 : i32
        %add3A_172 = arith.addi %mul3A_170, %add3A_171 : i32
        %add3A_173 = arith.constant 3 : i32
        %add3A_174 = arith.addi %add3A_172, %add3A_173 : i32
        %lt3A_175 = arith.constant 40 : i32
        %lt3A_176 = arith.cmpi slt, %add3A_174, %lt3A_175 : i32
        %convert_element_type3A_177 = arith.extui %lt3A_176 : i1 to i32
        %cond3A_178 = arith.constant 0 : i32
        %cond3A_179 = arith.cmpi ne, %convert_element_type3A_177, %cond3A_178 : i32
        scf.if %cond3A_179 {
          %dma_start3A_205 = arith.constant 0 : i32
          %dma_start3A_206 = tpu.memref_slice %arg8[%add3A_174, %dma_start3A_205] : memref<40x64xi32, #tpu.memory_space<vmem>> -> memref<1x64xi32, #tpu.memory_space<vmem>>
          %dma_start3A_207 = tpu.memref_squeeze %dma_start3A_206 : memref<1x64xi32, #tpu.memory_space<vmem>> -> memref<64xi32, #tpu.memory_space<vmem>>
          %dma_start3A_208 = arith.constant 0 : i32
          %dma_start3A_209 = arith.constant 0 : i32
          %dma_start3A_210 = tpu.memref_slice %arg2[%dma_start3A_208, %dma_start3A_209] : memref<10000x128xf32, #tpu.memory_space<hbm>> -> memref<10000x128xf32, #tpu.memory_space<hbm>>
          tpu.enqueue_indirect_dma source(%dma_start3A_210 : memref<10000x128xf32, #tpu.memory_space<hbm>>) target(%arg11 : memref<64x128xf32, #tpu.memory_space<vmem>>) offsets(%dma_start3A_207 : memref<64xi32, #tpu.memory_space<vmem>>) semaphore(%arg16 : memref<!tpu.dma_semaphore, #tpu.memory_space<semaphore_mem>>)
        } else {
        }
        %dma_wait3A_180 = arith.constant 0 : i32
        %dma_wait3A_181 = arith.constant 0 : i32
        %dma_wait3A_182 = tpu.memref_slice %arg8[%dma_wait3A_180, %dma_wait3A_181] : memref<40x64xi32, #tpu.memory_space<vmem>> -> memref<1x64xi32, #tpu.memory_space<vmem>>
        %dma_wait3A_183 = tpu.memref_squeeze %dma_wait3A_182 : memref<1x64xi32, #tpu.memory_space<vmem>> -> memref<64xi32, #tpu.memory_space<vmem>>
        %dma_wait3A_184 = arith.constant 0 : i32
        %dma_wait3A_185 = arith.constant 0 : i32
        %dma_wait3A_186 = tpu.memref_slice %arg2[%dma_wait3A_184, %dma_wait3A_185] : memref<10000x128xf32, #tpu.memory_space<hbm>> -> memref<10000x128xf32, #tpu.memory_space<hbm>>
        tpu.wait_indirect_dma semaphore(%arg17 : memref<!tpu.dma_semaphore, #tpu.memory_space<semaphore_mem>>) src(%dma_wait3A_186 : memref<10000x128xf32, #tpu.memory_space<hbm>>) dst(%arg12 : memref<64x128xf32, #tpu.memory_space<vmem>>)
        "tpu.region"() ({
          %run_scoped3A = tpu.sem_alloc : memref<!tpu.dma_semaphore, #tpu.memory_space<semaphore_mem>>
          %dma_start3A_205 = arith.constant 0 : i32
          %dma_start3A_206 = tpu.memref_slice %arg9[%add3A_172, %dma_start3A_205] : memref<40x64xi32, #tpu.memory_space<vmem>> -> memref<1x64xi32, #tpu.memory_space<vmem>>
          %dma_start3A_207 = tpu.memref_squeeze %dma_start3A_206 : memref<1x64xi32, #tpu.memory_space<vmem>> -> memref<64xi32, #tpu.memory_space<vmem>>
          %dma_start3A_208 = arith.constant 0 : i32
          %dma_start3A_209 = arith.constant 0 : i32
          %dma_start3A_210 = tpu.memref_slice %arg14[%dma_start3A_208, %dma_start3A_209] : memref<10240x128xf32, #tpu.memory_space<vmem_shared>> -> memref<10240x128xf32, #tpu.memory_space<vmem_shared>>
          tpu.enqueue_indirect_dma source(%arg12 : memref<64x128xf32, #tpu.memory_space<vmem>>) target(%dma_start3A_210 : memref<10240x128xf32, #tpu.memory_space<vmem_shared>>) offsets(%dma_start3A_207 : memref<64xi32, #tpu.memory_space<vmem>>) semaphore(%run_scoped3A : memref<!tpu.dma_semaphore, #tpu.memory_space<semaphore_mem>>) {add = true}
          %dma_wait3A_211 = arith.constant 0 : i32
          %dma_wait3A_212 = tpu.memref_slice %arg9[%add3A_172, %dma_wait3A_211] : memref<40x64xi32, #tpu.memory_space<vmem>> -> memref<1x64xi32, #tpu.memory_space<vmem>>
          %dma_wait3A_213 = tpu.memref_squeeze %dma_wait3A_212 : memref<1x64xi32, #tpu.memory_space<vmem>> -> memref<64xi32, #tpu.memory_space<vmem>>
          %dma_wait3A_214 = arith.constant 0 : i32
          %dma_wait3A_215 = arith.constant 0 : i32
          %dma_wait3A_216 = tpu.memref_slice %arg14[%dma_wait3A_214, %dma_wait3A_215] : memref<10240x128xf32, #tpu.memory_space<vmem_shared>> -> memref<10240x128xf32, #tpu.memory_space<vmem_shared>>
          tpu.wait_indirect_dma semaphore(%run_scoped3A : memref<!tpu.dma_semaphore, #tpu.memory_space<semaphore_mem>>) src(%arg12 : memref<64x128xf32, #tpu.memory_space<vmem>>) dst(%dma_wait3A_216 : memref<10240x128xf32, #tpu.memory_space<vmem_shared>>)
          tpu.yield
        }) : () -> ()
        %mul3A_187 = arith.constant 4 : i32
        %mul3A_188 = arith.muli %mul3A_187, %scan3A_134 : i32
        %add3A_189 = arith.constant 3 : i32
        %add3A_190 = arith.addi %mul3A_188, %add3A_189 : i32
        %add3A_191 = arith.constant 3 : i32
        %add3A_192 = arith.addi %add3A_190, %add3A_191 : i32
        %lt3A_193 = arith.constant 40 : i32
        %lt3A_194 = arith.cmpi slt, %add3A_192, %lt3A_193 : i32
        %convert_element_type3A_195 = arith.extui %lt3A_194 : i1 to i32
        %cond3A_196 = arith.constant 0 : i32
        %cond3A_197 = arith.cmpi ne, %convert_element_type3A_195, %cond3A_196 : i32
        scf.if %cond3A_197 {
          %dma_start3A_205 = arith.constant 0 : i32
          %dma_start3A_206 = tpu.memref_slice %arg8[%add3A_192, %dma_start3A_205] : memref<40x64xi32, #tpu.memory_space<vmem>> -> memref<1x64xi32, #tpu.memory_space<vmem>>
          %dma_start3A_207 = tpu.memref_squeeze %dma_start3A_206 : memref<1x64xi32, #tpu.memory_space<vmem>> -> memref<64xi32, #tpu.memory_space<vmem>>
          %dma_start3A_208 = arith.constant 0 : i32
          %dma_start3A_209 = arith.constant 0 : i32
          %dma_start3A_210 = tpu.memref_slice %arg2[%dma_start3A_208, %dma_start3A_209] : memref<10000x128xf32, #tpu.memory_space<hbm>> -> memref<10000x128xf32, #tpu.memory_space<hbm>>
          tpu.enqueue_indirect_dma source(%dma_start3A_210 : memref<10000x128xf32, #tpu.memory_space<hbm>>) target(%arg12 : memref<64x128xf32, #tpu.memory_space<vmem>>) offsets(%dma_start3A_207 : memref<64xi32, #tpu.memory_space<vmem>>) semaphore(%arg17 : memref<!tpu.dma_semaphore, #tpu.memory_space<semaphore_mem>>)
        } else {
        }
        %dma_wait3A_198 = arith.constant 0 : i32
        %dma_wait3A_199 = arith.constant 0 : i32
        %dma_wait3A_200 = tpu.memref_slice %arg8[%dma_wait3A_198, %dma_wait3A_199] : memref<40x64xi32, #tpu.memory_space<vmem>> -> memref<1x64xi32, #tpu.memory_space<vmem>>
        %dma_wait3A_201 = tpu.memref_squeeze %dma_wait3A_200 : memref<1x64xi32, #tpu.memory_space<vmem>> -> memref<64xi32, #tpu.memory_space<vmem>>
        %dma_wait3A_202 = arith.constant 0 : i32
        %dma_wait3A_203 = arith.constant 0 : i32
        %dma_wait3A_204 = tpu.memref_slice %arg2[%dma_wait3A_202, %dma_wait3A_203] : memref<10000x128xf32, #tpu.memory_space<hbm>> -> memref<10000x128xf32, #tpu.memory_space<hbm>>
        tpu.wait_indirect_dma semaphore(%arg18 : memref<!tpu.dma_semaphore, #tpu.memory_space<semaphore_mem>>) src(%dma_wait3A_204 : memref<10000x128xf32, #tpu.memory_space<hbm>>) dst(%arg13 : memref<64x128xf32, #tpu.memory_space<vmem>>)
        "tpu.region"() ({
          %run_scoped3A = tpu.sem_alloc : memref<!tpu.dma_semaphore, #tpu.memory_space<semaphore_mem>>
          %dma_start3A_205 = arith.constant 0 : i32
          %dma_start3A_206 = tpu.memref_slice %arg9[%add3A_190, %dma_start3A_205] : memref<40x64xi32, #tpu.memory_space<vmem>> -> memref<1x64xi32, #tpu.memory_space<vmem>>
          %dma_start3A_207 = tpu.memref_squeeze %dma_start3A_206 : memref<1x64xi32, #tpu.memory_space<vmem>> -> memref<64xi32, #tpu.memory_space<vmem>>
          %dma_start3A_208 = arith.constant 0 : i32
          %dma_start3A_209 = arith.constant 0 : i32
          %dma_start3A_210 = tpu.memref_slice %arg14[%dma_start3A_208, %dma_start3A_209] : memref<10240x128xf32, #tpu.memory_space<vmem_shared>> -> memref<10240x128xf32, #tpu.memory_space<vmem_shared>>
          tpu.enqueue_indirect_dma source(%arg13 : memref<64x128xf32, #tpu.memory_space<vmem>>) target(%dma_start3A_210 : memref<10240x128xf32, #tpu.memory_space<vmem_shared>>) offsets(%dma_start3A_207 : memref<64xi32, #tpu.memory_space<vmem>>) semaphore(%run_scoped3A : memref<!tpu.dma_semaphore, #tpu.memory_space<semaphore_mem>>) {add = true}
          %dma_wait3A_211 = arith.constant 0 : i32
          %dma_wait3A_212 = tpu.memref_slice %arg9[%add3A_190, %dma_wait3A_211] : memref<40x64xi32, #tpu.memory_space<vmem>> -> memref<1x64xi32, #tpu.memory_space<vmem>>
          %dma_wait3A_213 = tpu.memref_squeeze %dma_wait3A_212 : memref<1x64xi32, #tpu.memory_space<vmem>> -> memref<64xi32, #tpu.memory_space<vmem>>
          %dma_wait3A_214 = arith.constant 0 : i32
          %dma_wait3A_215 = arith.constant 0 : i32
          %dma_wait3A_216 = tpu.memref_slice %arg14[%dma_wait3A_214, %dma_wait3A_215] : memref<10240x128xf32, #tpu.memory_space<vmem_shared>> -> memref<10240x128xf32, #tpu.memory_space<vmem_shared>>
          tpu.wait_indirect_dma semaphore(%run_scoped3A : memref<!tpu.dma_semaphore, #tpu.memory_space<semaphore_mem>>) src(%arg13 : memref<64x128xf32, #tpu.memory_space<vmem>>) dst(%dma_wait3A_216 : memref<10240x128xf32, #tpu.memory_space<vmem_shared>>)
          tpu.yield
        }) : () -> ()
      }
      %scan3A_40 = arith.constant 10 : i32
      %mul3A_41 = arith.constant 160 : i32
      %mul3A_42 = arith.muli %arg1, %mul3A_41 : i32
      %add3A_43 = arith.constant 40 : i32
      %add3A_44 = arith.addi %mul3A_42, %add3A_43 : i32
      "tpu.region"() ({
        %run_scoped3A = tpu.sem_alloc : memref<!tpu.dma_semaphore, #tpu.memory_space<semaphore_mem>>
        %dma_start3A_134 = arith.constant 0 : i32
        %dma_start3A_135 = tpu.memref_slice %arg4[%add3A_44, %dma_start3A_134] : memref<2560x64xi32, #tpu.memory_space<hbm>> -> memref<40x64xi32, #tpu.memory_space<hbm>>
        %dma_start3A_136 = arith.constant 0 : i32
        %dma_start3A_137 = tpu.memref_slice %arg4[%add3A_44, %dma_start3A_136] : memref<2560x64xi32, #tpu.memory_space<hbm>> -> memref<40x64xi32, #tpu.memory_space<hbm>>
        tpu.enqueue_dma source(%dma_start3A_137 : memref<40x64xi32, #tpu.memory_space<hbm>>) target(%arg8 : memref<40x64xi32, #tpu.memory_space<vmem>>) target_semaphore(%run_scoped3A : memref<!tpu.dma_semaphore, #tpu.memory_space<semaphore_mem>>)
        %dma_wait3A = arith.constant 0 : i32
        %dma_wait3A_138 = tpu.memref_slice %arg4[%add3A_44, %dma_wait3A] : memref<2560x64xi32, #tpu.memory_space<hbm>> -> memref<40x64xi32, #tpu.memory_space<hbm>>
        %dma_wait3A_139 = arith.constant 0 : i32
        %dma_wait3A_140 = tpu.memref_slice %arg4[%add3A_44, %dma_wait3A_139] : memref<2560x64xi32, #tpu.memory_space<hbm>> -> memref<40x64xi32, #tpu.memory_space<hbm>>
        tpu.wait_dma2 semaphore(%run_scoped3A : memref<!tpu.dma_semaphore, #tpu.memory_space<semaphore_mem>>) src(%dma_wait3A_140 : memref<40x64xi32, #tpu.memory_space<hbm>>) dst(%arg8 : memref<40x64xi32, #tpu.memory_space<vmem>>)
        tpu.yield
      }) : () -> ()
      "tpu.region"() ({
        %run_scoped3A = tpu.sem_alloc : memref<!tpu.dma_semaphore, #tpu.memory_space<semaphore_mem>>
        %dma_start3A_134 = arith.constant 0 : i32
        %dma_start3A_135 = tpu.memref_slice %arg5[%add3A_44, %dma_start3A_134] : memref<2560x64xi32, #tpu.memory_space<hbm>> -> memref<40x64xi32, #tpu.memory_space<hbm>>
        %dma_start3A_136 = arith.constant 0 : i32
        %dma_start3A_137 = tpu.memref_slice %arg5[%add3A_44, %dma_start3A_136] : memref<2560x64xi32, #tpu.memory_space<hbm>> -> memref<40x64xi32, #tpu.memory_space<hbm>>
        tpu.enqueue_dma source(%dma_start3A_137 : memref<40x64xi32, #tpu.memory_space<hbm>>) target(%arg9 : memref<40x64xi32, #tpu.memory_space<vmem>>) target_semaphore(%run_scoped3A : memref<!tpu.dma_semaphore, #tpu.memory_space<semaphore_mem>>)
        %dma_wait3A = arith.constant 0 : i32
        %dma_wait3A_138 = tpu.memref_slice %arg5[%add3A_44, %dma_wait3A] : memref<2560x64xi32, #tpu.memory_space<hbm>> -> memref<40x64xi32, #tpu.memory_space<hbm>>
        %dma_wait3A_139 = arith.constant 0 : i32
        %dma_wait3A_140 = tpu.memref_slice %arg5[%add3A_44, %dma_wait3A_139] : memref<2560x64xi32, #tpu.memory_space<hbm>> -> memref<40x64xi32, #tpu.memory_space<hbm>>
        tpu.wait_dma2 semaphore(%run_scoped3A : memref<!tpu.dma_semaphore, #tpu.memory_space<semaphore_mem>>) src(%dma_wait3A_140 : memref<40x64xi32, #tpu.memory_space<hbm>>) dst(%arg9 : memref<40x64xi32, #tpu.memory_space<vmem>>)
        tpu.yield
      }) : () -> ()
      %dma_start3A_45 = arith.constant 0 : i32
      %dma_start3A_46 = arith.constant 0 : i32
      %dma_start3A_47 = tpu.memref_slice %arg8[%dma_start3A_45, %dma_start3A_46] : memref<40x64xi32, #tpu.memory_space<vmem>> -> memref<1x64xi32, #tpu.memory_space<vmem>>
      %dma_start3A_48 = tpu.memref_squeeze %dma_start3A_47 : memref<1x64xi32, #tpu.memory_space<vmem>> -> memref<64xi32, #tpu.memory_space<vmem>>
      %dma_start3A_49 = arith.constant 0 : i32
      %dma_start3A_50 = arith.constant 0 : i32
      %dma_start3A_51 = tpu.memref_slice %arg2[%dma_start3A_49, %dma_start3A_50] : memref<10000x128xf32, #tpu.memory_space<hbm>> -> memref<10000x128xf32, #tpu.memory_space<hbm>>
      tpu.enqueue_indirect_dma source(%dma_start3A_51 : memref<10000x128xf32, #tpu.memory_space<hbm>>) target(%arg10 : memref<64x128xf32, #tpu.memory_space<vmem>>) offsets(%dma_start3A_48 : memref<64xi32, #tpu.memory_space<vmem>>) semaphore(%arg15 : memref<!tpu.dma_semaphore, #tpu.memory_space<semaphore_mem>>)
      %dma_start3A_52 = arith.constant 1 : i32
      %dma_start3A_53 = arith.constant 0 : i32
      %dma_start3A_54 = tpu.memref_slice %arg8[%dma_start3A_52, %dma_start3A_53] : memref<40x64xi32, #tpu.memory_space<vmem>> -> memref<1x64xi32, #tpu.memory_space<vmem>>
      %dma_start3A_55 = tpu.memref_squeeze %dma_start3A_54 : memref<1x64xi32, #tpu.memory_space<vmem>> -> memref<64xi32, #tpu.memory_space<vmem>>
      %dma_start3A_56 = arith.constant 0 : i32
      %dma_start3A_57 = arith.constant 0 : i32
      %dma_start3A_58 = tpu.memref_slice %arg2[%dma_start3A_56, %dma_start3A_57] : memref<10000x128xf32, #tpu.memory_space<hbm>> -> memref<10000x128xf32, #tpu.memory_space<hbm>>
      tpu.enqueue_indirect_dma source(%dma_start3A_58 : memref<10000x128xf32, #tpu.memory_space<hbm>>) target(%arg11 : memref<64x128xf32, #tpu.memory_space<vmem>>) offsets(%dma_start3A_55 : memref<64xi32, #tpu.memory_space<vmem>>) semaphore(%arg16 : memref<!tpu.dma_semaphore, #tpu.memory_space<semaphore_mem>>)
      %dma_start3A_59 = arith.constant 2 : i32
      %dma_start3A_60 = arith.constant 0 : i32
      %dma_start3A_61 = tpu.memref_slice %arg8[%dma_start3A_59, %dma_start3A_60] : memref<40x64xi32, #tpu.memory_space<vmem>> -> memref<1x64xi32, #tpu.memory_space<vmem>>
      %dma_start3A_62 = tpu.memref_squeeze %dma_start3A_61 : memref<1x64xi32, #tpu.memory_space<vmem>> -> memref<64xi32, #tpu.memory_space<vmem>>
      %dma_start3A_63 = arith.constant 0 : i32
      %dma_start3A_64 = arith.constant 0 : i32
      %dma_start3A_65 = tpu.memref_slice %arg2[%dma_start3A_63, %dma_start3A_64] : memref<10000x128xf32, #tpu.memory_space<hbm>> -> memref<10000x128xf32, #tpu.memory_space<hbm>>
      tpu.enqueue_indirect_dma source(%dma_start3A_65 : memref<10000x128xf32, #tpu.memory_space<hbm>>) target(%arg12 : memref<64x128xf32, #tpu.memory_space<vmem>>) offsets(%dma_start3A_62 : memref<64xi32, #tpu.memory_space<vmem>>) semaphore(%arg17 : memref<!tpu.dma_semaphore, #tpu.memory_space<semaphore_mem>>)
      %scan3A_66 = arith.constant 0 : i32
      %scan3A_67 = arith.constant 0 : i32
      %scan3A_68 = arith.constant 10 : i32
      %scan3A_69 = arith.addi %scan3A_67, %scan3A_68 : i32
      %scan3A_70 = arith.constant 1 : i32
      scf.for %scan3A_134 = %scan3A_67 to %scan3A_69 step %scan3A_70  : i32 {
        %mul3A_135 = arith.constant 4 : i32
        %mul3A_136 = arith.muli %mul3A_135, %scan3A_134 : i32
        %add3A_137 = arith.constant 0 : i32
        %add3A_138 = arith.addi %mul3A_136, %add3A_137 : i32
        %add3A_139 = arith.constant 3 : i32
        %add3A_140 = arith.addi %add3A_138, %add3A_139 : i32
        %lt3A = arith.constant 40 : i32
        %lt3A_141 = arith.cmpi slt, %add3A_140, %lt3A : i32
        %convert_element_type3A_142 = arith.extui %lt3A_141 : i1 to i32
        %cond3A_143 = arith.constant 0 : i32
        %cond3A_144 = arith.cmpi ne, %convert_element_type3A_142, %cond3A_143 : i32
        scf.if %cond3A_144 {
          %dma_start3A_205 = arith.constant 0 : i32
          %dma_start3A_206 = tpu.memref_slice %arg8[%add3A_140, %dma_start3A_205] : memref<40x64xi32, #tpu.memory_space<vmem>> -> memref<1x64xi32, #tpu.memory_space<vmem>>
          %dma_start3A_207 = tpu.memref_squeeze %dma_start3A_206 : memref<1x64xi32, #tpu.memory_space<vmem>> -> memref<64xi32, #tpu.memory_space<vmem>>
          %dma_start3A_208 = arith.constant 0 : i32
          %dma_start3A_209 = arith.constant 0 : i32
          %dma_start3A_210 = tpu.memref_slice %arg2[%dma_start3A_208, %dma_start3A_209] : memref<10000x128xf32, #tpu.memory_space<hbm>> -> memref<10000x128xf32, #tpu.memory_space<hbm>>
          tpu.enqueue_indirect_dma source(%dma_start3A_210 : memref<10000x128xf32, #tpu.memory_space<hbm>>) target(%arg13 : memref<64x128xf32, #tpu.memory_space<vmem>>) offsets(%dma_start3A_207 : memref<64xi32, #tpu.memory_space<vmem>>) semaphore(%arg18 : memref<!tpu.dma_semaphore, #tpu.memory_space<semaphore_mem>>)
        } else {
        }
        %dma_wait3A = arith.constant 0 : i32
        %dma_wait3A_145 = arith.constant 0 : i32
        %dma_wait3A_146 = tpu.memref_slice %arg8[%dma_wait3A, %dma_wait3A_145] : memref<40x64xi32, #tpu.memory_space<vmem>> -> memref<1x64xi32, #tpu.memory_space<vmem>>
        %dma_wait3A_147 = tpu.memref_squeeze %dma_wait3A_146 : memref<1x64xi32, #tpu.memory_space<vmem>> -> memref<64xi32, #tpu.memory_space<vmem>>
        %dma_wait3A_148 = arith.constant 0 : i32
        %dma_wait3A_149 = arith.constant 0 : i32
        %dma_wait3A_150 = tpu.memref_slice %arg2[%dma_wait3A_148, %dma_wait3A_149] : memref<10000x128xf32, #tpu.memory_space<hbm>> -> memref<10000x128xf32, #tpu.memory_space<hbm>>
        tpu.wait_indirect_dma semaphore(%arg15 : memref<!tpu.dma_semaphore, #tpu.memory_space<semaphore_mem>>) src(%dma_wait3A_150 : memref<10000x128xf32, #tpu.memory_space<hbm>>) dst(%arg10 : memref<64x128xf32, #tpu.memory_space<vmem>>)
        "tpu.region"() ({
          %run_scoped3A = tpu.sem_alloc : memref<!tpu.dma_semaphore, #tpu.memory_space<semaphore_mem>>
          %dma_start3A_205 = arith.constant 0 : i32
          %dma_start3A_206 = tpu.memref_slice %arg9[%add3A_138, %dma_start3A_205] : memref<40x64xi32, #tpu.memory_space<vmem>> -> memref<1x64xi32, #tpu.memory_space<vmem>>
          %dma_start3A_207 = tpu.memref_squeeze %dma_start3A_206 : memref<1x64xi32, #tpu.memory_space<vmem>> -> memref<64xi32, #tpu.memory_space<vmem>>
          %dma_start3A_208 = arith.constant 0 : i32
          %dma_start3A_209 = arith.constant 0 : i32
          %dma_start3A_210 = tpu.memref_slice %arg14[%dma_start3A_208, %dma_start3A_209] : memref<10240x128xf32, #tpu.memory_space<vmem_shared>> -> memref<10240x128xf32, #tpu.memory_space<vmem_shared>>
          tpu.enqueue_indirect_dma source(%arg10 : memref<64x128xf32, #tpu.memory_space<vmem>>) target(%dma_start3A_210 : memref<10240x128xf32, #tpu.memory_space<vmem_shared>>) offsets(%dma_start3A_207 : memref<64xi32, #tpu.memory_space<vmem>>) semaphore(%run_scoped3A : memref<!tpu.dma_semaphore, #tpu.memory_space<semaphore_mem>>) {add = true}
          %dma_wait3A_211 = arith.constant 0 : i32
          %dma_wait3A_212 = tpu.memref_slice %arg9[%add3A_138, %dma_wait3A_211] : memref<40x64xi32, #tpu.memory_space<vmem>> -> memref<1x64xi32, #tpu.memory_space<vmem>>
          %dma_wait3A_213 = tpu.memref_squeeze %dma_wait3A_212 : memref<1x64xi32, #tpu.memory_space<vmem>> -> memref<64xi32, #tpu.memory_space<vmem>>
          %dma_wait3A_214 = arith.constant 0 : i32
          %dma_wait3A_215 = arith.constant 0 : i32
          %dma_wait3A_216 = tpu.memref_slice %arg14[%dma_wait3A_214, %dma_wait3A_215] : memref<10240x128xf32, #tpu.memory_space<vmem_shared>> -> memref<10240x128xf32, #tpu.memory_space<vmem_shared>>
          tpu.wait_indirect_dma semaphore(%run_scoped3A : memref<!tpu.dma_semaphore, #tpu.memory_space<semaphore_mem>>) src(%arg10 : memref<64x128xf32, #tpu.memory_space<vmem>>) dst(%dma_wait3A_216 : memref<10240x128xf32, #tpu.memory_space<vmem_shared>>)
          tpu.yield
        }) : () -> ()
        %mul3A_151 = arith.constant 4 : i32
        %mul3A_152 = arith.muli %mul3A_151, %scan3A_134 : i32
        %add3A_153 = arith.constant 1 : i32
        %add3A_154 = arith.addi %mul3A_152, %add3A_153 : i32
        %add3A_155 = arith.constant 3 : i32
        %add3A_156 = arith.addi %add3A_154, %add3A_155 : i32
        %lt3A_157 = arith.constant 40 : i32
        %lt3A_158 = arith.cmpi slt, %add3A_156, %lt3A_157 : i32
        %convert_element_type3A_159 = arith.extui %lt3A_158 : i1 to i32
        %cond3A_160 = arith.constant 0 : i32
        %cond3A_161 = arith.cmpi ne, %convert_element_type3A_159, %cond3A_160 : i32
        scf.if %cond3A_161 {
          %dma_start3A_205 = arith.constant 0 : i32
          %dma_start3A_206 = tpu.memref_slice %arg8[%add3A_156, %dma_start3A_205] : memref<40x64xi32, #tpu.memory_space<vmem>> -> memref<1x64xi32, #tpu.memory_space<vmem>>
          %dma_start3A_207 = tpu.memref_squeeze %dma_start3A_206 : memref<1x64xi32, #tpu.memory_space<vmem>> -> memref<64xi32, #tpu.memory_space<vmem>>
          %dma_start3A_208 = arith.constant 0 : i32
          %dma_start3A_209 = arith.constant 0 : i32
          %dma_start3A_210 = tpu.memref_slice %arg2[%dma_start3A_208, %dma_start3A_209] : memref<10000x128xf32, #tpu.memory_space<hbm>> -> memref<10000x128xf32, #tpu.memory_space<hbm>>
          tpu.enqueue_indirect_dma source(%dma_start3A_210 : memref<10000x128xf32, #tpu.memory_space<hbm>>) target(%arg10 : memref<64x128xf32, #tpu.memory_space<vmem>>) offsets(%dma_start3A_207 : memref<64xi32, #tpu.memory_space<vmem>>) semaphore(%arg15 : memref<!tpu.dma_semaphore, #tpu.memory_space<semaphore_mem>>)
        } else {
        }
        %dma_wait3A_162 = arith.constant 0 : i32
        %dma_wait3A_163 = arith.constant 0 : i32
        %dma_wait3A_164 = tpu.memref_slice %arg8[%dma_wait3A_162, %dma_wait3A_163] : memref<40x64xi32, #tpu.memory_space<vmem>> -> memref<1x64xi32, #tpu.memory_space<vmem>>
        %dma_wait3A_165 = tpu.memref_squeeze %dma_wait3A_164 : memref<1x64xi32, #tpu.memory_space<vmem>> -> memref<64xi32, #tpu.memory_space<vmem>>
        %dma_wait3A_166 = arith.constant 0 : i32
        %dma_wait3A_167 = arith.constant 0 : i32
        %dma_wait3A_168 = tpu.memref_slice %arg2[%dma_wait3A_166, %dma_wait3A_167] : memref<10000x128xf32, #tpu.memory_space<hbm>> -> memref<10000x128xf32, #tpu.memory_space<hbm>>
        tpu.wait_indirect_dma semaphore(%arg16 : memref<!tpu.dma_semaphore, #tpu.memory_space<semaphore_mem>>) src(%dma_wait3A_168 : memref<10000x128xf32, #tpu.memory_space<hbm>>) dst(%arg11 : memref<64x128xf32, #tpu.memory_space<vmem>>)
        "tpu.region"() ({
          %run_scoped3A = tpu.sem_alloc : memref<!tpu.dma_semaphore, #tpu.memory_space<semaphore_mem>>
          %dma_start3A_205 = arith.constant 0 : i32
          %dma_start3A_206 = tpu.memref_slice %arg9[%add3A_154, %dma_start3A_205] : memref<40x64xi32, #tpu.memory_space<vmem>> -> memref<1x64xi32, #tpu.memory_space<vmem>>
          %dma_start3A_207 = tpu.memref_squeeze %dma_start3A_206 : memref<1x64xi32, #tpu.memory_space<vmem>> -> memref<64xi32, #tpu.memory_space<vmem>>
          %dma_start3A_208 = arith.constant 0 : i32
          %dma_start3A_209 = arith.constant 0 : i32
          %dma_start3A_210 = tpu.memref_slice %arg14[%dma_start3A_208, %dma_start3A_209] : memref<10240x128xf32, #tpu.memory_space<vmem_shared>> -> memref<10240x128xf32, #tpu.memory_space<vmem_shared>>
          tpu.enqueue_indirect_dma source(%arg11 : memref<64x128xf32, #tpu.memory_space<vmem>>) target(%dma_start3A_210 : memref<10240x128xf32, #tpu.memory_space<vmem_shared>>) offsets(%dma_start3A_207 : memref<64xi32, #tpu.memory_space<vmem>>) semaphore(%run_scoped3A : memref<!tpu.dma_semaphore, #tpu.memory_space<semaphore_mem>>) {add = true}
          %dma_wait3A_211 = arith.constant 0 : i32
          %dma_wait3A_212 = tpu.memref_slice %arg9[%add3A_154, %dma_wait3A_211] : memref<40x64xi32, #tpu.memory_space<vmem>> -> memref<1x64xi32, #tpu.memory_space<vmem>>
          %dma_wait3A_213 = tpu.memref_squeeze %dma_wait3A_212 : memref<1x64xi32, #tpu.memory_space<vmem>> -> memref<64xi32, #tpu.memory_space<vmem>>
          %dma_wait3A_214 = arith.constant 0 : i32
          %dma_wait3A_215 = arith.constant 0 : i32
          %dma_wait3A_216 = tpu.memref_slice %arg14[%dma_wait3A_214, %dma_wait3A_215] : memref<10240x128xf32, #tpu.memory_space<vmem_shared>> -> memref<10240x128xf32, #tpu.memory_space<vmem_shared>>
          tpu.wait_indirect_dma semaphore(%run_scoped3A : memref<!tpu.dma_semaphore, #tpu.memory_space<semaphore_mem>>) src(%arg11 : memref<64x128xf32, #tpu.memory_space<vmem>>) dst(%dma_wait3A_216 : memref<10240x128xf32, #tpu.memory_space<vmem_shared>>)
          tpu.yield
        }) : () -> ()
        %mul3A_169 = arith.constant 4 : i32
        %mul3A_170 = arith.muli %mul3A_169, %scan3A_134 : i32
        %add3A_171 = arith.constant 2 : i32
        %add3A_172 = arith.addi %mul3A_170, %add3A_171 : i32
        %add3A_173 = arith.constant 3 : i32
        %add3A_174 = arith.addi %add3A_172, %add3A_173 : i32
        %lt3A_175 = arith.constant 40 : i32
        %lt3A_176 = arith.cmpi slt, %add3A_174, %lt3A_175 : i32
        %convert_element_type3A_177 = arith.extui %lt3A_176 : i1 to i32
        %cond3A_178 = arith.constant 0 : i32
        %cond3A_179 = arith.cmpi ne, %convert_element_type3A_177, %cond3A_178 : i32
        scf.if %cond3A_179 {
          %dma_start3A_205 = arith.constant 0 : i32
          %dma_start3A_206 = tpu.memref_slice %arg8[%add3A_174, %dma_start3A_205] : memref<40x64xi32, #tpu.memory_space<vmem>> -> memref<1x64xi32, #tpu.memory_space<vmem>>
          %dma_start3A_207 = tpu.memref_squeeze %dma_start3A_206 : memref<1x64xi32, #tpu.memory_space<vmem>> -> memref<64xi32, #tpu.memory_space<vmem>>
          %dma_start3A_208 = arith.constant 0 : i32
          %dma_start3A_209 = arith.constant 0 : i32
          %dma_start3A_210 = tpu.memref_slice %arg2[%dma_start3A_208, %dma_start3A_209] : memref<10000x128xf32, #tpu.memory_space<hbm>> -> memref<10000x128xf32, #tpu.memory_space<hbm>>
          tpu.enqueue_indirect_dma source(%dma_start3A_210 : memref<10000x128xf32, #tpu.memory_space<hbm>>) target(%arg11 : memref<64x128xf32, #tpu.memory_space<vmem>>) offsets(%dma_start3A_207 : memref<64xi32, #tpu.memory_space<vmem>>) semaphore(%arg16 : memref<!tpu.dma_semaphore, #tpu.memory_space<semaphore_mem>>)
        } else {
        }
        %dma_wait3A_180 = arith.constant 0 : i32
        %dma_wait3A_181 = arith.constant 0 : i32
        %dma_wait3A_182 = tpu.memref_slice %arg8[%dma_wait3A_180, %dma_wait3A_181] : memref<40x64xi32, #tpu.memory_space<vmem>> -> memref<1x64xi32, #tpu.memory_space<vmem>>
        %dma_wait3A_183 = tpu.memref_squeeze %dma_wait3A_182 : memref<1x64xi32, #tpu.memory_space<vmem>> -> memref<64xi32, #tpu.memory_space<vmem>>
        %dma_wait3A_184 = arith.constant 0 : i32
        %dma_wait3A_185 = arith.constant 0 : i32
        %dma_wait3A_186 = tpu.memref_slice %arg2[%dma_wait3A_184, %dma_wait3A_185] : memref<10000x128xf32, #tpu.memory_space<hbm>> -> memref<10000x128xf32, #tpu.memory_space<hbm>>
        tpu.wait_indirect_dma semaphore(%arg17 : memref<!tpu.dma_semaphore, #tpu.memory_space<semaphore_mem>>) src(%dma_wait3A_186 : memref<10000x128xf32, #tpu.memory_space<hbm>>) dst(%arg12 : memref<64x128xf32, #tpu.memory_space<vmem>>)
        "tpu.region"() ({
          %run_scoped3A = tpu.sem_alloc : memref<!tpu.dma_semaphore, #tpu.memory_space<semaphore_mem>>
          %dma_start3A_205 = arith.constant 0 : i32
          %dma_start3A_206 = tpu.memref_slice %arg9[%add3A_172, %dma_start3A_205] : memref<40x64xi32, #tpu.memory_space<vmem>> -> memref<1x64xi32, #tpu.memory_space<vmem>>
          %dma_start3A_207 = tpu.memref_squeeze %dma_start3A_206 : memref<1x64xi32, #tpu.memory_space<vmem>> -> memref<64xi32, #tpu.memory_space<vmem>>
          %dma_start3A_208 = arith.constant 0 : i32
          %dma_start3A_209 = arith.constant 0 : i32
          %dma_start3A_210 = tpu.memref_slice %arg14[%dma_start3A_208, %dma_start3A_209] : memref<10240x128xf32, #tpu.memory_space<vmem_shared>> -> memref<10240x128xf32, #tpu.memory_space<vmem_shared>>
          tpu.enqueue_indirect_dma source(%arg12 : memref<64x128xf32, #tpu.memory_space<vmem>>) target(%dma_start3A_210 : memref<10240x128xf32, #tpu.memory_space<vmem_shared>>) offsets(%dma_start3A_207 : memref<64xi32, #tpu.memory_space<vmem>>) semaphore(%run_scoped3A : memref<!tpu.dma_semaphore, #tpu.memory_space<semaphore_mem>>) {add = true}
          %dma_wait3A_211 = arith.constant 0 : i32
          %dma_wait3A_212 = tpu.memref_slice %arg9[%add3A_172, %dma_wait3A_211] : memref<40x64xi32, #tpu.memory_space<vmem>> -> memref<1x64xi32, #tpu.memory_space<vmem>>
          %dma_wait3A_213 = tpu.memref_squeeze %dma_wait3A_212 : memref<1x64xi32, #tpu.memory_space<vmem>> -> memref<64xi32, #tpu.memory_space<vmem>>
          %dma_wait3A_214 = arith.constant 0 : i32
          %dma_wait3A_215 = arith.constant 0 : i32
          %dma_wait3A_216 = tpu.memref_slice %arg14[%dma_wait3A_214, %dma_wait3A_215] : memref<10240x128xf32, #tpu.memory_space<vmem_shared>> -> memref<10240x128xf32, #tpu.memory_space<vmem_shared>>
          tpu.wait_indirect_dma semaphore(%run_scoped3A : memref<!tpu.dma_semaphore, #tpu.memory_space<semaphore_mem>>) src(%arg12 : memref<64x128xf32, #tpu.memory_space<vmem>>) dst(%dma_wait3A_216 : memref<10240x128xf32, #tpu.memory_space<vmem_shared>>)
          tpu.yield
        }) : () -> ()
        %mul3A_187 = arith.constant 4 : i32
        %mul3A_188 = arith.muli %mul3A_187, %scan3A_134 : i32
        %add3A_189 = arith.constant 3 : i32
        %add3A_190 = arith.addi %mul3A_188, %add3A_189 : i32
        %add3A_191 = arith.constant 3 : i32
        %add3A_192 = arith.addi %add3A_190, %add3A_191 : i32
        %lt3A_193 = arith.constant 40 : i32
        %lt3A_194 = arith.cmpi slt, %add3A_192, %lt3A_193 : i32
        %convert_element_type3A_195 = arith.extui %lt3A_194 : i1 to i32
        %cond3A_196 = arith.constant 0 : i32
        %cond3A_197 = arith.cmpi ne, %convert_element_type3A_195, %cond3A_196 : i32
        scf.if %cond3A_197 {
          %dma_start3A_205 = arith.constant 0 : i32
          %dma_start3A_206 = tpu.memref_slice %arg8[%add3A_192, %dma_start3A_205] : memref<40x64xi32, #tpu.memory_space<vmem>> -> memref<1x64xi32, #tpu.memory_space<vmem>>
          %dma_start3A_207 = tpu.memref_squeeze %dma_start3A_206 : memref<1x64xi32, #tpu.memory_space<vmem>> -> memref<64xi32, #tpu.memory_space<vmem>>
          %dma_start3A_208 = arith.constant 0 : i32
          %dma_start3A_209 = arith.constant 0 : i32
          %dma_start3A_210 = tpu.memref_slice %arg2[%dma_start3A_208, %dma_start3A_209] : memref<10000x128xf32, #tpu.memory_space<hbm>> -> memref<10000x128xf32, #tpu.memory_space<hbm>>
          tpu.enqueue_indirect_dma source(%dma_start3A_210 : memref<10000x128xf32, #tpu.memory_space<hbm>>) target(%arg12 : memref<64x128xf32, #tpu.memory_space<vmem>>) offsets(%dma_start3A_207 : memref<64xi32, #tpu.memory_space<vmem>>) semaphore(%arg17 : memref<!tpu.dma_semaphore, #tpu.memory_space<semaphore_mem>>)
        } else {
        }
        %dma_wait3A_198 = arith.constant 0 : i32
        %dma_wait3A_199 = arith.constant 0 : i32
        %dma_wait3A_200 = tpu.memref_slice %arg8[%dma_wait3A_198, %dma_wait3A_199] : memref<40x64xi32, #tpu.memory_space<vmem>> -> memref<1x64xi32, #tpu.memory_space<vmem>>
        %dma_wait3A_201 = tpu.memref_squeeze %dma_wait3A_200 : memref<1x64xi32, #tpu.memory_space<vmem>> -> memref<64xi32, #tpu.memory_space<vmem>>
        %dma_wait3A_202 = arith.constant 0 : i32
        %dma_wait3A_203 = arith.constant 0 : i32
        %dma_wait3A_204 = tpu.memref_slice %arg2[%dma_wait3A_202, %dma_wait3A_203] : memref<10000x128xf32, #tpu.memory_space<hbm>> -> memref<10000x128xf32, #tpu.memory_space<hbm>>
        tpu.wait_indirect_dma semaphore(%arg18 : memref<!tpu.dma_semaphore, #tpu.memory_space<semaphore_mem>>) src(%dma_wait3A_204 : memref<10000x128xf32, #tpu.memory_space<hbm>>) dst(%arg13 : memref<64x128xf32, #tpu.memory_space<vmem>>)
        "tpu.region"() ({
          %run_scoped3A = tpu.sem_alloc : memref<!tpu.dma_semaphore, #tpu.memory_space<semaphore_mem>>
          %dma_start3A_205 = arith.constant 0 : i32
          %dma_start3A_206 = tpu.memref_slice %arg9[%add3A_190, %dma_start3A_205] : memref<40x64xi32, #tpu.memory_space<vmem>> -> memref<1x64xi32, #tpu.memory_space<vmem>>
          %dma_start3A_207 = tpu.memref_squeeze %dma_start3A_206 : memref<1x64xi32, #tpu.memory_space<vmem>> -> memref<64xi32, #tpu.memory_space<vmem>>
          %dma_start3A_208 = arith.constant 0 : i32
          %dma_start3A_209 = arith.constant 0 : i32
          %dma_start3A_210 = tpu.memref_slice %arg14[%dma_start3A_208, %dma_start3A_209] : memref<10240x128xf32, #tpu.memory_space<vmem_shared>> -> memref<10240x128xf32, #tpu.memory_space<vmem_shared>>
          tpu.enqueue_indirect_dma source(%arg13 : memref<64x128xf32, #tpu.memory_space<vmem>>) target(%dma_start3A_210 : memref<10240x128xf32, #tpu.memory_space<vmem_shared>>) offsets(%dma_start3A_207 : memref<64xi32, #tpu.memory_space<vmem>>) semaphore(%run_scoped3A : memref<!tpu.dma_semaphore, #tpu.memory_space<semaphore_mem>>) {add = true}
          %dma_wait3A_211 = arith.constant 0 : i32
          %dma_wait3A_212 = tpu.memref_slice %arg9[%add3A_190, %dma_wait3A_211] : memref<40x64xi32, #tpu.memory_space<vmem>> -> memref<1x64xi32, #tpu.memory_space<vmem>>
          %dma_wait3A_213 = tpu.memref_squeeze %dma_wait3A_212 : memref<1x64xi32, #tpu.memory_space<vmem>> -> memref<64xi32, #tpu.memory_space<vmem>>
          %dma_wait3A_214 = arith.constant 0 : i32
          %dma_wait3A_215 = arith.constant 0 : i32
          %dma_wait3A_216 = tpu.memref_slice %arg14[%dma_wait3A_214, %dma_wait3A_215] : memref<10240x128xf32, #tpu.memory_space<vmem_shared>> -> memref<10240x128xf32, #tpu.memory_space<vmem_shared>>
          tpu.wait_indirect_dma semaphore(%run_scoped3A : memref<!tpu.dma_semaphore, #tpu.memory_space<semaphore_mem>>) src(%arg13 : memref<64x128xf32, #tpu.memory_space<vmem>>) dst(%dma_wait3A_216 : memref<10240x128xf32, #tpu.memory_space<vmem_shared>>)
          tpu.yield
        }) : () -> ()
      }
      %scan3A_71 = arith.constant 10 : i32
      %mul3A_72 = arith.constant 160 : i32
      %mul3A_73 = arith.muli %arg1, %mul3A_72 : i32
      %add3A_74 = arith.constant 80 : i32
      %add3A_75 = arith.addi %mul3A_73, %add3A_74 : i32
      "tpu.region"() ({
        %run_scoped3A = tpu.sem_alloc : memref<!tpu.dma_semaphore, #tpu.memory_space<semaphore_mem>>
        %dma_start3A_134 = arith.constant 0 : i32
        %dma_start3A_135 = tpu.memref_slice %arg4[%add3A_75, %dma_start3A_134] : memref<2560x64xi32, #tpu.memory_space<hbm>> -> memref<40x64xi32, #tpu.memory_space<hbm>>
        %dma_start3A_136 = arith.constant 0 : i32
        %dma_start3A_137 = tpu.memref_slice %arg4[%add3A_75, %dma_start3A_136] : memref<2560x64xi32, #tpu.memory_space<hbm>> -> memref<40x64xi32, #tpu.memory_space<hbm>>
        tpu.enqueue_dma source(%dma_start3A_137 : memref<40x64xi32, #tpu.memory_space<hbm>>) target(%arg8 : memref<40x64xi32, #tpu.memory_space<vmem>>) target_semaphore(%run_scoped3A : memref<!tpu.dma_semaphore, #tpu.memory_space<semaphore_mem>>)
        %dma_wait3A = arith.constant 0 : i32
        %dma_wait3A_138 = tpu.memref_slice %arg4[%add3A_75, %dma_wait3A] : memref<2560x64xi32, #tpu.memory_space<hbm>> -> memref<40x64xi32, #tpu.memory_space<hbm>>
        %dma_wait3A_139 = arith.constant 0 : i32
        %dma_wait3A_140 = tpu.memref_slice %arg4[%add3A_75, %dma_wait3A_139] : memref<2560x64xi32, #tpu.memory_space<hbm>> -> memref<40x64xi32, #tpu.memory_space<hbm>>
        tpu.wait_dma2 semaphore(%run_scoped3A : memref<!tpu.dma_semaphore, #tpu.memory_space<semaphore_mem>>) src(%dma_wait3A_140 : memref<40x64xi32, #tpu.memory_space<hbm>>) dst(%arg8 : memref<40x64xi32, #tpu.memory_space<vmem>>)
        tpu.yield
      }) : () -> ()
      "tpu.region"() ({
        %run_scoped3A = tpu.sem_alloc : memref<!tpu.dma_semaphore, #tpu.memory_space<semaphore_mem>>
        %dma_start3A_134 = arith.constant 0 : i32
        %dma_start3A_135 = tpu.memref_slice %arg5[%add3A_75, %dma_start3A_134] : memref<2560x64xi32, #tpu.memory_space<hbm>> -> memref<40x64xi32, #tpu.memory_space<hbm>>
        %dma_start3A_136 = arith.constant 0 : i32
        %dma_start3A_137 = tpu.memref_slice %arg5[%add3A_75, %dma_start3A_136] : memref<2560x64xi32, #tpu.memory_space<hbm>> -> memref<40x64xi32, #tpu.memory_space<hbm>>
        tpu.enqueue_dma source(%dma_start3A_137 : memref<40x64xi32, #tpu.memory_space<hbm>>) target(%arg9 : memref<40x64xi32, #tpu.memory_space<vmem>>) target_semaphore(%run_scoped3A : memref<!tpu.dma_semaphore, #tpu.memory_space<semaphore_mem>>)
        %dma_wait3A = arith.constant 0 : i32
        %dma_wait3A_138 = tpu.memref_slice %arg5[%add3A_75, %dma_wait3A] : memref<2560x64xi32, #tpu.memory_space<hbm>> -> memref<40x64xi32, #tpu.memory_space<hbm>>
        %dma_wait3A_139 = arith.constant 0 : i32
        %dma_wait3A_140 = tpu.memref_slice %arg5[%add3A_75, %dma_wait3A_139] : memref<2560x64xi32, #tpu.memory_space<hbm>> -> memref<40x64xi32, #tpu.memory_space<hbm>>
        tpu.wait_dma2 semaphore(%run_scoped3A : memref<!tpu.dma_semaphore, #tpu.memory_space<semaphore_mem>>) src(%dma_wait3A_140 : memref<40x64xi32, #tpu.memory_space<hbm>>) dst(%arg9 : memref<40x64xi32, #tpu.memory_space<vmem>>)
        tpu.yield
      }) : () -> ()
      %dma_start3A_76 = arith.constant 0 : i32
      %dma_start3A_77 = arith.constant 0 : i32
      %dma_start3A_78 = tpu.memref_slice %arg8[%dma_start3A_76, %dma_start3A_77] : memref<40x64xi32, #tpu.memory_space<vmem>> -> memref<1x64xi32, #tpu.memory_space<vmem>>
      %dma_start3A_79 = tpu.memref_squeeze %dma_start3A_78 : memref<1x64xi32, #tpu.memory_space<vmem>> -> memref<64xi32, #tpu.memory_space<vmem>>
      %dma_start3A_80 = arith.constant 0 : i32
      %dma_start3A_81 = arith.constant 0 : i32
      %dma_start3A_82 = tpu.memref_slice %arg2[%dma_start3A_80, %dma_start3A_81] : memref<10000x128xf32, #tpu.memory_space<hbm>> -> memref<10000x128xf32, #tpu.memory_space<hbm>>
      tpu.enqueue_indirect_dma source(%dma_start3A_82 : memref<10000x128xf32, #tpu.memory_space<hbm>>) target(%arg10 : memref<64x128xf32, #tpu.memory_space<vmem>>) offsets(%dma_start3A_79 : memref<64xi32, #tpu.memory_space<vmem>>) semaphore(%arg15 : memref<!tpu.dma_semaphore, #tpu.memory_space<semaphore_mem>>)
      %dma_start3A_83 = arith.constant 1 : i32
      %dma_start3A_84 = arith.constant 0 : i32
      %dma_start3A_85 = tpu.memref_slice %arg8[%dma_start3A_83, %dma_start3A_84] : memref<40x64xi32, #tpu.memory_space<vmem>> -> memref<1x64xi32, #tpu.memory_space<vmem>>
      %dma_start3A_86 = tpu.memref_squeeze %dma_start3A_85 : memref<1x64xi32, #tpu.memory_space<vmem>> -> memref<64xi32, #tpu.memory_space<vmem>>
      %dma_start3A_87 = arith.constant 0 : i32
      %dma_start3A_88 = arith.constant 0 : i32
      %dma_start3A_89 = tpu.memref_slice %arg2[%dma_start3A_87, %dma_start3A_88] : memref<10000x128xf32, #tpu.memory_space<hbm>> -> memref<10000x128xf32, #tpu.memory_space<hbm>>
      tpu.enqueue_indirect_dma source(%dma_start3A_89 : memref<10000x128xf32, #tpu.memory_space<hbm>>) target(%arg11 : memref<64x128xf32, #tpu.memory_space<vmem>>) offsets(%dma_start3A_86 : memref<64xi32, #tpu.memory_space<vmem>>) semaphore(%arg16 : memref<!tpu.dma_semaphore, #tpu.memory_space<semaphore_mem>>)
      %dma_start3A_90 = arith.constant 2 : i32
      %dma_start3A_91 = arith.constant 0 : i32
      %dma_start3A_92 = tpu.memref_slice %arg8[%dma_start3A_90, %dma_start3A_91] : memref<40x64xi32, #tpu.memory_space<vmem>> -> memref<1x64xi32, #tpu.memory_space<vmem>>
      %dma_start3A_93 = tpu.memref_squeeze %dma_start3A_92 : memref<1x64xi32, #tpu.memory_space<vmem>> -> memref<64xi32, #tpu.memory_space<vmem>>
      %dma_start3A_94 = arith.constant 0 : i32
      %dma_start3A_95 = arith.constant 0 : i32
      %dma_start3A_96 = tpu.memref_slice %arg2[%dma_start3A_94, %dma_start3A_95] : memref<10000x128xf32, #tpu.memory_space<hbm>> -> memref<10000x128xf32, #tpu.memory_space<hbm>>
      tpu.enqueue_indirect_dma source(%dma_start3A_96 : memref<10000x128xf32, #tpu.memory_space<hbm>>) target(%arg12 : memref<64x128xf32, #tpu.memory_space<vmem>>) offsets(%dma_start3A_93 : memref<64xi32, #tpu.memory_space<vmem>>) semaphore(%arg17 : memref<!tpu.dma_semaphore, #tpu.memory_space<semaphore_mem>>)
      %scan3A_97 = arith.constant 0 : i32
      %scan3A_98 = arith.constant 0 : i32
      %scan3A_99 = arith.constant 10 : i32
      %scan3A_100 = arith.addi %scan3A_98, %scan3A_99 : i32
      %scan3A_101 = arith.constant 1 : i32
      scf.for %scan3A_134 = %scan3A_98 to %scan3A_100 step %scan3A_101  : i32 {
        %mul3A_135 = arith.constant 4 : i32
        %mul3A_136 = arith.muli %mul3A_135, %scan3A_134 : i32
        %add3A_137 = arith.constant 0 : i32
        %add3A_138 = arith.addi %mul3A_136, %add3A_137 : i32
        %add3A_139 = arith.constant 3 : i32
        %add3A_140 = arith.addi %add3A_138, %add3A_139 : i32
        %lt3A = arith.constant 40 : i32
        %lt3A_141 = arith.cmpi slt, %add3A_140, %lt3A : i32
        %convert_element_type3A_142 = arith.extui %lt3A_141 : i1 to i32
        %cond3A_143 = arith.constant 0 : i32
        %cond3A_144 = arith.cmpi ne, %convert_element_type3A_142, %cond3A_143 : i32
        scf.if %cond3A_144 {
          %dma_start3A_205 = arith.constant 0 : i32
          %dma_start3A_206 = tpu.memref_slice %arg8[%add3A_140, %dma_start3A_205] : memref<40x64xi32, #tpu.memory_space<vmem>> -> memref<1x64xi32, #tpu.memory_space<vmem>>
          %dma_start3A_207 = tpu.memref_squeeze %dma_start3A_206 : memref<1x64xi32, #tpu.memory_space<vmem>> -> memref<64xi32, #tpu.memory_space<vmem>>
          %dma_start3A_208 = arith.constant 0 : i32
          %dma_start3A_209 = arith.constant 0 : i32
          %dma_start3A_210 = tpu.memref_slice %arg2[%dma_start3A_208, %dma_start3A_209] : memref<10000x128xf32, #tpu.memory_space<hbm>> -> memref<10000x128xf32, #tpu.memory_space<hbm>>
          tpu.enqueue_indirect_dma source(%dma_start3A_210 : memref<10000x128xf32, #tpu.memory_space<hbm>>) target(%arg13 : memref<64x128xf32, #tpu.memory_space<vmem>>) offsets(%dma_start3A_207 : memref<64xi32, #tpu.memory_space<vmem>>) semaphore(%arg18 : memref<!tpu.dma_semaphore, #tpu.memory_space<semaphore_mem>>)
        } else {
        }
        %dma_wait3A = arith.constant 0 : i32
        %dma_wait3A_145 = arith.constant 0 : i32
        %dma_wait3A_146 = tpu.memref_slice %arg8[%dma_wait3A, %dma_wait3A_145] : memref<40x64xi32, #tpu.memory_space<vmem>> -> memref<1x64xi32, #tpu.memory_space<vmem>>
        %dma_wait3A_147 = tpu.memref_squeeze %dma_wait3A_146 : memref<1x64xi32, #tpu.memory_space<vmem>> -> memref<64xi32, #tpu.memory_space<vmem>>
        %dma_wait3A_148 = arith.constant 0 : i32
        %dma_wait3A_149 = arith.constant 0 : i32
        %dma_wait3A_150 = tpu.memref_slice %arg2[%dma_wait3A_148, %dma_wait3A_149] : memref<10000x128xf32, #tpu.memory_space<hbm>> -> memref<10000x128xf32, #tpu.memory_space<hbm>>
        tpu.wait_indirect_dma semaphore(%arg15 : memref<!tpu.dma_semaphore, #tpu.memory_space<semaphore_mem>>) src(%dma_wait3A_150 : memref<10000x128xf32, #tpu.memory_space<hbm>>) dst(%arg10 : memref<64x128xf32, #tpu.memory_space<vmem>>)
        "tpu.region"() ({
          %run_scoped3A = tpu.sem_alloc : memref<!tpu.dma_semaphore, #tpu.memory_space<semaphore_mem>>
          %dma_start3A_205 = arith.constant 0 : i32
          %dma_start3A_206 = tpu.memref_slice %arg9[%add3A_138, %dma_start3A_205] : memref<40x64xi32, #tpu.memory_space<vmem>> -> memref<1x64xi32, #tpu.memory_space<vmem>>
          %dma_start3A_207 = tpu.memref_squeeze %dma_start3A_206 : memref<1x64xi32, #tpu.memory_space<vmem>> -> memref<64xi32, #tpu.memory_space<vmem>>
          %dma_start3A_208 = arith.constant 0 : i32
          %dma_start3A_209 = arith.constant 0 : i32
          %dma_start3A_210 = tpu.memref_slice %arg14[%dma_start3A_208, %dma_start3A_209] : memref<10240x128xf32, #tpu.memory_space<vmem_shared>> -> memref<10240x128xf32, #tpu.memory_space<vmem_shared>>
          tpu.enqueue_indirect_dma source(%arg10 : memref<64x128xf32, #tpu.memory_space<vmem>>) target(%dma_start3A_210 : memref<10240x128xf32, #tpu.memory_space<vmem_shared>>) offsets(%dma_start3A_207 : memref<64xi32, #tpu.memory_space<vmem>>) semaphore(%run_scoped3A : memref<!tpu.dma_semaphore, #tpu.memory_space<semaphore_mem>>) {add = true}
          %dma_wait3A_211 = arith.constant 0 : i32
          %dma_wait3A_212 = tpu.memref_slice %arg9[%add3A_138, %dma_wait3A_211] : memref<40x64xi32, #tpu.memory_space<vmem>> -> memref<1x64xi32, #tpu.memory_space<vmem>>
          %dma_wait3A_213 = tpu.memref_squeeze %dma_wait3A_212 : memref<1x64xi32, #tpu.memory_space<vmem>> -> memref<64xi32, #tpu.memory_space<vmem>>
          %dma_wait3A_214 = arith.constant 0 : i32
          %dma_wait3A_215 = arith.constant 0 : i32
          %dma_wait3A_216 = tpu.memref_slice %arg14[%dma_wait3A_214, %dma_wait3A_215] : memref<10240x128xf32, #tpu.memory_space<vmem_shared>> -> memref<10240x128xf32, #tpu.memory_space<vmem_shared>>
          tpu.wait_indirect_dma semaphore(%run_scoped3A : memref<!tpu.dma_semaphore, #tpu.memory_space<semaphore_mem>>) src(%arg10 : memref<64x128xf32, #tpu.memory_space<vmem>>) dst(%dma_wait3A_216 : memref<10240x128xf32, #tpu.memory_space<vmem_shared>>)
          tpu.yield
        }) : () -> ()
        %mul3A_151 = arith.constant 4 : i32
        %mul3A_152 = arith.muli %mul3A_151, %scan3A_134 : i32
        %add3A_153 = arith.constant 1 : i32
        %add3A_154 = arith.addi %mul3A_152, %add3A_153 : i32
        %add3A_155 = arith.constant 3 : i32
        %add3A_156 = arith.addi %add3A_154, %add3A_155 : i32
        %lt3A_157 = arith.constant 40 : i32
        %lt3A_158 = arith.cmpi slt, %add3A_156, %lt3A_157 : i32
        %convert_element_type3A_159 = arith.extui %lt3A_158 : i1 to i32
        %cond3A_160 = arith.constant 0 : i32
        %cond3A_161 = arith.cmpi ne, %convert_element_type3A_159, %cond3A_160 : i32
        scf.if %cond3A_161 {
          %dma_start3A_205 = arith.constant 0 : i32
          %dma_start3A_206 = tpu.memref_slice %arg8[%add3A_156, %dma_start3A_205] : memref<40x64xi32, #tpu.memory_space<vmem>> -> memref<1x64xi32, #tpu.memory_space<vmem>>
          %dma_start3A_207 = tpu.memref_squeeze %dma_start3A_206 : memref<1x64xi32, #tpu.memory_space<vmem>> -> memref<64xi32, #tpu.memory_space<vmem>>
          %dma_start3A_208 = arith.constant 0 : i32
          %dma_start3A_209 = arith.constant 0 : i32
          %dma_start3A_210 = tpu.memref_slice %arg2[%dma_start3A_208, %dma_start3A_209] : memref<10000x128xf32, #tpu.memory_space<hbm>> -> memref<10000x128xf32, #tpu.memory_space<hbm>>
          tpu.enqueue_indirect_dma source(%dma_start3A_210 : memref<10000x128xf32, #tpu.memory_space<hbm>>) target(%arg10 : memref<64x128xf32, #tpu.memory_space<vmem>>) offsets(%dma_start3A_207 : memref<64xi32, #tpu.memory_space<vmem>>) semaphore(%arg15 : memref<!tpu.dma_semaphore, #tpu.memory_space<semaphore_mem>>)
        } else {
        }
        %dma_wait3A_162 = arith.constant 0 : i32
        %dma_wait3A_163 = arith.constant 0 : i32
        %dma_wait3A_164 = tpu.memref_slice %arg8[%dma_wait3A_162, %dma_wait3A_163] : memref<40x64xi32, #tpu.memory_space<vmem>> -> memref<1x64xi32, #tpu.memory_space<vmem>>
        %dma_wait3A_165 = tpu.memref_squeeze %dma_wait3A_164 : memref<1x64xi32, #tpu.memory_space<vmem>> -> memref<64xi32, #tpu.memory_space<vmem>>
        %dma_wait3A_166 = arith.constant 0 : i32
        %dma_wait3A_167 = arith.constant 0 : i32
        %dma_wait3A_168 = tpu.memref_slice %arg2[%dma_wait3A_166, %dma_wait3A_167] : memref<10000x128xf32, #tpu.memory_space<hbm>> -> memref<10000x128xf32, #tpu.memory_space<hbm>>
        tpu.wait_indirect_dma semaphore(%arg16 : memref<!tpu.dma_semaphore, #tpu.memory_space<semaphore_mem>>) src(%dma_wait3A_168 : memref<10000x128xf32, #tpu.memory_space<hbm>>) dst(%arg11 : memref<64x128xf32, #tpu.memory_space<vmem>>)
        "tpu.region"() ({
          %run_scoped3A = tpu.sem_alloc : memref<!tpu.dma_semaphore, #tpu.memory_space<semaphore_mem>>
          %dma_start3A_205 = arith.constant 0 : i32
          %dma_start3A_206 = tpu.memref_slice %arg9[%add3A_154, %dma_start3A_205] : memref<40x64xi32, #tpu.memory_space<vmem>> -> memref<1x64xi32, #tpu.memory_space<vmem>>
          %dma_start3A_207 = tpu.memref_squeeze %dma_start3A_206 : memref<1x64xi32, #tpu.memory_space<vmem>> -> memref<64xi32, #tpu.memory_space<vmem>>
          %dma_start3A_208 = arith.constant 0 : i32
          %dma_start3A_209 = arith.constant 0 : i32
          %dma_start3A_210 = tpu.memref_slice %arg14[%dma_start3A_208, %dma_start3A_209] : memref<10240x128xf32, #tpu.memory_space<vmem_shared>> -> memref<10240x128xf32, #tpu.memory_space<vmem_shared>>
          tpu.enqueue_indirect_dma source(%arg11 : memref<64x128xf32, #tpu.memory_space<vmem>>) target(%dma_start3A_210 : memref<10240x128xf32, #tpu.memory_space<vmem_shared>>) offsets(%dma_start3A_207 : memref<64xi32, #tpu.memory_space<vmem>>) semaphore(%run_scoped3A : memref<!tpu.dma_semaphore, #tpu.memory_space<semaphore_mem>>) {add = true}
          %dma_wait3A_211 = arith.constant 0 : i32
          %dma_wait3A_212 = tpu.memref_slice %arg9[%add3A_154, %dma_wait3A_211] : memref<40x64xi32, #tpu.memory_space<vmem>> -> memref<1x64xi32, #tpu.memory_space<vmem>>
          %dma_wait3A_213 = tpu.memref_squeeze %dma_wait3A_212 : memref<1x64xi32, #tpu.memory_space<vmem>> -> memref<64xi32, #tpu.memory_space<vmem>>
          %dma_wait3A_214 = arith.constant 0 : i32
          %dma_wait3A_215 = arith.constant 0 : i32
          %dma_wait3A_216 = tpu.memref_slice %arg14[%dma_wait3A_214, %dma_wait3A_215] : memref<10240x128xf32, #tpu.memory_space<vmem_shared>> -> memref<10240x128xf32, #tpu.memory_space<vmem_shared>>
          tpu.wait_indirect_dma semaphore(%run_scoped3A : memref<!tpu.dma_semaphore, #tpu.memory_space<semaphore_mem>>) src(%arg11 : memref<64x128xf32, #tpu.memory_space<vmem>>) dst(%dma_wait3A_216 : memref<10240x128xf32, #tpu.memory_space<vmem_shared>>)
          tpu.yield
        }) : () -> ()
        %mul3A_169 = arith.constant 4 : i32
        %mul3A_170 = arith.muli %mul3A_169, %scan3A_134 : i32
        %add3A_171 = arith.constant 2 : i32
        %add3A_172 = arith.addi %mul3A_170, %add3A_171 : i32
        %add3A_173 = arith.constant 3 : i32
        %add3A_174 = arith.addi %add3A_172, %add3A_173 : i32
        %lt3A_175 = arith.constant 40 : i32
        %lt3A_176 = arith.cmpi slt, %add3A_174, %lt3A_175 : i32
        %convert_element_type3A_177 = arith.extui %lt3A_176 : i1 to i32
        %cond3A_178 = arith.constant 0 : i32
        %cond3A_179 = arith.cmpi ne, %convert_element_type3A_177, %cond3A_178 : i32
        scf.if %cond3A_179 {
          %dma_start3A_205 = arith.constant 0 : i32
          %dma_start3A_206 = tpu.memref_slice %arg8[%add3A_174, %dma_start3A_205] : memref<40x64xi32, #tpu.memory_space<vmem>> -> memref<1x64xi32, #tpu.memory_space<vmem>>
          %dma_start3A_207 = tpu.memref_squeeze %dma_start3A_206 : memref<1x64xi32, #tpu.memory_space<vmem>> -> memref<64xi32, #tpu.memory_space<vmem>>
          %dma_start3A_208 = arith.constant 0 : i32
          %dma_start3A_209 = arith.constant 0 : i32
          %dma_start3A_210 = tpu.memref_slice %arg2[%dma_start3A_208, %dma_start3A_209] : memref<10000x128xf32, #tpu.memory_space<hbm>> -> memref<10000x128xf32, #tpu.memory_space<hbm>>
          tpu.enqueue_indirect_dma source(%dma_start3A_210 : memref<10000x128xf32, #tpu.memory_space<hbm>>) target(%arg11 : memref<64x128xf32, #tpu.memory_space<vmem>>) offsets(%dma_start3A_207 : memref<64xi32, #tpu.memory_space<vmem>>) semaphore(%arg16 : memref<!tpu.dma_semaphore, #tpu.memory_space<semaphore_mem>>)
        } else {
        }
        %dma_wait3A_180 = arith.constant 0 : i32
        %dma_wait3A_181 = arith.constant 0 : i32
        %dma_wait3A_182 = tpu.memref_slice %arg8[%dma_wait3A_180, %dma_wait3A_181] : memref<40x64xi32, #tpu.memory_space<vmem>> -> memref<1x64xi32, #tpu.memory_space<vmem>>
        %dma_wait3A_183 = tpu.memref_squeeze %dma_wait3A_182 : memref<1x64xi32, #tpu.memory_space<vmem>> -> memref<64xi32, #tpu.memory_space<vmem>>
        %dma_wait3A_184 = arith.constant 0 : i32
        %dma_wait3A_185 = arith.constant 0 : i32
        %dma_wait3A_186 = tpu.memref_slice %arg2[%dma_wait3A_184, %dma_wait3A_185] : memref<10000x128xf32, #tpu.memory_space<hbm>> -> memref<10000x128xf32, #tpu.memory_space<hbm>>
        tpu.wait_indirect_dma semaphore(%arg17 : memref<!tpu.dma_semaphore, #tpu.memory_space<semaphore_mem>>) src(%dma_wait3A_186 : memref<10000x128xf32, #tpu.memory_space<hbm>>) dst(%arg12 : memref<64x128xf32, #tpu.memory_space<vmem>>)
        "tpu.region"() ({
          %run_scoped3A = tpu.sem_alloc : memref<!tpu.dma_semaphore, #tpu.memory_space<semaphore_mem>>
          %dma_start3A_205 = arith.constant 0 : i32
          %dma_start3A_206 = tpu.memref_slice %arg9[%add3A_172, %dma_start3A_205] : memref<40x64xi32, #tpu.memory_space<vmem>> -> memref<1x64xi32, #tpu.memory_space<vmem>>
          %dma_start3A_207 = tpu.memref_squeeze %dma_start3A_206 : memref<1x64xi32, #tpu.memory_space<vmem>> -> memref<64xi32, #tpu.memory_space<vmem>>
          %dma_start3A_208 = arith.constant 0 : i32
          %dma_start3A_209 = arith.constant 0 : i32
          %dma_start3A_210 = tpu.memref_slice %arg14[%dma_start3A_208, %dma_start3A_209] : memref<10240x128xf32, #tpu.memory_space<vmem_shared>> -> memref<10240x128xf32, #tpu.memory_space<vmem_shared>>
          tpu.enqueue_indirect_dma source(%arg12 : memref<64x128xf32, #tpu.memory_space<vmem>>) target(%dma_start3A_210 : memref<10240x128xf32, #tpu.memory_space<vmem_shared>>) offsets(%dma_start3A_207 : memref<64xi32, #tpu.memory_space<vmem>>) semaphore(%run_scoped3A : memref<!tpu.dma_semaphore, #tpu.memory_space<semaphore_mem>>) {add = true}
          %dma_wait3A_211 = arith.constant 0 : i32
          %dma_wait3A_212 = tpu.memref_slice %arg9[%add3A_172, %dma_wait3A_211] : memref<40x64xi32, #tpu.memory_space<vmem>> -> memref<1x64xi32, #tpu.memory_space<vmem>>
          %dma_wait3A_213 = tpu.memref_squeeze %dma_wait3A_212 : memref<1x64xi32, #tpu.memory_space<vmem>> -> memref<64xi32, #tpu.memory_space<vmem>>
          %dma_wait3A_214 = arith.constant 0 : i32
          %dma_wait3A_215 = arith.constant 0 : i32
          %dma_wait3A_216 = tpu.memref_slice %arg14[%dma_wait3A_214, %dma_wait3A_215] : memref<10240x128xf32, #tpu.memory_space<vmem_shared>> -> memref<10240x128xf32, #tpu.memory_space<vmem_shared>>
          tpu.wait_indirect_dma semaphore(%run_scoped3A : memref<!tpu.dma_semaphore, #tpu.memory_space<semaphore_mem>>) src(%arg12 : memref<64x128xf32, #tpu.memory_space<vmem>>) dst(%dma_wait3A_216 : memref<10240x128xf32, #tpu.memory_space<vmem_shared>>)
          tpu.yield
        }) : () -> ()
        %mul3A_187 = arith.constant 4 : i32
        %mul3A_188 = arith.muli %mul3A_187, %scan3A_134 : i32
        %add3A_189 = arith.constant 3 : i32
        %add3A_190 = arith.addi %mul3A_188, %add3A_189 : i32
        %add3A_191 = arith.constant 3 : i32
        %add3A_192 = arith.addi %add3A_190, %add3A_191 : i32
        %lt3A_193 = arith.constant 40 : i32
        %lt3A_194 = arith.cmpi slt, %add3A_192, %lt3A_193 : i32
        %convert_element_type3A_195 = arith.extui %lt3A_194 : i1 to i32
        %cond3A_196 = arith.constant 0 : i32
        %cond3A_197 = arith.cmpi ne, %convert_element_type3A_195, %cond3A_196 : i32
        scf.if %cond3A_197 {
          %dma_start3A_205 = arith.constant 0 : i32
          %dma_start3A_206 = tpu.memref_slice %arg8[%add3A_192, %dma_start3A_205] : memref<40x64xi32, #tpu.memory_space<vmem>> -> memref<1x64xi32, #tpu.memory_space<vmem>>
          %dma_start3A_207 = tpu.memref_squeeze %dma_start3A_206 : memref<1x64xi32, #tpu.memory_space<vmem>> -> memref<64xi32, #tpu.memory_space<vmem>>
          %dma_start3A_208 = arith.constant 0 : i32
          %dma_start3A_209 = arith.constant 0 : i32
          %dma_start3A_210 = tpu.memref_slice %arg2[%dma_start3A_208, %dma_start3A_209] : memref<10000x128xf32, #tpu.memory_space<hbm>> -> memref<10000x128xf32, #tpu.memory_space<hbm>>
          tpu.enqueue_indirect_dma source(%dma_start3A_210 : memref<10000x128xf32, #tpu.memory_space<hbm>>) target(%arg12 : memref<64x128xf32, #tpu.memory_space<vmem>>) offsets(%dma_start3A_207 : memref<64xi32, #tpu.memory_space<vmem>>) semaphore(%arg17 : memref<!tpu.dma_semaphore, #tpu.memory_space<semaphore_mem>>)
        } else {
        }
        %dma_wait3A_198 = arith.constant 0 : i32
        %dma_wait3A_199 = arith.constant 0 : i32
        %dma_wait3A_200 = tpu.memref_slice %arg8[%dma_wait3A_198, %dma_wait3A_199] : memref<40x64xi32, #tpu.memory_space<vmem>> -> memref<1x64xi32, #tpu.memory_space<vmem>>
        %dma_wait3A_201 = tpu.memref_squeeze %dma_wait3A_200 : memref<1x64xi32, #tpu.memory_space<vmem>> -> memref<64xi32, #tpu.memory_space<vmem>>
        %dma_wait3A_202 = arith.constant 0 : i32
        %dma_wait3A_203 = arith.constant 0 : i32
        %dma_wait3A_204 = tpu.memref_slice %arg2[%dma_wait3A_202, %dma_wait3A_203] : memref<10000x128xf32, #tpu.memory_space<hbm>> -> memref<10000x128xf32, #tpu.memory_space<hbm>>
        tpu.wait_indirect_dma semaphore(%arg18 : memref<!tpu.dma_semaphore, #tpu.memory_space<semaphore_mem>>) src(%dma_wait3A_204 : memref<10000x128xf32, #tpu.memory_space<hbm>>) dst(%arg13 : memref<64x128xf32, #tpu.memory_space<vmem>>)
        "tpu.region"() ({
          %run_scoped3A = tpu.sem_alloc : memref<!tpu.dma_semaphore, #tpu.memory_space<semaphore_mem>>
          %dma_start3A_205 = arith.constant 0 : i32
          %dma_start3A_206 = tpu.memref_slice %arg9[%add3A_190, %dma_start3A_205] : memref<40x64xi32, #tpu.memory_space<vmem>> -> memref<1x64xi32, #tpu.memory_space<vmem>>
          %dma_start3A_207 = tpu.memref_squeeze %dma_start3A_206 : memref<1x64xi32, #tpu.memory_space<vmem>> -> memref<64xi32, #tpu.memory_space<vmem>>
          %dma_start3A_208 = arith.constant 0 : i32
          %dma_start3A_209 = arith.constant 0 : i32
          %dma_start3A_210 = tpu.memref_slice %arg14[%dma_start3A_208, %dma_start3A_209] : memref<10240x128xf32, #tpu.memory_space<vmem_shared>> -> memref<10240x128xf32, #tpu.memory_space<vmem_shared>>
          tpu.enqueue_indirect_dma source(%arg13 : memref<64x128xf32, #tpu.memory_space<vmem>>) target(%dma_start3A_210 : memref<10240x128xf32, #tpu.memory_space<vmem_shared>>) offsets(%dma_start3A_207 : memref<64xi32, #tpu.memory_space<vmem>>) semaphore(%run_scoped3A : memref<!tpu.dma_semaphore, #tpu.memory_space<semaphore_mem>>) {add = true}
          %dma_wait3A_211 = arith.constant 0 : i32
          %dma_wait3A_212 = tpu.memref_slice %arg9[%add3A_190, %dma_wait3A_211] : memref<40x64xi32, #tpu.memory_space<vmem>> -> memref<1x64xi32, #tpu.memory_space<vmem>>
          %dma_wait3A_213 = tpu.memref_squeeze %dma_wait3A_212 : memref<1x64xi32, #tpu.memory_space<vmem>> -> memref<64xi32, #tpu.memory_space<vmem>>
          %dma_wait3A_214 = arith.constant 0 : i32
          %dma_wait3A_215 = arith.constant 0 : i32
          %dma_wait3A_216 = tpu.memref_slice %arg14[%dma_wait3A_214, %dma_wait3A_215] : memref<10240x128xf32, #tpu.memory_space<vmem_shared>> -> memref<10240x128xf32, #tpu.memory_space<vmem_shared>>
          tpu.wait_indirect_dma semaphore(%run_scoped3A : memref<!tpu.dma_semaphore, #tpu.memory_space<semaphore_mem>>) src(%arg13 : memref<64x128xf32, #tpu.memory_space<vmem>>) dst(%dma_wait3A_216 : memref<10240x128xf32, #tpu.memory_space<vmem_shared>>)
          tpu.yield
        }) : () -> ()
      }
      %scan3A_102 = arith.constant 10 : i32
      %mul3A_103 = arith.constant 160 : i32
      %mul3A_104 = arith.muli %arg1, %mul3A_103 : i32
      %add3A_105 = arith.constant 120 : i32
      %add3A_106 = arith.addi %mul3A_104, %add3A_105 : i32
      "tpu.region"() ({
        %run_scoped3A = tpu.sem_alloc : memref<!tpu.dma_semaphore, #tpu.memory_space<semaphore_mem>>
        %dma_start3A_134 = arith.constant 0 : i32
        %dma_start3A_135 = tpu.memref_slice %arg4[%add3A_106, %dma_start3A_134] : memref<2560x64xi32, #tpu.memory_space<hbm>> -> memref<40x64xi32, #tpu.memory_space<hbm>>
        %dma_start3A_136 = arith.constant 0 : i32
        %dma_start3A_137 = tpu.memref_slice %arg4[%add3A_106, %dma_start3A_136] : memref<2560x64xi32, #tpu.memory_space<hbm>> -> memref<40x64xi32, #tpu.memory_space<hbm>>
        tpu.enqueue_dma source(%dma_start3A_137 : memref<40x64xi32, #tpu.memory_space<hbm>>) target(%arg8 : memref<40x64xi32, #tpu.memory_space<vmem>>) target_semaphore(%run_scoped3A : memref<!tpu.dma_semaphore, #tpu.memory_space<semaphore_mem>>)
        %dma_wait3A = arith.constant 0 : i32
        %dma_wait3A_138 = tpu.memref_slice %arg4[%add3A_106, %dma_wait3A] : memref<2560x64xi32, #tpu.memory_space<hbm>> -> memref<40x64xi32, #tpu.memory_space<hbm>>
        %dma_wait3A_139 = arith.constant 0 : i32
        %dma_wait3A_140 = tpu.memref_slice %arg4[%add3A_106, %dma_wait3A_139] : memref<2560x64xi32, #tpu.memory_space<hbm>> -> memref<40x64xi32, #tpu.memory_space<hbm>>
        tpu.wait_dma2 semaphore(%run_scoped3A : memref<!tpu.dma_semaphore, #tpu.memory_space<semaphore_mem>>) src(%dma_wait3A_140 : memref<40x64xi32, #tpu.memory_space<hbm>>) dst(%arg8 : memref<40x64xi32, #tpu.memory_space<vmem>>)
        tpu.yield
      }) : () -> ()
      "tpu.region"() ({
        %run_scoped3A = tpu.sem_alloc : memref<!tpu.dma_semaphore, #tpu.memory_space<semaphore_mem>>
        %dma_start3A_134 = arith.constant 0 : i32
        %dma_start3A_135 = tpu.memref_slice %arg5[%add3A_106, %dma_start3A_134] : memref<2560x64xi32, #tpu.memory_space<hbm>> -> memref<40x64xi32, #tpu.memory_space<hbm>>
        %dma_start3A_136 = arith.constant 0 : i32
        %dma_start3A_137 = tpu.memref_slice %arg5[%add3A_106, %dma_start3A_136] : memref<2560x64xi32, #tpu.memory_space<hbm>> -> memref<40x64xi32, #tpu.memory_space<hbm>>
        tpu.enqueue_dma source(%dma_start3A_137 : memref<40x64xi32, #tpu.memory_space<hbm>>) target(%arg9 : memref<40x64xi32, #tpu.memory_space<vmem>>) target_semaphore(%run_scoped3A : memref<!tpu.dma_semaphore, #tpu.memory_space<semaphore_mem>>)
        %dma_wait3A = arith.constant 0 : i32
        %dma_wait3A_138 = tpu.memref_slice %arg5[%add3A_106, %dma_wait3A] : memref<2560x64xi32, #tpu.memory_space<hbm>> -> memref<40x64xi32, #tpu.memory_space<hbm>>
        %dma_wait3A_139 = arith.constant 0 : i32
        %dma_wait3A_140 = tpu.memref_slice %arg5[%add3A_106, %dma_wait3A_139] : memref<2560x64xi32, #tpu.memory_space<hbm>> -> memref<40x64xi32, #tpu.memory_space<hbm>>
        tpu.wait_dma2 semaphore(%run_scoped3A : memref<!tpu.dma_semaphore, #tpu.memory_space<semaphore_mem>>) src(%dma_wait3A_140 : memref<40x64xi32, #tpu.memory_space<hbm>>) dst(%arg9 : memref<40x64xi32, #tpu.memory_space<vmem>>)
        tpu.yield
      }) : () -> ()
      %dma_start3A_107 = arith.constant 0 : i32
      %dma_start3A_108 = arith.constant 0 : i32
      %dma_start3A_109 = tpu.memref_slice %arg8[%dma_start3A_107, %dma_start3A_108] : memref<40x64xi32, #tpu.memory_space<vmem>> -> memref<1x64xi32, #tpu.memory_space<vmem>>
      %dma_start3A_110 = tpu.memref_squeeze %dma_start3A_109 : memref<1x64xi32, #tpu.memory_space<vmem>> -> memref<64xi32, #tpu.memory_space<vmem>>
      %dma_start3A_111 = arith.constant 0 : i32
      %dma_start3A_112 = arith.constant 0 : i32
      %dma_start3A_113 = tpu.memref_slice %arg2[%dma_start3A_111, %dma_start3A_112] : memref<10000x128xf32, #tpu.memory_space<hbm>> -> memref<10000x128xf32, #tpu.memory_space<hbm>>
      tpu.enqueue_indirect_dma source(%dma_start3A_113 : memref<10000x128xf32, #tpu.memory_space<hbm>>) target(%arg10 : memref<64x128xf32, #tpu.memory_space<vmem>>) offsets(%dma_start3A_110 : memref<64xi32, #tpu.memory_space<vmem>>) semaphore(%arg15 : memref<!tpu.dma_semaphore, #tpu.memory_space<semaphore_mem>>)
      %dma_start3A_114 = arith.constant 1 : i32
      %dma_start3A_115 = arith.constant 0 : i32
      %dma_start3A_116 = tpu.memref_slice %arg8[%dma_start3A_114, %dma_start3A_115] : memref<40x64xi32, #tpu.memory_space<vmem>> -> memref<1x64xi32, #tpu.memory_space<vmem>>
      %dma_start3A_117 = tpu.memref_squeeze %dma_start3A_116 : memref<1x64xi32, #tpu.memory_space<vmem>> -> memref<64xi32, #tpu.memory_space<vmem>>
      %dma_start3A_118 = arith.constant 0 : i32
      %dma_start3A_119 = arith.constant 0 : i32
      %dma_start3A_120 = tpu.memref_slice %arg2[%dma_start3A_118, %dma_start3A_119] : memref<10000x128xf32, #tpu.memory_space<hbm>> -> memref<10000x128xf32, #tpu.memory_space<hbm>>
      tpu.enqueue_indirect_dma source(%dma_start3A_120 : memref<10000x128xf32, #tpu.memory_space<hbm>>) target(%arg11 : memref<64x128xf32, #tpu.memory_space<vmem>>) offsets(%dma_start3A_117 : memref<64xi32, #tpu.memory_space<vmem>>) semaphore(%arg16 : memref<!tpu.dma_semaphore, #tpu.memory_space<semaphore_mem>>)
      %dma_start3A_121 = arith.constant 2 : i32
      %dma_start3A_122 = arith.constant 0 : i32
      %dma_start3A_123 = tpu.memref_slice %arg8[%dma_start3A_121, %dma_start3A_122] : memref<40x64xi32, #tpu.memory_space<vmem>> -> memref<1x64xi32, #tpu.memory_space<vmem>>
      %dma_start3A_124 = tpu.memref_squeeze %dma_start3A_123 : memref<1x64xi32, #tpu.memory_space<vmem>> -> memref<64xi32, #tpu.memory_space<vmem>>
      %dma_start3A_125 = arith.constant 0 : i32
      %dma_start3A_126 = arith.constant 0 : i32
      %dma_start3A_127 = tpu.memref_slice %arg2[%dma_start3A_125, %dma_start3A_126] : memref<10000x128xf32, #tpu.memory_space<hbm>> -> memref<10000x128xf32, #tpu.memory_space<hbm>>
      tpu.enqueue_indirect_dma source(%dma_start3A_127 : memref<10000x128xf32, #tpu.memory_space<hbm>>) target(%arg12 : memref<64x128xf32, #tpu.memory_space<vmem>>) offsets(%dma_start3A_124 : memref<64xi32, #tpu.memory_space<vmem>>) semaphore(%arg17 : memref<!tpu.dma_semaphore, #tpu.memory_space<semaphore_mem>>)
      %scan3A_128 = arith.constant 0 : i32
      %scan3A_129 = arith.constant 0 : i32
      %scan3A_130 = arith.constant 10 : i32
      %scan3A_131 = arith.addi %scan3A_129, %scan3A_130 : i32
      %scan3A_132 = arith.constant 1 : i32
      scf.for %scan3A_134 = %scan3A_129 to %scan3A_131 step %scan3A_132  : i32 {
        %mul3A_135 = arith.constant 4 : i32
        %mul3A_136 = arith.muli %mul3A_135, %scan3A_134 : i32
        %add3A_137 = arith.constant 0 : i32
        %add3A_138 = arith.addi %mul3A_136, %add3A_137 : i32
        %add3A_139 = arith.constant 3 : i32
        %add3A_140 = arith.addi %add3A_138, %add3A_139 : i32
        %lt3A = arith.constant 40 : i32
        %lt3A_141 = arith.cmpi slt, %add3A_140, %lt3A : i32
        %convert_element_type3A_142 = arith.extui %lt3A_141 : i1 to i32
        %cond3A_143 = arith.constant 0 : i32
        %cond3A_144 = arith.cmpi ne, %convert_element_type3A_142, %cond3A_143 : i32
        scf.if %cond3A_144 {
          %dma_start3A_205 = arith.constant 0 : i32
          %dma_start3A_206 = tpu.memref_slice %arg8[%add3A_140, %dma_start3A_205] : memref<40x64xi32, #tpu.memory_space<vmem>> -> memref<1x64xi32, #tpu.memory_space<vmem>>
          %dma_start3A_207 = tpu.memref_squeeze %dma_start3A_206 : memref<1x64xi32, #tpu.memory_space<vmem>> -> memref<64xi32, #tpu.memory_space<vmem>>
          %dma_start3A_208 = arith.constant 0 : i32
          %dma_start3A_209 = arith.constant 0 : i32
          %dma_start3A_210 = tpu.memref_slice %arg2[%dma_start3A_208, %dma_start3A_209] : memref<10000x128xf32, #tpu.memory_space<hbm>> -> memref<10000x128xf32, #tpu.memory_space<hbm>>
          tpu.enqueue_indirect_dma source(%dma_start3A_210 : memref<10000x128xf32, #tpu.memory_space<hbm>>) target(%arg13 : memref<64x128xf32, #tpu.memory_space<vmem>>) offsets(%dma_start3A_207 : memref<64xi32, #tpu.memory_space<vmem>>) semaphore(%arg18 : memref<!tpu.dma_semaphore, #tpu.memory_space<semaphore_mem>>)
        } else {
        }
        %dma_wait3A = arith.constant 0 : i32
        %dma_wait3A_145 = arith.constant 0 : i32
        %dma_wait3A_146 = tpu.memref_slice %arg8[%dma_wait3A, %dma_wait3A_145] : memref<40x64xi32, #tpu.memory_space<vmem>> -> memref<1x64xi32, #tpu.memory_space<vmem>>
        %dma_wait3A_147 = tpu.memref_squeeze %dma_wait3A_146 : memref<1x64xi32, #tpu.memory_space<vmem>> -> memref<64xi32, #tpu.memory_space<vmem>>
        %dma_wait3A_148 = arith.constant 0 : i32
        %dma_wait3A_149 = arith.constant 0 : i32
        %dma_wait3A_150 = tpu.memref_slice %arg2[%dma_wait3A_148, %dma_wait3A_149] : memref<10000x128xf32, #tpu.memory_space<hbm>> -> memref<10000x128xf32, #tpu.memory_space<hbm>>
        tpu.wait_indirect_dma semaphore(%arg15 : memref<!tpu.dma_semaphore, #tpu.memory_space<semaphore_mem>>) src(%dma_wait3A_150 : memref<10000x128xf32, #tpu.memory_space<hbm>>) dst(%arg10 : memref<64x128xf32, #tpu.memory_space<vmem>>)
        "tpu.region"() ({
          %run_scoped3A = tpu.sem_alloc : memref<!tpu.dma_semaphore, #tpu.memory_space<semaphore_mem>>
          %dma_start3A_205 = arith.constant 0 : i32
          %dma_start3A_206 = tpu.memref_slice %arg9[%add3A_138, %dma_start3A_205] : memref<40x64xi32, #tpu.memory_space<vmem>> -> memref<1x64xi32, #tpu.memory_space<vmem>>
          %dma_start3A_207 = tpu.memref_squeeze %dma_start3A_206 : memref<1x64xi32, #tpu.memory_space<vmem>> -> memref<64xi32, #tpu.memory_space<vmem>>
          %dma_start3A_208 = arith.constant 0 : i32
          %dma_start3A_209 = arith.constant 0 : i32
          %dma_start3A_210 = tpu.memref_slice %arg14[%dma_start3A_208, %dma_start3A_209] : memref<10240x128xf32, #tpu.memory_space<vmem_shared>> -> memref<10240x128xf32, #tpu.memory_space<vmem_shared>>
          tpu.enqueue_indirect_dma source(%arg10 : memref<64x128xf32, #tpu.memory_space<vmem>>) target(%dma_start3A_210 : memref<10240x128xf32, #tpu.memory_space<vmem_shared>>) offsets(%dma_start3A_207 : memref<64xi32, #tpu.memory_space<vmem>>) semaphore(%run_scoped3A : memref<!tpu.dma_semaphore, #tpu.memory_space<semaphore_mem>>) {add = true}
          %dma_wait3A_211 = arith.constant 0 : i32
          %dma_wait3A_212 = tpu.memref_slice %arg9[%add3A_138, %dma_wait3A_211] : memref<40x64xi32, #tpu.memory_space<vmem>> -> memref<1x64xi32, #tpu.memory_space<vmem>>
          %dma_wait3A_213 = tpu.memref_squeeze %dma_wait3A_212 : memref<1x64xi32, #tpu.memory_space<vmem>> -> memref<64xi32, #tpu.memory_space<vmem>>
          %dma_wait3A_214 = arith.constant 0 : i32
          %dma_wait3A_215 = arith.constant 0 : i32
          %dma_wait3A_216 = tpu.memref_slice %arg14[%dma_wait3A_214, %dma_wait3A_215] : memref<10240x128xf32, #tpu.memory_space<vmem_shared>> -> memref<10240x128xf32, #tpu.memory_space<vmem_shared>>
          tpu.wait_indirect_dma semaphore(%run_scoped3A : memref<!tpu.dma_semaphore, #tpu.memory_space<semaphore_mem>>) src(%arg10 : memref<64x128xf32, #tpu.memory_space<vmem>>) dst(%dma_wait3A_216 : memref<10240x128xf32, #tpu.memory_space<vmem_shared>>)
          tpu.yield
        }) : () -> ()
        %mul3A_151 = arith.constant 4 : i32
        %mul3A_152 = arith.muli %mul3A_151, %scan3A_134 : i32
        %add3A_153 = arith.constant 1 : i32
        %add3A_154 = arith.addi %mul3A_152, %add3A_153 : i32
        %add3A_155 = arith.constant 3 : i32
        %add3A_156 = arith.addi %add3A_154, %add3A_155 : i32
        %lt3A_157 = arith.constant 40 : i32
        %lt3A_158 = arith.cmpi slt, %add3A_156, %lt3A_157 : i32
        %convert_element_type3A_159 = arith.extui %lt3A_158 : i1 to i32
        %cond3A_160 = arith.constant 0 : i32
        %cond3A_161 = arith.cmpi ne, %convert_element_type3A_159, %cond3A_160 : i32
        scf.if %cond3A_161 {
          %dma_start3A_205 = arith.constant 0 : i32
          %dma_start3A_206 = tpu.memref_slice %arg8[%add3A_156, %dma_start3A_205] : memref<40x64xi32, #tpu.memory_space<vmem>> -> memref<1x64xi32, #tpu.memory_space<vmem>>
          %dma_start3A_207 = tpu.memref_squeeze %dma_start3A_206 : memref<1x64xi32, #tpu.memory_space<vmem>> -> memref<64xi32, #tpu.memory_space<vmem>>
          %dma_start3A_208 = arith.constant 0 : i32
          %dma_start3A_209 = arith.constant 0 : i32
          %dma_start3A_210 = tpu.memref_slice %arg2[%dma_start3A_208, %dma_start3A_209] : memref<10000x128xf32, #tpu.memory_space<hbm>> -> memref<10000x128xf32, #tpu.memory_space<hbm>>
          tpu.enqueue_indirect_dma source(%dma_start3A_210 : memref<10000x128xf32, #tpu.memory_space<hbm>>) target(%arg10 : memref<64x128xf32, #tpu.memory_space<vmem>>) offsets(%dma_start3A_207 : memref<64xi32, #tpu.memory_space<vmem>>) semaphore(%arg15 : memref<!tpu.dma_semaphore, #tpu.memory_space<semaphore_mem>>)
        } else {
        }
        %dma_wait3A_162 = arith.constant 0 : i32
        %dma_wait3A_163 = arith.constant 0 : i32
        %dma_wait3A_164 = tpu.memref_slice %arg8[%dma_wait3A_162, %dma_wait3A_163] : memref<40x64xi32, #tpu.memory_space<vmem>> -> memref<1x64xi32, #tpu.memory_space<vmem>>
        %dma_wait3A_165 = tpu.memref_squeeze %dma_wait3A_164 : memref<1x64xi32, #tpu.memory_space<vmem>> -> memref<64xi32, #tpu.memory_space<vmem>>
        %dma_wait3A_166 = arith.constant 0 : i32
        %dma_wait3A_167 = arith.constant 0 : i32
        %dma_wait3A_168 = tpu.memref_slice %arg2[%dma_wait3A_166, %dma_wait3A_167] : memref<10000x128xf32, #tpu.memory_space<hbm>> -> memref<10000x128xf32, #tpu.memory_space<hbm>>
        tpu.wait_indirect_dma semaphore(%arg16 : memref<!tpu.dma_semaphore, #tpu.memory_space<semaphore_mem>>) src(%dma_wait3A_168 : memref<10000x128xf32, #tpu.memory_space<hbm>>) dst(%arg11 : memref<64x128xf32, #tpu.memory_space<vmem>>)
        "tpu.region"() ({
          %run_scoped3A = tpu.sem_alloc : memref<!tpu.dma_semaphore, #tpu.memory_space<semaphore_mem>>
          %dma_start3A_205 = arith.constant 0 : i32
          %dma_start3A_206 = tpu.memref_slice %arg9[%add3A_154, %dma_start3A_205] : memref<40x64xi32, #tpu.memory_space<vmem>> -> memref<1x64xi32, #tpu.memory_space<vmem>>
          %dma_start3A_207 = tpu.memref_squeeze %dma_start3A_206 : memref<1x64xi32, #tpu.memory_space<vmem>> -> memref<64xi32, #tpu.memory_space<vmem>>
          %dma_start3A_208 = arith.constant 0 : i32
          %dma_start3A_209 = arith.constant 0 : i32
          %dma_start3A_210 = tpu.memref_slice %arg14[%dma_start3A_208, %dma_start3A_209] : memref<10240x128xf32, #tpu.memory_space<vmem_shared>> -> memref<10240x128xf32, #tpu.memory_space<vmem_shared>>
          tpu.enqueue_indirect_dma source(%arg11 : memref<64x128xf32, #tpu.memory_space<vmem>>) target(%dma_start3A_210 : memref<10240x128xf32, #tpu.memory_space<vmem_shared>>) offsets(%dma_start3A_207 : memref<64xi32, #tpu.memory_space<vmem>>) semaphore(%run_scoped3A : memref<!tpu.dma_semaphore, #tpu.memory_space<semaphore_mem>>) {add = true}
          %dma_wait3A_211 = arith.constant 0 : i32
          %dma_wait3A_212 = tpu.memref_slice %arg9[%add3A_154, %dma_wait3A_211] : memref<40x64xi32, #tpu.memory_space<vmem>> -> memref<1x64xi32, #tpu.memory_space<vmem>>
          %dma_wait3A_213 = tpu.memref_squeeze %dma_wait3A_212 : memref<1x64xi32, #tpu.memory_space<vmem>> -> memref<64xi32, #tpu.memory_space<vmem>>
          %dma_wait3A_214 = arith.constant 0 : i32
          %dma_wait3A_215 = arith.constant 0 : i32
          %dma_wait3A_216 = tpu.memref_slice %arg14[%dma_wait3A_214, %dma_wait3A_215] : memref<10240x128xf32, #tpu.memory_space<vmem_shared>> -> memref<10240x128xf32, #tpu.memory_space<vmem_shared>>
          tpu.wait_indirect_dma semaphore(%run_scoped3A : memref<!tpu.dma_semaphore, #tpu.memory_space<semaphore_mem>>) src(%arg11 : memref<64x128xf32, #tpu.memory_space<vmem>>) dst(%dma_wait3A_216 : memref<10240x128xf32, #tpu.memory_space<vmem_shared>>)
          tpu.yield
        }) : () -> ()
        %mul3A_169 = arith.constant 4 : i32
        %mul3A_170 = arith.muli %mul3A_169, %scan3A_134 : i32
        %add3A_171 = arith.constant 2 : i32
        %add3A_172 = arith.addi %mul3A_170, %add3A_171 : i32
        %add3A_173 = arith.constant 3 : i32
        %add3A_174 = arith.addi %add3A_172, %add3A_173 : i32
        %lt3A_175 = arith.constant 40 : i32
        %lt3A_176 = arith.cmpi slt, %add3A_174, %lt3A_175 : i32
        %convert_element_type3A_177 = arith.extui %lt3A_176 : i1 to i32
        %cond3A_178 = arith.constant 0 : i32
        %cond3A_179 = arith.cmpi ne, %convert_element_type3A_177, %cond3A_178 : i32
        scf.if %cond3A_179 {
          %dma_start3A_205 = arith.constant 0 : i32
          %dma_start3A_206 = tpu.memref_slice %arg8[%add3A_174, %dma_start3A_205] : memref<40x64xi32, #tpu.memory_space<vmem>> -> memref<1x64xi32, #tpu.memory_space<vmem>>
          %dma_start3A_207 = tpu.memref_squeeze %dma_start3A_206 : memref<1x64xi32, #tpu.memory_space<vmem>> -> memref<64xi32, #tpu.memory_space<vmem>>
          %dma_start3A_208 = arith.constant 0 : i32
          %dma_start3A_209 = arith.constant 0 : i32
          %dma_start3A_210 = tpu.memref_slice %arg2[%dma_start3A_208, %dma_start3A_209] : memref<10000x128xf32, #tpu.memory_space<hbm>> -> memref<10000x128xf32, #tpu.memory_space<hbm>>
          tpu.enqueue_indirect_dma source(%dma_start3A_210 : memref<10000x128xf32, #tpu.memory_space<hbm>>) target(%arg11 : memref<64x128xf32, #tpu.memory_space<vmem>>) offsets(%dma_start3A_207 : memref<64xi32, #tpu.memory_space<vmem>>) semaphore(%arg16 : memref<!tpu.dma_semaphore, #tpu.memory_space<semaphore_mem>>)
        } else {
        }
        %dma_wait3A_180 = arith.constant 0 : i32
        %dma_wait3A_181 = arith.constant 0 : i32
        %dma_wait3A_182 = tpu.memref_slice %arg8[%dma_wait3A_180, %dma_wait3A_181] : memref<40x64xi32, #tpu.memory_space<vmem>> -> memref<1x64xi32, #tpu.memory_space<vmem>>
        %dma_wait3A_183 = tpu.memref_squeeze %dma_wait3A_182 : memref<1x64xi32, #tpu.memory_space<vmem>> -> memref<64xi32, #tpu.memory_space<vmem>>
        %dma_wait3A_184 = arith.constant 0 : i32
        %dma_wait3A_185 = arith.constant 0 : i32
        %dma_wait3A_186 = tpu.memref_slice %arg2[%dma_wait3A_184, %dma_wait3A_185] : memref<10000x128xf32, #tpu.memory_space<hbm>> -> memref<10000x128xf32, #tpu.memory_space<hbm>>
        tpu.wait_indirect_dma semaphore(%arg17 : memref<!tpu.dma_semaphore, #tpu.memory_space<semaphore_mem>>) src(%dma_wait3A_186 : memref<10000x128xf32, #tpu.memory_space<hbm>>) dst(%arg12 : memref<64x128xf32, #tpu.memory_space<vmem>>)
        "tpu.region"() ({
          %run_scoped3A = tpu.sem_alloc : memref<!tpu.dma_semaphore, #tpu.memory_space<semaphore_mem>>
          %dma_start3A_205 = arith.constant 0 : i32
          %dma_start3A_206 = tpu.memref_slice %arg9[%add3A_172, %dma_start3A_205] : memref<40x64xi32, #tpu.memory_space<vmem>> -> memref<1x64xi32, #tpu.memory_space<vmem>>
          %dma_start3A_207 = tpu.memref_squeeze %dma_start3A_206 : memref<1x64xi32, #tpu.memory_space<vmem>> -> memref<64xi32, #tpu.memory_space<vmem>>
          %dma_start3A_208 = arith.constant 0 : i32
          %dma_start3A_209 = arith.constant 0 : i32
          %dma_start3A_210 = tpu.memref_slice %arg14[%dma_start3A_208, %dma_start3A_209] : memref<10240x128xf32, #tpu.memory_space<vmem_shared>> -> memref<10240x128xf32, #tpu.memory_space<vmem_shared>>
          tpu.enqueue_indirect_dma source(%arg12 : memref<64x128xf32, #tpu.memory_space<vmem>>) target(%dma_start3A_210 : memref<10240x128xf32, #tpu.memory_space<vmem_shared>>) offsets(%dma_start3A_207 : memref<64xi32, #tpu.memory_space<vmem>>) semaphore(%run_scoped3A : memref<!tpu.dma_semaphore, #tpu.memory_space<semaphore_mem>>) {add = true}
          %dma_wait3A_211 = arith.constant 0 : i32
          %dma_wait3A_212 = tpu.memref_slice %arg9[%add3A_172, %dma_wait3A_211] : memref<40x64xi32, #tpu.memory_space<vmem>> -> memref<1x64xi32, #tpu.memory_space<vmem>>
          %dma_wait3A_213 = tpu.memref_squeeze %dma_wait3A_212 : memref<1x64xi32, #tpu.memory_space<vmem>> -> memref<64xi32, #tpu.memory_space<vmem>>
          %dma_wait3A_214 = arith.constant 0 : i32
          %dma_wait3A_215 = arith.constant 0 : i32
          %dma_wait3A_216 = tpu.memref_slice %arg14[%dma_wait3A_214, %dma_wait3A_215] : memref<10240x128xf32, #tpu.memory_space<vmem_shared>> -> memref<10240x128xf32, #tpu.memory_space<vmem_shared>>
          tpu.wait_indirect_dma semaphore(%run_scoped3A : memref<!tpu.dma_semaphore, #tpu.memory_space<semaphore_mem>>) src(%arg12 : memref<64x128xf32, #tpu.memory_space<vmem>>) dst(%dma_wait3A_216 : memref<10240x128xf32, #tpu.memory_space<vmem_shared>>)
          tpu.yield
        }) : () -> ()
        %mul3A_187 = arith.constant 4 : i32
        %mul3A_188 = arith.muli %mul3A_187, %scan3A_134 : i32
        %add3A_189 = arith.constant 3 : i32
        %add3A_190 = arith.addi %mul3A_188, %add3A_189 : i32
        %add3A_191 = arith.constant 3 : i32
        %add3A_192 = arith.addi %add3A_190, %add3A_191 : i32
        %lt3A_193 = arith.constant 40 : i32
        %lt3A_194 = arith.cmpi slt, %add3A_192, %lt3A_193 : i32
        %convert_element_type3A_195 = arith.extui %lt3A_194 : i1 to i32
        %cond3A_196 = arith.constant 0 : i32
        %cond3A_197 = arith.cmpi ne, %convert_element_type3A_195, %cond3A_196 : i32
        scf.if %cond3A_197 {
          %dma_start3A_205 = arith.constant 0 : i32
          %dma_start3A_206 = tpu.memref_slice %arg8[%add3A_192, %dma_start3A_205] : memref<40x64xi32, #tpu.memory_space<vmem>> -> memref<1x64xi32, #tpu.memory_space<vmem>>
          %dma_start3A_207 = tpu.memref_squeeze %dma_start3A_206 : memref<1x64xi32, #tpu.memory_space<vmem>> -> memref<64xi32, #tpu.memory_space<vmem>>
          %dma_start3A_208 = arith.constant 0 : i32
          %dma_start3A_209 = arith.constant 0 : i32
          %dma_start3A_210 = tpu.memref_slice %arg2[%dma_start3A_208, %dma_start3A_209] : memref<10000x128xf32, #tpu.memory_space<hbm>> -> memref<10000x128xf32, #tpu.memory_space<hbm>>
          tpu.enqueue_indirect_dma source(%dma_start3A_210 : memref<10000x128xf32, #tpu.memory_space<hbm>>) target(%arg12 : memref<64x128xf32, #tpu.memory_space<vmem>>) offsets(%dma_start3A_207 : memref<64xi32, #tpu.memory_space<vmem>>) semaphore(%arg17 : memref<!tpu.dma_semaphore, #tpu.memory_space<semaphore_mem>>)
        } else {
        }
        %dma_wait3A_198 = arith.constant 0 : i32
        %dma_wait3A_199 = arith.constant 0 : i32
        %dma_wait3A_200 = tpu.memref_slice %arg8[%dma_wait3A_198, %dma_wait3A_199] : memref<40x64xi32, #tpu.memory_space<vmem>> -> memref<1x64xi32, #tpu.memory_space<vmem>>
        %dma_wait3A_201 = tpu.memref_squeeze %dma_wait3A_200 : memref<1x64xi32, #tpu.memory_space<vmem>> -> memref<64xi32, #tpu.memory_space<vmem>>
        %dma_wait3A_202 = arith.constant 0 : i32
        %dma_wait3A_203 = arith.constant 0 : i32
        %dma_wait3A_204 = tpu.memref_slice %arg2[%dma_wait3A_202, %dma_wait3A_203] : memref<10000x128xf32, #tpu.memory_space<hbm>> -> memref<10000x128xf32, #tpu.memory_space<hbm>>
        tpu.wait_indirect_dma semaphore(%arg18 : memref<!tpu.dma_semaphore, #tpu.memory_space<semaphore_mem>>) src(%dma_wait3A_204 : memref<10000x128xf32, #tpu.memory_space<hbm>>) dst(%arg13 : memref<64x128xf32, #tpu.memory_space<vmem>>)
        "tpu.region"() ({
          %run_scoped3A = tpu.sem_alloc : memref<!tpu.dma_semaphore, #tpu.memory_space<semaphore_mem>>
          %dma_start3A_205 = arith.constant 0 : i32
          %dma_start3A_206 = tpu.memref_slice %arg9[%add3A_190, %dma_start3A_205] : memref<40x64xi32, #tpu.memory_space<vmem>> -> memref<1x64xi32, #tpu.memory_space<vmem>>
          %dma_start3A_207 = tpu.memref_squeeze %dma_start3A_206 : memref<1x64xi32, #tpu.memory_space<vmem>> -> memref<64xi32, #tpu.memory_space<vmem>>
          %dma_start3A_208 = arith.constant 0 : i32
          %dma_start3A_209 = arith.constant 0 : i32
          %dma_start3A_210 = tpu.memref_slice %arg14[%dma_start3A_208, %dma_start3A_209] : memref<10240x128xf32, #tpu.memory_space<vmem_shared>> -> memref<10240x128xf32, #tpu.memory_space<vmem_shared>>
          tpu.enqueue_indirect_dma source(%arg13 : memref<64x128xf32, #tpu.memory_space<vmem>>) target(%dma_start3A_210 : memref<10240x128xf32, #tpu.memory_space<vmem_shared>>) offsets(%dma_start3A_207 : memref<64xi32, #tpu.memory_space<vmem>>) semaphore(%run_scoped3A : memref<!tpu.dma_semaphore, #tpu.memory_space<semaphore_mem>>) {add = true}
          %dma_wait3A_211 = arith.constant 0 : i32
          %dma_wait3A_212 = tpu.memref_slice %arg9[%add3A_190, %dma_wait3A_211] : memref<40x64xi32, #tpu.memory_space<vmem>> -> memref<1x64xi32, #tpu.memory_space<vmem>>
          %dma_wait3A_213 = tpu.memref_squeeze %dma_wait3A_212 : memref<1x64xi32, #tpu.memory_space<vmem>> -> memref<64xi32, #tpu.memory_space<vmem>>
          %dma_wait3A_214 = arith.constant 0 : i32
          %dma_wait3A_215 = arith.constant 0 : i32
          %dma_wait3A_216 = tpu.memref_slice %arg14[%dma_wait3A_214, %dma_wait3A_215] : memref<10240x128xf32, #tpu.memory_space<vmem_shared>> -> memref<10240x128xf32, #tpu.memory_space<vmem_shared>>
          tpu.wait_indirect_dma semaphore(%run_scoped3A : memref<!tpu.dma_semaphore, #tpu.memory_space<semaphore_mem>>) src(%arg13 : memref<64x128xf32, #tpu.memory_space<vmem>>) dst(%dma_wait3A_216 : memref<10240x128xf32, #tpu.memory_space<vmem_shared>>)
          tpu.yield
        }) : () -> ()
      }
      %scan3A_133 = arith.constant 10 : i32
    } else {
    }
    %eq3A_3 = arith.constant 1 : i32
    %eq3A_4 = arith.cmpi eq, %arg0, %eq3A_3 : i32
    %convert_element_type3A_5 = arith.extui %eq3A_4 : i1 to i32
    %cond3A_6 = arith.constant 0 : i32
    %cond3A_7 = arith.cmpi ne, %convert_element_type3A_5, %cond3A_6 : i32
    scf.if %cond3A_7 {
      %mul3A_13 = arith.constant 160 : i32
      %mul3A_14 = arith.muli %arg1, %mul3A_13 : i32
      %add3A = arith.constant 0 : i32
      %add3A_15 = arith.addi %mul3A_14, %add3A : i32
      "tpu.region"() ({
        %run_scoped3A = tpu.sem_alloc : memref<!tpu.dma_semaphore, #tpu.memory_space<semaphore_mem>>
        %dma_start3A_134 = arith.constant 0 : i32
        %dma_start3A_135 = tpu.memref_slice %arg4[%add3A_15, %dma_start3A_134] : memref<2560x64xi32, #tpu.memory_space<hbm>> -> memref<40x64xi32, #tpu.memory_space<hbm>>
        %dma_start3A_136 = arith.constant 0 : i32
        %dma_start3A_137 = tpu.memref_slice %arg4[%add3A_15, %dma_start3A_136] : memref<2560x64xi32, #tpu.memory_space<hbm>> -> memref<40x64xi32, #tpu.memory_space<hbm>>
        tpu.enqueue_dma source(%dma_start3A_137 : memref<40x64xi32, #tpu.memory_space<hbm>>) target(%arg8 : memref<40x64xi32, #tpu.memory_space<vmem>>) target_semaphore(%run_scoped3A : memref<!tpu.dma_semaphore, #tpu.memory_space<semaphore_mem>>)
        %dma_wait3A = arith.constant 0 : i32
        %dma_wait3A_138 = tpu.memref_slice %arg4[%add3A_15, %dma_wait3A] : memref<2560x64xi32, #tpu.memory_space<hbm>> -> memref<40x64xi32, #tpu.memory_space<hbm>>
        %dma_wait3A_139 = arith.constant 0 : i32
        %dma_wait3A_140 = tpu.memref_slice %arg4[%add3A_15, %dma_wait3A_139] : memref<2560x64xi32, #tpu.memory_space<hbm>> -> memref<40x64xi32, #tpu.memory_space<hbm>>
        tpu.wait_dma2 semaphore(%run_scoped3A : memref<!tpu.dma_semaphore, #tpu.memory_space<semaphore_mem>>) src(%dma_wait3A_140 : memref<40x64xi32, #tpu.memory_space<hbm>>) dst(%arg8 : memref<40x64xi32, #tpu.memory_space<vmem>>)
        tpu.yield
      }) : () -> ()
      "tpu.region"() ({
        %run_scoped3A = tpu.sem_alloc : memref<!tpu.dma_semaphore, #tpu.memory_space<semaphore_mem>>
        %dma_start3A_134 = arith.constant 0 : i32
        %dma_start3A_135 = tpu.memref_slice %arg5[%add3A_15, %dma_start3A_134] : memref<2560x64xi32, #tpu.memory_space<hbm>> -> memref<40x64xi32, #tpu.memory_space<hbm>>
        %dma_start3A_136 = arith.constant 0 : i32
        %dma_start3A_137 = tpu.memref_slice %arg5[%add3A_15, %dma_start3A_136] : memref<2560x64xi32, #tpu.memory_space<hbm>> -> memref<40x64xi32, #tpu.memory_space<hbm>>
        tpu.enqueue_dma source(%dma_start3A_137 : memref<40x64xi32, #tpu.memory_space<hbm>>) target(%arg9 : memref<40x64xi32, #tpu.memory_space<vmem>>) target_semaphore(%run_scoped3A : memref<!tpu.dma_semaphore, #tpu.memory_space<semaphore_mem>>)
        %dma_wait3A = arith.constant 0 : i32
        %dma_wait3A_138 = tpu.memref_slice %arg5[%add3A_15, %dma_wait3A] : memref<2560x64xi32, #tpu.memory_space<hbm>> -> memref<40x64xi32, #tpu.memory_space<hbm>>
        %dma_wait3A_139 = arith.constant 0 : i32
        %dma_wait3A_140 = tpu.memref_slice %arg5[%add3A_15, %dma_wait3A_139] : memref<2560x64xi32, #tpu.memory_space<hbm>> -> memref<40x64xi32, #tpu.memory_space<hbm>>
        tpu.wait_dma2 semaphore(%run_scoped3A : memref<!tpu.dma_semaphore, #tpu.memory_space<semaphore_mem>>) src(%dma_wait3A_140 : memref<40x64xi32, #tpu.memory_space<hbm>>) dst(%arg9 : memref<40x64xi32, #tpu.memory_space<vmem>>)
        tpu.yield
      }) : () -> ()
      %dma_start3A = arith.constant 0 : i32
      %dma_start3A_16 = arith.constant 0 : i32
      %dma_start3A_17 = tpu.memref_slice %arg8[%dma_start3A, %dma_start3A_16] : memref<40x64xi32, #tpu.memory_space<vmem>> -> memref<1x64xi32, #tpu.memory_space<vmem>>
      %dma_start3A_18 = tpu.memref_squeeze %dma_start3A_17 : memref<1x64xi32, #tpu.memory_space<vmem>> -> memref<64xi32, #tpu.memory_space<vmem>>
      %dma_start3A_19 = arith.constant 0 : i32
      %dma_start3A_20 = arith.constant 0 : i32
      %dma_start3A_21 = tpu.memref_slice %arg3[%dma_start3A_19, %dma_start3A_20] : memref<10000x128xf32, #tpu.memory_space<hbm>> -> memref<10000x128xf32, #tpu.memory_space<hbm>>
      tpu.enqueue_indirect_dma source(%dma_start3A_21 : memref<10000x128xf32, #tpu.memory_space<hbm>>) target(%arg10 : memref<64x128xf32, #tpu.memory_space<vmem>>) offsets(%dma_start3A_18 : memref<64xi32, #tpu.memory_space<vmem>>) semaphore(%arg15 : memref<!tpu.dma_semaphore, #tpu.memory_space<semaphore_mem>>)
      %dma_start3A_22 = arith.constant 1 : i32
      %dma_start3A_23 = arith.constant 0 : i32
      %dma_start3A_24 = tpu.memref_slice %arg8[%dma_start3A_22, %dma_start3A_23] : memref<40x64xi32, #tpu.memory_space<vmem>> -> memref<1x64xi32, #tpu.memory_space<vmem>>
      %dma_start3A_25 = tpu.memref_squeeze %dma_start3A_24 : memref<1x64xi32, #tpu.memory_space<vmem>> -> memref<64xi32, #tpu.memory_space<vmem>>
      %dma_start3A_26 = arith.constant 0 : i32
      %dma_start3A_27 = arith.constant 0 : i32
      %dma_start3A_28 = tpu.memref_slice %arg3[%dma_start3A_26, %dma_start3A_27] : memref<10000x128xf32, #tpu.memory_space<hbm>> -> memref<10000x128xf32, #tpu.memory_space<hbm>>
      tpu.enqueue_indirect_dma source(%dma_start3A_28 : memref<10000x128xf32, #tpu.memory_space<hbm>>) target(%arg11 : memref<64x128xf32, #tpu.memory_space<vmem>>) offsets(%dma_start3A_25 : memref<64xi32, #tpu.memory_space<vmem>>) semaphore(%arg16 : memref<!tpu.dma_semaphore, #tpu.memory_space<semaphore_mem>>)
      %dma_start3A_29 = arith.constant 2 : i32
      %dma_start3A_30 = arith.constant 0 : i32
      %dma_start3A_31 = tpu.memref_slice %arg8[%dma_start3A_29, %dma_start3A_30] : memref<40x64xi32, #tpu.memory_space<vmem>> -> memref<1x64xi32, #tpu.memory_space<vmem>>
      %dma_start3A_32 = tpu.memref_squeeze %dma_start3A_31 : memref<1x64xi32, #tpu.memory_space<vmem>> -> memref<64xi32, #tpu.memory_space<vmem>>
      %dma_start3A_33 = arith.constant 0 : i32
      %dma_start3A_34 = arith.constant 0 : i32
      %dma_start3A_35 = tpu.memref_slice %arg3[%dma_start3A_33, %dma_start3A_34] : memref<10000x128xf32, #tpu.memory_space<hbm>> -> memref<10000x128xf32, #tpu.memory_space<hbm>>
      tpu.enqueue_indirect_dma source(%dma_start3A_35 : memref<10000x128xf32, #tpu.memory_space<hbm>>) target(%arg12 : memref<64x128xf32, #tpu.memory_space<vmem>>) offsets(%dma_start3A_32 : memref<64xi32, #tpu.memory_space<vmem>>) semaphore(%arg17 : memref<!tpu.dma_semaphore, #tpu.memory_space<semaphore_mem>>)
      %scan3A = arith.constant 0 : i32
      %scan3A_36 = arith.constant 0 : i32
      %scan3A_37 = arith.constant 10 : i32
      %scan3A_38 = arith.addi %scan3A_36, %scan3A_37 : i32
      %scan3A_39 = arith.constant 1 : i32
      scf.for %scan3A_134 = %scan3A_36 to %scan3A_38 step %scan3A_39  : i32 {
        %mul3A_135 = arith.constant 4 : i32
        %mul3A_136 = arith.muli %mul3A_135, %scan3A_134 : i32
        %add3A_137 = arith.constant 0 : i32
        %add3A_138 = arith.addi %mul3A_136, %add3A_137 : i32
        %add3A_139 = arith.constant 3 : i32
        %add3A_140 = arith.addi %add3A_138, %add3A_139 : i32
        %lt3A = arith.constant 40 : i32
        %lt3A_141 = arith.cmpi slt, %add3A_140, %lt3A : i32
        %convert_element_type3A_142 = arith.extui %lt3A_141 : i1 to i32
        %cond3A_143 = arith.constant 0 : i32
        %cond3A_144 = arith.cmpi ne, %convert_element_type3A_142, %cond3A_143 : i32
        scf.if %cond3A_144 {
          %dma_start3A_205 = arith.constant 0 : i32
          %dma_start3A_206 = tpu.memref_slice %arg8[%add3A_140, %dma_start3A_205] : memref<40x64xi32, #tpu.memory_space<vmem>> -> memref<1x64xi32, #tpu.memory_space<vmem>>
          %dma_start3A_207 = tpu.memref_squeeze %dma_start3A_206 : memref<1x64xi32, #tpu.memory_space<vmem>> -> memref<64xi32, #tpu.memory_space<vmem>>
          %dma_start3A_208 = arith.constant 0 : i32
          %dma_start3A_209 = arith.constant 0 : i32
          %dma_start3A_210 = tpu.memref_slice %arg3[%dma_start3A_208, %dma_start3A_209] : memref<10000x128xf32, #tpu.memory_space<hbm>> -> memref<10000x128xf32, #tpu.memory_space<hbm>>
          tpu.enqueue_indirect_dma source(%dma_start3A_210 : memref<10000x128xf32, #tpu.memory_space<hbm>>) target(%arg13 : memref<64x128xf32, #tpu.memory_space<vmem>>) offsets(%dma_start3A_207 : memref<64xi32, #tpu.memory_space<vmem>>) semaphore(%arg18 : memref<!tpu.dma_semaphore, #tpu.memory_space<semaphore_mem>>)
        } else {
        }
        %dma_wait3A = arith.constant 0 : i32
        %dma_wait3A_145 = arith.constant 0 : i32
        %dma_wait3A_146 = tpu.memref_slice %arg8[%dma_wait3A, %dma_wait3A_145] : memref<40x64xi32, #tpu.memory_space<vmem>> -> memref<1x64xi32, #tpu.memory_space<vmem>>
        %dma_wait3A_147 = tpu.memref_squeeze %dma_wait3A_146 : memref<1x64xi32, #tpu.memory_space<vmem>> -> memref<64xi32, #tpu.memory_space<vmem>>
        %dma_wait3A_148 = arith.constant 0 : i32
        %dma_wait3A_149 = arith.constant 0 : i32
        %dma_wait3A_150 = tpu.memref_slice %arg3[%dma_wait3A_148, %dma_wait3A_149] : memref<10000x128xf32, #tpu.memory_space<hbm>> -> memref<10000x128xf32, #tpu.memory_space<hbm>>
        tpu.wait_indirect_dma semaphore(%arg15 : memref<!tpu.dma_semaphore, #tpu.memory_space<semaphore_mem>>) src(%dma_wait3A_150 : memref<10000x128xf32, #tpu.memory_space<hbm>>) dst(%arg10 : memref<64x128xf32, #tpu.memory_space<vmem>>)
        "tpu.region"() ({
          %run_scoped3A = tpu.sem_alloc : memref<!tpu.dma_semaphore, #tpu.memory_space<semaphore_mem>>
          %dma_start3A_205 = arith.constant 0 : i32
          %dma_start3A_206 = tpu.memref_slice %arg9[%add3A_138, %dma_start3A_205] : memref<40x64xi32, #tpu.memory_space<vmem>> -> memref<1x64xi32, #tpu.memory_space<vmem>>
          %dma_start3A_207 = tpu.memref_squeeze %dma_start3A_206 : memref<1x64xi32, #tpu.memory_space<vmem>> -> memref<64xi32, #tpu.memory_space<vmem>>
          %dma_start3A_208 = arith.constant 0 : i32
          %dma_start3A_209 = arith.constant 0 : i32
          %dma_start3A_210 = tpu.memref_slice %arg14[%dma_start3A_208, %dma_start3A_209] : memref<10240x128xf32, #tpu.memory_space<vmem_shared>> -> memref<10240x128xf32, #tpu.memory_space<vmem_shared>>
          tpu.enqueue_indirect_dma source(%arg10 : memref<64x128xf32, #tpu.memory_space<vmem>>) target(%dma_start3A_210 : memref<10240x128xf32, #tpu.memory_space<vmem_shared>>) offsets(%dma_start3A_207 : memref<64xi32, #tpu.memory_space<vmem>>) semaphore(%run_scoped3A : memref<!tpu.dma_semaphore, #tpu.memory_space<semaphore_mem>>) {add = true}
          %dma_wait3A_211 = arith.constant 0 : i32
          %dma_wait3A_212 = tpu.memref_slice %arg9[%add3A_138, %dma_wait3A_211] : memref<40x64xi32, #tpu.memory_space<vmem>> -> memref<1x64xi32, #tpu.memory_space<vmem>>
          %dma_wait3A_213 = tpu.memref_squeeze %dma_wait3A_212 : memref<1x64xi32, #tpu.memory_space<vmem>> -> memref<64xi32, #tpu.memory_space<vmem>>
          %dma_wait3A_214 = arith.constant 0 : i32
          %dma_wait3A_215 = arith.constant 0 : i32
          %dma_wait3A_216 = tpu.memref_slice %arg14[%dma_wait3A_214, %dma_wait3A_215] : memref<10240x128xf32, #tpu.memory_space<vmem_shared>> -> memref<10240x128xf32, #tpu.memory_space<vmem_shared>>
          tpu.wait_indirect_dma semaphore(%run_scoped3A : memref<!tpu.dma_semaphore, #tpu.memory_space<semaphore_mem>>) src(%arg10 : memref<64x128xf32, #tpu.memory_space<vmem>>) dst(%dma_wait3A_216 : memref<10240x128xf32, #tpu.memory_space<vmem_shared>>)
          tpu.yield
        }) : () -> ()
        %mul3A_151 = arith.constant 4 : i32
        %mul3A_152 = arith.muli %mul3A_151, %scan3A_134 : i32
        %add3A_153 = arith.constant 1 : i32
        %add3A_154 = arith.addi %mul3A_152, %add3A_153 : i32
        %add3A_155 = arith.constant 3 : i32
        %add3A_156 = arith.addi %add3A_154, %add3A_155 : i32
        %lt3A_157 = arith.constant 40 : i32
        %lt3A_158 = arith.cmpi slt, %add3A_156, %lt3A_157 : i32
        %convert_element_type3A_159 = arith.extui %lt3A_158 : i1 to i32
        %cond3A_160 = arith.constant 0 : i32
        %cond3A_161 = arith.cmpi ne, %convert_element_type3A_159, %cond3A_160 : i32
        scf.if %cond3A_161 {
          %dma_start3A_205 = arith.constant 0 : i32
          %dma_start3A_206 = tpu.memref_slice %arg8[%add3A_156, %dma_start3A_205] : memref<40x64xi32, #tpu.memory_space<vmem>> -> memref<1x64xi32, #tpu.memory_space<vmem>>
          %dma_start3A_207 = tpu.memref_squeeze %dma_start3A_206 : memref<1x64xi32, #tpu.memory_space<vmem>> -> memref<64xi32, #tpu.memory_space<vmem>>
          %dma_start3A_208 = arith.constant 0 : i32
          %dma_start3A_209 = arith.constant 0 : i32
          %dma_start3A_210 = tpu.memref_slice %arg3[%dma_start3A_208, %dma_start3A_209] : memref<10000x128xf32, #tpu.memory_space<hbm>> -> memref<10000x128xf32, #tpu.memory_space<hbm>>
          tpu.enqueue_indirect_dma source(%dma_start3A_210 : memref<10000x128xf32, #tpu.memory_space<hbm>>) target(%arg10 : memref<64x128xf32, #tpu.memory_space<vmem>>) offsets(%dma_start3A_207 : memref<64xi32, #tpu.memory_space<vmem>>) semaphore(%arg15 : memref<!tpu.dma_semaphore, #tpu.memory_space<semaphore_mem>>)
        } else {
        }
        %dma_wait3A_162 = arith.constant 0 : i32
        %dma_wait3A_163 = arith.constant 0 : i32
        %dma_wait3A_164 = tpu.memref_slice %arg8[%dma_wait3A_162, %dma_wait3A_163] : memref<40x64xi32, #tpu.memory_space<vmem>> -> memref<1x64xi32, #tpu.memory_space<vmem>>
        %dma_wait3A_165 = tpu.memref_squeeze %dma_wait3A_164 : memref<1x64xi32, #tpu.memory_space<vmem>> -> memref<64xi32, #tpu.memory_space<vmem>>
        %dma_wait3A_166 = arith.constant 0 : i32
        %dma_wait3A_167 = arith.constant 0 : i32
        %dma_wait3A_168 = tpu.memref_slice %arg3[%dma_wait3A_166, %dma_wait3A_167] : memref<10000x128xf32, #tpu.memory_space<hbm>> -> memref<10000x128xf32, #tpu.memory_space<hbm>>
        tpu.wait_indirect_dma semaphore(%arg16 : memref<!tpu.dma_semaphore, #tpu.memory_space<semaphore_mem>>) src(%dma_wait3A_168 : memref<10000x128xf32, #tpu.memory_space<hbm>>) dst(%arg11 : memref<64x128xf32, #tpu.memory_space<vmem>>)
        "tpu.region"() ({
          %run_scoped3A = tpu.sem_alloc : memref<!tpu.dma_semaphore, #tpu.memory_space<semaphore_mem>>
          %dma_start3A_205 = arith.constant 0 : i32
          %dma_start3A_206 = tpu.memref_slice %arg9[%add3A_154, %dma_start3A_205] : memref<40x64xi32, #tpu.memory_space<vmem>> -> memref<1x64xi32, #tpu.memory_space<vmem>>
          %dma_start3A_207 = tpu.memref_squeeze %dma_start3A_206 : memref<1x64xi32, #tpu.memory_space<vmem>> -> memref<64xi32, #tpu.memory_space<vmem>>
          %dma_start3A_208 = arith.constant 0 : i32
          %dma_start3A_209 = arith.constant 0 : i32
          %dma_start3A_210 = tpu.memref_slice %arg14[%dma_start3A_208, %dma_start3A_209] : memref<10240x128xf32, #tpu.memory_space<vmem_shared>> -> memref<10240x128xf32, #tpu.memory_space<vmem_shared>>
          tpu.enqueue_indirect_dma source(%arg11 : memref<64x128xf32, #tpu.memory_space<vmem>>) target(%dma_start3A_210 : memref<10240x128xf32, #tpu.memory_space<vmem_shared>>) offsets(%dma_start3A_207 : memref<64xi32, #tpu.memory_space<vmem>>) semaphore(%run_scoped3A : memref<!tpu.dma_semaphore, #tpu.memory_space<semaphore_mem>>) {add = true}
          %dma_wait3A_211 = arith.constant 0 : i32
          %dma_wait3A_212 = tpu.memref_slice %arg9[%add3A_154, %dma_wait3A_211] : memref<40x64xi32, #tpu.memory_space<vmem>> -> memref<1x64xi32, #tpu.memory_space<vmem>>
          %dma_wait3A_213 = tpu.memref_squeeze %dma_wait3A_212 : memref<1x64xi32, #tpu.memory_space<vmem>> -> memref<64xi32, #tpu.memory_space<vmem>>
          %dma_wait3A_214 = arith.constant 0 : i32
          %dma_wait3A_215 = arith.constant 0 : i32
          %dma_wait3A_216 = tpu.memref_slice %arg14[%dma_wait3A_214, %dma_wait3A_215] : memref<10240x128xf32, #tpu.memory_space<vmem_shared>> -> memref<10240x128xf32, #tpu.memory_space<vmem_shared>>
          tpu.wait_indirect_dma semaphore(%run_scoped3A : memref<!tpu.dma_semaphore, #tpu.memory_space<semaphore_mem>>) src(%arg11 : memref<64x128xf32, #tpu.memory_space<vmem>>) dst(%dma_wait3A_216 : memref<10240x128xf32, #tpu.memory_space<vmem_shared>>)
          tpu.yield
        }) : () -> ()
        %mul3A_169 = arith.constant 4 : i32
        %mul3A_170 = arith.muli %mul3A_169, %scan3A_134 : i32
        %add3A_171 = arith.constant 2 : i32
        %add3A_172 = arith.addi %mul3A_170, %add3A_171 : i32
        %add3A_173 = arith.constant 3 : i32
        %add3A_174 = arith.addi %add3A_172, %add3A_173 : i32
        %lt3A_175 = arith.constant 40 : i32
        %lt3A_176 = arith.cmpi slt, %add3A_174, %lt3A_175 : i32
        %convert_element_type3A_177 = arith.extui %lt3A_176 : i1 to i32
        %cond3A_178 = arith.constant 0 : i32
        %cond3A_179 = arith.cmpi ne, %convert_element_type3A_177, %cond3A_178 : i32
        scf.if %cond3A_179 {
          %dma_start3A_205 = arith.constant 0 : i32
          %dma_start3A_206 = tpu.memref_slice %arg8[%add3A_174, %dma_start3A_205] : memref<40x64xi32, #tpu.memory_space<vmem>> -> memref<1x64xi32, #tpu.memory_space<vmem>>
          %dma_start3A_207 = tpu.memref_squeeze %dma_start3A_206 : memref<1x64xi32, #tpu.memory_space<vmem>> -> memref<64xi32, #tpu.memory_space<vmem>>
          %dma_start3A_208 = arith.constant 0 : i32
          %dma_start3A_209 = arith.constant 0 : i32
          %dma_start3A_210 = tpu.memref_slice %arg3[%dma_start3A_208, %dma_start3A_209] : memref<10000x128xf32, #tpu.memory_space<hbm>> -> memref<10000x128xf32, #tpu.memory_space<hbm>>
          tpu.enqueue_indirect_dma source(%dma_start3A_210 : memref<10000x128xf32, #tpu.memory_space<hbm>>) target(%arg11 : memref<64x128xf32, #tpu.memory_space<vmem>>) offsets(%dma_start3A_207 : memref<64xi32, #tpu.memory_space<vmem>>) semaphore(%arg16 : memref<!tpu.dma_semaphore, #tpu.memory_space<semaphore_mem>>)
        } else {
        }
        %dma_wait3A_180 = arith.constant 0 : i32
        %dma_wait3A_181 = arith.constant 0 : i32
        %dma_wait3A_182 = tpu.memref_slice %arg8[%dma_wait3A_180, %dma_wait3A_181] : memref<40x64xi32, #tpu.memory_space<vmem>> -> memref<1x64xi32, #tpu.memory_space<vmem>>
        %dma_wait3A_183 = tpu.memref_squeeze %dma_wait3A_182 : memref<1x64xi32, #tpu.memory_space<vmem>> -> memref<64xi32, #tpu.memory_space<vmem>>
        %dma_wait3A_184 = arith.constant 0 : i32
        %dma_wait3A_185 = arith.constant 0 : i32
        %dma_wait3A_186 = tpu.memref_slice %arg3[%dma_wait3A_184, %dma_wait3A_185] : memref<10000x128xf32, #tpu.memory_space<hbm>> -> memref<10000x128xf32, #tpu.memory_space<hbm>>
        tpu.wait_indirect_dma semaphore(%arg17 : memref<!tpu.dma_semaphore, #tpu.memory_space<semaphore_mem>>) src(%dma_wait3A_186 : memref<10000x128xf32, #tpu.memory_space<hbm>>) dst(%arg12 : memref<64x128xf32, #tpu.memory_space<vmem>>)
        "tpu.region"() ({
          %run_scoped3A = tpu.sem_alloc : memref<!tpu.dma_semaphore, #tpu.memory_space<semaphore_mem>>
          %dma_start3A_205 = arith.constant 0 : i32
          %dma_start3A_206 = tpu.memref_slice %arg9[%add3A_172, %dma_start3A_205] : memref<40x64xi32, #tpu.memory_space<vmem>> -> memref<1x64xi32, #tpu.memory_space<vmem>>
          %dma_start3A_207 = tpu.memref_squeeze %dma_start3A_206 : memref<1x64xi32, #tpu.memory_space<vmem>> -> memref<64xi32, #tpu.memory_space<vmem>>
          %dma_start3A_208 = arith.constant 0 : i32
          %dma_start3A_209 = arith.constant 0 : i32
          %dma_start3A_210 = tpu.memref_slice %arg14[%dma_start3A_208, %dma_start3A_209] : memref<10240x128xf32, #tpu.memory_space<vmem_shared>> -> memref<10240x128xf32, #tpu.memory_space<vmem_shared>>
          tpu.enqueue_indirect_dma source(%arg12 : memref<64x128xf32, #tpu.memory_space<vmem>>) target(%dma_start3A_210 : memref<10240x128xf32, #tpu.memory_space<vmem_shared>>) offsets(%dma_start3A_207 : memref<64xi32, #tpu.memory_space<vmem>>) semaphore(%run_scoped3A : memref<!tpu.dma_semaphore, #tpu.memory_space<semaphore_mem>>) {add = true}
          %dma_wait3A_211 = arith.constant 0 : i32
          %dma_wait3A_212 = tpu.memref_slice %arg9[%add3A_172, %dma_wait3A_211] : memref<40x64xi32, #tpu.memory_space<vmem>> -> memref<1x64xi32, #tpu.memory_space<vmem>>
          %dma_wait3A_213 = tpu.memref_squeeze %dma_wait3A_212 : memref<1x64xi32, #tpu.memory_space<vmem>> -> memref<64xi32, #tpu.memory_space<vmem>>
          %dma_wait3A_214 = arith.constant 0 : i32
          %dma_wait3A_215 = arith.constant 0 : i32
          %dma_wait3A_216 = tpu.memref_slice %arg14[%dma_wait3A_214, %dma_wait3A_215] : memref<10240x128xf32, #tpu.memory_space<vmem_shared>> -> memref<10240x128xf32, #tpu.memory_space<vmem_shared>>
          tpu.wait_indirect_dma semaphore(%run_scoped3A : memref<!tpu.dma_semaphore, #tpu.memory_space<semaphore_mem>>) src(%arg12 : memref<64x128xf32, #tpu.memory_space<vmem>>) dst(%dma_wait3A_216 : memref<10240x128xf32, #tpu.memory_space<vmem_shared>>)
          tpu.yield
        }) : () -> ()
        %mul3A_187 = arith.constant 4 : i32
        %mul3A_188 = arith.muli %mul3A_187, %scan3A_134 : i32
        %add3A_189 = arith.constant 3 : i32
        %add3A_190 = arith.addi %mul3A_188, %add3A_189 : i32
        %add3A_191 = arith.constant 3 : i32
        %add3A_192 = arith.addi %add3A_190, %add3A_191 : i32
        %lt3A_193 = arith.constant 40 : i32
        %lt3A_194 = arith.cmpi slt, %add3A_192, %lt3A_193 : i32
        %convert_element_type3A_195 = arith.extui %lt3A_194 : i1 to i32
        %cond3A_196 = arith.constant 0 : i32
        %cond3A_197 = arith.cmpi ne, %convert_element_type3A_195, %cond3A_196 : i32
        scf.if %cond3A_197 {
          %dma_start3A_205 = arith.constant 0 : i32
          %dma_start3A_206 = tpu.memref_slice %arg8[%add3A_192, %dma_start3A_205] : memref<40x64xi32, #tpu.memory_space<vmem>> -> memref<1x64xi32, #tpu.memory_space<vmem>>
          %dma_start3A_207 = tpu.memref_squeeze %dma_start3A_206 : memref<1x64xi32, #tpu.memory_space<vmem>> -> memref<64xi32, #tpu.memory_space<vmem>>
          %dma_start3A_208 = arith.constant 0 : i32
          %dma_start3A_209 = arith.constant 0 : i32
          %dma_start3A_210 = tpu.memref_slice %arg3[%dma_start3A_208, %dma_start3A_209] : memref<10000x128xf32, #tpu.memory_space<hbm>> -> memref<10000x128xf32, #tpu.memory_space<hbm>>
          tpu.enqueue_indirect_dma source(%dma_start3A_210 : memref<10000x128xf32, #tpu.memory_space<hbm>>) target(%arg12 : memref<64x128xf32, #tpu.memory_space<vmem>>) offsets(%dma_start3A_207 : memref<64xi32, #tpu.memory_space<vmem>>) semaphore(%arg17 : memref<!tpu.dma_semaphore, #tpu.memory_space<semaphore_mem>>)
        } else {
        }
        %dma_wait3A_198 = arith.constant 0 : i32
        %dma_wait3A_199 = arith.constant 0 : i32
        %dma_wait3A_200 = tpu.memref_slice %arg8[%dma_wait3A_198, %dma_wait3A_199] : memref<40x64xi32, #tpu.memory_space<vmem>> -> memref<1x64xi32, #tpu.memory_space<vmem>>
        %dma_wait3A_201 = tpu.memref_squeeze %dma_wait3A_200 : memref<1x64xi32, #tpu.memory_space<vmem>> -> memref<64xi32, #tpu.memory_space<vmem>>
        %dma_wait3A_202 = arith.constant 0 : i32
        %dma_wait3A_203 = arith.constant 0 : i32
        %dma_wait3A_204 = tpu.memref_slice %arg3[%dma_wait3A_202, %dma_wait3A_203] : memref<10000x128xf32, #tpu.memory_space<hbm>> -> memref<10000x128xf32, #tpu.memory_space<hbm>>
        tpu.wait_indirect_dma semaphore(%arg18 : memref<!tpu.dma_semaphore, #tpu.memory_space<semaphore_mem>>) src(%dma_wait3A_204 : memref<10000x128xf32, #tpu.memory_space<hbm>>) dst(%arg13 : memref<64x128xf32, #tpu.memory_space<vmem>>)
        "tpu.region"() ({
          %run_scoped3A = tpu.sem_alloc : memref<!tpu.dma_semaphore, #tpu.memory_space<semaphore_mem>>
          %dma_start3A_205 = arith.constant 0 : i32
          %dma_start3A_206 = tpu.memref_slice %arg9[%add3A_190, %dma_start3A_205] : memref<40x64xi32, #tpu.memory_space<vmem>> -> memref<1x64xi32, #tpu.memory_space<vmem>>
          %dma_start3A_207 = tpu.memref_squeeze %dma_start3A_206 : memref<1x64xi32, #tpu.memory_space<vmem>> -> memref<64xi32, #tpu.memory_space<vmem>>
          %dma_start3A_208 = arith.constant 0 : i32
          %dma_start3A_209 = arith.constant 0 : i32
          %dma_start3A_210 = tpu.memref_slice %arg14[%dma_start3A_208, %dma_start3A_209] : memref<10240x128xf32, #tpu.memory_space<vmem_shared>> -> memref<10240x128xf32, #tpu.memory_space<vmem_shared>>
          tpu.enqueue_indirect_dma source(%arg13 : memref<64x128xf32, #tpu.memory_space<vmem>>) target(%dma_start3A_210 : memref<10240x128xf32, #tpu.memory_space<vmem_shared>>) offsets(%dma_start3A_207 : memref<64xi32, #tpu.memory_space<vmem>>) semaphore(%run_scoped3A : memref<!tpu.dma_semaphore, #tpu.memory_space<semaphore_mem>>) {add = true}
          %dma_wait3A_211 = arith.constant 0 : i32
          %dma_wait3A_212 = tpu.memref_slice %arg9[%add3A_190, %dma_wait3A_211] : memref<40x64xi32, #tpu.memory_space<vmem>> -> memref<1x64xi32, #tpu.memory_space<vmem>>
          %dma_wait3A_213 = tpu.memref_squeeze %dma_wait3A_212 : memref<1x64xi32, #tpu.memory_space<vmem>> -> memref<64xi32, #tpu.memory_space<vmem>>
          %dma_wait3A_214 = arith.constant 0 : i32
          %dma_wait3A_215 = arith.constant 0 : i32
          %dma_wait3A_216 = tpu.memref_slice %arg14[%dma_wait3A_214, %dma_wait3A_215] : memref<10240x128xf32, #tpu.memory_space<vmem_shared>> -> memref<10240x128xf32, #tpu.memory_space<vmem_shared>>
          tpu.wait_indirect_dma semaphore(%run_scoped3A : memref<!tpu.dma_semaphore, #tpu.memory_space<semaphore_mem>>) src(%arg13 : memref<64x128xf32, #tpu.memory_space<vmem>>) dst(%dma_wait3A_216 : memref<10240x128xf32, #tpu.memory_space<vmem_shared>>)
          tpu.yield
        }) : () -> ()
      }
      %scan3A_40 = arith.constant 10 : i32
      %mul3A_41 = arith.constant 160 : i32
      %mul3A_42 = arith.muli %arg1, %mul3A_41 : i32
      %add3A_43 = arith.constant 40 : i32
      %add3A_44 = arith.addi %mul3A_42, %add3A_43 : i32
      "tpu.region"() ({
        %run_scoped3A = tpu.sem_alloc : memref<!tpu.dma_semaphore, #tpu.memory_space<semaphore_mem>>
        %dma_start3A_134 = arith.constant 0 : i32
        %dma_start3A_135 = tpu.memref_slice %arg4[%add3A_44, %dma_start3A_134] : memref<2560x64xi32, #tpu.memory_space<hbm>> -> memref<40x64xi32, #tpu.memory_space<hbm>>
        %dma_start3A_136 = arith.constant 0 : i32
        %dma_start3A_137 = tpu.memref_slice %arg4[%add3A_44, %dma_start3A_136] : memref<2560x64xi32, #tpu.memory_space<hbm>> -> memref<40x64xi32, #tpu.memory_space<hbm>>
        tpu.enqueue_dma source(%dma_start3A_137 : memref<40x64xi32, #tpu.memory_space<hbm>>) target(%arg8 : memref<40x64xi32, #tpu.memory_space<vmem>>) target_semaphore(%run_scoped3A : memref<!tpu.dma_semaphore, #tpu.memory_space<semaphore_mem>>)
        %dma_wait3A = arith.constant 0 : i32
        %dma_wait3A_138 = tpu.memref_slice %arg4[%add3A_44, %dma_wait3A] : memref<2560x64xi32, #tpu.memory_space<hbm>> -> memref<40x64xi32, #tpu.memory_space<hbm>>
        %dma_wait3A_139 = arith.constant 0 : i32
        %dma_wait3A_140 = tpu.memref_slice %arg4[%add3A_44, %dma_wait3A_139] : memref<2560x64xi32, #tpu.memory_space<hbm>> -> memref<40x64xi32, #tpu.memory_space<hbm>>
        tpu.wait_dma2 semaphore(%run_scoped3A : memref<!tpu.dma_semaphore, #tpu.memory_space<semaphore_mem>>) src(%dma_wait3A_140 : memref<40x64xi32, #tpu.memory_space<hbm>>) dst(%arg8 : memref<40x64xi32, #tpu.memory_space<vmem>>)
        tpu.yield
      }) : () -> ()
      "tpu.region"() ({
        %run_scoped3A = tpu.sem_alloc : memref<!tpu.dma_semaphore, #tpu.memory_space<semaphore_mem>>
        %dma_start3A_134 = arith.constant 0 : i32
        %dma_start3A_135 = tpu.memref_slice %arg5[%add3A_44, %dma_start3A_134] : memref<2560x64xi32, #tpu.memory_space<hbm>> -> memref<40x64xi32, #tpu.memory_space<hbm>>
        %dma_start3A_136 = arith.constant 0 : i32
        %dma_start3A_137 = tpu.memref_slice %arg5[%add3A_44, %dma_start3A_136] : memref<2560x64xi32, #tpu.memory_space<hbm>> -> memref<40x64xi32, #tpu.memory_space<hbm>>
        tpu.enqueue_dma source(%dma_start3A_137 : memref<40x64xi32, #tpu.memory_space<hbm>>) target(%arg9 : memref<40x64xi32, #tpu.memory_space<vmem>>) target_semaphore(%run_scoped3A : memref<!tpu.dma_semaphore, #tpu.memory_space<semaphore_mem>>)
        %dma_wait3A = arith.constant 0 : i32
        %dma_wait3A_138 = tpu.memref_slice %arg5[%add3A_44, %dma_wait3A] : memref<2560x64xi32, #tpu.memory_space<hbm>> -> memref<40x64xi32, #tpu.memory_space<hbm>>
        %dma_wait3A_139 = arith.constant 0 : i32
        %dma_wait3A_140 = tpu.memref_slice %arg5[%add3A_44, %dma_wait3A_139] : memref<2560x64xi32, #tpu.memory_space<hbm>> -> memref<40x64xi32, #tpu.memory_space<hbm>>
        tpu.wait_dma2 semaphore(%run_scoped3A : memref<!tpu.dma_semaphore, #tpu.memory_space<semaphore_mem>>) src(%dma_wait3A_140 : memref<40x64xi32, #tpu.memory_space<hbm>>) dst(%arg9 : memref<40x64xi32, #tpu.memory_space<vmem>>)
        tpu.yield
      }) : () -> ()
      %dma_start3A_45 = arith.constant 0 : i32
      %dma_start3A_46 = arith.constant 0 : i32
      %dma_start3A_47 = tpu.memref_slice %arg8[%dma_start3A_45, %dma_start3A_46] : memref<40x64xi32, #tpu.memory_space<vmem>> -> memref<1x64xi32, #tpu.memory_space<vmem>>
      %dma_start3A_48 = tpu.memref_squeeze %dma_start3A_47 : memref<1x64xi32, #tpu.memory_space<vmem>> -> memref<64xi32, #tpu.memory_space<vmem>>
      %dma_start3A_49 = arith.constant 0 : i32
      %dma_start3A_50 = arith.constant 0 : i32
      %dma_start3A_51 = tpu.memref_slice %arg3[%dma_start3A_49, %dma_start3A_50] : memref<10000x128xf32, #tpu.memory_space<hbm>> -> memref<10000x128xf32, #tpu.memory_space<hbm>>
      tpu.enqueue_indirect_dma source(%dma_start3A_51 : memref<10000x128xf32, #tpu.memory_space<hbm>>) target(%arg10 : memref<64x128xf32, #tpu.memory_space<vmem>>) offsets(%dma_start3A_48 : memref<64xi32, #tpu.memory_space<vmem>>) semaphore(%arg15 : memref<!tpu.dma_semaphore, #tpu.memory_space<semaphore_mem>>)
      %dma_start3A_52 = arith.constant 1 : i32
      %dma_start3A_53 = arith.constant 0 : i32
      %dma_start3A_54 = tpu.memref_slice %arg8[%dma_start3A_52, %dma_start3A_53] : memref<40x64xi32, #tpu.memory_space<vmem>> -> memref<1x64xi32, #tpu.memory_space<vmem>>
      %dma_start3A_55 = tpu.memref_squeeze %dma_start3A_54 : memref<1x64xi32, #tpu.memory_space<vmem>> -> memref<64xi32, #tpu.memory_space<vmem>>
      %dma_start3A_56 = arith.constant 0 : i32
      %dma_start3A_57 = arith.constant 0 : i32
      %dma_start3A_58 = tpu.memref_slice %arg3[%dma_start3A_56, %dma_start3A_57] : memref<10000x128xf32, #tpu.memory_space<hbm>> -> memref<10000x128xf32, #tpu.memory_space<hbm>>
      tpu.enqueue_indirect_dma source(%dma_start3A_58 : memref<10000x128xf32, #tpu.memory_space<hbm>>) target(%arg11 : memref<64x128xf32, #tpu.memory_space<vmem>>) offsets(%dma_start3A_55 : memref<64xi32, #tpu.memory_space<vmem>>) semaphore(%arg16 : memref<!tpu.dma_semaphore, #tpu.memory_space<semaphore_mem>>)
      %dma_start3A_59 = arith.constant 2 : i32
      %dma_start3A_60 = arith.constant 0 : i32
      %dma_start3A_61 = tpu.memref_slice %arg8[%dma_start3A_59, %dma_start3A_60] : memref<40x64xi32, #tpu.memory_space<vmem>> -> memref<1x64xi32, #tpu.memory_space<vmem>>
      %dma_start3A_62 = tpu.memref_squeeze %dma_start3A_61 : memref<1x64xi32, #tpu.memory_space<vmem>> -> memref<64xi32, #tpu.memory_space<vmem>>
      %dma_start3A_63 = arith.constant 0 : i32
      %dma_start3A_64 = arith.constant 0 : i32
      %dma_start3A_65 = tpu.memref_slice %arg3[%dma_start3A_63, %dma_start3A_64] : memref<10000x128xf32, #tpu.memory_space<hbm>> -> memref<10000x128xf32, #tpu.memory_space<hbm>>
      tpu.enqueue_indirect_dma source(%dma_start3A_65 : memref<10000x128xf32, #tpu.memory_space<hbm>>) target(%arg12 : memref<64x128xf32, #tpu.memory_space<vmem>>) offsets(%dma_start3A_62 : memref<64xi32, #tpu.memory_space<vmem>>) semaphore(%arg17 : memref<!tpu.dma_semaphore, #tpu.memory_space<semaphore_mem>>)
      %scan3A_66 = arith.constant 0 : i32
      %scan3A_67 = arith.constant 0 : i32
      %scan3A_68 = arith.constant 10 : i32
      %scan3A_69 = arith.addi %scan3A_67, %scan3A_68 : i32
      %scan3A_70 = arith.constant 1 : i32
      scf.for %scan3A_134 = %scan3A_67 to %scan3A_69 step %scan3A_70  : i32 {
        %mul3A_135 = arith.constant 4 : i32
        %mul3A_136 = arith.muli %mul3A_135, %scan3A_134 : i32
        %add3A_137 = arith.constant 0 : i32
        %add3A_138 = arith.addi %mul3A_136, %add3A_137 : i32
        %add3A_139 = arith.constant 3 : i32
        %add3A_140 = arith.addi %add3A_138, %add3A_139 : i32
        %lt3A = arith.constant 40 : i32
        %lt3A_141 = arith.cmpi slt, %add3A_140, %lt3A : i32
        %convert_element_type3A_142 = arith.extui %lt3A_141 : i1 to i32
        %cond3A_143 = arith.constant 0 : i32
        %cond3A_144 = arith.cmpi ne, %convert_element_type3A_142, %cond3A_143 : i32
        scf.if %cond3A_144 {
          %dma_start3A_205 = arith.constant 0 : i32
          %dma_start3A_206 = tpu.memref_slice %arg8[%add3A_140, %dma_start3A_205] : memref<40x64xi32, #tpu.memory_space<vmem>> -> memref<1x64xi32, #tpu.memory_space<vmem>>
          %dma_start3A_207 = tpu.memref_squeeze %dma_start3A_206 : memref<1x64xi32, #tpu.memory_space<vmem>> -> memref<64xi32, #tpu.memory_space<vmem>>
          %dma_start3A_208 = arith.constant 0 : i32
          %dma_start3A_209 = arith.constant 0 : i32
          %dma_start3A_210 = tpu.memref_slice %arg3[%dma_start3A_208, %dma_start3A_209] : memref<10000x128xf32, #tpu.memory_space<hbm>> -> memref<10000x128xf32, #tpu.memory_space<hbm>>
          tpu.enqueue_indirect_dma source(%dma_start3A_210 : memref<10000x128xf32, #tpu.memory_space<hbm>>) target(%arg13 : memref<64x128xf32, #tpu.memory_space<vmem>>) offsets(%dma_start3A_207 : memref<64xi32, #tpu.memory_space<vmem>>) semaphore(%arg18 : memref<!tpu.dma_semaphore, #tpu.memory_space<semaphore_mem>>)
        } else {
        }
        %dma_wait3A = arith.constant 0 : i32
        %dma_wait3A_145 = arith.constant 0 : i32
        %dma_wait3A_146 = tpu.memref_slice %arg8[%dma_wait3A, %dma_wait3A_145] : memref<40x64xi32, #tpu.memory_space<vmem>> -> memref<1x64xi32, #tpu.memory_space<vmem>>
        %dma_wait3A_147 = tpu.memref_squeeze %dma_wait3A_146 : memref<1x64xi32, #tpu.memory_space<vmem>> -> memref<64xi32, #tpu.memory_space<vmem>>
        %dma_wait3A_148 = arith.constant 0 : i32
        %dma_wait3A_149 = arith.constant 0 : i32
        %dma_wait3A_150 = tpu.memref_slice %arg3[%dma_wait3A_148, %dma_wait3A_149] : memref<10000x128xf32, #tpu.memory_space<hbm>> -> memref<10000x128xf32, #tpu.memory_space<hbm>>
        tpu.wait_indirect_dma semaphore(%arg15 : memref<!tpu.dma_semaphore, #tpu.memory_space<semaphore_mem>>) src(%dma_wait3A_150 : memref<10000x128xf32, #tpu.memory_space<hbm>>) dst(%arg10 : memref<64x128xf32, #tpu.memory_space<vmem>>)
        "tpu.region"() ({
          %run_scoped3A = tpu.sem_alloc : memref<!tpu.dma_semaphore, #tpu.memory_space<semaphore_mem>>
          %dma_start3A_205 = arith.constant 0 : i32
          %dma_start3A_206 = tpu.memref_slice %arg9[%add3A_138, %dma_start3A_205] : memref<40x64xi32, #tpu.memory_space<vmem>> -> memref<1x64xi32, #tpu.memory_space<vmem>>
          %dma_start3A_207 = tpu.memref_squeeze %dma_start3A_206 : memref<1x64xi32, #tpu.memory_space<vmem>> -> memref<64xi32, #tpu.memory_space<vmem>>
          %dma_start3A_208 = arith.constant 0 : i32
          %dma_start3A_209 = arith.constant 0 : i32
          %dma_start3A_210 = tpu.memref_slice %arg14[%dma_start3A_208, %dma_start3A_209] : memref<10240x128xf32, #tpu.memory_space<vmem_shared>> -> memref<10240x128xf32, #tpu.memory_space<vmem_shared>>
          tpu.enqueue_indirect_dma source(%arg10 : memref<64x128xf32, #tpu.memory_space<vmem>>) target(%dma_start3A_210 : memref<10240x128xf32, #tpu.memory_space<vmem_shared>>) offsets(%dma_start3A_207 : memref<64xi32, #tpu.memory_space<vmem>>) semaphore(%run_scoped3A : memref<!tpu.dma_semaphore, #tpu.memory_space<semaphore_mem>>) {add = true}
          %dma_wait3A_211 = arith.constant 0 : i32
          %dma_wait3A_212 = tpu.memref_slice %arg9[%add3A_138, %dma_wait3A_211] : memref<40x64xi32, #tpu.memory_space<vmem>> -> memref<1x64xi32, #tpu.memory_space<vmem>>
          %dma_wait3A_213 = tpu.memref_squeeze %dma_wait3A_212 : memref<1x64xi32, #tpu.memory_space<vmem>> -> memref<64xi32, #tpu.memory_space<vmem>>
          %dma_wait3A_214 = arith.constant 0 : i32
          %dma_wait3A_215 = arith.constant 0 : i32
          %dma_wait3A_216 = tpu.memref_slice %arg14[%dma_wait3A_214, %dma_wait3A_215] : memref<10240x128xf32, #tpu.memory_space<vmem_shared>> -> memref<10240x128xf32, #tpu.memory_space<vmem_shared>>
          tpu.wait_indirect_dma semaphore(%run_scoped3A : memref<!tpu.dma_semaphore, #tpu.memory_space<semaphore_mem>>) src(%arg10 : memref<64x128xf32, #tpu.memory_space<vmem>>) dst(%dma_wait3A_216 : memref<10240x128xf32, #tpu.memory_space<vmem_shared>>)
          tpu.yield
        }) : () -> ()
        %mul3A_151 = arith.constant 4 : i32
        %mul3A_152 = arith.muli %mul3A_151, %scan3A_134 : i32
        %add3A_153 = arith.constant 1 : i32
        %add3A_154 = arith.addi %mul3A_152, %add3A_153 : i32
        %add3A_155 = arith.constant 3 : i32
        %add3A_156 = arith.addi %add3A_154, %add3A_155 : i32
        %lt3A_157 = arith.constant 40 : i32
        %lt3A_158 = arith.cmpi slt, %add3A_156, %lt3A_157 : i32
        %convert_element_type3A_159 = arith.extui %lt3A_158 : i1 to i32
        %cond3A_160 = arith.constant 0 : i32
        %cond3A_161 = arith.cmpi ne, %convert_element_type3A_159, %cond3A_160 : i32
        scf.if %cond3A_161 {
          %dma_start3A_205 = arith.constant 0 : i32
          %dma_start3A_206 = tpu.memref_slice %arg8[%add3A_156, %dma_start3A_205] : memref<40x64xi32, #tpu.memory_space<vmem>> -> memref<1x64xi32, #tpu.memory_space<vmem>>
          %dma_start3A_207 = tpu.memref_squeeze %dma_start3A_206 : memref<1x64xi32, #tpu.memory_space<vmem>> -> memref<64xi32, #tpu.memory_space<vmem>>
          %dma_start3A_208 = arith.constant 0 : i32
          %dma_start3A_209 = arith.constant 0 : i32
          %dma_start3A_210 = tpu.memref_slice %arg3[%dma_start3A_208, %dma_start3A_209] : memref<10000x128xf32, #tpu.memory_space<hbm>> -> memref<10000x128xf32, #tpu.memory_space<hbm>>
          tpu.enqueue_indirect_dma source(%dma_start3A_210 : memref<10000x128xf32, #tpu.memory_space<hbm>>) target(%arg10 : memref<64x128xf32, #tpu.memory_space<vmem>>) offsets(%dma_start3A_207 : memref<64xi32, #tpu.memory_space<vmem>>) semaphore(%arg15 : memref<!tpu.dma_semaphore, #tpu.memory_space<semaphore_mem>>)
        } else {
        }
        %dma_wait3A_162 = arith.constant 0 : i32
        %dma_wait3A_163 = arith.constant 0 : i32
        %dma_wait3A_164 = tpu.memref_slice %arg8[%dma_wait3A_162, %dma_wait3A_163] : memref<40x64xi32, #tpu.memory_space<vmem>> -> memref<1x64xi32, #tpu.memory_space<vmem>>
        %dma_wait3A_165 = tpu.memref_squeeze %dma_wait3A_164 : memref<1x64xi32, #tpu.memory_space<vmem>> -> memref<64xi32, #tpu.memory_space<vmem>>
        %dma_wait3A_166 = arith.constant 0 : i32
        %dma_wait3A_167 = arith.constant 0 : i32
        %dma_wait3A_168 = tpu.memref_slice %arg3[%dma_wait3A_166, %dma_wait3A_167] : memref<10000x128xf32, #tpu.memory_space<hbm>> -> memref<10000x128xf32, #tpu.memory_space<hbm>>
        tpu.wait_indirect_dma semaphore(%arg16 : memref<!tpu.dma_semaphore, #tpu.memory_space<semaphore_mem>>) src(%dma_wait3A_168 : memref<10000x128xf32, #tpu.memory_space<hbm>>) dst(%arg11 : memref<64x128xf32, #tpu.memory_space<vmem>>)
        "tpu.region"() ({
          %run_scoped3A = tpu.sem_alloc : memref<!tpu.dma_semaphore, #tpu.memory_space<semaphore_mem>>
          %dma_start3A_205 = arith.constant 0 : i32
          %dma_start3A_206 = tpu.memref_slice %arg9[%add3A_154, %dma_start3A_205] : memref<40x64xi32, #tpu.memory_space<vmem>> -> memref<1x64xi32, #tpu.memory_space<vmem>>
          %dma_start3A_207 = tpu.memref_squeeze %dma_start3A_206 : memref<1x64xi32, #tpu.memory_space<vmem>> -> memref<64xi32, #tpu.memory_space<vmem>>
          %dma_start3A_208 = arith.constant 0 : i32
          %dma_start3A_209 = arith.constant 0 : i32
          %dma_start3A_210 = tpu.memref_slice %arg14[%dma_start3A_208, %dma_start3A_209] : memref<10240x128xf32, #tpu.memory_space<vmem_shared>> -> memref<10240x128xf32, #tpu.memory_space<vmem_shared>>
          tpu.enqueue_indirect_dma source(%arg11 : memref<64x128xf32, #tpu.memory_space<vmem>>) target(%dma_start3A_210 : memref<10240x128xf32, #tpu.memory_space<vmem_shared>>) offsets(%dma_start3A_207 : memref<64xi32, #tpu.memory_space<vmem>>) semaphore(%run_scoped3A : memref<!tpu.dma_semaphore, #tpu.memory_space<semaphore_mem>>) {add = true}
          %dma_wait3A_211 = arith.constant 0 : i32
          %dma_wait3A_212 = tpu.memref_slice %arg9[%add3A_154, %dma_wait3A_211] : memref<40x64xi32, #tpu.memory_space<vmem>> -> memref<1x64xi32, #tpu.memory_space<vmem>>
          %dma_wait3A_213 = tpu.memref_squeeze %dma_wait3A_212 : memref<1x64xi32, #tpu.memory_space<vmem>> -> memref<64xi32, #tpu.memory_space<vmem>>
          %dma_wait3A_214 = arith.constant 0 : i32
          %dma_wait3A_215 = arith.constant 0 : i32
          %dma_wait3A_216 = tpu.memref_slice %arg14[%dma_wait3A_214, %dma_wait3A_215] : memref<10240x128xf32, #tpu.memory_space<vmem_shared>> -> memref<10240x128xf32, #tpu.memory_space<vmem_shared>>
          tpu.wait_indirect_dma semaphore(%run_scoped3A : memref<!tpu.dma_semaphore, #tpu.memory_space<semaphore_mem>>) src(%arg11 : memref<64x128xf32, #tpu.memory_space<vmem>>) dst(%dma_wait3A_216 : memref<10240x128xf32, #tpu.memory_space<vmem_shared>>)
          tpu.yield
        }) : () -> ()
        %mul3A_169 = arith.constant 4 : i32
        %mul3A_170 = arith.muli %mul3A_169, %scan3A_134 : i32
        %add3A_171 = arith.constant 2 : i32
        %add3A_172 = arith.addi %mul3A_170, %add3A_171 : i32
        %add3A_173 = arith.constant 3 : i32
        %add3A_174 = arith.addi %add3A_172, %add3A_173 : i32
        %lt3A_175 = arith.constant 40 : i32
        %lt3A_176 = arith.cmpi slt, %add3A_174, %lt3A_175 : i32
        %convert_element_type3A_177 = arith.extui %lt3A_176 : i1 to i32
        %cond3A_178 = arith.constant 0 : i32
        %cond3A_179 = arith.cmpi ne, %convert_element_type3A_177, %cond3A_178 : i32
        scf.if %cond3A_179 {
          %dma_start3A_205 = arith.constant 0 : i32
          %dma_start3A_206 = tpu.memref_slice %arg8[%add3A_174, %dma_start3A_205] : memref<40x64xi32, #tpu.memory_space<vmem>> -> memref<1x64xi32, #tpu.memory_space<vmem>>
          %dma_start3A_207 = tpu.memref_squeeze %dma_start3A_206 : memref<1x64xi32, #tpu.memory_space<vmem>> -> memref<64xi32, #tpu.memory_space<vmem>>
          %dma_start3A_208 = arith.constant 0 : i32
          %dma_start3A_209 = arith.constant 0 : i32
          %dma_start3A_210 = tpu.memref_slice %arg3[%dma_start3A_208, %dma_start3A_209] : memref<10000x128xf32, #tpu.memory_space<hbm>> -> memref<10000x128xf32, #tpu.memory_space<hbm>>
          tpu.enqueue_indirect_dma source(%dma_start3A_210 : memref<10000x128xf32, #tpu.memory_space<hbm>>) target(%arg11 : memref<64x128xf32, #tpu.memory_space<vmem>>) offsets(%dma_start3A_207 : memref<64xi32, #tpu.memory_space<vmem>>) semaphore(%arg16 : memref<!tpu.dma_semaphore, #tpu.memory_space<semaphore_mem>>)
        } else {
        }
        %dma_wait3A_180 = arith.constant 0 : i32
        %dma_wait3A_181 = arith.constant 0 : i32
        %dma_wait3A_182 = tpu.memref_slice %arg8[%dma_wait3A_180, %dma_wait3A_181] : memref<40x64xi32, #tpu.memory_space<vmem>> -> memref<1x64xi32, #tpu.memory_space<vmem>>
        %dma_wait3A_183 = tpu.memref_squeeze %dma_wait3A_182 : memref<1x64xi32, #tpu.memory_space<vmem>> -> memref<64xi32, #tpu.memory_space<vmem>>
        %dma_wait3A_184 = arith.constant 0 : i32
        %dma_wait3A_185 = arith.constant 0 : i32
        %dma_wait3A_186 = tpu.memref_slice %arg3[%dma_wait3A_184, %dma_wait3A_185] : memref<10000x128xf32, #tpu.memory_space<hbm>> -> memref<10000x128xf32, #tpu.memory_space<hbm>>
        tpu.wait_indirect_dma semaphore(%arg17 : memref<!tpu.dma_semaphore, #tpu.memory_space<semaphore_mem>>) src(%dma_wait3A_186 : memref<10000x128xf32, #tpu.memory_space<hbm>>) dst(%arg12 : memref<64x128xf32, #tpu.memory_space<vmem>>)
        "tpu.region"() ({
          %run_scoped3A = tpu.sem_alloc : memref<!tpu.dma_semaphore, #tpu.memory_space<semaphore_mem>>
          %dma_start3A_205 = arith.constant 0 : i32
          %dma_start3A_206 = tpu.memref_slice %arg9[%add3A_172, %dma_start3A_205] : memref<40x64xi32, #tpu.memory_space<vmem>> -> memref<1x64xi32, #tpu.memory_space<vmem>>
          %dma_start3A_207 = tpu.memref_squeeze %dma_start3A_206 : memref<1x64xi32, #tpu.memory_space<vmem>> -> memref<64xi32, #tpu.memory_space<vmem>>
          %dma_start3A_208 = arith.constant 0 : i32
          %dma_start3A_209 = arith.constant 0 : i32
          %dma_start3A_210 = tpu.memref_slice %arg14[%dma_start3A_208, %dma_start3A_209] : memref<10240x128xf32, #tpu.memory_space<vmem_shared>> -> memref<10240x128xf32, #tpu.memory_space<vmem_shared>>
          tpu.enqueue_indirect_dma source(%arg12 : memref<64x128xf32, #tpu.memory_space<vmem>>) target(%dma_start3A_210 : memref<10240x128xf32, #tpu.memory_space<vmem_shared>>) offsets(%dma_start3A_207 : memref<64xi32, #tpu.memory_space<vmem>>) semaphore(%run_scoped3A : memref<!tpu.dma_semaphore, #tpu.memory_space<semaphore_mem>>) {add = true}
          %dma_wait3A_211 = arith.constant 0 : i32
          %dma_wait3A_212 = tpu.memref_slice %arg9[%add3A_172, %dma_wait3A_211] : memref<40x64xi32, #tpu.memory_space<vmem>> -> memref<1x64xi32, #tpu.memory_space<vmem>>
          %dma_wait3A_213 = tpu.memref_squeeze %dma_wait3A_212 : memref<1x64xi32, #tpu.memory_space<vmem>> -> memref<64xi32, #tpu.memory_space<vmem>>
          %dma_wait3A_214 = arith.constant 0 : i32
          %dma_wait3A_215 = arith.constant 0 : i32
          %dma_wait3A_216 = tpu.memref_slice %arg14[%dma_wait3A_214, %dma_wait3A_215] : memref<10240x128xf32, #tpu.memory_space<vmem_shared>> -> memref<10240x128xf32, #tpu.memory_space<vmem_shared>>
          tpu.wait_indirect_dma semaphore(%run_scoped3A : memref<!tpu.dma_semaphore, #tpu.memory_space<semaphore_mem>>) src(%arg12 : memref<64x128xf32, #tpu.memory_space<vmem>>) dst(%dma_wait3A_216 : memref<10240x128xf32, #tpu.memory_space<vmem_shared>>)
          tpu.yield
        }) : () -> ()
        %mul3A_187 = arith.constant 4 : i32
        %mul3A_188 = arith.muli %mul3A_187, %scan3A_134 : i32
        %add3A_189 = arith.constant 3 : i32
        %add3A_190 = arith.addi %mul3A_188, %add3A_189 : i32
        %add3A_191 = arith.constant 3 : i32
        %add3A_192 = arith.addi %add3A_190, %add3A_191 : i32
        %lt3A_193 = arith.constant 40 : i32
        %lt3A_194 = arith.cmpi slt, %add3A_192, %lt3A_193 : i32
        %convert_element_type3A_195 = arith.extui %lt3A_194 : i1 to i32
        %cond3A_196 = arith.constant 0 : i32
        %cond3A_197 = arith.cmpi ne, %convert_element_type3A_195, %cond3A_196 : i32
        scf.if %cond3A_197 {
          %dma_start3A_205 = arith.constant 0 : i32
          %dma_start3A_206 = tpu.memref_slice %arg8[%add3A_192, %dma_start3A_205] : memref<40x64xi32, #tpu.memory_space<vmem>> -> memref<1x64xi32, #tpu.memory_space<vmem>>
          %dma_start3A_207 = tpu.memref_squeeze %dma_start3A_206 : memref<1x64xi32, #tpu.memory_space<vmem>> -> memref<64xi32, #tpu.memory_space<vmem>>
          %dma_start3A_208 = arith.constant 0 : i32
          %dma_start3A_209 = arith.constant 0 : i32
          %dma_start3A_210 = tpu.memref_slice %arg3[%dma_start3A_208, %dma_start3A_209] : memref<10000x128xf32, #tpu.memory_space<hbm>> -> memref<10000x128xf32, #tpu.memory_space<hbm>>
          tpu.enqueue_indirect_dma source(%dma_start3A_210 : memref<10000x128xf32, #tpu.memory_space<hbm>>) target(%arg12 : memref<64x128xf32, #tpu.memory_space<vmem>>) offsets(%dma_start3A_207 : memref<64xi32, #tpu.memory_space<vmem>>) semaphore(%arg17 : memref<!tpu.dma_semaphore, #tpu.memory_space<semaphore_mem>>)
        } else {
        }
        %dma_wait3A_198 = arith.constant 0 : i32
        %dma_wait3A_199 = arith.constant 0 : i32
        %dma_wait3A_200 = tpu.memref_slice %arg8[%dma_wait3A_198, %dma_wait3A_199] : memref<40x64xi32, #tpu.memory_space<vmem>> -> memref<1x64xi32, #tpu.memory_space<vmem>>
        %dma_wait3A_201 = tpu.memref_squeeze %dma_wait3A_200 : memref<1x64xi32, #tpu.memory_space<vmem>> -> memref<64xi32, #tpu.memory_space<vmem>>
        %dma_wait3A_202 = arith.constant 0 : i32
        %dma_wait3A_203 = arith.constant 0 : i32
        %dma_wait3A_204 = tpu.memref_slice %arg3[%dma_wait3A_202, %dma_wait3A_203] : memref<10000x128xf32, #tpu.memory_space<hbm>> -> memref<10000x128xf32, #tpu.memory_space<hbm>>
        tpu.wait_indirect_dma semaphore(%arg18 : memref<!tpu.dma_semaphore, #tpu.memory_space<semaphore_mem>>) src(%dma_wait3A_204 : memref<10000x128xf32, #tpu.memory_space<hbm>>) dst(%arg13 : memref<64x128xf32, #tpu.memory_space<vmem>>)
        "tpu.region"() ({
          %run_scoped3A = tpu.sem_alloc : memref<!tpu.dma_semaphore, #tpu.memory_space<semaphore_mem>>
          %dma_start3A_205 = arith.constant 0 : i32
          %dma_start3A_206 = tpu.memref_slice %arg9[%add3A_190, %dma_start3A_205] : memref<40x64xi32, #tpu.memory_space<vmem>> -> memref<1x64xi32, #tpu.memory_space<vmem>>
          %dma_start3A_207 = tpu.memref_squeeze %dma_start3A_206 : memref<1x64xi32, #tpu.memory_space<vmem>> -> memref<64xi32, #tpu.memory_space<vmem>>
          %dma_start3A_208 = arith.constant 0 : i32
          %dma_start3A_209 = arith.constant 0 : i32
          %dma_start3A_210 = tpu.memref_slice %arg14[%dma_start3A_208, %dma_start3A_209] : memref<10240x128xf32, #tpu.memory_space<vmem_shared>> -> memref<10240x128xf32, #tpu.memory_space<vmem_shared>>
          tpu.enqueue_indirect_dma source(%arg13 : memref<64x128xf32, #tpu.memory_space<vmem>>) target(%dma_start3A_210 : memref<10240x128xf32, #tpu.memory_space<vmem_shared>>) offsets(%dma_start3A_207 : memref<64xi32, #tpu.memory_space<vmem>>) semaphore(%run_scoped3A : memref<!tpu.dma_semaphore, #tpu.memory_space<semaphore_mem>>) {add = true}
          %dma_wait3A_211 = arith.constant 0 : i32
          %dma_wait3A_212 = tpu.memref_slice %arg9[%add3A_190, %dma_wait3A_211] : memref<40x64xi32, #tpu.memory_space<vmem>> -> memref<1x64xi32, #tpu.memory_space<vmem>>
          %dma_wait3A_213 = tpu.memref_squeeze %dma_wait3A_212 : memref<1x64xi32, #tpu.memory_space<vmem>> -> memref<64xi32, #tpu.memory_space<vmem>>
          %dma_wait3A_214 = arith.constant 0 : i32
          %dma_wait3A_215 = arith.constant 0 : i32
          %dma_wait3A_216 = tpu.memref_slice %arg14[%dma_wait3A_214, %dma_wait3A_215] : memref<10240x128xf32, #tpu.memory_space<vmem_shared>> -> memref<10240x128xf32, #tpu.memory_space<vmem_shared>>
          tpu.wait_indirect_dma semaphore(%run_scoped3A : memref<!tpu.dma_semaphore, #tpu.memory_space<semaphore_mem>>) src(%arg13 : memref<64x128xf32, #tpu.memory_space<vmem>>) dst(%dma_wait3A_216 : memref<10240x128xf32, #tpu.memory_space<vmem_shared>>)
          tpu.yield
        }) : () -> ()
      }
      %scan3A_71 = arith.constant 10 : i32
      %mul3A_72 = arith.constant 160 : i32
      %mul3A_73 = arith.muli %arg1, %mul3A_72 : i32
      %add3A_74 = arith.constant 80 : i32
      %add3A_75 = arith.addi %mul3A_73, %add3A_74 : i32
      "tpu.region"() ({
        %run_scoped3A = tpu.sem_alloc : memref<!tpu.dma_semaphore, #tpu.memory_space<semaphore_mem>>
        %dma_start3A_134 = arith.constant 0 : i32
        %dma_start3A_135 = tpu.memref_slice %arg4[%add3A_75, %dma_start3A_134] : memref<2560x64xi32, #tpu.memory_space<hbm>> -> memref<40x64xi32, #tpu.memory_space<hbm>>
        %dma_start3A_136 = arith.constant 0 : i32
        %dma_start3A_137 = tpu.memref_slice %arg4[%add3A_75, %dma_start3A_136] : memref<2560x64xi32, #tpu.memory_space<hbm>> -> memref<40x64xi32, #tpu.memory_space<hbm>>
        tpu.enqueue_dma source(%dma_start3A_137 : memref<40x64xi32, #tpu.memory_space<hbm>>) target(%arg8 : memref<40x64xi32, #tpu.memory_space<vmem>>) target_semaphore(%run_scoped3A : memref<!tpu.dma_semaphore, #tpu.memory_space<semaphore_mem>>)
        %dma_wait3A = arith.constant 0 : i32
        %dma_wait3A_138 = tpu.memref_slice %arg4[%add3A_75, %dma_wait3A] : memref<2560x64xi32, #tpu.memory_space<hbm>> -> memref<40x64xi32, #tpu.memory_space<hbm>>
        %dma_wait3A_139 = arith.constant 0 : i32
        %dma_wait3A_140 = tpu.memref_slice %arg4[%add3A_75, %dma_wait3A_139] : memref<2560x64xi32, #tpu.memory_space<hbm>> -> memref<40x64xi32, #tpu.memory_space<hbm>>
        tpu.wait_dma2 semaphore(%run_scoped3A : memref<!tpu.dma_semaphore, #tpu.memory_space<semaphore_mem>>) src(%dma_wait3A_140 : memref<40x64xi32, #tpu.memory_space<hbm>>) dst(%arg8 : memref<40x64xi32, #tpu.memory_space<vmem>>)
        tpu.yield
      }) : () -> ()
      "tpu.region"() ({
        %run_scoped3A = tpu.sem_alloc : memref<!tpu.dma_semaphore, #tpu.memory_space<semaphore_mem>>
        %dma_start3A_134 = arith.constant 0 : i32
        %dma_start3A_135 = tpu.memref_slice %arg5[%add3A_75, %dma_start3A_134] : memref<2560x64xi32, #tpu.memory_space<hbm>> -> memref<40x64xi32, #tpu.memory_space<hbm>>
        %dma_start3A_136 = arith.constant 0 : i32
        %dma_start3A_137 = tpu.memref_slice %arg5[%add3A_75, %dma_start3A_136] : memref<2560x64xi32, #tpu.memory_space<hbm>> -> memref<40x64xi32, #tpu.memory_space<hbm>>
        tpu.enqueue_dma source(%dma_start3A_137 : memref<40x64xi32, #tpu.memory_space<hbm>>) target(%arg9 : memref<40x64xi32, #tpu.memory_space<vmem>>) target_semaphore(%run_scoped3A : memref<!tpu.dma_semaphore, #tpu.memory_space<semaphore_mem>>)
        %dma_wait3A = arith.constant 0 : i32
        %dma_wait3A_138 = tpu.memref_slice %arg5[%add3A_75, %dma_wait3A] : memref<2560x64xi32, #tpu.memory_space<hbm>> -> memref<40x64xi32, #tpu.memory_space<hbm>>
        %dma_wait3A_139 = arith.constant 0 : i32
        %dma_wait3A_140 = tpu.memref_slice %arg5[%add3A_75, %dma_wait3A_139] : memref<2560x64xi32, #tpu.memory_space<hbm>> -> memref<40x64xi32, #tpu.memory_space<hbm>>
        tpu.wait_dma2 semaphore(%run_scoped3A : memref<!tpu.dma_semaphore, #tpu.memory_space<semaphore_mem>>) src(%dma_wait3A_140 : memref<40x64xi32, #tpu.memory_space<hbm>>) dst(%arg9 : memref<40x64xi32, #tpu.memory_space<vmem>>)
        tpu.yield
      }) : () -> ()
      %dma_start3A_76 = arith.constant 0 : i32
      %dma_start3A_77 = arith.constant 0 : i32
      %dma_start3A_78 = tpu.memref_slice %arg8[%dma_start3A_76, %dma_start3A_77] : memref<40x64xi32, #tpu.memory_space<vmem>> -> memref<1x64xi32, #tpu.memory_space<vmem>>
      %dma_start3A_79 = tpu.memref_squeeze %dma_start3A_78 : memref<1x64xi32, #tpu.memory_space<vmem>> -> memref<64xi32, #tpu.memory_space<vmem>>
      %dma_start3A_80 = arith.constant 0 : i32
      %dma_start3A_81 = arith.constant 0 : i32
      %dma_start3A_82 = tpu.memref_slice %arg3[%dma_start3A_80, %dma_start3A_81] : memref<10000x128xf32, #tpu.memory_space<hbm>> -> memref<10000x128xf32, #tpu.memory_space<hbm>>
      tpu.enqueue_indirect_dma source(%dma_start3A_82 : memref<10000x128xf32, #tpu.memory_space<hbm>>) target(%arg10 : memref<64x128xf32, #tpu.memory_space<vmem>>) offsets(%dma_start3A_79 : memref<64xi32, #tpu.memory_space<vmem>>) semaphore(%arg15 : memref<!tpu.dma_semaphore, #tpu.memory_space<semaphore_mem>>)
      %dma_start3A_83 = arith.constant 1 : i32
      %dma_start3A_84 = arith.constant 0 : i32
      %dma_start3A_85 = tpu.memref_slice %arg8[%dma_start3A_83, %dma_start3A_84] : memref<40x64xi32, #tpu.memory_space<vmem>> -> memref<1x64xi32, #tpu.memory_space<vmem>>
      %dma_start3A_86 = tpu.memref_squeeze %dma_start3A_85 : memref<1x64xi32, #tpu.memory_space<vmem>> -> memref<64xi32, #tpu.memory_space<vmem>>
      %dma_start3A_87 = arith.constant 0 : i32
      %dma_start3A_88 = arith.constant 0 : i32
      %dma_start3A_89 = tpu.memref_slice %arg3[%dma_start3A_87, %dma_start3A_88] : memref<10000x128xf32, #tpu.memory_space<hbm>> -> memref<10000x128xf32, #tpu.memory_space<hbm>>
      tpu.enqueue_indirect_dma source(%dma_start3A_89 : memref<10000x128xf32, #tpu.memory_space<hbm>>) target(%arg11 : memref<64x128xf32, #tpu.memory_space<vmem>>) offsets(%dma_start3A_86 : memref<64xi32, #tpu.memory_space<vmem>>) semaphore(%arg16 : memref<!tpu.dma_semaphore, #tpu.memory_space<semaphore_mem>>)
      %dma_start3A_90 = arith.constant 2 : i32
      %dma_start3A_91 = arith.constant 0 : i32
      %dma_start3A_92 = tpu.memref_slice %arg8[%dma_start3A_90, %dma_start3A_91] : memref<40x64xi32, #tpu.memory_space<vmem>> -> memref<1x64xi32, #tpu.memory_space<vmem>>
      %dma_start3A_93 = tpu.memref_squeeze %dma_start3A_92 : memref<1x64xi32, #tpu.memory_space<vmem>> -> memref<64xi32, #tpu.memory_space<vmem>>
      %dma_start3A_94 = arith.constant 0 : i32
      %dma_start3A_95 = arith.constant 0 : i32
      %dma_start3A_96 = tpu.memref_slice %arg3[%dma_start3A_94, %dma_start3A_95] : memref<10000x128xf32, #tpu.memory_space<hbm>> -> memref<10000x128xf32, #tpu.memory_space<hbm>>
      tpu.enqueue_indirect_dma source(%dma_start3A_96 : memref<10000x128xf32, #tpu.memory_space<hbm>>) target(%arg12 : memref<64x128xf32, #tpu.memory_space<vmem>>) offsets(%dma_start3A_93 : memref<64xi32, #tpu.memory_space<vmem>>) semaphore(%arg17 : memref<!tpu.dma_semaphore, #tpu.memory_space<semaphore_mem>>)
      %scan3A_97 = arith.constant 0 : i32
      %scan3A_98 = arith.constant 0 : i32
      %scan3A_99 = arith.constant 10 : i32
      %scan3A_100 = arith.addi %scan3A_98, %scan3A_99 : i32
      %scan3A_101 = arith.constant 1 : i32
      scf.for %scan3A_134 = %scan3A_98 to %scan3A_100 step %scan3A_101  : i32 {
        %mul3A_135 = arith.constant 4 : i32
        %mul3A_136 = arith.muli %mul3A_135, %scan3A_134 : i32
        %add3A_137 = arith.constant 0 : i32
        %add3A_138 = arith.addi %mul3A_136, %add3A_137 : i32
        %add3A_139 = arith.constant 3 : i32
        %add3A_140 = arith.addi %add3A_138, %add3A_139 : i32
        %lt3A = arith.constant 40 : i32
        %lt3A_141 = arith.cmpi slt, %add3A_140, %lt3A : i32
        %convert_element_type3A_142 = arith.extui %lt3A_141 : i1 to i32
        %cond3A_143 = arith.constant 0 : i32
        %cond3A_144 = arith.cmpi ne, %convert_element_type3A_142, %cond3A_143 : i32
        scf.if %cond3A_144 {
          %dma_start3A_205 = arith.constant 0 : i32
          %dma_start3A_206 = tpu.memref_slice %arg8[%add3A_140, %dma_start3A_205] : memref<40x64xi32, #tpu.memory_space<vmem>> -> memref<1x64xi32, #tpu.memory_space<vmem>>
          %dma_start3A_207 = tpu.memref_squeeze %dma_start3A_206 : memref<1x64xi32, #tpu.memory_space<vmem>> -> memref<64xi32, #tpu.memory_space<vmem>>
          %dma_start3A_208 = arith.constant 0 : i32
          %dma_start3A_209 = arith.constant 0 : i32
          %dma_start3A_210 = tpu.memref_slice %arg3[%dma_start3A_208, %dma_start3A_209] : memref<10000x128xf32, #tpu.memory_space<hbm>> -> memref<10000x128xf32, #tpu.memory_space<hbm>>
          tpu.enqueue_indirect_dma source(%dma_start3A_210 : memref<10000x128xf32, #tpu.memory_space<hbm>>) target(%arg13 : memref<64x128xf32, #tpu.memory_space<vmem>>) offsets(%dma_start3A_207 : memref<64xi32, #tpu.memory_space<vmem>>) semaphore(%arg18 : memref<!tpu.dma_semaphore, #tpu.memory_space<semaphore_mem>>)
        } else {
        }
        %dma_wait3A = arith.constant 0 : i32
        %dma_wait3A_145 = arith.constant 0 : i32
        %dma_wait3A_146 = tpu.memref_slice %arg8[%dma_wait3A, %dma_wait3A_145] : memref<40x64xi32, #tpu.memory_space<vmem>> -> memref<1x64xi32, #tpu.memory_space<vmem>>
        %dma_wait3A_147 = tpu.memref_squeeze %dma_wait3A_146 : memref<1x64xi32, #tpu.memory_space<vmem>> -> memref<64xi32, #tpu.memory_space<vmem>>
        %dma_wait3A_148 = arith.constant 0 : i32
        %dma_wait3A_149 = arith.constant 0 : i32
        %dma_wait3A_150 = tpu.memref_slice %arg3[%dma_wait3A_148, %dma_wait3A_149] : memref<10000x128xf32, #tpu.memory_space<hbm>> -> memref<10000x128xf32, #tpu.memory_space<hbm>>
        tpu.wait_indirect_dma semaphore(%arg15 : memref<!tpu.dma_semaphore, #tpu.memory_space<semaphore_mem>>) src(%dma_wait3A_150 : memref<10000x128xf32, #tpu.memory_space<hbm>>) dst(%arg10 : memref<64x128xf32, #tpu.memory_space<vmem>>)
        "tpu.region"() ({
          %run_scoped3A = tpu.sem_alloc : memref<!tpu.dma_semaphore, #tpu.memory_space<semaphore_mem>>
          %dma_start3A_205 = arith.constant 0 : i32
          %dma_start3A_206 = tpu.memref_slice %arg9[%add3A_138, %dma_start3A_205] : memref<40x64xi32, #tpu.memory_space<vmem>> -> memref<1x64xi32, #tpu.memory_space<vmem>>
          %dma_start3A_207 = tpu.memref_squeeze %dma_start3A_206 : memref<1x64xi32, #tpu.memory_space<vmem>> -> memref<64xi32, #tpu.memory_space<vmem>>
          %dma_start3A_208 = arith.constant 0 : i32
          %dma_start3A_209 = arith.constant 0 : i32
          %dma_start3A_210 = tpu.memref_slice %arg14[%dma_start3A_208, %dma_start3A_209] : memref<10240x128xf32, #tpu.memory_space<vmem_shared>> -> memref<10240x128xf32, #tpu.memory_space<vmem_shared>>
          tpu.enqueue_indirect_dma source(%arg10 : memref<64x128xf32, #tpu.memory_space<vmem>>) target(%dma_start3A_210 : memref<10240x128xf32, #tpu.memory_space<vmem_shared>>) offsets(%dma_start3A_207 : memref<64xi32, #tpu.memory_space<vmem>>) semaphore(%run_scoped3A : memref<!tpu.dma_semaphore, #tpu.memory_space<semaphore_mem>>) {add = true}
          %dma_wait3A_211 = arith.constant 0 : i32
          %dma_wait3A_212 = tpu.memref_slice %arg9[%add3A_138, %dma_wait3A_211] : memref<40x64xi32, #tpu.memory_space<vmem>> -> memref<1x64xi32, #tpu.memory_space<vmem>>
          %dma_wait3A_213 = tpu.memref_squeeze %dma_wait3A_212 : memref<1x64xi32, #tpu.memory_space<vmem>> -> memref<64xi32, #tpu.memory_space<vmem>>
          %dma_wait3A_214 = arith.constant 0 : i32
          %dma_wait3A_215 = arith.constant 0 : i32
          %dma_wait3A_216 = tpu.memref_slice %arg14[%dma_wait3A_214, %dma_wait3A_215] : memref<10240x128xf32, #tpu.memory_space<vmem_shared>> -> memref<10240x128xf32, #tpu.memory_space<vmem_shared>>
          tpu.wait_indirect_dma semaphore(%run_scoped3A : memref<!tpu.dma_semaphore, #tpu.memory_space<semaphore_mem>>) src(%arg10 : memref<64x128xf32, #tpu.memory_space<vmem>>) dst(%dma_wait3A_216 : memref<10240x128xf32, #tpu.memory_space<vmem_shared>>)
          tpu.yield
        }) : () -> ()
        %mul3A_151 = arith.constant 4 : i32
        %mul3A_152 = arith.muli %mul3A_151, %scan3A_134 : i32
        %add3A_153 = arith.constant 1 : i32
        %add3A_154 = arith.addi %mul3A_152, %add3A_153 : i32
        %add3A_155 = arith.constant 3 : i32
        %add3A_156 = arith.addi %add3A_154, %add3A_155 : i32
        %lt3A_157 = arith.constant 40 : i32
        %lt3A_158 = arith.cmpi slt, %add3A_156, %lt3A_157 : i32
        %convert_element_type3A_159 = arith.extui %lt3A_158 : i1 to i32
        %cond3A_160 = arith.constant 0 : i32
        %cond3A_161 = arith.cmpi ne, %convert_element_type3A_159, %cond3A_160 : i32
        scf.if %cond3A_161 {
          %dma_start3A_205 = arith.constant 0 : i32
          %dma_start3A_206 = tpu.memref_slice %arg8[%add3A_156, %dma_start3A_205] : memref<40x64xi32, #tpu.memory_space<vmem>> -> memref<1x64xi32, #tpu.memory_space<vmem>>
          %dma_start3A_207 = tpu.memref_squeeze %dma_start3A_206 : memref<1x64xi32, #tpu.memory_space<vmem>> -> memref<64xi32, #tpu.memory_space<vmem>>
          %dma_start3A_208 = arith.constant 0 : i32
          %dma_start3A_209 = arith.constant 0 : i32
          %dma_start3A_210 = tpu.memref_slice %arg3[%dma_start3A_208, %dma_start3A_209] : memref<10000x128xf32, #tpu.memory_space<hbm>> -> memref<10000x128xf32, #tpu.memory_space<hbm>>
          tpu.enqueue_indirect_dma source(%dma_start3A_210 : memref<10000x128xf32, #tpu.memory_space<hbm>>) target(%arg10 : memref<64x128xf32, #tpu.memory_space<vmem>>) offsets(%dma_start3A_207 : memref<64xi32, #tpu.memory_space<vmem>>) semaphore(%arg15 : memref<!tpu.dma_semaphore, #tpu.memory_space<semaphore_mem>>)
        } else {
        }
        %dma_wait3A_162 = arith.constant 0 : i32
        %dma_wait3A_163 = arith.constant 0 : i32
        %dma_wait3A_164 = tpu.memref_slice %arg8[%dma_wait3A_162, %dma_wait3A_163] : memref<40x64xi32, #tpu.memory_space<vmem>> -> memref<1x64xi32, #tpu.memory_space<vmem>>
        %dma_wait3A_165 = tpu.memref_squeeze %dma_wait3A_164 : memref<1x64xi32, #tpu.memory_space<vmem>> -> memref<64xi32, #tpu.memory_space<vmem>>
        %dma_wait3A_166 = arith.constant 0 : i32
        %dma_wait3A_167 = arith.constant 0 : i32
        %dma_wait3A_168 = tpu.memref_slice %arg3[%dma_wait3A_166, %dma_wait3A_167] : memref<10000x128xf32, #tpu.memory_space<hbm>> -> memref<10000x128xf32, #tpu.memory_space<hbm>>
        tpu.wait_indirect_dma semaphore(%arg16 : memref<!tpu.dma_semaphore, #tpu.memory_space<semaphore_mem>>) src(%dma_wait3A_168 : memref<10000x128xf32, #tpu.memory_space<hbm>>) dst(%arg11 : memref<64x128xf32, #tpu.memory_space<vmem>>)
        "tpu.region"() ({
          %run_scoped3A = tpu.sem_alloc : memref<!tpu.dma_semaphore, #tpu.memory_space<semaphore_mem>>
          %dma_start3A_205 = arith.constant 0 : i32
          %dma_start3A_206 = tpu.memref_slice %arg9[%add3A_154, %dma_start3A_205] : memref<40x64xi32, #tpu.memory_space<vmem>> -> memref<1x64xi32, #tpu.memory_space<vmem>>
          %dma_start3A_207 = tpu.memref_squeeze %dma_start3A_206 : memref<1x64xi32, #tpu.memory_space<vmem>> -> memref<64xi32, #tpu.memory_space<vmem>>
          %dma_start3A_208 = arith.constant 0 : i32
          %dma_start3A_209 = arith.constant 0 : i32
          %dma_start3A_210 = tpu.memref_slice %arg14[%dma_start3A_208, %dma_start3A_209] : memref<10240x128xf32, #tpu.memory_space<vmem_shared>> -> memref<10240x128xf32, #tpu.memory_space<vmem_shared>>
          tpu.enqueue_indirect_dma source(%arg11 : memref<64x128xf32, #tpu.memory_space<vmem>>) target(%dma_start3A_210 : memref<10240x128xf32, #tpu.memory_space<vmem_shared>>) offsets(%dma_start3A_207 : memref<64xi32, #tpu.memory_space<vmem>>) semaphore(%run_scoped3A : memref<!tpu.dma_semaphore, #tpu.memory_space<semaphore_mem>>) {add = true}
          %dma_wait3A_211 = arith.constant 0 : i32
          %dma_wait3A_212 = tpu.memref_slice %arg9[%add3A_154, %dma_wait3A_211] : memref<40x64xi32, #tpu.memory_space<vmem>> -> memref<1x64xi32, #tpu.memory_space<vmem>>
          %dma_wait3A_213 = tpu.memref_squeeze %dma_wait3A_212 : memref<1x64xi32, #tpu.memory_space<vmem>> -> memref<64xi32, #tpu.memory_space<vmem>>
          %dma_wait3A_214 = arith.constant 0 : i32
          %dma_wait3A_215 = arith.constant 0 : i32
          %dma_wait3A_216 = tpu.memref_slice %arg14[%dma_wait3A_214, %dma_wait3A_215] : memref<10240x128xf32, #tpu.memory_space<vmem_shared>> -> memref<10240x128xf32, #tpu.memory_space<vmem_shared>>
          tpu.wait_indirect_dma semaphore(%run_scoped3A : memref<!tpu.dma_semaphore, #tpu.memory_space<semaphore_mem>>) src(%arg11 : memref<64x128xf32, #tpu.memory_space<vmem>>) dst(%dma_wait3A_216 : memref<10240x128xf32, #tpu.memory_space<vmem_shared>>)
          tpu.yield
        }) : () -> ()
        %mul3A_169 = arith.constant 4 : i32
        %mul3A_170 = arith.muli %mul3A_169, %scan3A_134 : i32
        %add3A_171 = arith.constant 2 : i32
        %add3A_172 = arith.addi %mul3A_170, %add3A_171 : i32
        %add3A_173 = arith.constant 3 : i32
        %add3A_174 = arith.addi %add3A_172, %add3A_173 : i32
        %lt3A_175 = arith.constant 40 : i32
        %lt3A_176 = arith.cmpi slt, %add3A_174, %lt3A_175 : i32
        %convert_element_type3A_177 = arith.extui %lt3A_176 : i1 to i32
        %cond3A_178 = arith.constant 0 : i32
        %cond3A_179 = arith.cmpi ne, %convert_element_type3A_177, %cond3A_178 : i32
        scf.if %cond3A_179 {
          %dma_start3A_205 = arith.constant 0 : i32
          %dma_start3A_206 = tpu.memref_slice %arg8[%add3A_174, %dma_start3A_205] : memref<40x64xi32, #tpu.memory_space<vmem>> -> memref<1x64xi32, #tpu.memory_space<vmem>>
          %dma_start3A_207 = tpu.memref_squeeze %dma_start3A_206 : memref<1x64xi32, #tpu.memory_space<vmem>> -> memref<64xi32, #tpu.memory_space<vmem>>
          %dma_start3A_208 = arith.constant 0 : i32
          %dma_start3A_209 = arith.constant 0 : i32
          %dma_start3A_210 = tpu.memref_slice %arg3[%dma_start3A_208, %dma_start3A_209] : memref<10000x128xf32, #tpu.memory_space<hbm>> -> memref<10000x128xf32, #tpu.memory_space<hbm>>
          tpu.enqueue_indirect_dma source(%dma_start3A_210 : memref<10000x128xf32, #tpu.memory_space<hbm>>) target(%arg11 : memref<64x128xf32, #tpu.memory_space<vmem>>) offsets(%dma_start3A_207 : memref<64xi32, #tpu.memory_space<vmem>>) semaphore(%arg16 : memref<!tpu.dma_semaphore, #tpu.memory_space<semaphore_mem>>)
        } else {
        }
        %dma_wait3A_180 = arith.constant 0 : i32
        %dma_wait3A_181 = arith.constant 0 : i32
        %dma_wait3A_182 = tpu.memref_slice %arg8[%dma_wait3A_180, %dma_wait3A_181] : memref<40x64xi32, #tpu.memory_space<vmem>> -> memref<1x64xi32, #tpu.memory_space<vmem>>
        %dma_wait3A_183 = tpu.memref_squeeze %dma_wait3A_182 : memref<1x64xi32, #tpu.memory_space<vmem>> -> memref<64xi32, #tpu.memory_space<vmem>>
        %dma_wait3A_184 = arith.constant 0 : i32
        %dma_wait3A_185 = arith.constant 0 : i32
        %dma_wait3A_186 = tpu.memref_slice %arg3[%dma_wait3A_184, %dma_wait3A_185] : memref<10000x128xf32, #tpu.memory_space<hbm>> -> memref<10000x128xf32, #tpu.memory_space<hbm>>
        tpu.wait_indirect_dma semaphore(%arg17 : memref<!tpu.dma_semaphore, #tpu.memory_space<semaphore_mem>>) src(%dma_wait3A_186 : memref<10000x128xf32, #tpu.memory_space<hbm>>) dst(%arg12 : memref<64x128xf32, #tpu.memory_space<vmem>>)
        "tpu.region"() ({
          %run_scoped3A = tpu.sem_alloc : memref<!tpu.dma_semaphore, #tpu.memory_space<semaphore_mem>>
          %dma_start3A_205 = arith.constant 0 : i32
          %dma_start3A_206 = tpu.memref_slice %arg9[%add3A_172, %dma_start3A_205] : memref<40x64xi32, #tpu.memory_space<vmem>> -> memref<1x64xi32, #tpu.memory_space<vmem>>
          %dma_start3A_207 = tpu.memref_squeeze %dma_start3A_206 : memref<1x64xi32, #tpu.memory_space<vmem>> -> memref<64xi32, #tpu.memory_space<vmem>>
          %dma_start3A_208 = arith.constant 0 : i32
          %dma_start3A_209 = arith.constant 0 : i32
          %dma_start3A_210 = tpu.memref_slice %arg14[%dma_start3A_208, %dma_start3A_209] : memref<10240x128xf32, #tpu.memory_space<vmem_shared>> -> memref<10240x128xf32, #tpu.memory_space<vmem_shared>>
          tpu.enqueue_indirect_dma source(%arg12 : memref<64x128xf32, #tpu.memory_space<vmem>>) target(%dma_start3A_210 : memref<10240x128xf32, #tpu.memory_space<vmem_shared>>) offsets(%dma_start3A_207 : memref<64xi32, #tpu.memory_space<vmem>>) semaphore(%run_scoped3A : memref<!tpu.dma_semaphore, #tpu.memory_space<semaphore_mem>>) {add = true}
          %dma_wait3A_211 = arith.constant 0 : i32
          %dma_wait3A_212 = tpu.memref_slice %arg9[%add3A_172, %dma_wait3A_211] : memref<40x64xi32, #tpu.memory_space<vmem>> -> memref<1x64xi32, #tpu.memory_space<vmem>>
          %dma_wait3A_213 = tpu.memref_squeeze %dma_wait3A_212 : memref<1x64xi32, #tpu.memory_space<vmem>> -> memref<64xi32, #tpu.memory_space<vmem>>
          %dma_wait3A_214 = arith.constant 0 : i32
          %dma_wait3A_215 = arith.constant 0 : i32
          %dma_wait3A_216 = tpu.memref_slice %arg14[%dma_wait3A_214, %dma_wait3A_215] : memref<10240x128xf32, #tpu.memory_space<vmem_shared>> -> memref<10240x128xf32, #tpu.memory_space<vmem_shared>>
          tpu.wait_indirect_dma semaphore(%run_scoped3A : memref<!tpu.dma_semaphore, #tpu.memory_space<semaphore_mem>>) src(%arg12 : memref<64x128xf32, #tpu.memory_space<vmem>>) dst(%dma_wait3A_216 : memref<10240x128xf32, #tpu.memory_space<vmem_shared>>)
          tpu.yield
        }) : () -> ()
        %mul3A_187 = arith.constant 4 : i32
        %mul3A_188 = arith.muli %mul3A_187, %scan3A_134 : i32
        %add3A_189 = arith.constant 3 : i32
        %add3A_190 = arith.addi %mul3A_188, %add3A_189 : i32
        %add3A_191 = arith.constant 3 : i32
        %add3A_192 = arith.addi %add3A_190, %add3A_191 : i32
        %lt3A_193 = arith.constant 40 : i32
        %lt3A_194 = arith.cmpi slt, %add3A_192, %lt3A_193 : i32
        %convert_element_type3A_195 = arith.extui %lt3A_194 : i1 to i32
        %cond3A_196 = arith.constant 0 : i32
        %cond3A_197 = arith.cmpi ne, %convert_element_type3A_195, %cond3A_196 : i32
        scf.if %cond3A_197 {
          %dma_start3A_205 = arith.constant 0 : i32
          %dma_start3A_206 = tpu.memref_slice %arg8[%add3A_192, %dma_start3A_205] : memref<40x64xi32, #tpu.memory_space<vmem>> -> memref<1x64xi32, #tpu.memory_space<vmem>>
          %dma_start3A_207 = tpu.memref_squeeze %dma_start3A_206 : memref<1x64xi32, #tpu.memory_space<vmem>> -> memref<64xi32, #tpu.memory_space<vmem>>
          %dma_start3A_208 = arith.constant 0 : i32
          %dma_start3A_209 = arith.constant 0 : i32
          %dma_start3A_210 = tpu.memref_slice %arg3[%dma_start3A_208, %dma_start3A_209] : memref<10000x128xf32, #tpu.memory_space<hbm>> -> memref<10000x128xf32, #tpu.memory_space<hbm>>
          tpu.enqueue_indirect_dma source(%dma_start3A_210 : memref<10000x128xf32, #tpu.memory_space<hbm>>) target(%arg12 : memref<64x128xf32, #tpu.memory_space<vmem>>) offsets(%dma_start3A_207 : memref<64xi32, #tpu.memory_space<vmem>>) semaphore(%arg17 : memref<!tpu.dma_semaphore, #tpu.memory_space<semaphore_mem>>)
        } else {
        }
        %dma_wait3A_198 = arith.constant 0 : i32
        %dma_wait3A_199 = arith.constant 0 : i32
        %dma_wait3A_200 = tpu.memref_slice %arg8[%dma_wait3A_198, %dma_wait3A_199] : memref<40x64xi32, #tpu.memory_space<vmem>> -> memref<1x64xi32, #tpu.memory_space<vmem>>
        %dma_wait3A_201 = tpu.memref_squeeze %dma_wait3A_200 : memref<1x64xi32, #tpu.memory_space<vmem>> -> memref<64xi32, #tpu.memory_space<vmem>>
        %dma_wait3A_202 = arith.constant 0 : i32
        %dma_wait3A_203 = arith.constant 0 : i32
        %dma_wait3A_204 = tpu.memref_slice %arg3[%dma_wait3A_202, %dma_wait3A_203] : memref<10000x128xf32, #tpu.memory_space<hbm>> -> memref<10000x128xf32, #tpu.memory_space<hbm>>
        tpu.wait_indirect_dma semaphore(%arg18 : memref<!tpu.dma_semaphore, #tpu.memory_space<semaphore_mem>>) src(%dma_wait3A_204 : memref<10000x128xf32, #tpu.memory_space<hbm>>) dst(%arg13 : memref<64x128xf32, #tpu.memory_space<vmem>>)
        "tpu.region"() ({
          %run_scoped3A = tpu.sem_alloc : memref<!tpu.dma_semaphore, #tpu.memory_space<semaphore_mem>>
          %dma_start3A_205 = arith.constant 0 : i32
          %dma_start3A_206 = tpu.memref_slice %arg9[%add3A_190, %dma_start3A_205] : memref<40x64xi32, #tpu.memory_space<vmem>> -> memref<1x64xi32, #tpu.memory_space<vmem>>
          %dma_start3A_207 = tpu.memref_squeeze %dma_start3A_206 : memref<1x64xi32, #tpu.memory_space<vmem>> -> memref<64xi32, #tpu.memory_space<vmem>>
          %dma_start3A_208 = arith.constant 0 : i32
          %dma_start3A_209 = arith.constant 0 : i32
          %dma_start3A_210 = tpu.memref_slice %arg14[%dma_start3A_208, %dma_start3A_209] : memref<10240x128xf32, #tpu.memory_space<vmem_shared>> -> memref<10240x128xf32, #tpu.memory_space<vmem_shared>>
          tpu.enqueue_indirect_dma source(%arg13 : memref<64x128xf32, #tpu.memory_space<vmem>>) target(%dma_start3A_210 : memref<10240x128xf32, #tpu.memory_space<vmem_shared>>) offsets(%dma_start3A_207 : memref<64xi32, #tpu.memory_space<vmem>>) semaphore(%run_scoped3A : memref<!tpu.dma_semaphore, #tpu.memory_space<semaphore_mem>>) {add = true}
          %dma_wait3A_211 = arith.constant 0 : i32
          %dma_wait3A_212 = tpu.memref_slice %arg9[%add3A_190, %dma_wait3A_211] : memref<40x64xi32, #tpu.memory_space<vmem>> -> memref<1x64xi32, #tpu.memory_space<vmem>>
          %dma_wait3A_213 = tpu.memref_squeeze %dma_wait3A_212 : memref<1x64xi32, #tpu.memory_space<vmem>> -> memref<64xi32, #tpu.memory_space<vmem>>
          %dma_wait3A_214 = arith.constant 0 : i32
          %dma_wait3A_215 = arith.constant 0 : i32
          %dma_wait3A_216 = tpu.memref_slice %arg14[%dma_wait3A_214, %dma_wait3A_215] : memref<10240x128xf32, #tpu.memory_space<vmem_shared>> -> memref<10240x128xf32, #tpu.memory_space<vmem_shared>>
          tpu.wait_indirect_dma semaphore(%run_scoped3A : memref<!tpu.dma_semaphore, #tpu.memory_space<semaphore_mem>>) src(%arg13 : memref<64x128xf32, #tpu.memory_space<vmem>>) dst(%dma_wait3A_216 : memref<10240x128xf32, #tpu.memory_space<vmem_shared>>)
          tpu.yield
        }) : () -> ()
      }
      %scan3A_102 = arith.constant 10 : i32
      %mul3A_103 = arith.constant 160 : i32
      %mul3A_104 = arith.muli %arg1, %mul3A_103 : i32
      %add3A_105 = arith.constant 120 : i32
      %add3A_106 = arith.addi %mul3A_104, %add3A_105 : i32
      "tpu.region"() ({
        %run_scoped3A = tpu.sem_alloc : memref<!tpu.dma_semaphore, #tpu.memory_space<semaphore_mem>>
        %dma_start3A_134 = arith.constant 0 : i32
        %dma_start3A_135 = tpu.memref_slice %arg4[%add3A_106, %dma_start3A_134] : memref<2560x64xi32, #tpu.memory_space<hbm>> -> memref<40x64xi32, #tpu.memory_space<hbm>>
        %dma_start3A_136 = arith.constant 0 : i32
        %dma_start3A_137 = tpu.memref_slice %arg4[%add3A_106, %dma_start3A_136] : memref<2560x64xi32, #tpu.memory_space<hbm>> -> memref<40x64xi32, #tpu.memory_space<hbm>>
        tpu.enqueue_dma source(%dma_start3A_137 : memref<40x64xi32, #tpu.memory_space<hbm>>) target(%arg8 : memref<40x64xi32, #tpu.memory_space<vmem>>) target_semaphore(%run_scoped3A : memref<!tpu.dma_semaphore, #tpu.memory_space<semaphore_mem>>)
        %dma_wait3A = arith.constant 0 : i32
        %dma_wait3A_138 = tpu.memref_slice %arg4[%add3A_106, %dma_wait3A] : memref<2560x64xi32, #tpu.memory_space<hbm>> -> memref<40x64xi32, #tpu.memory_space<hbm>>
        %dma_wait3A_139 = arith.constant 0 : i32
        %dma_wait3A_140 = tpu.memref_slice %arg4[%add3A_106, %dma_wait3A_139] : memref<2560x64xi32, #tpu.memory_space<hbm>> -> memref<40x64xi32, #tpu.memory_space<hbm>>
        tpu.wait_dma2 semaphore(%run_scoped3A : memref<!tpu.dma_semaphore, #tpu.memory_space<semaphore_mem>>) src(%dma_wait3A_140 : memref<40x64xi32, #tpu.memory_space<hbm>>) dst(%arg8 : memref<40x64xi32, #tpu.memory_space<vmem>>)
        tpu.yield
      }) : () -> ()
      "tpu.region"() ({
        %run_scoped3A = tpu.sem_alloc : memref<!tpu.dma_semaphore, #tpu.memory_space<semaphore_mem>>
        %dma_start3A_134 = arith.constant 0 : i32
        %dma_start3A_135 = tpu.memref_slice %arg5[%add3A_106, %dma_start3A_134] : memref<2560x64xi32, #tpu.memory_space<hbm>> -> memref<40x64xi32, #tpu.memory_space<hbm>>
        %dma_start3A_136 = arith.constant 0 : i32
        %dma_start3A_137 = tpu.memref_slice %arg5[%add3A_106, %dma_start3A_136] : memref<2560x64xi32, #tpu.memory_space<hbm>> -> memref<40x64xi32, #tpu.memory_space<hbm>>
        tpu.enqueue_dma source(%dma_start3A_137 : memref<40x64xi32, #tpu.memory_space<hbm>>) target(%arg9 : memref<40x64xi32, #tpu.memory_space<vmem>>) target_semaphore(%run_scoped3A : memref<!tpu.dma_semaphore, #tpu.memory_space<semaphore_mem>>)
        %dma_wait3A = arith.constant 0 : i32
        %dma_wait3A_138 = tpu.memref_slice %arg5[%add3A_106, %dma_wait3A] : memref<2560x64xi32, #tpu.memory_space<hbm>> -> memref<40x64xi32, #tpu.memory_space<hbm>>
        %dma_wait3A_139 = arith.constant 0 : i32
        %dma_wait3A_140 = tpu.memref_slice %arg5[%add3A_106, %dma_wait3A_139] : memref<2560x64xi32, #tpu.memory_space<hbm>> -> memref<40x64xi32, #tpu.memory_space<hbm>>
        tpu.wait_dma2 semaphore(%run_scoped3A : memref<!tpu.dma_semaphore, #tpu.memory_space<semaphore_mem>>) src(%dma_wait3A_140 : memref<40x64xi32, #tpu.memory_space<hbm>>) dst(%arg9 : memref<40x64xi32, #tpu.memory_space<vmem>>)
        tpu.yield
      }) : () -> ()
      %dma_start3A_107 = arith.constant 0 : i32
      %dma_start3A_108 = arith.constant 0 : i32
      %dma_start3A_109 = tpu.memref_slice %arg8[%dma_start3A_107, %dma_start3A_108] : memref<40x64xi32, #tpu.memory_space<vmem>> -> memref<1x64xi32, #tpu.memory_space<vmem>>
      %dma_start3A_110 = tpu.memref_squeeze %dma_start3A_109 : memref<1x64xi32, #tpu.memory_space<vmem>> -> memref<64xi32, #tpu.memory_space<vmem>>
      %dma_start3A_111 = arith.constant 0 : i32
      %dma_start3A_112 = arith.constant 0 : i32
      %dma_start3A_113 = tpu.memref_slice %arg3[%dma_start3A_111, %dma_start3A_112] : memref<10000x128xf32, #tpu.memory_space<hbm>> -> memref<10000x128xf32, #tpu.memory_space<hbm>>
      tpu.enqueue_indirect_dma source(%dma_start3A_113 : memref<10000x128xf32, #tpu.memory_space<hbm>>) target(%arg10 : memref<64x128xf32, #tpu.memory_space<vmem>>) offsets(%dma_start3A_110 : memref<64xi32, #tpu.memory_space<vmem>>) semaphore(%arg15 : memref<!tpu.dma_semaphore, #tpu.memory_space<semaphore_mem>>)
      %dma_start3A_114 = arith.constant 1 : i32
      %dma_start3A_115 = arith.constant 0 : i32
      %dma_start3A_116 = tpu.memref_slice %arg8[%dma_start3A_114, %dma_start3A_115] : memref<40x64xi32, #tpu.memory_space<vmem>> -> memref<1x64xi32, #tpu.memory_space<vmem>>
      %dma_start3A_117 = tpu.memref_squeeze %dma_start3A_116 : memref<1x64xi32, #tpu.memory_space<vmem>> -> memref<64xi32, #tpu.memory_space<vmem>>
      %dma_start3A_118 = arith.constant 0 : i32
      %dma_start3A_119 = arith.constant 0 : i32
      %dma_start3A_120 = tpu.memref_slice %arg3[%dma_start3A_118, %dma_start3A_119] : memref<10000x128xf32, #tpu.memory_space<hbm>> -> memref<10000x128xf32, #tpu.memory_space<hbm>>
      tpu.enqueue_indirect_dma source(%dma_start3A_120 : memref<10000x128xf32, #tpu.memory_space<hbm>>) target(%arg11 : memref<64x128xf32, #tpu.memory_space<vmem>>) offsets(%dma_start3A_117 : memref<64xi32, #tpu.memory_space<vmem>>) semaphore(%arg16 : memref<!tpu.dma_semaphore, #tpu.memory_space<semaphore_mem>>)
      %dma_start3A_121 = arith.constant 2 : i32
      %dma_start3A_122 = arith.constant 0 : i32
      %dma_start3A_123 = tpu.memref_slice %arg8[%dma_start3A_121, %dma_start3A_122] : memref<40x64xi32, #tpu.memory_space<vmem>> -> memref<1x64xi32, #tpu.memory_space<vmem>>
      %dma_start3A_124 = tpu.memref_squeeze %dma_start3A_123 : memref<1x64xi32, #tpu.memory_space<vmem>> -> memref<64xi32, #tpu.memory_space<vmem>>
      %dma_start3A_125 = arith.constant 0 : i32
      %dma_start3A_126 = arith.constant 0 : i32
      %dma_start3A_127 = tpu.memref_slice %arg3[%dma_start3A_125, %dma_start3A_126] : memref<10000x128xf32, #tpu.memory_space<hbm>> -> memref<10000x128xf32, #tpu.memory_space<hbm>>
      tpu.enqueue_indirect_dma source(%dma_start3A_127 : memref<10000x128xf32, #tpu.memory_space<hbm>>) target(%arg12 : memref<64x128xf32, #tpu.memory_space<vmem>>) offsets(%dma_start3A_124 : memref<64xi32, #tpu.memory_space<vmem>>) semaphore(%arg17 : memref<!tpu.dma_semaphore, #tpu.memory_space<semaphore_mem>>)
      %scan3A_128 = arith.constant 0 : i32
      %scan3A_129 = arith.constant 0 : i32
      %scan3A_130 = arith.constant 10 : i32
      %scan3A_131 = arith.addi %scan3A_129, %scan3A_130 : i32
      %scan3A_132 = arith.constant 1 : i32
      scf.for %scan3A_134 = %scan3A_129 to %scan3A_131 step %scan3A_132  : i32 {
        %mul3A_135 = arith.constant 4 : i32
        %mul3A_136 = arith.muli %mul3A_135, %scan3A_134 : i32
        %add3A_137 = arith.constant 0 : i32
        %add3A_138 = arith.addi %mul3A_136, %add3A_137 : i32
        %add3A_139 = arith.constant 3 : i32
        %add3A_140 = arith.addi %add3A_138, %add3A_139 : i32
        %lt3A = arith.constant 40 : i32
        %lt3A_141 = arith.cmpi slt, %add3A_140, %lt3A : i32
        %convert_element_type3A_142 = arith.extui %lt3A_141 : i1 to i32
        %cond3A_143 = arith.constant 0 : i32
        %cond3A_144 = arith.cmpi ne, %convert_element_type3A_142, %cond3A_143 : i32
        scf.if %cond3A_144 {
          %dma_start3A_205 = arith.constant 0 : i32
          %dma_start3A_206 = tpu.memref_slice %arg8[%add3A_140, %dma_start3A_205] : memref<40x64xi32, #tpu.memory_space<vmem>> -> memref<1x64xi32, #tpu.memory_space<vmem>>
          %dma_start3A_207 = tpu.memref_squeeze %dma_start3A_206 : memref<1x64xi32, #tpu.memory_space<vmem>> -> memref<64xi32, #tpu.memory_space<vmem>>
          %dma_start3A_208 = arith.constant 0 : i32
          %dma_start3A_209 = arith.constant 0 : i32
          %dma_start3A_210 = tpu.memref_slice %arg3[%dma_start3A_208, %dma_start3A_209] : memref<10000x128xf32, #tpu.memory_space<hbm>> -> memref<10000x128xf32, #tpu.memory_space<hbm>>
          tpu.enqueue_indirect_dma source(%dma_start3A_210 : memref<10000x128xf32, #tpu.memory_space<hbm>>) target(%arg13 : memref<64x128xf32, #tpu.memory_space<vmem>>) offsets(%dma_start3A_207 : memref<64xi32, #tpu.memory_space<vmem>>) semaphore(%arg18 : memref<!tpu.dma_semaphore, #tpu.memory_space<semaphore_mem>>)
        } else {
        }
        %dma_wait3A = arith.constant 0 : i32
        %dma_wait3A_145 = arith.constant 0 : i32
        %dma_wait3A_146 = tpu.memref_slice %arg8[%dma_wait3A, %dma_wait3A_145] : memref<40x64xi32, #tpu.memory_space<vmem>> -> memref<1x64xi32, #tpu.memory_space<vmem>>
        %dma_wait3A_147 = tpu.memref_squeeze %dma_wait3A_146 : memref<1x64xi32, #tpu.memory_space<vmem>> -> memref<64xi32, #tpu.memory_space<vmem>>
        %dma_wait3A_148 = arith.constant 0 : i32
        %dma_wait3A_149 = arith.constant 0 : i32
        %dma_wait3A_150 = tpu.memref_slice %arg3[%dma_wait3A_148, %dma_wait3A_149] : memref<10000x128xf32, #tpu.memory_space<hbm>> -> memref<10000x128xf32, #tpu.memory_space<hbm>>
        tpu.wait_indirect_dma semaphore(%arg15 : memref<!tpu.dma_semaphore, #tpu.memory_space<semaphore_mem>>) src(%dma_wait3A_150 : memref<10000x128xf32, #tpu.memory_space<hbm>>) dst(%arg10 : memref<64x128xf32, #tpu.memory_space<vmem>>)
        "tpu.region"() ({
          %run_scoped3A = tpu.sem_alloc : memref<!tpu.dma_semaphore, #tpu.memory_space<semaphore_mem>>
          %dma_start3A_205 = arith.constant 0 : i32
          %dma_start3A_206 = tpu.memref_slice %arg9[%add3A_138, %dma_start3A_205] : memref<40x64xi32, #tpu.memory_space<vmem>> -> memref<1x64xi32, #tpu.memory_space<vmem>>
          %dma_start3A_207 = tpu.memref_squeeze %dma_start3A_206 : memref<1x64xi32, #tpu.memory_space<vmem>> -> memref<64xi32, #tpu.memory_space<vmem>>
          %dma_start3A_208 = arith.constant 0 : i32
          %dma_start3A_209 = arith.constant 0 : i32
          %dma_start3A_210 = tpu.memref_slice %arg14[%dma_start3A_208, %dma_start3A_209] : memref<10240x128xf32, #tpu.memory_space<vmem_shared>> -> memref<10240x128xf32, #tpu.memory_space<vmem_shared>>
          tpu.enqueue_indirect_dma source(%arg10 : memref<64x128xf32, #tpu.memory_space<vmem>>) target(%dma_start3A_210 : memref<10240x128xf32, #tpu.memory_space<vmem_shared>>) offsets(%dma_start3A_207 : memref<64xi32, #tpu.memory_space<vmem>>) semaphore(%run_scoped3A : memref<!tpu.dma_semaphore, #tpu.memory_space<semaphore_mem>>) {add = true}
          %dma_wait3A_211 = arith.constant 0 : i32
          %dma_wait3A_212 = tpu.memref_slice %arg9[%add3A_138, %dma_wait3A_211] : memref<40x64xi32, #tpu.memory_space<vmem>> -> memref<1x64xi32, #tpu.memory_space<vmem>>
          %dma_wait3A_213 = tpu.memref_squeeze %dma_wait3A_212 : memref<1x64xi32, #tpu.memory_space<vmem>> -> memref<64xi32, #tpu.memory_space<vmem>>
          %dma_wait3A_214 = arith.constant 0 : i32
          %dma_wait3A_215 = arith.constant 0 : i32
          %dma_wait3A_216 = tpu.memref_slice %arg14[%dma_wait3A_214, %dma_wait3A_215] : memref<10240x128xf32, #tpu.memory_space<vmem_shared>> -> memref<10240x128xf32, #tpu.memory_space<vmem_shared>>
          tpu.wait_indirect_dma semaphore(%run_scoped3A : memref<!tpu.dma_semaphore, #tpu.memory_space<semaphore_mem>>) src(%arg10 : memref<64x128xf32, #tpu.memory_space<vmem>>) dst(%dma_wait3A_216 : memref<10240x128xf32, #tpu.memory_space<vmem_shared>>)
          tpu.yield
        }) : () -> ()
        %mul3A_151 = arith.constant 4 : i32
        %mul3A_152 = arith.muli %mul3A_151, %scan3A_134 : i32
        %add3A_153 = arith.constant 1 : i32
        %add3A_154 = arith.addi %mul3A_152, %add3A_153 : i32
        %add3A_155 = arith.constant 3 : i32
        %add3A_156 = arith.addi %add3A_154, %add3A_155 : i32
        %lt3A_157 = arith.constant 40 : i32
        %lt3A_158 = arith.cmpi slt, %add3A_156, %lt3A_157 : i32
        %convert_element_type3A_159 = arith.extui %lt3A_158 : i1 to i32
        %cond3A_160 = arith.constant 0 : i32
        %cond3A_161 = arith.cmpi ne, %convert_element_type3A_159, %cond3A_160 : i32
        scf.if %cond3A_161 {
          %dma_start3A_205 = arith.constant 0 : i32
          %dma_start3A_206 = tpu.memref_slice %arg8[%add3A_156, %dma_start3A_205] : memref<40x64xi32, #tpu.memory_space<vmem>> -> memref<1x64xi32, #tpu.memory_space<vmem>>
          %dma_start3A_207 = tpu.memref_squeeze %dma_start3A_206 : memref<1x64xi32, #tpu.memory_space<vmem>> -> memref<64xi32, #tpu.memory_space<vmem>>
          %dma_start3A_208 = arith.constant 0 : i32
          %dma_start3A_209 = arith.constant 0 : i32
          %dma_start3A_210 = tpu.memref_slice %arg3[%dma_start3A_208, %dma_start3A_209] : memref<10000x128xf32, #tpu.memory_space<hbm>> -> memref<10000x128xf32, #tpu.memory_space<hbm>>
          tpu.enqueue_indirect_dma source(%dma_start3A_210 : memref<10000x128xf32, #tpu.memory_space<hbm>>) target(%arg10 : memref<64x128xf32, #tpu.memory_space<vmem>>) offsets(%dma_start3A_207 : memref<64xi32, #tpu.memory_space<vmem>>) semaphore(%arg15 : memref<!tpu.dma_semaphore, #tpu.memory_space<semaphore_mem>>)
        } else {
        }
        %dma_wait3A_162 = arith.constant 0 : i32
        %dma_wait3A_163 = arith.constant 0 : i32
        %dma_wait3A_164 = tpu.memref_slice %arg8[%dma_wait3A_162, %dma_wait3A_163] : memref<40x64xi32, #tpu.memory_space<vmem>> -> memref<1x64xi32, #tpu.memory_space<vmem>>
        %dma_wait3A_165 = tpu.memref_squeeze %dma_wait3A_164 : memref<1x64xi32, #tpu.memory_space<vmem>> -> memref<64xi32, #tpu.memory_space<vmem>>
        %dma_wait3A_166 = arith.constant 0 : i32
        %dma_wait3A_167 = arith.constant 0 : i32
        %dma_wait3A_168 = tpu.memref_slice %arg3[%dma_wait3A_166, %dma_wait3A_167] : memref<10000x128xf32, #tpu.memory_space<hbm>> -> memref<10000x128xf32, #tpu.memory_space<hbm>>
        tpu.wait_indirect_dma semaphore(%arg16 : memref<!tpu.dma_semaphore, #tpu.memory_space<semaphore_mem>>) src(%dma_wait3A_168 : memref<10000x128xf32, #tpu.memory_space<hbm>>) dst(%arg11 : memref<64x128xf32, #tpu.memory_space<vmem>>)
        "tpu.region"() ({
          %run_scoped3A = tpu.sem_alloc : memref<!tpu.dma_semaphore, #tpu.memory_space<semaphore_mem>>
          %dma_start3A_205 = arith.constant 0 : i32
          %dma_start3A_206 = tpu.memref_slice %arg9[%add3A_154, %dma_start3A_205] : memref<40x64xi32, #tpu.memory_space<vmem>> -> memref<1x64xi32, #tpu.memory_space<vmem>>
          %dma_start3A_207 = tpu.memref_squeeze %dma_start3A_206 : memref<1x64xi32, #tpu.memory_space<vmem>> -> memref<64xi32, #tpu.memory_space<vmem>>
          %dma_start3A_208 = arith.constant 0 : i32
          %dma_start3A_209 = arith.constant 0 : i32
          %dma_start3A_210 = tpu.memref_slice %arg14[%dma_start3A_208, %dma_start3A_209] : memref<10240x128xf32, #tpu.memory_space<vmem_shared>> -> memref<10240x128xf32, #tpu.memory_space<vmem_shared>>
          tpu.enqueue_indirect_dma source(%arg11 : memref<64x128xf32, #tpu.memory_space<vmem>>) target(%dma_start3A_210 : memref<10240x128xf32, #tpu.memory_space<vmem_shared>>) offsets(%dma_start3A_207 : memref<64xi32, #tpu.memory_space<vmem>>) semaphore(%run_scoped3A : memref<!tpu.dma_semaphore, #tpu.memory_space<semaphore_mem>>) {add = true}
          %dma_wait3A_211 = arith.constant 0 : i32
          %dma_wait3A_212 = tpu.memref_slice %arg9[%add3A_154, %dma_wait3A_211] : memref<40x64xi32, #tpu.memory_space<vmem>> -> memref<1x64xi32, #tpu.memory_space<vmem>>
          %dma_wait3A_213 = tpu.memref_squeeze %dma_wait3A_212 : memref<1x64xi32, #tpu.memory_space<vmem>> -> memref<64xi32, #tpu.memory_space<vmem>>
          %dma_wait3A_214 = arith.constant 0 : i32
          %dma_wait3A_215 = arith.constant 0 : i32
          %dma_wait3A_216 = tpu.memref_slice %arg14[%dma_wait3A_214, %dma_wait3A_215] : memref<10240x128xf32, #tpu.memory_space<vmem_shared>> -> memref<10240x128xf32, #tpu.memory_space<vmem_shared>>
          tpu.wait_indirect_dma semaphore(%run_scoped3A : memref<!tpu.dma_semaphore, #tpu.memory_space<semaphore_mem>>) src(%arg11 : memref<64x128xf32, #tpu.memory_space<vmem>>) dst(%dma_wait3A_216 : memref<10240x128xf32, #tpu.memory_space<vmem_shared>>)
          tpu.yield
        }) : () -> ()
        %mul3A_169 = arith.constant 4 : i32
        %mul3A_170 = arith.muli %mul3A_169, %scan3A_134 : i32
        %add3A_171 = arith.constant 2 : i32
        %add3A_172 = arith.addi %mul3A_170, %add3A_171 : i32
        %add3A_173 = arith.constant 3 : i32
        %add3A_174 = arith.addi %add3A_172, %add3A_173 : i32
        %lt3A_175 = arith.constant 40 : i32
        %lt3A_176 = arith.cmpi slt, %add3A_174, %lt3A_175 : i32
        %convert_element_type3A_177 = arith.extui %lt3A_176 : i1 to i32
        %cond3A_178 = arith.constant 0 : i32
        %cond3A_179 = arith.cmpi ne, %convert_element_type3A_177, %cond3A_178 : i32
        scf.if %cond3A_179 {
          %dma_start3A_205 = arith.constant 0 : i32
          %dma_start3A_206 = tpu.memref_slice %arg8[%add3A_174, %dma_start3A_205] : memref<40x64xi32, #tpu.memory_space<vmem>> -> memref<1x64xi32, #tpu.memory_space<vmem>>
          %dma_start3A_207 = tpu.memref_squeeze %dma_start3A_206 : memref<1x64xi32, #tpu.memory_space<vmem>> -> memref<64xi32, #tpu.memory_space<vmem>>
          %dma_start3A_208 = arith.constant 0 : i32
          %dma_start3A_209 = arith.constant 0 : i32
          %dma_start3A_210 = tpu.memref_slice %arg3[%dma_start3A_208, %dma_start3A_209] : memref<10000x128xf32, #tpu.memory_space<hbm>> -> memref<10000x128xf32, #tpu.memory_space<hbm>>
          tpu.enqueue_indirect_dma source(%dma_start3A_210 : memref<10000x128xf32, #tpu.memory_space<hbm>>) target(%arg11 : memref<64x128xf32, #tpu.memory_space<vmem>>) offsets(%dma_start3A_207 : memref<64xi32, #tpu.memory_space<vmem>>) semaphore(%arg16 : memref<!tpu.dma_semaphore, #tpu.memory_space<semaphore_mem>>)
        } else {
        }
        %dma_wait3A_180 = arith.constant 0 : i32
        %dma_wait3A_181 = arith.constant 0 : i32
        %dma_wait3A_182 = tpu.memref_slice %arg8[%dma_wait3A_180, %dma_wait3A_181] : memref<40x64xi32, #tpu.memory_space<vmem>> -> memref<1x64xi32, #tpu.memory_space<vmem>>
        %dma_wait3A_183 = tpu.memref_squeeze %dma_wait3A_182 : memref<1x64xi32, #tpu.memory_space<vmem>> -> memref<64xi32, #tpu.memory_space<vmem>>
        %dma_wait3A_184 = arith.constant 0 : i32
        %dma_wait3A_185 = arith.constant 0 : i32
        %dma_wait3A_186 = tpu.memref_slice %arg3[%dma_wait3A_184, %dma_wait3A_185] : memref<10000x128xf32, #tpu.memory_space<hbm>> -> memref<10000x128xf32, #tpu.memory_space<hbm>>
        tpu.wait_indirect_dma semaphore(%arg17 : memref<!tpu.dma_semaphore, #tpu.memory_space<semaphore_mem>>) src(%dma_wait3A_186 : memref<10000x128xf32, #tpu.memory_space<hbm>>) dst(%arg12 : memref<64x128xf32, #tpu.memory_space<vmem>>)
        "tpu.region"() ({
          %run_scoped3A = tpu.sem_alloc : memref<!tpu.dma_semaphore, #tpu.memory_space<semaphore_mem>>
          %dma_start3A_205 = arith.constant 0 : i32
          %dma_start3A_206 = tpu.memref_slice %arg9[%add3A_172, %dma_start3A_205] : memref<40x64xi32, #tpu.memory_space<vmem>> -> memref<1x64xi32, #tpu.memory_space<vmem>>
          %dma_start3A_207 = tpu.memref_squeeze %dma_start3A_206 : memref<1x64xi32, #tpu.memory_space<vmem>> -> memref<64xi32, #tpu.memory_space<vmem>>
          %dma_start3A_208 = arith.constant 0 : i32
          %dma_start3A_209 = arith.constant 0 : i32
          %dma_start3A_210 = tpu.memref_slice %arg14[%dma_start3A_208, %dma_start3A_209] : memref<10240x128xf32, #tpu.memory_space<vmem_shared>> -> memref<10240x128xf32, #tpu.memory_space<vmem_shared>>
          tpu.enqueue_indirect_dma source(%arg12 : memref<64x128xf32, #tpu.memory_space<vmem>>) target(%dma_start3A_210 : memref<10240x128xf32, #tpu.memory_space<vmem_shared>>) offsets(%dma_start3A_207 : memref<64xi32, #tpu.memory_space<vmem>>) semaphore(%run_scoped3A : memref<!tpu.dma_semaphore, #tpu.memory_space<semaphore_mem>>) {add = true}
          %dma_wait3A_211 = arith.constant 0 : i32
          %dma_wait3A_212 = tpu.memref_slice %arg9[%add3A_172, %dma_wait3A_211] : memref<40x64xi32, #tpu.memory_space<vmem>> -> memref<1x64xi32, #tpu.memory_space<vmem>>
          %dma_wait3A_213 = tpu.memref_squeeze %dma_wait3A_212 : memref<1x64xi32, #tpu.memory_space<vmem>> -> memref<64xi32, #tpu.memory_space<vmem>>
          %dma_wait3A_214 = arith.constant 0 : i32
          %dma_wait3A_215 = arith.constant 0 : i32
          %dma_wait3A_216 = tpu.memref_slice %arg14[%dma_wait3A_214, %dma_wait3A_215] : memref<10240x128xf32, #tpu.memory_space<vmem_shared>> -> memref<10240x128xf32, #tpu.memory_space<vmem_shared>>
          tpu.wait_indirect_dma semaphore(%run_scoped3A : memref<!tpu.dma_semaphore, #tpu.memory_space<semaphore_mem>>) src(%arg12 : memref<64x128xf32, #tpu.memory_space<vmem>>) dst(%dma_wait3A_216 : memref<10240x128xf32, #tpu.memory_space<vmem_shared>>)
          tpu.yield
        }) : () -> ()
        %mul3A_187 = arith.constant 4 : i32
        %mul3A_188 = arith.muli %mul3A_187, %scan3A_134 : i32
        %add3A_189 = arith.constant 3 : i32
        %add3A_190 = arith.addi %mul3A_188, %add3A_189 : i32
        %add3A_191 = arith.constant 3 : i32
        %add3A_192 = arith.addi %add3A_190, %add3A_191 : i32
        %lt3A_193 = arith.constant 40 : i32
        %lt3A_194 = arith.cmpi slt, %add3A_192, %lt3A_193 : i32
        %convert_element_type3A_195 = arith.extui %lt3A_194 : i1 to i32
        %cond3A_196 = arith.constant 0 : i32
        %cond3A_197 = arith.cmpi ne, %convert_element_type3A_195, %cond3A_196 : i32
        scf.if %cond3A_197 {
          %dma_start3A_205 = arith.constant 0 : i32
          %dma_start3A_206 = tpu.memref_slice %arg8[%add3A_192, %dma_start3A_205] : memref<40x64xi32, #tpu.memory_space<vmem>> -> memref<1x64xi32, #tpu.memory_space<vmem>>
          %dma_start3A_207 = tpu.memref_squeeze %dma_start3A_206 : memref<1x64xi32, #tpu.memory_space<vmem>> -> memref<64xi32, #tpu.memory_space<vmem>>
          %dma_start3A_208 = arith.constant 0 : i32
          %dma_start3A_209 = arith.constant 0 : i32
          %dma_start3A_210 = tpu.memref_slice %arg3[%dma_start3A_208, %dma_start3A_209] : memref<10000x128xf32, #tpu.memory_space<hbm>> -> memref<10000x128xf32, #tpu.memory_space<hbm>>
          tpu.enqueue_indirect_dma source(%dma_start3A_210 : memref<10000x128xf32, #tpu.memory_space<hbm>>) target(%arg12 : memref<64x128xf32, #tpu.memory_space<vmem>>) offsets(%dma_start3A_207 : memref<64xi32, #tpu.memory_space<vmem>>) semaphore(%arg17 : memref<!tpu.dma_semaphore, #tpu.memory_space<semaphore_mem>>)
        } else {
        }
        %dma_wait3A_198 = arith.constant 0 : i32
        %dma_wait3A_199 = arith.constant 0 : i32
        %dma_wait3A_200 = tpu.memref_slice %arg8[%dma_wait3A_198, %dma_wait3A_199] : memref<40x64xi32, #tpu.memory_space<vmem>> -> memref<1x64xi32, #tpu.memory_space<vmem>>
        %dma_wait3A_201 = tpu.memref_squeeze %dma_wait3A_200 : memref<1x64xi32, #tpu.memory_space<vmem>> -> memref<64xi32, #tpu.memory_space<vmem>>
        %dma_wait3A_202 = arith.constant 0 : i32
        %dma_wait3A_203 = arith.constant 0 : i32
        %dma_wait3A_204 = tpu.memref_slice %arg3[%dma_wait3A_202, %dma_wait3A_203] : memref<10000x128xf32, #tpu.memory_space<hbm>> -> memref<10000x128xf32, #tpu.memory_space<hbm>>
        tpu.wait_indirect_dma semaphore(%arg18 : memref<!tpu.dma_semaphore, #tpu.memory_space<semaphore_mem>>) src(%dma_wait3A_204 : memref<10000x128xf32, #tpu.memory_space<hbm>>) dst(%arg13 : memref<64x128xf32, #tpu.memory_space<vmem>>)
        "tpu.region"() ({
          %run_scoped3A = tpu.sem_alloc : memref<!tpu.dma_semaphore, #tpu.memory_space<semaphore_mem>>
          %dma_start3A_205 = arith.constant 0 : i32
          %dma_start3A_206 = tpu.memref_slice %arg9[%add3A_190, %dma_start3A_205] : memref<40x64xi32, #tpu.memory_space<vmem>> -> memref<1x64xi32, #tpu.memory_space<vmem>>
          %dma_start3A_207 = tpu.memref_squeeze %dma_start3A_206 : memref<1x64xi32, #tpu.memory_space<vmem>> -> memref<64xi32, #tpu.memory_space<vmem>>
          %dma_start3A_208 = arith.constant 0 : i32
          %dma_start3A_209 = arith.constant 0 : i32
          %dma_start3A_210 = tpu.memref_slice %arg14[%dma_start3A_208, %dma_start3A_209] : memref<10240x128xf32, #tpu.memory_space<vmem_shared>> -> memref<10240x128xf32, #tpu.memory_space<vmem_shared>>
          tpu.enqueue_indirect_dma source(%arg13 : memref<64x128xf32, #tpu.memory_space<vmem>>) target(%dma_start3A_210 : memref<10240x128xf32, #tpu.memory_space<vmem_shared>>) offsets(%dma_start3A_207 : memref<64xi32, #tpu.memory_space<vmem>>) semaphore(%run_scoped3A : memref<!tpu.dma_semaphore, #tpu.memory_space<semaphore_mem>>) {add = true}
          %dma_wait3A_211 = arith.constant 0 : i32
          %dma_wait3A_212 = tpu.memref_slice %arg9[%add3A_190, %dma_wait3A_211] : memref<40x64xi32, #tpu.memory_space<vmem>> -> memref<1x64xi32, #tpu.memory_space<vmem>>
          %dma_wait3A_213 = tpu.memref_squeeze %dma_wait3A_212 : memref<1x64xi32, #tpu.memory_space<vmem>> -> memref<64xi32, #tpu.memory_space<vmem>>
          %dma_wait3A_214 = arith.constant 0 : i32
          %dma_wait3A_215 = arith.constant 0 : i32
          %dma_wait3A_216 = tpu.memref_slice %arg14[%dma_wait3A_214, %dma_wait3A_215] : memref<10240x128xf32, #tpu.memory_space<vmem_shared>> -> memref<10240x128xf32, #tpu.memory_space<vmem_shared>>
          tpu.wait_indirect_dma semaphore(%run_scoped3A : memref<!tpu.dma_semaphore, #tpu.memory_space<semaphore_mem>>) src(%arg13 : memref<64x128xf32, #tpu.memory_space<vmem>>) dst(%dma_wait3A_216 : memref<10240x128xf32, #tpu.memory_space<vmem_shared>>)
          tpu.yield
        }) : () -> ()
      }
      %scan3A_133 = arith.constant 10 : i32
    } else {
    }
    %barrier3A_8 = arith.constant 0 : index
    tpu.barrier barrier_id(%barrier3A_8)
    %mul3A_9 = arith.constant 640 : i32
    %mul3A_10 = arith.muli %arg1, %mul3A_9 : i32
    %mul3A_11 = arith.constant 640 : i32
    %mul3A_12 = arith.muli %arg1, %mul3A_11 : i32
    "tpu.region"() ({
      %run_scoped3A = tpu.sem_alloc : memref<!tpu.dma_semaphore, #tpu.memory_space<semaphore_mem>>
      %dma_start3A = arith.constant 0 : i32
      %dma_start3A_13 = tpu.memref_slice %arg7[%arg0, %mul3A_12, %dma_start3A] : memref<2x10240x128xf32, #tpu.memory_space<hbm>> -> memref<1x640x128xf32, #tpu.memory_space<hbm>>
      %dma_start3A_14 = tpu.memref_squeeze %dma_start3A_13 : memref<1x640x128xf32, #tpu.memory_space<hbm>> -> memref<640x128xf32, #tpu.memory_space<hbm>>
      %dma_start3A_15 = arith.constant 0 : i32
      %dma_start3A_16 = tpu.memref_slice %arg14[%mul3A_10, %dma_start3A_15] : memref<10240x128xf32, #tpu.memory_space<vmem_shared>> -> memref<640x128xf32, #tpu.memory_space<vmem_shared>>
      tpu.enqueue_dma source(%dma_start3A_16 : memref<640x128xf32, #tpu.memory_space<vmem_shared>>) target(%dma_start3A_14 : memref<640x128xf32, #tpu.memory_space<hbm>>) target_semaphore(%run_scoped3A : memref<!tpu.dma_semaphore, #tpu.memory_space<semaphore_mem>>)
      %dma_wait3A = arith.constant 0 : i32
      %dma_wait3A_17 = tpu.memref_slice %arg7[%arg0, %mul3A_12, %dma_wait3A] : memref<2x10240x128xf32, #tpu.memory_space<hbm>> -> memref<1x640x128xf32, #tpu.memory_space<hbm>>
      %dma_wait3A_18 = tpu.memref_squeeze %dma_wait3A_17 : memref<1x640x128xf32, #tpu.memory_space<hbm>> -> memref<640x128xf32, #tpu.memory_space<hbm>>
      %dma_wait3A_19 = arith.constant 0 : i32
      %dma_wait3A_20 = tpu.memref_slice %arg14[%mul3A_10, %dma_wait3A_19] : memref<10240x128xf32, #tpu.memory_space<vmem_shared>> -> memref<640x128xf32, #tpu.memory_space<vmem_shared>>
      tpu.wait_dma2 semaphore(%run_scoped3A : memref<!tpu.dma_semaphore, #tpu.memory_space<semaphore_mem>>) src(%dma_wait3A_20 : memref<640x128xf32, #tpu.memory_space<vmem_shared>>) dst(%dma_wait3A_18 : memref<640x128xf32, #tpu.memory_space<hbm>>)
      tpu.yield
    }) : () -> ()
    return
  }
}

module attributes {stable_mosaic.version = 14 : i64} {
  func.func @_mm_body(%arg0: i32, %arg1: memref<1000x256xf32, #tpu.memory_space<vmem>>, %arg2: memref<256x256xf32, #tpu.memory_space<vmem>>, %arg3: memref<1000x256xf32, #tpu.memory_space<vmem>>) attributes {dimension_semantics = [#tpu.dimension_semantics<arbitrary>], iteration_bounds = array<i64: 10>, scalar_prefetch = 0 : i64, scratch_operands = 0 : i64, tpu.core_type = #tpu.core_type<tc>, window_params = [{transform_indices = @transform_0, window_bounds = array<i64: 1000, 256>}, {pipeline_mode = #tpu.pipeline_mode<synchronous>, transform_indices = @transform_1, window_bounds = array<i64: 256, 256>}, {transform_indices = @transform_2, window_bounds = array<i64: 1000, 256>}]} {
    %get3A = arith.constant 0 : index
    %get3A_0 = arith.constant 0 : index
    %get3A_1 = vector.load %arg1[%get3A, %get3A_0] : memref<1000x256xf32, #tpu.memory_space<vmem>>, vector<1000x256xf32>
    %get3A_2 = arith.constant 0 : index
    %get3A_3 = arith.constant 0 : index
    %get3A_4 = vector.load %arg2[%get3A_2, %get3A_3] : memref<256x256xf32, #tpu.memory_space<vmem>>, vector<256x256xf32>
    %dot_general3A = arith.constant dense<0.000000e+00> : vector<1000x256xf32>
    %dot_general3A_5 = tpu.matmul %get3A_1, %get3A_4, %dot_general3A {dimension_numbers = #tpu.dot_dimension_numbers<[1], [0], [0], [1], [0, 0, 1, 1], [], []>, transpose_lhs_hint = false} : vector<1000x256xf32>, vector<256x256xf32>, vector<1000x256xf32> -> vector<1000x256xf32>
    %swap3A = arith.constant 0 : index
    %swap3A_6 = arith.constant 0 : index
    %swap3A_7 = vector.load %arg3[%swap3A, %swap3A_6] : memref<1000x256xf32, #tpu.memory_space<vmem>>, vector<1000x256xf32>
    tpu.vector_store %arg3[%swap3A, %swap3A_6], %dot_general3A_5 {strides = array<i32>} : memref<1000x256xf32, #tpu.memory_space<vmem>>, vector<1000x256xf32>,
    return
  }
  func.func @transform_0(%arg0: i32) -> (i32, i32) {
    %c0_i32 = arith.constant 0 : i32
    %c0_i32_0 = arith.constant 0 : i32
    return %arg0, %c0_i32 : i32, i32
  }
  func.func @transform_1(%arg0: i32) -> (i32, i32) {
    %c0_i32 = arith.constant 0 : i32
    %c0_i32_0 = arith.constant 0 : i32
    %c0_i32_1 = arith.constant 0 : i32
    return %c0_i32, %c0_i32_0 : i32, i32
  }
  func.func @transform_2(%arg0: i32) -> (i32, i32) {
    %c0_i32 = arith.constant 0 : i32
    %c0_i32_0 = arith.constant 0 : i32
    return %arg0, %c0_i32 : i32, i32
  }
}

module attributes {stable_mosaic.version = 14 : i64} {
  func.func @_y_body(%arg0: i32, %arg1: memref<1000x256xf32, #tpu.memory_space<vmem>>, %arg2: memref<1000x2xf32, #tpu.memory_space<vmem>>, %arg3: memref<1000x128xf32, #tpu.memory_space<vmem>>, %arg4: memref<1000x128xf32, #tpu.memory_space<vmem>>) attributes {dimension_semantics = [#tpu.dimension_semantics<arbitrary>], iteration_bounds = array<i64: 10>, scalar_prefetch = 0 : i64, scratch_operands = 0 : i64, tpu.core_type = #tpu.core_type<tc>, window_params = [{transform_indices = @transform_0, window_bounds = array<i64: 1000, 256>}, {transform_indices = @transform_1, window_bounds = array<i64: 1000, 2>}, {transform_indices = @transform_2, window_bounds = array<i64: 1000, 128>}, {transform_indices = @transform_3, window_bounds = array<i64: 1000, 128>}]} {
    %get3A = arith.constant 0 : index
    %get3A_0 = arith.constant 0 : index
    %get3A_1 = vector.load %arg2[%get3A, %get3A_0] : memref<1000x2xf32, #tpu.memory_space<vmem>>, vector<1000x1xf32>
    %get3A_2 = vector.shape_cast %get3A_1 : vector<1000x1xf32> to vector<1000xf32>
    %get3A_3 = arith.constant 0 : index
    %get3A_4 = arith.constant 1 : index
    %get3A_5 = vector.load %arg2[%get3A_3, %get3A_4] : memref<1000x2xf32, #tpu.memory_space<vmem>>, vector<1000x1xf32>
    %get3A_6 = vector.shape_cast %get3A_5 : vector<1000x1xf32> to vector<1000xf32>
    %add3A = arith.addf %get3A_2, %get3A_6 : vector<1000xf32>
    %add3A_7 = arith.constant 1.000000e+00 : f32
    %add3A_8 = vector.broadcast %add3A_7 : f32 to vector<1000xf32>
    %add3A_9 = arith.addf %add3A, %add3A_8 : vector<1000xf32>
    %rsqrt3A = math.rsqrt %add3A_9 : vector<1000xf32>
    %broadcast_in_dim3A = vector.shape_cast %rsqrt3A : vector<1000xf32> to vector<1000x1xf32>
    %get3A_10 = arith.constant 0 : index
    %get3A_11 = arith.constant 0 : index
    %get3A_12 = vector.load %arg1[%get3A_10, %get3A_11] : memref<1000x256xf32, #tpu.memory_space<vmem>>, vector<1000x256xf32>
    %mul3A = vector.broadcast %broadcast_in_dim3A : vector<1000x1xf32> to vector<1000x256xf32>
    %mul3A_13 = arith.mulf %get3A_12, %mul3A : vector<1000x256xf32>
    %slice3A = vector.extract_strided_slice %mul3A_13 {offsets = [0, 0], sizes = [1000, 128], strides = [1, 1]} : vector<1000x256xf32> to vector<1000x128xf32>
    %swap3A = arith.constant 0 : index
    %swap3A_14 = arith.constant 0 : index
    %swap3A_15 = vector.load %arg3[%swap3A, %swap3A_14] : memref<1000x128xf32, #tpu.memory_space<vmem>>, vector<1000x128xf32>
    tpu.vector_store %arg3[%swap3A, %swap3A_14], %slice3A {strides = array<i32>} : memref<1000x128xf32, #tpu.memory_space<vmem>>, vector<1000x128xf32>,
    %slice3A_16 = vector.extract_strided_slice %mul3A_13 {offsets = [0, 128], sizes = [1000, 128], strides = [1, 1]} : vector<1000x256xf32> to vector<1000x128xf32>
    %swap3A_17 = arith.constant 0 : index
    %swap3A_18 = arith.constant 0 : index
    %swap3A_19 = vector.load %arg4[%swap3A_17, %swap3A_18] : memref<1000x128xf32, #tpu.memory_space<vmem>>, vector<1000x128xf32>
    tpu.vector_store %arg4[%swap3A_17, %swap3A_18], %slice3A_16 {strides = array<i32>} : memref<1000x128xf32, #tpu.memory_space<vmem>>, vector<1000x128xf32>,
    return
  }
  func.func @transform_0(%arg0: i32) -> (i32, i32) {
    %c0_i32 = arith.constant 0 : i32
    %c0_i32_0 = arith.constant 0 : i32
    return %arg0, %c0_i32 : i32, i32
  }
  func.func @transform_1(%arg0: i32) -> (i32, i32) {
    %c0_i32 = arith.constant 0 : i32
    %c0_i32_0 = arith.constant 0 : i32
    return %arg0, %c0_i32 : i32, i32
  }
  func.func @transform_2(%arg0: i32) -> (i32, i32) {
    %c0_i32 = arith.constant 0 : i32
    %c0_i32_0 = arith.constant 0 : i32
    return %arg0, %c0_i32 : i32, i32
  }
  func.func @transform_3(%arg0: i32) -> (i32, i32) {
    %c0_i32 = arith.constant 0 : i32
    %c0_i32_0 = arith.constant 0 : i32
    return %arg0, %c0_i32 : i32, i32
  }
}

module attributes {stable_mosaic.version = 14 : i64} {
  func.func @_epi_body(%arg0: i32, %arg1: memref<2x1000x128xf32, #tpu.memory_space<vmem>>, %arg2: memref<1000x128xf32, #tpu.memory_space<vmem>>, %arg3: memref<1000x128xf32, #tpu.memory_space<vmem>>, %arg4: memref<1000x2xf32, #tpu.memory_space<vmem>>, %arg5: memref<1x256xf32, #tpu.memory_space<vmem>>, %arg6: memref<256x256xf32, #tpu.memory_space<vmem>>, %arg7: memref<1x256xf32, #tpu.memory_space<vmem>>, %arg8: memref<1000x256xf32, #tpu.memory_space<vmem>>, %arg9: memref<1x256xf32, #tpu.memory_space<vmem>>, %arg10: memref<1x256xf32, #tpu.memory_space<vmem>>) attributes {dimension_semantics = [#tpu.dimension_semantics<arbitrary>], iteration_bounds = array<i64: 10>, scalar_prefetch = 0 : i64, scratch_operands = 1 : i64, tpu.core_type = #tpu.core_type<tc>, window_params = [{transform_indices = @transform_0, window_bounds = array<i64: 2, 1000, 128>}, {transform_indices = @transform_1, window_bounds = array<i64: 1000, 128>}, {transform_indices = @transform_2, window_bounds = array<i64: 1000, 128>}, {transform_indices = @transform_3, window_bounds = array<i64: 1000, 2>}, {pipeline_mode = #tpu.pipeline_mode<synchronous>, transform_indices = @transform_4, window_bounds = array<i64: 1, 256>}, {pipeline_mode = #tpu.pipeline_mode<synchronous>, transform_indices = @transform_5, window_bounds = array<i64: 256, 256>}, {pipeline_mode = #tpu.pipeline_mode<synchronous>, transform_indices = @transform_6, window_bounds = array<i64: 1, 256>}, {transform_indices = @transform_7, window_bounds = array<i64: 1000, 256>}, {pipeline_mode = #tpu.pipeline_mode<synchronous>, transform_indices = @transform_8, window_bounds = array<i64: 1, 256>}]} {
    %get3A = arith.constant 0 : index
    %get3A_0 = arith.constant 0 : index
    %get3A_1 = vector.load %arg4[%get3A, %get3A_0] : memref<1000x2xf32, #tpu.memory_space<vmem>>, vector<1000x1xf32>
    %get3A_2 = vector.shape_cast %get3A_1 : vector<1000x1xf32> to vector<1000xf32>
    %get3A_3 = arith.constant 0 : index
    %get3A_4 = arith.constant 1 : index
    %get3A_5 = vector.load %arg4[%get3A_3, %get3A_4] : memref<1000x2xf32, #tpu.memory_space<vmem>>, vector<1000x1xf32>
    %get3A_6 = vector.shape_cast %get3A_5 : vector<1000x1xf32> to vector<1000xf32>
    %add3A = arith.addf %get3A_2, %get3A_6 : vector<1000xf32>
    %add3A_7 = arith.constant 1.000000e+00 : f32
    %add3A_8 = vector.broadcast %add3A_7 : f32 to vector<1000xf32>
    %add3A_9 = arith.addf %add3A, %add3A_8 : vector<1000xf32>
    %rsqrt3A = math.rsqrt %add3A_9 : vector<1000xf32>
    %broadcast_in_dim3A = vector.shape_cast %rsqrt3A : vector<1000xf32> to vector<1000x1xf32>
    %get3A_10 = arith.constant 0 : index
    %get3A_11 = arith.constant 0 : index
    %get3A_12 = arith.constant 0 : index
    %get3A_13 = vector.load %arg1[%get3A_10, %get3A_11, %get3A_12] : memref<2x1000x128xf32, #tpu.memory_space<vmem>>, vector<1x1000x128xf32>
    %get3A_14 = vector.shape_cast %get3A_13 : vector<1x1000x128xf32> to vector<1000x128xf32>
    %get3A_15 = arith.constant 0 : index
    %get3A_16 = arith.constant 0 : index
    %get3A_17 = vector.load %arg2[%get3A_15, %get3A_16] : memref<1000x128xf32, #tpu.memory_space<vmem>>, vector<1000x128xf32>
    %add3A_18 = arith.addf %get3A_14, %get3A_17 : vector<1000x128xf32>
    %mul3A = vector.broadcast %broadcast_in_dim3A : vector<1000x1xf32> to vector<1000x128xf32>
    %mul3A_19 = arith.mulf %mul3A, %add3A_18 : vector<1000x128xf32>
    %get3A_20 = arith.constant 0 : index
    %get3A_21 = arith.constant 0 : index
    %get3A_22 = vector.load %arg5[%get3A_20, %get3A_21] : memref<1x256xf32, #tpu.memory_space<vmem>>, vector<1x128xf32>
    %get3A_23 = vector.shape_cast %get3A_22 : vector<1x128xf32> to vector<128xf32>
    %broadcast_in_dim3A_24 = vector.shape_cast %get3A_23 : vector<128xf32> to vector<1x128xf32>
    %add3A_25 = vector.broadcast %broadcast_in_dim3A_24 : vector<1x128xf32> to vector<1000x128xf32>
    %add3A_26 = arith.addf %mul3A_19, %add3A_25 : vector<1000x128xf32>
    %max3A = arith.constant 0.000000e+00 : f32
    %max3A_27 = vector.broadcast %max3A : f32 to vector<1000x128xf32>
    %max3A_28 = arith.maximumf %add3A_26, %max3A_27 : vector<1000x128xf32>
    %get3A_29 = arith.constant 1 : index
    %get3A_30 = arith.constant 0 : index
    %get3A_31 = arith.constant 0 : index
    %get3A_32 = vector.load %arg1[%get3A_29, %get3A_30, %get3A_31] : memref<2x1000x128xf32, #tpu.memory_space<vmem>>, vector<1x1000x128xf32>
    %get3A_33 = vector.shape_cast %get3A_32 : vector<1x1000x128xf32> to vector<1000x128xf32>
    %get3A_34 = arith.constant 0 : index
    %get3A_35 = arith.constant 0 : index
    %get3A_36 = vector.load %arg3[%get3A_34, %get3A_35] : memref<1000x128xf32, #tpu.memory_space<vmem>>, vector<1000x128xf32>
    %add3A_37 = arith.addf %get3A_33, %get3A_36 : vector<1000x128xf32>
    %mul3A_38 = vector.broadcast %broadcast_in_dim3A : vector<1000x1xf32> to vector<1000x128xf32>
    %mul3A_39 = arith.mulf %mul3A_38, %add3A_37 : vector<1000x128xf32>
    %get3A_40 = arith.constant 0 : index
    %get3A_41 = arith.constant 128 : index
    %get3A_42 = vector.load %arg5[%get3A_40, %get3A_41] : memref<1x256xf32, #tpu.memory_space<vmem>>, vector<1x128xf32>
    %get3A_43 = vector.shape_cast %get3A_42 : vector<1x128xf32> to vector<128xf32>
    %broadcast_in_dim3A_44 = vector.shape_cast %get3A_43 : vector<128xf32> to vector<1x128xf32>
    %add3A_45 = vector.broadcast %broadcast_in_dim3A_44 : vector<1x128xf32> to vector<1000x128xf32>
    %add3A_46 = arith.addf %mul3A_39, %add3A_45 : vector<1000x128xf32>
    %max3A_47 = arith.constant 0.000000e+00 : f32
    %max3A_48 = vector.broadcast %max3A_47 : f32 to vector<1000x128xf32>
    %max3A_49 = arith.maximumf %add3A_46, %max3A_48 : vector<1000x128xf32>
    %swap3A = arith.constant 0 : index
    %swap3A_50 = arith.constant 0 : index
    %swap3A_51 = vector.load %arg8[%swap3A, %swap3A_50] : memref<1000x256xf32, #tpu.memory_space<vmem>>, vector<1000x128xf32>
    tpu.vector_store %arg8[%swap3A, %swap3A_50], %max3A_28 {strides = array<i32>} : memref<1000x256xf32, #tpu.memory_space<vmem>>, vector<1000x128xf32>,
    %swap3A_52 = arith.constant 0 : index
    %swap3A_53 = arith.constant 128 : index
    %swap3A_54 = vector.load %arg8[%swap3A_52, %swap3A_53] : memref<1000x256xf32, #tpu.memory_space<vmem>>, vector<1000x128xf32>
    tpu.vector_store %arg8[%swap3A_52, %swap3A_53], %max3A_49 {strides = array<i32>} : memref<1000x256xf32, #tpu.memory_space<vmem>>, vector<1000x128xf32>,
    %eq3A = arith.constant 0 : i32
    %eq3A_55 = arith.cmpi eq, %arg0, %eq3A : i32
    %convert_element_type3A = arith.extui %eq3A_55 : i1 to i32
    %cond3A = arith.constant 0 : i32
    %cond3A_56 = arith.cmpi ne, %convert_element_type3A, %cond3A : i32
    scf.if %cond3A_56 {
      %broadcast_in_dim3A_85 = arith.constant 0.000000e+00 : f32
      %broadcast_in_dim3A_86 = vector.broadcast %broadcast_in_dim3A_85 : f32 to vector<1x256xf32>
      %swap3A_87 = arith.constant 0 : index
      %swap3A_88 = arith.constant 0 : index
      %swap3A_89 = vector.load %arg10[%swap3A_87, %swap3A_88] : memref<1x256xf32, #tpu.memory_space<vmem>>, vector<1x256xf32>
      tpu.vector_store %arg10[%swap3A_87, %swap3A_88], %broadcast_in_dim3A_86 {strides = array<i32>} : memref<1x256xf32, #tpu.memory_space<vmem>>, vector<1x256xf32>,
    } else {
    }
    %get3A_57 = arith.constant 0 : index
    %get3A_58 = arith.constant 0 : index
    %get3A_59 = vector.load %arg10[%get3A_57, %get3A_58] : memref<1x256xf32, #tpu.memory_space<vmem>>, vector<1x128xf32>
    %get3A_60 = vector.shape_cast %get3A_59 : vector<1x128xf32> to vector<128xf32>
    %reduce_sum3A = arith.constant dense<0.000000e+00> : vector<128xf32>
    %reduce_sum3A_61 = vector.multi_reduction <add>, %max3A_28, %reduce_sum3A [0] : vector<1000x128xf32> to vector<128xf32>
    %add3A_62 = arith.addf %get3A_60, %reduce_sum3A_61 : vector<128xf32>
    %swap3A_63 = arith.constant 0 : index
    %swap3A_64 = arith.constant 0 : index
    %swap3A_65 = vector.load %arg10[%swap3A_63, %swap3A_64] : memref<1x256xf32, #tpu.memory_space<vmem>>, vector<1x128xf32>
    %swap3A_66 = vector.shape_cast %swap3A_65 : vector<1x128xf32> to vector<128xf32>
    %swap3A_67 = vector.shape_cast %add3A_62 : vector<128xf32> to vector<1x128xf32>
    tpu.vector_store %arg10[%swap3A_63, %swap3A_64], %swap3A_67 {strides = array<i32>} : memref<1x256xf32, #tpu.memory_space<vmem>>, vector<1x128xf32>,
    %get3A_68 = arith.constant 0 : index
    %get3A_69 = arith.constant 128 : index
    %get3A_70 = vector.load %arg10[%get3A_68, %get3A_69] : memref<1x256xf32, #tpu.memory_space<vmem>>, vector<1x128xf32>
    %get3A_71 = vector.shape_cast %get3A_70 : vector<1x128xf32> to vector<128xf32>
    %reduce_sum3A_72 = arith.constant dense<0.000000e+00> : vector<128xf32>
    %reduce_sum3A_73 = vector.multi_reduction <add>, %max3A_49, %reduce_sum3A_72 [0] : vector<1000x128xf32> to vector<128xf32>
    %add3A_74 = arith.addf %get3A_71, %reduce_sum3A_73 : vector<128xf32>
    %swap3A_75 = arith.constant 0 : index
    %swap3A_76 = arith.constant 128 : index
    %swap3A_77 = vector.load %arg10[%swap3A_75, %swap3A_76] : memref<1x256xf32, #tpu.memory_space<vmem>>, vector<1x128xf32>
    %swap3A_78 = vector.shape_cast %swap3A_77 : vector<1x128xf32> to vector<128xf32>
    %swap3A_79 = vector.shape_cast %add3A_74 : vector<128xf32> to vector<1x128xf32>
    tpu.vector_store %arg10[%swap3A_75, %swap3A_76], %swap3A_79 {strides = array<i32>} : memref<1x256xf32, #tpu.memory_space<vmem>>, vector<1x128xf32>,
    %eq3A_80 = arith.constant 9 : i32
    %eq3A_81 = arith.cmpi eq, %arg0, %eq3A_80 : i32
    %convert_element_type3A_82 = arith.extui %eq3A_81 : i1 to i32
    %cond3A_83 = arith.constant 0 : i32
    %cond3A_84 = arith.cmpi ne, %convert_element_type3A_82, %cond3A_83 : i32
    scf.if %cond3A_84 {
      %get3A_85 = arith.constant 0 : index
      %get3A_86 = arith.constant 0 : index
      %get3A_87 = vector.load %arg10[%get3A_85, %get3A_86] : memref<1x256xf32, #tpu.memory_space<vmem>>, vector<1x256xf32>
      %mul3A_88 = arith.constant 9.99999974E-5 : f32
      %mul3A_89 = vector.broadcast %mul3A_88 : f32 to vector<1x256xf32>
      %mul3A_90 = arith.mulf %get3A_87, %mul3A_89 : vector<1x256xf32>
      %get3A_91 = arith.constant 0 : index
      %get3A_92 = arith.constant 0 : index
      %get3A_93 = vector.load %arg6[%get3A_91, %get3A_92] : memref<256x256xf32, #tpu.memory_space<vmem>>, vector<256x256xf32>
      %dot_general3A = arith.constant dense<0.000000e+00> : vector<1x256xf32>
      %dot_general3A_94 = tpu.matmul %mul3A_90, %get3A_93, %dot_general3A {dimension_numbers = #tpu.dot_dimension_numbers<[1], [1], [0], [0], [0, 0, 1, 0], [], []>, transpose_lhs_hint = false} : vector<1x256xf32>, vector<256x256xf32>, vector<1x256xf32> -> vector<1x256xf32>
      %get3A_95 = arith.constant 0 : index
      %get3A_96 = arith.constant 0 : index
      %get3A_97 = vector.load %arg7[%get3A_95, %get3A_96] : memref<1x256xf32, #tpu.memory_space<vmem>>, vector<1x256xf32>
      %add3A_98 = arith.addf %dot_general3A_94, %get3A_97 : vector<1x256xf32>
      %swap3A_99 = arith.constant 0 : index
      %swap3A_100 = arith.constant 0 : index
      %swap3A_101 = vector.load %arg9[%swap3A_99, %swap3A_100] : memref<1x256xf32, #tpu.memory_space<vmem>>, vector<1x256xf32>
      tpu.vector_store %arg9[%swap3A_99, %swap3A_100], %add3A_98 {strides = array<i32>} : memref<1x256xf32, #tpu.memory_space<vmem>>, vector<1x256xf32>,
    } else {
    }
    return
  }
  func.func @transform_0(%arg0: i32) -> (i32, i32, i32) {
    %c0_i32 = arith.constant 0 : i32
    %c0_i32_0 = arith.constant 0 : i32
    %c0_i32_1 = arith.constant 0 : i32
    return %c0_i32, %arg0, %c0_i32_0 : i32, i32, i32
  }
  func.func @transform_1(%arg0: i32) -> (i32, i32) {
    %c0_i32 = arith.constant 0 : i32
    %c0_i32_0 = arith.constant 0 : i32
    return %arg0, %c0_i32 : i32, i32
  }
  func.func @transform_2(%arg0: i32) -> (i32, i32) {
    %c0_i32 = arith.constant 0 : i32
    %c0_i32_0 = arith.constant 0 : i32
    return %arg0, %c0_i32 : i32, i32
  }
  func.func @transform_3(%arg0: i32) -> (i32, i32) {
    %c0_i32 = arith.constant 0 : i32
    %c0_i32_0 = arith.constant 0 : i32
    return %arg0, %c0_i32 : i32, i32
  }
  func.func @transform_4(%arg0: i32) -> (i32, i32) {
    %c0_i32 = arith.constant 0 : i32
    %c0_i32_0 = arith.constant 0 : i32
    %c0_i32_1 = arith.constant 0 : i32
    return %c0_i32, %c0_i32_0 : i32, i32
  }
  func.func @transform_5(%arg0: i32) -> (i32, i32) {
    %c0_i32 = arith.constant 0 : i32
    %c0_i32_0 = arith.constant 0 : i32
    %c0_i32_1 = arith.constant 0 : i32
    return %c0_i32, %c0_i32_0 : i32, i32
  }
  func.func @transform_6(%arg0: i32) -> (i32, i32) {
    %c0_i32 = arith.constant 0 : i32
    %c0_i32_0 = arith.constant 0 : i32
    %c0_i32_1 = arith.constant 0 : i32
    return %c0_i32, %c0_i32_0 : i32, i32
  }
  func.func @transform_7(%arg0: i32) -> (i32, i32) {
    %c0_i32 = arith.constant 0 : i32
    %c0_i32_0 = arith.constant 0 : i32
    return %arg0, %c0_i32 : i32, i32
  }
  func.func @transform_8(%arg0: i32) -> (i32, i32) {
    %c0_i32 = arith.constant 0 : i32
    %c0_i32_0 = arith.constant 0 : i32
    %c0_i32_1 = arith.constant 0 : i32
    return %c0_i32, %c0_i32_0 : i32, i32
  }
}

</mosaic_0001>

<sc_bundles>
// kernel: kernel.10.cloned.1.call-start
scs
__scs_entry_jumppad:
0x0: {  	(pc) =	sbr.rel $0x88, $3  }
0x1: {  	(tag) =	ssettag $0x0;
	lr =	simm.s32 $0x1  }
0x2: {  	[smem:$0x3F9B] =	sst lr;
	_ =	strace $0xD0000000  }
0x3: {  	_ = 	snop  }
0x4: {  	_ = 	snop  }
0x5: {  	_ = 	snop  }
0x6: {  	_ = 	snop  }
0x7: {  	_ = 	snop  }
__scs_overlays_trampoline_lowered:
0x8: {  	[smem:$0x3FAA] =	sst s0  }
0x9: {  	[smem:$0x3FAB] =	sst s1  }
0xa: {  	[smem:$0x3FAC] =	sst s2  }
0xb: {  	[smem:$0x3FAD] =	sst s3  }
0xc: {  	[smem:$0x3FAE] =	sst s4  }
0xd: {  	[smem:$0x3FAF] =	sst s5  }
0xe: {  	[smem:$0x3FB0] =	sst s6  }
0xf: {  	[smem:$0x3FB1] =	sst s7  }
0x10: {  	[smem:$0x3FB2] =	sst s8  }
0x11: {  	[smem:$0x3FB3] =	sst s9;
	s0 =	simm.s32 @!p0 $0x0  }
0x12: {  	s1 =	sld [smem:$0x3F99];
	s0 =	simm.s32 @p0 $0x1  }
0x13: {  	[smem:$0x3FB4] =	sst s0;
	s0 =	simm.s32 @!p1 $0x0  }
0x14: {  	s2 =	sld [smem:$0x3F98];
	s0 =	simm.s32 @p1 $0x1  }
0x15: {  	[smem:$0x3FB5] =	sst s0;
	s0 =	simm.s32 @!p2 $0x0  }
0x16: {  	s3 =	sld [smem:$0x3FDB];
	s0 =	simm.s32 @p2 $0x1  }
0x17: {  	s4 =	simm.s32 $0x1BF5;
	[smem:$0x3FB7] =	sst s0  }
0x18: {  	s0 =	sld [smem:$0x3F9A];
	_ =	swait.ge [sflag:s4], $0x0  }
0x19: {  	s7 =	sld [smem:$0x3F9B]  }
0x1a: {  	s8 =	sadd.s32 $0xFFFFE003, lr  }
0x1b: {  	s9 =	sadd.s32 $0xFFFFFEF7, lr;
	s5 =	simm.s32 $0xFFFFFFFF;
	p2 =	slt.u32 s8, $0xFFFFF086  }
0x1c: {  	p1 =	slt.u32 s9, $0xF7A;
	s5 =	simm.s32 @!p2 $0x0  }
0x1d: {  	s5 =	simm.s32 @p1 $0x1;
	p0 =	seq.s32 s7, s2  }
0x1e: {  	s7 =	smul.u32 @!p0 $0xF7A, s2;
	p2 =	seq.s32 @!p0 s5, $0x0  }
0x1f: {  	s9 =	smul.u32 $0xF7A, s1;
	s8 =	simm.s32 @!p0 $0x1BF5;
	p2 =	por !p2, p0  }
0x20: {  	[sflag:s8] =	ssyncset.s32 @!p0 $0xFFFFF086;
	s6 =	sadd.s32 @!p0 s3, s7;
	s7 =	simm.s32 @!p0 $0x108  }
0x21: {  	s3 =	sadd.s32 s3, s9;
	s6 =	sadd.s32 @!p0 $0x88, s6;
	s7 =	simm.s32 @p2 $0x1082  }
0x22: {  	[simem:s7], [sflag:s8] =	dma.local @!p0 [hbm:s6], $0xF7A  }
0x23: {  	s9 =	sor.u32 $0xD0000000, s2;
	s6 =	simm.s32 $0x108;
	_ =	swait.ge @!p0 [sflag:s8], $0x0  }
0x24: {  	s3 =	sadd.s32 $0x88, s3;
	s6 =	simm.s32 @!p1 $0x1082;
	[sflag:s4] =	ssyncset.s32 $0xFFFFF086  }
0x25: {  	[simem:s6], [sflag:s4] =	dma.local [hbm:s3], $0xF7A  }
0x26: {  	[smem:$0x3F9B] =	sst s1;
	(tag) =	ssettag s2;
	_ =	strace s9  }
0x27: {  	s1 =	sld [smem:$0x3FAB]  }
0x28: {  	s2 =	sld [smem:$0x3FAC]  }
0x29: {  	s4 =	sld [smem:$0x3FAE]  }
0x2a: {  	p0 =	seq.s32 s5, $0x0;
	s5 =	sld [smem:$0x3FAF]  }
0x2b: {  	s6 =	sld [smem:$0x3FB0]  }
0x2c: {  	s7 =	sld [smem:$0x3FB1]  }
0x2d: {  	s3 =	simm.s32 $0x108;
	s8 =	sld [smem:$0x3FB2]  }
0x2e: {  	s3 =	simm.s32 @!p0 $0x1082;
	s9 =	sld [smem:$0x3FB3]  }
0x2f: {  	lr =	sadd.s32 s0, s3;
	s0 =	sld [smem:$0x3FAA]  }
0x30: {  	s3 =	sld [smem:$0x3FAD]  }
0x31: {  	[smem:$0x3FB6] =	sst s10  }
0x32: {  	s10 =	sld [smem:$0x3FB4];
	_ =	sdelay $0x3  }
0x33: {  	p0 =	seq.s32 s10, $0x1;
	s10 =	sld [smem:$0x3FB6];
	_ =	sdelay $0x3  }
0x34: {  	[smem:$0x3FB6] =	sst s10  }
0x35: {  	s10 =	sld [smem:$0x3FB5];
	_ =	sdelay $0x3  }
0x36: {  	p1 =	seq.s32 s10, $0x1;
	s10 =	sld [smem:$0x3FB6];
	_ =	sdelay $0x3  }
0x37: {  	[smem:$0x3FB6] =	sst s10  }
0x38: {  	s10 =	sld [smem:$0x3FB7]  }
0x39: {  	_ = 	snop;
	(pc) =	sbr.ind lr, $3  }
0x3a: {  	_ = 	snop  }
0x3b: {  	_ = 	snop  }
0x3c: {  	p2 =	seq.s32 s10, $0x1;
	s10 =	sld [smem:$0x3FB6]  }
0x3d: {  	_ =	shalt  }
0x3e: {  	_ =	shalt  }
0x3f: {  	_ =	shalt  }
0x40: {  	_ =	shalt  }
0x41: {  	_ =	shalt  }
0x42: {  	_ =	shalt  }
0x43: {  	_ =	shalt  }
0x44: {  	_ =	shalt  }
0x45: {  	_ =	shalt  }
0x46: {  	_ =	shalt  }
0x47: {  	_ =	shalt  }
0x48: {  	_ =	shalt  }
0x49: {  	_ =	shalt  }
0x4a: {  	_ =	shalt  }
0x4b: {  	_ =	shalt  }
0x4c: {  	_ =	shalt  }
0x4d: {  	_ =	shalt  }
0x4e: {  	_ =	shalt  }
0x4f: {  	_ =	shalt  }
0x50: {  	_ =	shalt  }
0x51: {  	_ =	shalt  }
0x52: {  	_ =	shalt  }
0x53: {  	_ =	shalt  }
0x54: {  	_ =	shalt  }
0x55: {  	_ =	shalt  }
0x56: {  	_ =	shalt  }
0x57: {  	_ =	shalt  }
0x58: {  	_ =	shalt  }
0x59: {  	_ =	shalt  }
0x5a: {  	_ =	shalt  }
0x5b: {  	_ =	shalt  }
0x5c: {  	_ =	shalt  }
0x5d: {  	_ =	shalt  }
0x5e: {  	_ =	shalt  }
0x5f: {  	_ =	shalt  }
0x60: {  	_ =	shalt  }
0x61: {  	_ =	shalt  }
0x62: {  	_ =	shalt  }
0x63: {  	_ =	shalt  }
0x64: {  	_ =	shalt  }
0x65: {  	_ =	shalt  }
0x66: {  	_ =	shalt  }
0x67: {  	_ =	shalt  }
0x68: {  	_ =	shalt  }
0x69: {  	_ =	shalt  }
0x6a: {  	_ =	shalt  }
0x6b: {  	_ =	shalt  }
0x6c: {  	_ =	shalt  }
0x6d: {  	_ =	shalt  }
0x6e: {  	_ =	shalt  }
0x6f: {  	_ =	shalt  }
0x70: {  	_ =	shalt  }
0x71: {  	_ =	shalt  }
0x72: {  	_ =	shalt  }
0x73: {  	_ =	shalt  }
0x74: {  	_ =	shalt  }
0x75: {  	_ =	shalt  }
0x76: {  	_ =	shalt  }
0x77: {  	_ =	shalt  }
0x78: {  	_ =	shalt  }
0x79: {  	_ =	shalt  }
0x7a: {  	_ =	shalt  }
0x7b: {  	_ =	shalt  }
0x7c: {  	_ =	shalt  }
0x7d: {  	_ =	shalt  }
0x7e: {  	_ =	shalt  }
0x7f: {  	_ =	shalt  }
0x80: {  	_ =	shalt  }
0x81: {  	_ =	shalt  }
0x82: {  	_ =	shalt  }
0x83: {  	_ =	shalt  }
0x84: {  	_ =	shalt  }
0x85: {  	_ =	shalt  }
0x86: {  	_ =	shalt  }
0x87: {  	_ =	shalt  }
.Lfunc_end0:
.L_simem_size_0:
called_computation.1_lowered:
.L_overlay_start_0:
0x88: {  	s2 =	sld [smem:$0x3FD9]  }
0x89: {  	s3 =	sld [smem:$0x3FFE];
	_ =	sdelay $0x1  }
0x8a: {  	s1 =	srdreg.scid  }
0x8b: {  	s0 =	sand.u32 $0x1, s1  }
0x8c: {  	s14 =	sshll.u32 s0, $0xA;
	s2 =	sadd.s32 s3, s2  }
0x8d: {  	s2 =	sadd.s32 s2, s14  }
0x8e: {  	[smem:$0x3FC2] =	sst s2  }
0x8f: {  	_ = 	snop  }
0x90: {  	s2 =	sld [smem:$0x3FD0];
	_ =	sdelay $0x2  }
0x91: {  	s15 =	simm.s32 $0xA;
	s4 =	simm.s32 $0x10  }
0x92: {  	[smem:s4], [sflag:s15] =	dma.local [hbm:s2], $0x1  }
0x93: {  	_ =	swait.eq [sflag:s15], $0x1  }
0x94: {  	[sflag:s15] =	ssyncset.done $0x0  }
0x95: {  	[sflag:s15] =	ssyncadd.s32 $0xFFFFFFFF  }
0x96: {  	s16 =	sld [smem:$0x10];
	(tm) =	ssettm $0x1  }
0x97: {  	s17 =	sld [smem:$0x3FFB];
	_ =	sdelay $0x3  }
0x98: {  	_ =	strace s17  }
0x99: {  	s3 =	sld [smem:$0x3FFC];
	_ =	sdelay $0x3  }
0x9a: {  	_ =	strace s3  }
0x9b: {  	s3 =	sld [smem:$0x3FFD];
	_ =	sdelay $0x3  }
0x9c: {  	_ =	strace s3  }
0x9d: {  	_ =	strace $0x8FFFFFFF  }
0x9e: {  	s18 =	sld [smem:$0x3FDB];
	_ =	sdelay $0x1  }
0x9f: {  	s19 =	simm.s32 $_scs_section_size  }
0xa0: {  	s5 =	simm.s32 $_size__tile_overlayer_lowered;
	s6 =	simm.s32 $_tile_overlayer_lowered  }
0xa1: {  	s22 =	simm.s32 $0x1BFF;
	s21 =	sshll.u32 s6, $0x1;
	s3 =	sadd.s32 s19, s18  }
0xa2: {  	s7 =	simm.s32 $0x0;
	s20 =	sshll.u32 s5, $0x1;
	s5 =	sadd.s32 s21, s3  }
0xa3: {  	[timem:s7], [sflag:s22] =	dma.local [hbm:s5], s20  }
0xa4: {  	_ =	swait.ge [sflag:s22], s20  }
0xa5: {  	s4 =	ssub.s32 $0x0, s20;
	[sflag:s22] =	ssyncset.done $0x0  }
0xa6: {  	[sflag:s22] =	ssyncadd.s32 s4;
	_ =	sdelay $0x1  }
0xa7: {  	s23 =	simm.s32 $0x1B8B  }
0xa8: {  	_ =	swait.ge [sflag:s23], $0x1  }
0xa9: {  	[sflag:s23] =	ssyncset.done $0x0  }
0xaa: {  	s25 =	simm.s32 $0x1B8E;
	s24 =	sld [smem:$0x3FFE];
	[sflag:s23] =	ssyncadd.s32 $0xFFFFFFFF  }
0xab: {  	s26 =	simm.s32 $execute0_lowered;
	[smem:$0x3FD2] =	sst s25  }
0xac: {  	s5 =	sshll.u32 s26, $0x1;
	_ =	strace $0x80000049;
	[dreg:$0x1] =	wrdreg $0xFFFFFFFF  }
0xad: {  	s28 =	simm.s32 $_size_execute0_lowered;
	s3 =	sadd.s32 s3, s5;
	[dreg:$0x0] =	wrdreg $0x0  }
0xae: {  	s5 =	sshll.u32 s28, $0x1;
	[dreg:$0x2] =	wrdreg s3  }
0xaf: {  	[dreg:$0x3] =	wrdreg s5  }
0xb0: {  	[dreg:$0x4] =	wrdreg $0xC0  }
0xb1: {  	_ =	task [dreg:s7], $0x5FFFF  }
0xb2: {  	[dreg:$0x1] =	wrdreg $0xFFFFFFFF  }
0xb3: {  	[dreg:$0x0] =	wrdreg $0x60  }
0xb4: {  	[dreg:$0x2] =	wrdreg s16  }
0xb5: {  	[dreg:$0x3] =	wrdreg s24  }
0xb6: {  	[dreg:$0x4] =	wrdreg $0xA8000  }
0xb7: {  	[dreg:$0x5] =	wrdreg $0x9  }
0xb8: {  	_ =	task.clear_ibuf [dreg:s7], $0x6FFFF;
	_ =	strace $0x90000049  }
0xb9: {  	s29 =	simm.s32 $0x9;
	_ =	strace $0x8000004B  }
0xba: {  	_ =	swait.ge [sflag:s29], $0x1  }
0xbb: {  	[sflag:s29] =	ssyncadd.s32 $0xFFFFFFFF  }
0xbc: {  	_ =	strace $0x9000004B  }
0xbd: {  	_ =	sfence  }
0xbe: {  	s30 =	sld [smem:$0x0];
	_ =	sdelay $0x2  }
0xbf: {  	s31 =	sshll.u32 s1, $0xD;
	s1 =	sshrl.u32 s1, $0x2  }
0xc0: {  	s3 =	sand.u32 $0x4000, s31;
	s1 =	sadd.s32 s1, s30  }
0xc1: {  	s0 =	sor.u32 s3, s0;
	s1 =	sshll.u32 s1, $0x11  }
0xc2: {  	s0 =	sor.u32 s1, s0  }
0xc3: {  	s0 =	sadd.s32 $0x8F2B, s0  }
0xc4: {  	[sflag:s0] =	ssyncadd.remote.s32 $0x1  }
0xc5: {  	_ =	sfence.sel $0xFFFF  }
0xc6: {  	[dreg:$0x0] =	wrdreg $0xFFFFFFFF;
	(pc) =	sbr.abs _section_cstart, $3  }
0xc7: {  	[dreg:$0x1] =	wrdreg $0xFFFFFFFF  }
0xc8: {  	_ =	task.clear_ibuf [dreg:s7], $0x2FFFF;
	_ =	strace $0x9FFFFFFF  }
0xc9: {  	(tm) =	ssettm $0x7FFFFFFF  }
tec
execute0_lowered:
.L_overlay_start_1:
0x0: {  	(tag) =	ssettag $0x1  }
0x1: {  	s1 =	rddreg [dreg:$0x0]  }
0x2: {  	s0 =	rddreg [dreg:$0x1]  }
0x3: {  	s2 =	rddreg [dreg:$0x2];
	s3 =	srdreg.scid  }
0x4: {  	s5 =	simm.s32 $0x0;
	s11 =	stileid.u32;
	s28 =	simm.s32 $0x8800  }
0x5: {  	s29 =	simm.s32 $0x1;
	s30 =	simm.s32 $0x2;
	s6 =	smul.u32 $0x14000, s11  }
0x6: {  	s31 =	simm.s32 $0x3;
	s3 =	sand.u32 $0x1, s3;
	s7 =	smul.u32 $0x50000, s11  }
0x7: {  	[smem:$0x7FF] =	sst s5;
	s5 =	sadd.s32 $0x1B800, s0;
	s18 =	smul.u32 $0x5000, s11  }
0x8: {  	s8 =	sadd.s32 $0x7800, s0;
	s19 =	sshll.u32 s11, $0x6;
	s11 =	smul.u32 $0xA00, s11  }
0x9: {  	s9 =	sadd.s32 $0x11800, s0;
	s10 =	sadd.s32 $0x1800, s0;
	s4 =	smul.u32 $0x140000, s3  }
0xa: {  	_ =	strace $0x8000004A;
	s15 =	ssub.s32 $0x2, s3;
	[dreg:$0x4] =	wrdreg s10  }
0xb: {  	p0 =	seq.s32 s3, $0x1;
	s16 =	sshrl.u32 s15, $0x1;
	s17 =	sshrl.u32 s7, $0x2  }
0xc: {  	s7 =	sor.u32 $0x1C05, s19;
	s20 =	sshrl.u32 s18, $0x3;
	s21 =	sadd.s32 s8, s11  }
0xd: {  	s22 =	sadd.s32 s9, s11;
	s19 =	simm.s32 $0x5;
	[dreg:$0x5] =	wrdreg s21  }
0xe: {  	s4 =	sadd.s32 s6, s4;
	s6 =	sadd.s32 s17, s2;
	[dreg:$0x6] =	wrdreg s22  }
0xf: {  	s23 =	sadd.s32 $0x280, s20;
	s25 =	sadd.s32 $0x500, s20;
	s3 =	sadd.s32 $0x780, s20  }
0x10: {  	s20 =	simm.s32 $0x1400;
	s21 =	simm.s32 $0x40;
	s22 =	simm.s32 $0x2800  }
0x11: {  	s4 =	sshrl.u32 s4, $0x3;
	s24 =	sadd.s32 s8, s23;
	s10 =	sadd.s32 s9, s23  }
0x12: {  	s26 =	sadd.s32 s8, s25;
	s8 =	sadd.s32 s8, s3;
	[dreg:$0x7] =	wrdreg s24  }
0x13: {  	s3 =	sadd.s32 s9, s3;
	s18 =	sshrl.u32 s6, $0x3;
	[dreg:$0x8] =	wrdreg s10  }
0x14: {  	s23 =	simm.s32 $0x80;
	s6 =	simm.s32 $0x2680;
	[dreg:$0x9] =	wrdreg s26  }
0x15: {  	s0 =	sadd.s32 s4, s0;
	s4 =	ssub.s32 s15, s16;
	[dreg:$0xb] =	wrdreg s8  }
.Ltmp0:
0x16: {  	s10 =	sadd.s32 s9, s25;
	[dreg:$0xc] =	wrdreg s3;
	(pc) =	sbr.rel .LBB2_1-.Ltmp0, $4  }
0x17: {  	s24 =	simm.s32 $0x4800;
	s25 =	simm.s32 $0x100;
	s26 =	simm.s32 $0x6800  }
0x18: {  	s3 =	simm.s32 $0x1380;
	s8 =	simm.s32 $0x2700;
	s9 =	simm.s32 $0x2780  }
0x19: {  	[dreg:$0xa] =	wrdreg s10;
	s16 =	sadd.s32 $0x42A00, s0;
	s17 =	smax.u32 s4, $0x1  }
0x1a: {  	s0 =	simm.s32 $0x4;
	s4 =	simm.s32 $0x2600;
	s10 =	simm.s32 $0x0  }
.LBB2_19:
0x1b: {  	s12 =	sadd.s32 $0x180, s11;
	[sflag:s19] =	ssyncadd.s32 $0xFFFFE000  }
0x1c: {  	[tilespmem:s28], [sflag:$0x4] =	stream.indirect.gather [hbm4b:s5+s21], $0x80, s12, s21, $0xb8;
	[tilespmem:$0x1E800] =	vst v63  }
0x1d: {  	_ =	swait.ge [sflag:s29], $0x2000  }
0x1e: {  	[sflag:s29] =	ssyncset.done $0x0  }
0x1f: {  	s15 =	sadd.s32 $0x1400, s11;
	[sflag:s29] =	ssyncadd.s32 $0xFFFFE000  }
0x20: {  	[spmem:s2] =	stream.indirect.scatter.add.f32 [tilespmem:s22], [sflag:$0x5], $0x80, s15, s21, $0xb8;
	[tilespmem:$0x1E800] =	vst v63  }
0x21: {  	_ =	swait.ge [sflag:s19], $0x2000  }
0x22: {  	[sflag:s19] =	ssyncset.done $0x0  }
0x23: {  	s13 =	sadd.s32 $0x200, s11;
	[sflag:s19] =	ssyncadd.s32 $0xFFFFE000  }
0x24: {  	[tilespmem:s22], [sflag:$0x1] =	stream.indirect.gather [hbm4b:s5+s21], $0x80, s13, s21, $0xb8;
	[tilespmem:$0x1E800] =	vst v63  }
0x25: {  	_ =	swait.ge [sflag:s30], $0x2000  }
0x26: {  	[sflag:s30] =	ssyncset.done $0x0  }
0x27: {  	s14 =	sadd.s32 $0x1480, s11;
	[sflag:s30] =	ssyncadd.s32 $0xFFFFE000  }
0x28: {  	[spmem:s2] =	stream.indirect.scatter.add.f32 [tilespmem:s24], [sflag:$0x5], $0x80, s14, s21, $0xb8;
	[tilespmem:$0x1E800] =	vst v63  }
0x29: {  	_ =	swait.ge [sflag:s19], $0x2000  }
0x2a: {  	[sflag:s19] =	ssyncset.done $0x0  }
0x2b: {  	s15 =	sadd.s32 $0x280, s11;
	[sflag:s19] =	ssyncadd.s32 $0xFFFFE000  }
0x2c: {  	[tilespmem:s24], [sflag:$0x2] =	stream.indirect.gather [hbm4b:s5+s21], $0x80, s15, s21, $0xb8;
	[tilespmem:$0x1E800] =	vst v63  }
0x2d: {  	_ =	swait.ge [sflag:s31], $0x2000  }
0x2e: {  	[sflag:s31] =	ssyncset.done $0x0  }
0x2f: {  	s13 =	sadd.s32 $0x1500, s11;
	[sflag:s31] =	ssyncadd.s32 $0xFFFFE000  }
0x30: {  	[spmem:s2] =	stream.indirect.scatter.add.f32 [tilespmem:s26], [sflag:$0x5], $0x80, s13, s21, $0xb8;
	[tilespmem:$0x1E800] =	vst v63  }
0x31: {  	_ =	swait.ge [sflag:s19], $0x2000  }
0x32: {  	[sflag:s19] =	ssyncset.done $0x0  }
0x33: {  	s14 =	sadd.s32 $0x300, s11;
	[sflag:s19] =	ssyncadd.s32 $0xFFFFE000  }
0x34: {  	[tilespmem:s26], [sflag:$0x3] =	stream.indirect.gather [hbm4b:s5+s21], $0x80, s14, s21, $0xb8;
	[tilespmem:$0x1E800] =	vst v63  }
0x35: {  	_ =	swait.ge [sflag:s0], $0x2000  }
0x36: {  	[sflag:s0] =	ssyncset.done $0x0  }
0x37: {  	s15 =	sadd.s32 $0x1580, s11;
	[sflag:s0] =	ssyncadd.s32 $0xFFFFE000  }
0x38: {  	[spmem:s2] =	stream.indirect.scatter.add.f32 [tilespmem:s28], [sflag:$0x5], $0x80, s15, s21, $0xb8;
	[tilespmem:$0x1E800] =	vst v63  }
0x39: {  	_ =	swait.ge [sflag:s19], $0x2000  }
0x3a: {  	[sflag:s19] =	ssyncset.done $0x0  }
0x3b: {  	[sflag:s19] =	ssyncadd.s32 $0xFFFFE000  }
0x3c: {  	[tilespmem:s28], [sflag:$0x4] =	stream.indirect.gather [hbm4b:s5+s21], $0x80, s3, s21, $0xb8;
	[tilespmem:$0x1E800] =	vst v63  }
.LBB2_20:
0x3d: {  	_ =	swait.ge [sflag:s29], $0x2000  }
0x3e: {  	[sflag:s29] =	ssyncset.done $0x0  }
0x3f: {  	[sflag:s29] =	ssyncadd.s32 $0xFFFFE000  }
0x40: {  	[spmem:s2] =	stream.indirect.scatter.add.f32 [tilespmem:s22], [sflag:$0x5], $0x80, s4, s21, $0xb8;
	[tilespmem:$0x1E800] =	vst v63  }
0x41: {  	_ =	swait.ge [sflag:s19], $0x2000  }
0x42: {  	[sflag:s19] =	ssyncset.done $0x0  }
0x43: {  	[sflag:s19] =	ssyncadd.s32 $0xFFFFE000  }
0x44: {  	_ =	swait.ge [sflag:s30], $0x2000  }
0x45: {  	[sflag:s30] =	ssyncset.done $0x0  }
0x46: {  	[sflag:s30] =	ssyncadd.s32 $0xFFFFE000  }
0x47: {  	[spmem:s2] =	stream.indirect.scatter.add.f32 [tilespmem:s24], [sflag:$0x5], $0x80, s6, s21, $0xb8;
	[tilespmem:$0x1E800] =	vst v63  }
0x48: {  	_ =	swait.ge [sflag:s19], $0x2000  }
0x49: {  	[sflag:s19] =	ssyncset.done $0x0  }
0x4a: {  	[sflag:s19] =	ssyncadd.s32 $0xFFFFE000  }
0x4b: {  	_ =	swait.ge [sflag:s31], $0x2000  }
0x4c: {  	[sflag:s31] =	ssyncset.done $0x0  }
0x4d: {  	[sflag:s31] =	ssyncadd.s32 $0xFFFFE000  }
0x4e: {  	[spmem:s2] =	stream.indirect.scatter.add.f32 [tilespmem:s26], [sflag:$0x5], $0x80, s8, s21, $0xb8;
	[tilespmem:$0x1E800] =	vst v63  }
0x4f: {  	_ =	swait.ge [sflag:s19], $0x2000  }
0x50: {  	[sflag:s19] =	ssyncset.done $0x0  }
0x51: {  	[sflag:s19] =	ssyncadd.s32 $0xFFFFE000  }
0x52: {  	_ =	swait.ge [sflag:s0], $0x2000  }
0x53: {  	[sflag:s0] =	ssyncset.done $0x0  }
0x54: {  	[sflag:s0] =	ssyncadd.s32 $0xFFFFE000  }
0x55: {  	[spmem:s2] =	stream.indirect.scatter.add.f32 [tilespmem:s28], [sflag:$0x5], $0x80, s9, s21, $0xb8;
	[tilespmem:$0x1E800] =	vst v63  }
0x56: {  	_ =	swait.ge [sflag:s19], $0x2000  }
0x57: {  	s10 =	sadd.s32 $0x1, s10;
	[sflag:s19] =	ssyncset.done $0x0  }
0x58: {  	p1 =	sne.s32 s10, s17;
	[sflag:s19] =	ssyncadd.s32 $0xFFFFE000  }
.Ltmp1:
0x59: {  	[bflag:$0x0] =	sbarrier.arrive $0xFFFF;
	(pc) =	sbr.rel @!p1 .LBB2_21-.Ltmp1, $4  }
0x5a: {  	[hbm:s16], [sflag:s7] =	dma.local [spmem:s18], $0x2800  }
0x5b: {  	_ =	swait.ge [sflag:s19], $0x2800  }
0x5c: {  	[sflag:s19] =	ssyncset.done $0x0  }
0x5d: {  	[sflag:s19] =	ssyncadd.s32 $0xFFFFD800  }
.LBB2_1:
0x5e: {  	s11 =	rddreg [dreg:$0x4]  }
0x5f: {  	[spmem:s18], [sflag:s7] =	dma.local [hbm:s11], $0x2800  }
0x60: {  	_ =	swait.ge [sflag:s19], $0x2800  }
0x61: {  	[sflag:s19] =	ssyncset.done $0x0  }
0x62: {  	[sflag:s19] =	ssyncadd.s32 $0xFFFFD800  }
0x63: {  	[bflag:$0x0] =	sbarrier.arrive $0xFFFF  }
0x64: {  	s14 =	simm.s32 $0x0;
	s12 =	rddreg [dreg:$0x5]  }
0x65: {  	[tilespmem:s14], [sflag:$0x5] =	stream.linear.gather [hbm4b:s12+s14], $0x1400, $0x38;
	[tilespmem:$0x1E800] =	vst v63  }
0x66: {  	_ =	swait.ge [sflag:s19], $0x1400  }
0x67: {  	[sflag:s19] =	ssyncset.done $0x0  }
.Ltmp2:
0x68: {  	s15 =	rddreg [dreg:$0x6];
	[sflag:s19] =	ssyncadd.s32 $0xFFFFEC00;
	(pc) =	sbr.rel @!p0 .LBB2_2-.Ltmp2, $4  }
0x69: {  	[tilespmem:s20], [sflag:$0x5] =	stream.linear.gather [hbm4b:s15+s14], $0x1400, $0x38;
	[tilespmem:$0x1E800] =	vst v63  }
0x6a: {  	_ =	swait.ge [sflag:s19], $0x1400  }
0x6b: {  	[sflag:s19] =	ssyncset.done $0x0  }
0x6c: {  	s11 =	simm.s32 $0x0;
	[sflag:s19] =	ssyncadd.s32 $0xFFFFEC00  }
0x6d: {  	[tilespmem:s22], [sflag:$0x1] =	stream.indirect.gather [hbm4b:s5+s21], $0x80, s11, s21, $0xb8;
	[tilespmem:$0x1E800] =	vst v63  }
0x6e: {  	_ = 	snop  }
0x6f: {  	[tilespmem:s24], [sflag:$0x2] =	stream.indirect.gather [hbm4b:s5+s21], $0x80, s23, s21, $0xb8;
	[tilespmem:$0x1E800] =	vst v63  }
0x70: {  	_ = 	snop  }
0x71: {  	[tilespmem:s26], [sflag:$0x3] =	stream.indirect.gather [hbm4b:s5+s21], $0x80, s25, s21, $0xb8;
	[tilespmem:$0x1E800] =	vst v63  }
0x72: {  	s12 =	simm.s32 $0x180  }
0x73: {  	[tilespmem:s28], [sflag:$0x4] =	stream.indirect.gather [hbm4b:s5+s21], $0x80, s12, s21, $0xb8;
	[tilespmem:$0x1E800] =	vst v63  }
0x74: {  	_ =	swait.ge [sflag:s29], $0x2000  }
0x75: {  	[sflag:s29] =	ssyncset.done $0x0  }
0x76: {  	s13 =	simm.s32 $0x1400;
	[sflag:s29] =	ssyncadd.s32 $0xFFFFE000  }
0x77: {  	[spmem:s2] =	stream.indirect.scatter.add.f32 [tilespmem:s22], [sflag:$0x5], $0x80, s13, s21, $0xb8;
	[tilespmem:$0x1E800] =	vst v63  }
0x78: {  	_ =	swait.ge [sflag:s19], $0x2000  }
0x79: {  	[sflag:s19] =	ssyncset.done $0x0  }
0x7a: {  	s14 =	simm.s32 $0x200;
	[sflag:s19] =	ssyncadd.s32 $0xFFFFE000  }
0x7b: {  	[tilespmem:s22], [sflag:$0x1] =	stream.indirect.gather [hbm4b:s5+s21], $0x80, s14, s21, $0xb8;
	[tilespmem:$0x1E800] =	vst v63  }
0x7c: {  	_ =	swait.ge [sflag:s30], $0x2000  }
0x7d: {  	[sflag:s30] =	ssyncset.done $0x0  }
0x7e: {  	s15 =	simm.s32 $0x1480;
	[sflag:s30] =	ssyncadd.s32 $0xFFFFE000  }
0x7f: {  	[spmem:s2] =	stream.indirect.scatter.add.f32 [tilespmem:s24], [sflag:$0x5], $0x80, s15, s21, $0xb8;
	[tilespmem:$0x1E800] =	vst v63  }
0x80: {  	_ =	swait.ge [sflag:s19], $0x2000  }
0x81: {  	[sflag:s19] =	ssyncset.done $0x0  }
0x82: {  	s12 =	simm.s32 $0x280;
	[sflag:s19] =	ssyncadd.s32 $0xFFFFE000  }
0x83: {  	[tilespmem:s24], [sflag:$0x2] =	stream.indirect.gather [hbm4b:s5+s21], $0x80, s12, s21, $0xb8;
	[tilespmem:$0x1E800] =	vst v63  }
0x84: {  	_ =	swait.ge [sflag:s31], $0x2000  }
0x85: {  	[sflag:s31] =	ssyncset.done $0x0  }
0x86: {  	s13 =	simm.s32 $0x1500;
	[sflag:s31] =	ssyncadd.s32 $0xFFFFE000  }
0x87: {  	[spmem:s2] =	stream.indirect.scatter.add.f32 [tilespmem:s26], [sflag:$0x5], $0x80, s13, s21, $0xb8;
	[tilespmem:$0x1E800] =	vst v63  }
0x88: {  	_ =	swait.ge [sflag:s19], $0x2000  }
0x89: {  	[sflag:s19] =	ssyncset.done $0x0  }
0x8a: {  	s14 =	simm.s32 $0x300;
	[sflag:s19] =	ssyncadd.s32 $0xFFFFE000  }
0x8b: {  	[tilespmem:s26], [sflag:$0x3] =	stream.indirect.gather [hbm4b:s5+s21], $0x80, s14, s21, $0xb8;
	[tilespmem:$0x1E800] =	vst v63  }
0x8c: {  	_ =	swait.ge [sflag:s0], $0x2000  }
0x8d: {  	[sflag:s0] =	ssyncset.done $0x0  }
0x8e: {  	s15 =	simm.s32 $0x1580;
	[sflag:s0] =	ssyncadd.s32 $0xFFFFE000  }
0x8f: {  	[spmem:s2] =	stream.indirect.scatter.add.f32 [tilespmem:s28], [sflag:$0x5], $0x80, s15, s21, $0xb8;
	[tilespmem:$0x1E800] =	vst v63  }
0x90: {  	_ =	swait.ge [sflag:s19], $0x2000  }
0x91: {  	s11 =	simm.s32 $0x200;
	s14 =	simm.s32 $0x1000;
	[sflag:s19] =	ssyncset.done $0x0  }
.LBB2_12:
0x92: {  	s15 =	sadd.s32 $0x180, s11  }
0x93: {  	[sflag:s19] =	ssyncadd.s32 $0xFFFFE000;
	s13 =	smov.u32 s14;
	s12 =	sadd.s32 $0x800, s14  }
0x94: {  	[tilespmem:s28], [sflag:$0x4] =	stream.indirect.gather [hbm4b:s5+s21], $0x80, s15, s21, $0xb8;
	[tilespmem:$0x1E800] =	vst v63  }
0x95: {  	p1 =	sne.s32 s14, $0x4000;
	_ =	swait.ge [sflag:s29], $0x2000  }
0x96: {  	[sflag:s29] =	ssyncset.done $0x0  }
0x97: {  	s14 =	sadd.s32 $0x1400, s11;
	[sflag:s29] =	ssyncadd.s32 $0xFFFFE000  }
0x98: {  	[spmem:s2] =	stream.indirect.scatter.add.f32 [tilespmem:s22], [sflag:$0x5], $0x80, s14, s21, $0xb8;
	[tilespmem:$0x1E800] =	vst v63  }
0x99: {  	_ =	swait.ge [sflag:s19], $0x2000  }
0x9a: {  	[sflag:s19] =	ssyncset.done $0x0  }
0x9b: {  	s14 =	sadd.s32 $0x200, s11;
	[sflag:s19] =	ssyncadd.s32 $0xFFFFE000  }
0x9c: {  	[tilespmem:s22], [sflag:$0x1] =	stream.indirect.gather [hbm4b:s5+s21], $0x80, s14, s21, $0xb8;
	[tilespmem:$0x1E800] =	vst v63  }
0x9d: {  	_ =	swait.ge [sflag:s30], $0x2000  }
0x9e: {  	[sflag:s30] =	ssyncset.done $0x0  }
0x9f: {  	s14 =	sadd.s32 $0x1480, s11;
	[sflag:s30] =	ssyncadd.s32 $0xFFFFE000  }
0xa0: {  	[spmem:s2] =	stream.indirect.scatter.add.f32 [tilespmem:s24], [sflag:$0x5], $0x80, s14, s21, $0xb8;
	[tilespmem:$0x1E800] =	vst v63  }
0xa1: {  	_ =	swait.ge [sflag:s19], $0x2000  }
0xa2: {  	[sflag:s19] =	ssyncset.done $0x0  }
0xa3: {  	s14 =	sadd.s32 $0x280, s11;
	[sflag:s19] =	ssyncadd.s32 $0xFFFFE000  }
0xa4: {  	[tilespmem:s24], [sflag:$0x2] =	stream.indirect.gather [hbm4b:s5+s21], $0x80, s14, s21, $0xb8;
	[tilespmem:$0x1E800] =	vst v63  }
0xa5: {  	_ =	swait.ge [sflag:s31], $0x2000  }
0xa6: {  	[sflag:s31] =	ssyncset.done $0x0  }
0xa7: {  	s14 =	sadd.s32 $0x1500, s11;
	[sflag:s31] =	ssyncadd.s32 $0xFFFFE000  }
0xa8: {  	[spmem:s2] =	stream.indirect.scatter.add.f32 [tilespmem:s26], [sflag:$0x5], $0x80, s14, s21, $0xb8;
	[tilespmem:$0x1E800] =	vst v63  }
0xa9: {  	_ =	swait.ge [sflag:s19], $0x2000  }
0xaa: {  	[sflag:s19] =	ssyncset.done $0x0  }
0xab: {  	s14 =	sadd.s32 $0x300, s11;
	[sflag:s19] =	ssyncadd.s32 $0xFFFFE000  }
0xac: {  	[tilespmem:s26], [sflag:$0x3] =	stream.indirect.gather [hbm4b:s5+s21], $0x80, s14, s21, $0xb8;
	[tilespmem:$0x1E800] =	vst v63  }
0xad: {  	_ =	swait.ge [sflag:s0], $0x2000  }
.Ltmp3:
0xae: {  	[sflag:s0] =	ssyncset.done $0x0;
	(pc) =	sbr.rel @p1 .LBB2_12-.Ltmp3, $4  }
0xaf: {  	s11 =	sadd.s32 $0x1580, s11;
	[sflag:s0] =	ssyncadd.s32 $0xFFFFE000  }
0xb0: {  	[spmem:s2] =	stream.indirect.scatter.add.f32 [tilespmem:s28], [sflag:$0x5], $0x80, s11, s21, $0xb8;
	[tilespmem:$0x1E800] =	vst v63  }
0xb1: {  	_ =	swait.ge [sflag:s19], $0x2000  }
0xb2: {  	s14 =	smov.u32 s12;
	s11 =	sshra.s32 s13, $0x2;
	[sflag:s19] =	ssyncset.done $0x0  }
0xb3: {  	s12 =	sadd.s32 $0x180, s11;
	[sflag:s19] =	ssyncadd.s32 $0xFFFFE000  }
0xb4: {  	[tilespmem:s28], [sflag:$0x4] =	stream.indirect.gather [hbm4b:s5+s21], $0x80, s12, s21, $0xb8;
	[tilespmem:$0x1E800] =	vst v63  }
0xb5: {  	_ =	swait.ge [sflag:s29], $0x2000  }
0xb6: {  	[sflag:s29] =	ssyncset.done $0x0  }
0xb7: {  	s13 =	sadd.s32 $0x1400, s11;
	[sflag:s29] =	ssyncadd.s32 $0xFFFFE000  }
0xb8: {  	[spmem:s2] =	stream.indirect.scatter.add.f32 [tilespmem:s22], [sflag:$0x5], $0x80, s13, s21, $0xb8;
	[tilespmem:$0x1E800] =	vst v63  }
0xb9: {  	_ =	swait.ge [sflag:s19], $0x2000  }
0xba: {  	[sflag:s19] =	ssyncset.done $0x0  }
0xbb: {  	s14 =	sadd.s32 $0x200, s11;
	[sflag:s19] =	ssyncadd.s32 $0xFFFFE000  }
0xbc: {  	[tilespmem:s22], [sflag:$0x1] =	stream.indirect.gather [hbm4b:s5+s21], $0x80, s14, s21, $0xb8;
	[tilespmem:$0x1E800] =	vst v63  }
0xbd: {  	_ =	swait.ge [sflag:s30], $0x2000  }
0xbe: {  	[sflag:s30] =	ssyncset.done $0x0  }
0xbf: {  	s15 =	sadd.s32 $0x1480, s11;
	[sflag:s30] =	ssyncadd.s32 $0xFFFFE000  }
0xc0: {  	[spmem:s2] =	stream.indirect.scatter.add.f32 [tilespmem:s24], [sflag:$0x5], $0x80, s15, s21, $0xb8;
	[tilespmem:$0x1E800] =	vst v63  }
0xc1: {  	_ =	swait.ge [sflag:s19], $0x2000  }
0xc2: {  	[sflag:s19] =	ssyncset.done $0x0  }
0xc3: {  	s13 =	sadd.s32 $0x280, s11;
	[sflag:s19] =	ssyncadd.s32 $0xFFFFE000  }
0xc4: {  	[tilespmem:s24], [sflag:$0x2] =	stream.indirect.gather [hbm4b:s5+s21], $0x80, s13, s21, $0xb8;
	[tilespmem:$0x1E800] =	vst v63  }
0xc5: {  	_ =	swait.ge [sflag:s31], $0x2000  }
0xc6: {  	[sflag:s31] =	ssyncset.done $0x0  }
0xc7: {  	s14 =	sadd.s32 $0x1500, s11;
	[sflag:s31] =	ssyncadd.s32 $0xFFFFE000  }
0xc8: {  	[spmem:s2] =	stream.indirect.scatter.add.f32 [tilespmem:s26], [sflag:$0x5], $0x80, s14, s21, $0xb8;
	[tilespmem:$0x1E800] =	vst v63  }
0xc9: {  	_ =	swait.ge [sflag:s19], $0x2000  }
0xca: {  	[sflag:s19] =	ssyncset.done $0x0  }
0xcb: {  	s15 =	sadd.s32 $0x300, s11;
	[sflag:s19] =	ssyncadd.s32 $0xFFFFE000  }
0xcc: {  	[tilespmem:s26], [sflag:$0x3] =	stream.indirect.gather [hbm4b:s5+s21], $0x80, s15, s21, $0xb8;
	[tilespmem:$0x1E800] =	vst v63  }
0xcd: {  	_ =	swait.ge [sflag:s0], $0x2000  }
0xce: {  	[sflag:s0] =	ssyncset.done $0x0  }
0xcf: {  	s12 =	sadd.s32 $0x1580, s11;
	[sflag:s0] =	ssyncadd.s32 $0xFFFFE000  }
0xd0: {  	[spmem:s2] =	stream.indirect.scatter.add.f32 [tilespmem:s28], [sflag:$0x5], $0x80, s12, s21, $0xb8;
	[tilespmem:$0x1E800] =	vst v63  }
0xd1: {  	_ =	swait.ge [sflag:s19], $0x2000  }
0xd2: {  	[sflag:s19] =	ssyncset.done $0x0  }
0xd3: {  	[sflag:s19] =	ssyncadd.s32 $0xFFFFE000  }
0xd4: {  	[tilespmem:s28], [sflag:$0x4] =	stream.indirect.gather [hbm4b:s5+s21], $0x80, s3, s21, $0xb8;
	[tilespmem:$0x1E800] =	vst v63  }
0xd5: {  	_ =	swait.ge [sflag:s29], $0x2000  }
0xd6: {  	[sflag:s29] =	ssyncset.done $0x0  }
0xd7: {  	[sflag:s29] =	ssyncadd.s32 $0xFFFFE000  }
0xd8: {  	[spmem:s2] =	stream.indirect.scatter.add.f32 [tilespmem:s22], [sflag:$0x5], $0x80, s4, s21, $0xb8;
	[tilespmem:$0x1E800] =	vst v63  }
0xd9: {  	_ =	swait.ge [sflag:s19], $0x2000  }
0xda: {  	[sflag:s19] =	ssyncset.done $0x0  }
0xdb: {  	[sflag:s19] =	ssyncadd.s32 $0xFFFFE000  }
0xdc: {  	_ =	swait.ge [sflag:s30], $0x2000  }
0xdd: {  	[sflag:s30] =	ssyncset.done $0x0  }
0xde: {  	[sflag:s30] =	ssyncadd.s32 $0xFFFFE000  }
0xdf: {  	[spmem:s2] =	stream.indirect.scatter.add.f32 [tilespmem:s24], [sflag:$0x5], $0x80, s6, s21, $0xb8;
	[tilespmem:$0x1E800] =	vst v63  }
0xe0: {  	_ =	swait.ge [sflag:s19], $0x2000  }
0xe1: {  	[sflag:s19] =	ssyncset.done $0x0  }
0xe2: {  	[sflag:s19] =	ssyncadd.s32 $0xFFFFE000  }
0xe3: {  	_ =	swait.ge [sflag:s31], $0x2000  }
0xe4: {  	[sflag:s31] =	ssyncset.done $0x0  }
0xe5: {  	[sflag:s31] =	ssyncadd.s32 $0xFFFFE000  }
0xe6: {  	[spmem:s2] =	stream.indirect.scatter.add.f32 [tilespmem:s26], [sflag:$0x5], $0x80, s8, s21, $0xb8;
	[tilespmem:$0x1E800] =	vst v63  }
0xe7: {  	_ =	swait.ge [sflag:s19], $0x2000  }
0xe8: {  	[sflag:s19] =	ssyncset.done $0x0  }
0xe9: {  	[sflag:s19] =	ssyncadd.s32 $0xFFFFE000  }
0xea: {  	_ =	swait.ge [sflag:s0], $0x2000  }
0xeb: {  	[sflag:s0] =	ssyncset.done $0x0  }
0xec: {  	[sflag:s0] =	ssyncadd.s32 $0xFFFFE000  }
0xed: {  	[spmem:s2] =	stream.indirect.scatter.add.f32 [tilespmem:s28], [sflag:$0x5], $0x80, s9, s21, $0xb8;
	[tilespmem:$0x1E800] =	vst v63  }
0xee: {  	_ =	swait.ge [sflag:s19], $0x2000  }
0xef: {  	[sflag:s19] =	ssyncset.done $0x0  }
0xf0: {  	s13 =	simm.s32 $0x0;
	s14 =	rddreg [dreg:$0x7];
	[sflag:s19] =	ssyncadd.s32 $0xFFFFE000  }
0xf1: {  	[tilespmem:s13], [sflag:$0x5] =	stream.linear.gather [hbm4b:s14+s13], $0x1400, $0x38;
	[tilespmem:$0x1E800] =	vst v63  }
0xf2: {  	_ =	swait.ge [sflag:s19], $0x1400  }
0xf3: {  	[sflag:s19] =	ssyncset.done $0x0  }
0xf4: {  	s15 =	rddreg [dreg:$0x8];
	[sflag:s19] =	ssyncadd.s32 $0xFFFFEC00  }
0xf5: {  	[tilespmem:s20], [sflag:$0x5] =	stream.linear.gather [hbm4b:s15+s13], $0x1400, $0x38;
	[tilespmem:$0x1E800] =	vst v63  }
0xf6: {  	_ =	swait.ge [sflag:s19], $0x1400  }
0xf7: {  	[sflag:s19] =	ssyncset.done $0x0  }
0xf8: {  	[sflag:s19] =	ssyncadd.s32 $0xFFFFEC00  }
0xf9: {  	[tilespmem:s22], [sflag:$0x1] =	stream.indirect.gather [hbm4b:s5+s21], $0x80, s13, s21, $0xb8;
	[tilespmem:$0x1E800] =	vst v63  }
0xfa: {  	_ = 	snop  }
0xfb: {  	[tilespmem:s24], [sflag:$0x2] =	stream.indirect.gather [hbm4b:s5+s21], $0x80, s23, s21, $0xb8;
	[tilespmem:$0x1E800] =	vst v63  }
0xfc: {  	_ = 	snop  }
0xfd: {  	[tilespmem:s26], [sflag:$0x3] =	stream.indirect.gather [hbm4b:s5+s21], $0x80, s25, s21, $0xb8;
	[tilespmem:$0x1E800] =	vst v63  }
0xfe: {  	s12 =	simm.s32 $0x180  }
0xff: {  	[tilespmem:s28], [sflag:$0x4] =	stream.indirect.gather [hbm4b:s5+s21], $0x80, s12, s21, $0xb8;
	[tilespmem:$0x1E800] =	vst v63  }
0x100: {  	_ =	swait.ge [sflag:s29], $0x2000  }
0x101: {  	[sflag:s29] =	ssyncset.done $0x0  }
0x102: {  	s13 =	simm.s32 $0x1400;
	[sflag:s29] =	ssyncadd.s32 $0xFFFFE000  }
0x103: {  	[spmem:s2] =	stream.indirect.scatter.add.f32 [tilespmem:s22], [sflag:$0x5], $0x80, s13, s21, $0xb8;
	[tilespmem:$0x1E800] =	vst v63  }
0x104: {  	_ =	swait.ge [sflag:s19], $0x2000  }
0x105: {  	[sflag:s19] =	ssyncset.done $0x0  }
0x106: {  	s14 =	simm.s32 $0x200;
	[sflag:s19] =	ssyncadd.s32 $0xFFFFE000  }
0x107: {  	[tilespmem:s22], [sflag:$0x1] =	stream.indirect.gather [hbm4b:s5+s21], $0x80, s14, s21, $0xb8;
	[tilespmem:$0x1E800] =	vst v63  }
0x108: {  	_ =	swait.ge [sflag:s30], $0x2000  }
0x109: {  	[sflag:s30] =	ssyncset.done $0x0  }
0x10a: {  	s15 =	simm.s32 $0x1480;
	[sflag:s30] =	ssyncadd.s32 $0xFFFFE000  }
0x10b: {  	[spmem:s2] =	stream.indirect.scatter.add.f32 [tilespmem:s24], [sflag:$0x5], $0x80, s15, s21, $0xb8;
	[tilespmem:$0x1E800] =	vst v63  }
0x10c: {  	_ =	swait.ge [sflag:s19], $0x2000  }
0x10d: {  	[sflag:s19] =	ssyncset.done $0x0  }
0x10e: {  	s12 =	simm.s32 $0x280;
	[sflag:s19] =	ssyncadd.s32 $0xFFFFE000  }
0x10f: {  	[tilespmem:s24], [sflag:$0x2] =	stream.indirect.gather [hbm4b:s5+s21], $0x80, s12, s21, $0xb8;
	[tilespmem:$0x1E800] =	vst v63  }
0x110: {  	_ =	swait.ge [sflag:s31], $0x2000  }
0x111: {  	[sflag:s31] =	ssyncset.done $0x0  }
0x112: {  	s13 =	simm.s32 $0x1500;
	[sflag:s31] =	ssyncadd.s32 $0xFFFFE000  }
0x113: {  	[spmem:s2] =	stream.indirect.scatter.add.f32 [tilespmem:s26], [sflag:$0x5], $0x80, s13, s21, $0xb8;
	[tilespmem:$0x1E800] =	vst v63  }
0x114: {  	_ =	swait.ge [sflag:s19], $0x2000  }
0x115: {  	[sflag:s19] =	ssyncset.done $0x0  }
0x116: {  	s14 =	simm.s32 $0x300;
	[sflag:s19] =	ssyncadd.s32 $0xFFFFE000  }
0x117: {  	[tilespmem:s26], [sflag:$0x3] =	stream.indirect.gather [hbm4b:s5+s21], $0x80, s14, s21, $0xb8;
	[tilespmem:$0x1E800] =	vst v63  }
0x118: {  	_ =	swait.ge [sflag:s0], $0x2000  }
0x119: {  	[sflag:s0] =	ssyncset.done $0x0  }
0x11a: {  	s15 =	simm.s32 $0x1580;
	[sflag:s0] =	ssyncadd.s32 $0xFFFFE000  }
0x11b: {  	[spmem:s2] =	stream.indirect.scatter.add.f32 [tilespmem:s28], [sflag:$0x5], $0x80, s15, s21, $0xb8;
	[tilespmem:$0x1E800] =	vst v63  }
0x11c: {  	_ =	swait.ge [sflag:s19], $0x2000  }
0x11d: {  	s11 =	simm.s32 $0x200;
	s14 =	simm.s32 $0x1000;
	[sflag:s19] =	ssyncset.done $0x0  }
.LBB2_14:
0x11e: {  	s15 =	sadd.s32 $0x180, s11  }
0x11f: {  	[sflag:s19] =	ssyncadd.s32 $0xFFFFE000;
	s13 =	smov.u32 s14;
	s12 =	sadd.s32 $0x800, s14  }
0x120: {  	[tilespmem:s28], [sflag:$0x4] =	stream.indirect.gather [hbm4b:s5+s21], $0x80, s15, s21, $0xb8;
	[tilespmem:$0x1E800] =	vst v63  }
0x121: {  	p1 =	sne.s32 s14, $0x4000;
	_ =	swait.ge [sflag:s29], $0x2000  }
0x122: {  	[sflag:s29] =	ssyncset.done $0x0  }
0x123: {  	s14 =	sadd.s32 $0x1400, s11;
	[sflag:s29] =	ssyncadd.s32 $0xFFFFE000  }
0x124: {  	[spmem:s2] =	stream.indirect.scatter.add.f32 [tilespmem:s22], [sflag:$0x5], $0x80, s14, s21, $0xb8;
	[tilespmem:$0x1E800] =	vst v63  }
0x125: {  	_ =	swait.ge [sflag:s19], $0x2000  }
0x126: {  	[sflag:s19] =	ssyncset.done $0x0  }
0x127: {  	s14 =	sadd.s32 $0x200, s11;
	[sflag:s19] =	ssyncadd.s32 $0xFFFFE000  }
0x128: {  	[tilespmem:s22], [sflag:$0x1] =	stream.indirect.gather [hbm4b:s5+s21], $0x80, s14, s21, $0xb8;
	[tilespmem:$0x1E800] =	vst v63  }
0x129: {  	_ =	swait.ge [sflag:s30], $0x2000  }
0x12a: {  	[sflag:s30] =	ssyncset.done $0x0  }
0x12b: {  	s14 =	sadd.s32 $0x1480, s11;
	[sflag:s30] =	ssyncadd.s32 $0xFFFFE000  }
0x12c: {  	[spmem:s2] =	stream.indirect.scatter.add.f32 [tilespmem:s24], [sflag:$0x5], $0x80, s14, s21, $0xb8;
	[tilespmem:$0x1E800] =	vst v63  }
0x12d: {  	_ =	swait.ge [sflag:s19], $0x2000  }
0x12e: {  	[sflag:s19] =	ssyncset.done $0x0  }
0x12f: {  	s14 =	sadd.s32 $0x280, s11;
	[sflag:s19] =	ssyncadd.s32 $0xFFFFE000  }
0x130: {  	[tilespmem:s24], [sflag:$0x2] =	stream.indirect.gather [hbm4b:s5+s21], $0x80, s14, s21, $0xb8;
	[tilespmem:$0x1E800] =	vst v63  }
0x131: {  	_ =	swait.ge [sflag:s31], $0x2000  }
0x132: {  	[sflag:s31] =	ssyncset.done $0x0  }
0x133: {  	s14 =	sadd.s32 $0x1500, s11;
	[sflag:s31] =	ssyncadd.s32 $0xFFFFE000  }
0x134: {  	[spmem:s2] =	stream.indirect.scatter.add.f32 [tilespmem:s26], [sflag:$0x5], $0x80, s14, s21, $0xb8;
	[tilespmem:$0x1E800] =	vst v63  }
0x135: {  	_ =	swait.ge [sflag:s19], $0x2000  }
0x136: {  	[sflag:s19] =	ssyncset.done $0x0  }
0x137: {  	s14 =	sadd.s32 $0x300, s11;
	[sflag:s19] =	ssyncadd.s32 $0xFFFFE000  }
0x138: {  	[tilespmem:s26], [sflag:$0x3] =	stream.indirect.gather [hbm4b:s5+s21], $0x80, s14, s21, $0xb8;
	[tilespmem:$0x1E800] =	vst v63  }
0x139: {  	_ =	swait.ge [sflag:s0], $0x2000  }
.Ltmp4:
0x13a: {  	[sflag:s0] =	ssyncset.done $0x0;
	(pc) =	sbr.rel @p1 .LBB2_14-.Ltmp4, $4  }
0x13b: {  	s11 =	sadd.s32 $0x1580, s11;
	[sflag:s0] =	ssyncadd.s32 $0xFFFFE000  }
0x13c: {  	[spmem:s2] =	stream.indirect.scatter.add.f32 [tilespmem:s28], [sflag:$0x5], $0x80, s11, s21, $0xb8;
	[tilespmem:$0x1E800] =	vst v63  }
0x13d: {  	_ =	swait.ge [sflag:s19], $0x2000  }
0x13e: {  	s14 =	smov.u32 s12;
	s11 =	sshra.s32 s13, $0x2;
	[sflag:s19] =	ssyncset.done $0x0  }
0x13f: {  	s12 =	sadd.s32 $0x180, s11;
	[sflag:s19] =	ssyncadd.s32 $0xFFFFE000  }
0x140: {  	[tilespmem:s28], [sflag:$0x4] =	stream.indirect.gather [hbm4b:s5+s21], $0x80, s12, s21, $0xb8;
	[tilespmem:$0x1E800] =	vst v63  }
0x141: {  	_ =	swait.ge [sflag:s29], $0x2000  }
0x142: {  	[sflag:s29] =	ssyncset.done $0x0  }
0x143: {  	s13 =	sadd.s32 $0x1400, s11;
	[sflag:s29] =	ssyncadd.s32 $0xFFFFE000  }
0x144: {  	[spmem:s2] =	stream.indirect.scatter.add.f32 [tilespmem:s22], [sflag:$0x5], $0x80, s13, s21, $0xb8;
	[tilespmem:$0x1E800] =	vst v63  }
0x145: {  	_ =	swait.ge [sflag:s19], $0x2000  }
0x146: {  	[sflag:s19] =	ssyncset.done $0x0  }
0x147: {  	s14 =	sadd.s32 $0x200, s11;
	[sflag:s19] =	ssyncadd.s32 $0xFFFFE000  }
0x148: {  	[tilespmem:s22], [sflag:$0x1] =	stream.indirect.gather [hbm4b:s5+s21], $0x80, s14, s21, $0xb8;
	[tilespmem:$0x1E800] =	vst v63  }
0x149: {  	_ =	swait.ge [sflag:s30], $0x2000  }
0x14a: {  	[sflag:s30] =	ssyncset.done $0x0  }
0x14b: {  	s15 =	sadd.s32 $0x1480, s11;
	[sflag:s30] =	ssyncadd.s32 $0xFFFFE000  }
0x14c: {  	[spmem:s2] =	stream.indirect.scatter.add.f32 [tilespmem:s24], [sflag:$0x5], $0x80, s15, s21, $0xb8;
	[tilespmem:$0x1E800] =	vst v63  }
0x14d: {  	_ =	swait.ge [sflag:s19], $0x2000  }
0x14e: {  	[sflag:s19] =	ssyncset.done $0x0  }
0x14f: {  	s13 =	sadd.s32 $0x280, s11;
	[sflag:s19] =	ssyncadd.s32 $0xFFFFE000  }
0x150: {  	[tilespmem:s24], [sflag:$0x2] =	stream.indirect.gather [hbm4b:s5+s21], $0x80, s13, s21, $0xb8;
	[tilespmem:$0x1E800] =	vst v63  }
0x151: {  	_ =	swait.ge [sflag:s31], $0x2000  }
0x152: {  	[sflag:s31] =	ssyncset.done $0x0  }
0x153: {  	s14 =	sadd.s32 $0x1500, s11;
	[sflag:s31] =	ssyncadd.s32 $0xFFFFE000  }
0x154: {  	[spmem:s2] =	stream.indirect.scatter.add.f32 [tilespmem:s26], [sflag:$0x5], $0x80, s14, s21, $0xb8;
	[tilespmem:$0x1E800] =	vst v63  }
0x155: {  	_ =	swait.ge [sflag:s19], $0x2000  }
0x156: {  	[sflag:s19] =	ssyncset.done $0x0  }
0x157: {  	s15 =	sadd.s32 $0x300, s11;
	[sflag:s19] =	ssyncadd.s32 $0xFFFFE000  }
0x158: {  	[tilespmem:s26], [sflag:$0x3] =	stream.indirect.gather [hbm4b:s5+s21], $0x80, s15, s21, $0xb8;
	[tilespmem:$0x1E800] =	vst v63  }
0x159: {  	_ =	swait.ge [sflag:s0], $0x2000  }
0x15a: {  	[sflag:s0] =	ssyncset.done $0x0  }
0x15b: {  	s12 =	sadd.s32 $0x1580, s11;
	[sflag:s0] =	ssyncadd.s32 $0xFFFFE000  }
0x15c: {  	[spmem:s2] =	stream.indirect.scatter.add.f32 [tilespmem:s28], [sflag:$0x5], $0x80, s12, s21, $0xb8;
	[tilespmem:$0x1E800] =	vst v63  }
0x15d: {  	_ =	swait.ge [sflag:s19], $0x2000  }
0x15e: {  	[sflag:s19] =	ssyncset.done $0x0  }
0x15f: {  	[sflag:s19] =	ssyncadd.s32 $0xFFFFE000  }
0x160: {  	[tilespmem:s28], [sflag:$0x4] =	stream.indirect.gather [hbm4b:s5+s21], $0x80, s3, s21, $0xb8;
	[tilespmem:$0x1E800] =	vst v63  }
0x161: {  	_ =	swait.ge [sflag:s29], $0x2000  }
0x162: {  	[sflag:s29] =	ssyncset.done $0x0  }
0x163: {  	[sflag:s29] =	ssyncadd.s32 $0xFFFFE000  }
0x164: {  	[spmem:s2] =	stream.indirect.scatter.add.f32 [tilespmem:s22], [sflag:$0x5], $0x80, s4, s21, $0xb8;
	[tilespmem:$0x1E800] =	vst v63  }
0x165: {  	_ =	swait.ge [sflag:s19], $0x2000  }
0x166: {  	[sflag:s19] =	ssyncset.done $0x0  }
0x167: {  	[sflag:s19] =	ssyncadd.s32 $0xFFFFE000  }
0x168: {  	_ =	swait.ge [sflag:s30], $0x2000  }
0x169: {  	[sflag:s30] =	ssyncset.done $0x0  }
0x16a: {  	[sflag:s30] =	ssyncadd.s32 $0xFFFFE000  }
0x16b: {  	[spmem:s2] =	stream.indirect.scatter.add.f32 [tilespmem:s24], [sflag:$0x5], $0x80, s6, s21, $0xb8;
	[tilespmem:$0x1E800] =	vst v63  }
0x16c: {  	_ =	swait.ge [sflag:s19], $0x2000  }
0x16d: {  	[sflag:s19] =	ssyncset.done $0x0  }
0x16e: {  	[sflag:s19] =	ssyncadd.s32 $0xFFFFE000  }
0x16f: {  	_ =	swait.ge [sflag:s31], $0x2000  }
0x170: {  	[sflag:s31] =	ssyncset.done $0x0  }
0x171: {  	[sflag:s31] =	ssyncadd.s32 $0xFFFFE000  }
0x172: {  	[spmem:s2] =	stream.indirect.scatter.add.f32 [tilespmem:s26], [sflag:$0x5], $0x80, s8, s21, $0xb8;
	[tilespmem:$0x1E800] =	vst v63  }
0x173: {  	_ =	swait.ge [sflag:s19], $0x2000  }
0x174: {  	[sflag:s19] =	ssyncset.done $0x0  }
0x175: {  	[sflag:s19] =	ssyncadd.s32 $0xFFFFE000  }
0x176: {  	_ =	swait.ge [sflag:s0], $0x2000  }
0x177: {  	[sflag:s0] =	ssyncset.done $0x0  }
0x178: {  	[sflag:s0] =	ssyncadd.s32 $0xFFFFE000  }
0x179: {  	[spmem:s2] =	stream.indirect.scatter.add.f32 [tilespmem:s28], [sflag:$0x5], $0x80, s9, s21, $0xb8;
	[tilespmem:$0x1E800] =	vst v63  }
0x17a: {  	_ =	swait.ge [sflag:s19], $0x2000  }
0x17b: {  	[sflag:s19] =	ssyncset.done $0x0  }
0x17c: {  	s13 =	simm.s32 $0x0;
	s14 =	rddreg [dreg:$0x9];
	[sflag:s19] =	ssyncadd.s32 $0xFFFFE000  }
0x17d: {  	[tilespmem:s13], [sflag:$0x5] =	stream.linear.gather [hbm4b:s14+s13], $0x1400, $0x38;
	[tilespmem:$0x1E800] =	vst v63  }
0x17e: {  	_ =	swait.ge [sflag:s19], $0x1400  }
0x17f: {  	[sflag:s19] =	ssyncset.done $0x0  }
0x180: {  	s15 =	rddreg [dreg:$0xa];
	[sflag:s19] =	ssyncadd.s32 $0xFFFFEC00  }
0x181: {  	[tilespmem:s20], [sflag:$0x5] =	stream.linear.gather [hbm4b:s15+s13], $0x1400, $0x38;
	[tilespmem:$0x1E800] =	vst v63  }
0x182: {  	_ =	swait.ge [sflag:s19], $0x1400  }
0x183: {  	[sflag:s19] =	ssyncset.done $0x0  }
0x184: {  	[sflag:s19] =	ssyncadd.s32 $0xFFFFEC00  }
0x185: {  	[tilespmem:s22], [sflag:$0x1] =	stream.indirect.gather [hbm4b:s5+s21], $0x80, s13, s21, $0xb8;
	[tilespmem:$0x1E800] =	vst v63  }
0x186: {  	_ = 	snop  }
0x187: {  	[tilespmem:s24], [sflag:$0x2] =	stream.indirect.gather [hbm4b:s5+s21], $0x80, s23, s21, $0xb8;
	[tilespmem:$0x1E800] =	vst v63  }
0x188: {  	_ = 	snop  }
0x189: {  	[tilespmem:s26], [sflag:$0x3] =	stream.indirect.gather [hbm4b:s5+s21], $0x80, s25, s21, $0xb8;
	[tilespmem:$0x1E800] =	vst v63  }
0x18a: {  	s12 =	simm.s32 $0x180  }
0x18b: {  	[tilespmem:s28], [sflag:$0x4] =	stream.indirect.gather [hbm4b:s5+s21], $0x80, s12, s21, $0xb8;
	[tilespmem:$0x1E800] =	vst v63  }
0x18c: {  	_ =	swait.ge [sflag:s29], $0x2000  }
0x18d: {  	[sflag:s29] =	ssyncset.done $0x0  }
0x18e: {  	s13 =	simm.s32 $0x1400;
	[sflag:s29] =	ssyncadd.s32 $0xFFFFE000  }
0x18f: {  	[spmem:s2] =	stream.indirect.scatter.add.f32 [tilespmem:s22], [sflag:$0x5], $0x80, s13, s21, $0xb8;
	[tilespmem:$0x1E800] =	vst v63  }
0x190: {  	_ =	swait.ge [sflag:s19], $0x2000  }
0x191: {  	[sflag:s19] =	ssyncset.done $0x0  }
0x192: {  	s14 =	simm.s32 $0x200;
	[sflag:s19] =	ssyncadd.s32 $0xFFFFE000  }
0x193: {  	[tilespmem:s22], [sflag:$0x1] =	stream.indirect.gather [hbm4b:s5+s21], $0x80, s14, s21, $0xb8;
	[tilespmem:$0x1E800] =	vst v63  }
0x194: {  	_ =	swait.ge [sflag:s30], $0x2000  }
0x195: {  	[sflag:s30] =	ssyncset.done $0x0  }
0x196: {  	s15 =	simm.s32 $0x1480;
	[sflag:s30] =	ssyncadd.s32 $0xFFFFE000  }
0x197: {  	[spmem:s2] =	stream.indirect.scatter.add.f32 [tilespmem:s24], [sflag:$0x5], $0x80, s15, s21, $0xb8;
	[tilespmem:$0x1E800] =	vst v63  }
0x198: {  	_ =	swait.ge [sflag:s19], $0x2000  }
0x199: {  	[sflag:s19] =	ssyncset.done $0x0  }
0x19a: {  	s12 =	simm.s32 $0x280;
	[sflag:s19] =	ssyncadd.s32 $0xFFFFE000  }
0x19b: {  	[tilespmem:s24], [sflag:$0x2] =	stream.indirect.gather [hbm4b:s5+s21], $0x80, s12, s21, $0xb8;
	[tilespmem:$0x1E800] =	vst v63  }
0x19c: {  	_ =	swait.ge [sflag:s31], $0x2000  }
0x19d: {  	[sflag:s31] =	ssyncset.done $0x0  }
0x19e: {  	s13 =	simm.s32 $0x1500;
	[sflag:s31] =	ssyncadd.s32 $0xFFFFE000  }
0x19f: {  	[spmem:s2] =	stream.indirect.scatter.add.f32 [tilespmem:s26], [sflag:$0x5], $0x80, s13, s21, $0xb8;
	[tilespmem:$0x1E800] =	vst v63  }
0x1a0: {  	_ =	swait.ge [sflag:s19], $0x2000  }
0x1a1: {  	[sflag:s19] =	ssyncset.done $0x0  }
0x1a2: {  	s14 =	simm.s32 $0x300;
	[sflag:s19] =	ssyncadd.s32 $0xFFFFE000  }
0x1a3: {  	[tilespmem:s26], [sflag:$0x3] =	stream.indirect.gather [hbm4b:s5+s21], $0x80, s14, s21, $0xb8;
	[tilespmem:$0x1E800] =	vst v63  }
0x1a4: {  	_ =	swait.ge [sflag:s0], $0x2000  }
0x1a5: {  	[sflag:s0] =	ssyncset.done $0x0  }
0x1a6: {  	s15 =	simm.s32 $0x1580;
	[sflag:s0] =	ssyncadd.s32 $0xFFFFE000  }
0x1a7: {  	[spmem:s2] =	stream.indirect.scatter.add.f32 [tilespmem:s28], [sflag:$0x5], $0x80, s15, s21, $0xb8;
	[tilespmem:$0x1E800] =	vst v63  }
0x1a8: {  	_ =	swait.ge [sflag:s19], $0x2000  }
0x1a9: {  	s11 =	simm.s32 $0x200;
	s14 =	simm.s32 $0x1000;
	[sflag:s19] =	ssyncset.done $0x0  }
.LBB2_16:
0x1aa: {  	s15 =	sadd.s32 $0x180, s11  }
0x1ab: {  	[sflag:s19] =	ssyncadd.s32 $0xFFFFE000;
	s13 =	smov.u32 s14;
	s12 =	sadd.s32 $0x800, s14  }
0x1ac: {  	[tilespmem:s28], [sflag:$0x4] =	stream.indirect.gather [hbm4b:s5+s21], $0x80, s15, s21, $0xb8;
	[tilespmem:$0x1E800] =	vst v63  }
0x1ad: {  	p1 =	sne.s32 s14, $0x4000;
	_ =	swait.ge [sflag:s29], $0x2000  }
0x1ae: {  	[sflag:s29] =	ssyncset.done $0x0  }
0x1af: {  	s14 =	sadd.s32 $0x1400, s11;
	[sflag:s29] =	ssyncadd.s32 $0xFFFFE000  }
0x1b0: {  	[spmem:s2] =	stream.indirect.scatter.add.f32 [tilespmem:s22], [sflag:$0x5], $0x80, s14, s21, $0xb8;
	[tilespmem:$0x1E800] =	vst v63  }
0x1b1: {  	_ =	swait.ge [sflag:s19], $0x2000  }
0x1b2: {  	[sflag:s19] =	ssyncset.done $0x0  }
0x1b3: {  	s14 =	sadd.s32 $0x200, s11;
	[sflag:s19] =	ssyncadd.s32 $0xFFFFE000  }
0x1b4: {  	[tilespmem:s22], [sflag:$0x1] =	stream.indirect.gather [hbm4b:s5+s21], $0x80, s14, s21, $0xb8;
	[tilespmem:$0x1E800] =	vst v63  }
0x1b5: {  	_ =	swait.ge [sflag:s30], $0x2000  }
0x1b6: {  	[sflag:s30] =	ssyncset.done $0x0  }
0x1b7: {  	s14 =	sadd.s32 $0x1480, s11;
	[sflag:s30] =	ssyncadd.s32 $0xFFFFE000  }
0x1b8: {  	[spmem:s2] =	stream.indirect.scatter.add.f32 [tilespmem:s24], [sflag:$0x5], $0x80, s14, s21, $0xb8;
	[tilespmem:$0x1E800] =	vst v63  }
0x1b9: {  	_ =	swait.ge [sflag:s19], $0x2000  }
0x1ba: {  	[sflag:s19] =	ssyncset.done $0x0  }
0x1bb: {  	s14 =	sadd.s32 $0x280, s11;
	[sflag:s19] =	ssyncadd.s32 $0xFFFFE000  }
0x1bc: {  	[tilespmem:s24], [sflag:$0x2] =	stream.indirect.gather [hbm4b:s5+s21], $0x80, s14, s21, $0xb8;
	[tilespmem:$0x1E800] =	vst v63  }
0x1bd: {  	_ =	swait.ge [sflag:s31], $0x2000  }
0x1be: {  	[sflag:s31] =	ssyncset.done $0x0  }
0x1bf: {  	s14 =	sadd.s32 $0x1500, s11;
	[sflag:s31] =	ssyncadd.s32 $0xFFFFE000  }
0x1c0: {  	[spmem:s2] =	stream.indirect.scatter.add.f32 [tilespmem:s26], [sflag:$0x5], $0x80, s14, s21, $0xb8;
	[tilespmem:$0x1E800] =	vst v63  }
0x1c1: {  	_ =	swait.ge [sflag:s19], $0x2000  }
0x1c2: {  	[sflag:s19] =	ssyncset.done $0x0  }
0x1c3: {  	s14 =	sadd.s32 $0x300, s11;
	[sflag:s19] =	ssyncadd.s32 $0xFFFFE000  }
0x1c4: {  	[tilespmem:s26], [sflag:$0x3] =	stream.indirect.gather [hbm4b:s5+s21], $0x80, s14, s21, $0xb8;
	[tilespmem:$0x1E800] =	vst v63  }
0x1c5: {  	_ =	swait.ge [sflag:s0], $0x2000  }
.Ltmp5:
0x1c6: {  	[sflag:s0] =	ssyncset.done $0x0;
	(pc) =	sbr.rel @p1 .LBB2_16-.Ltmp5, $4  }
0x1c7: {  	s11 =	sadd.s32 $0x1580, s11;
	[sflag:s0] =	ssyncadd.s32 $0xFFFFE000  }
0x1c8: {  	[spmem:s2] =	stream.indirect.scatter.add.f32 [tilespmem:s28], [sflag:$0x5], $0x80, s11, s21, $0xb8;
	[tilespmem:$0x1E800] =	vst v63  }
0x1c9: {  	_ =	swait.ge [sflag:s19], $0x2000  }
0x1ca: {  	s14 =	smov.u32 s12;
	s11 =	sshra.s32 s13, $0x2;
	[sflag:s19] =	ssyncset.done $0x0  }
0x1cb: {  	s12 =	sadd.s32 $0x180, s11;
	[sflag:s19] =	ssyncadd.s32 $0xFFFFE000  }
0x1cc: {  	[tilespmem:s28], [sflag:$0x4] =	stream.indirect.gather [hbm4b:s5+s21], $0x80, s12, s21, $0xb8;
	[tilespmem:$0x1E800] =	vst v63  }
0x1cd: {  	_ =	swait.ge [sflag:s29], $0x2000  }
0x1ce: {  	[sflag:s29] =	ssyncset.done $0x0  }
0x1cf: {  	s13 =	sadd.s32 $0x1400, s11;
	[sflag:s29] =	ssyncadd.s32 $0xFFFFE000  }
0x1d0: {  	[spmem:s2] =	stream.indirect.scatter.add.f32 [tilespmem:s22], [sflag:$0x5], $0x80, s13, s21, $0xb8;
	[tilespmem:$0x1E800] =	vst v63  }
0x1d1: {  	_ =	swait.ge [sflag:s19], $0x2000  }
0x1d2: {  	[sflag:s19] =	ssyncset.done $0x0  }
0x1d3: {  	s14 =	sadd.s32 $0x200, s11;
	[sflag:s19] =	ssyncadd.s32 $0xFFFFE000  }
0x1d4: {  	[tilespmem:s22], [sflag:$0x1] =	stream.indirect.gather [hbm4b:s5+s21], $0x80, s14, s21, $0xb8;
	[tilespmem:$0x1E800] =	vst v63  }
0x1d5: {  	_ =	swait.ge [sflag:s30], $0x2000  }
0x1d6: {  	[sflag:s30] =	ssyncset.done $0x0  }
0x1d7: {  	s15 =	sadd.s32 $0x1480, s11;
	[sflag:s30] =	ssyncadd.s32 $0xFFFFE000  }
0x1d8: {  	[spmem:s2] =	stream.indirect.scatter.add.f32 [tilespmem:s24], [sflag:$0x5], $0x80, s15, s21, $0xb8;
	[tilespmem:$0x1E800] =	vst v63  }
0x1d9: {  	_ =	swait.ge [sflag:s19], $0x2000  }
0x1da: {  	[sflag:s19] =	ssyncset.done $0x0  }
0x1db: {  	s13 =	sadd.s32 $0x280, s11;
	[sflag:s19] =	ssyncadd.s32 $0xFFFFE000  }
0x1dc: {  	[tilespmem:s24], [sflag:$0x2] =	stream.indirect.gather [hbm4b:s5+s21], $0x80, s13, s21, $0xb8;
	[tilespmem:$0x1E800] =	vst v63  }
0x1dd: {  	_ =	swait.ge [sflag:s31], $0x2000  }
0x1de: {  	[sflag:s31] =	ssyncset.done $0x0  }
0x1df: {  	s14 =	sadd.s32 $0x1500, s11;
	[sflag:s31] =	ssyncadd.s32 $0xFFFFE000  }
0x1e0: {  	[spmem:s2] =	stream.indirect.scatter.add.f32 [tilespmem:s26], [sflag:$0x5], $0x80, s14, s21, $0xb8;
	[tilespmem:$0x1E800] =	vst v63  }
0x1e1: {  	_ =	swait.ge [sflag:s19], $0x2000  }
0x1e2: {  	[sflag:s19] =	ssyncset.done $0x0  }
0x1e3: {  	s15 =	sadd.s32 $0x300, s11;
	[sflag:s19] =	ssyncadd.s32 $0xFFFFE000  }
0x1e4: {  	[tilespmem:s26], [sflag:$0x3] =	stream.indirect.gather [hbm4b:s5+s21], $0x80, s15, s21, $0xb8;
	[tilespmem:$0x1E800] =	vst v63  }
0x1e5: {  	_ =	swait.ge [sflag:s0], $0x2000  }
0x1e6: {  	[sflag:s0] =	ssyncset.done $0x0  }
0x1e7: {  	s12 =	sadd.s32 $0x1580, s11;
	[sflag:s0] =	ssyncadd.s32 $0xFFFFE000  }
0x1e8: {  	[spmem:s2] =	stream.indirect.scatter.add.f32 [tilespmem:s28], [sflag:$0x5], $0x80, s12, s21, $0xb8;
	[tilespmem:$0x1E800] =	vst v63  }
0x1e9: {  	_ =	swait.ge [sflag:s19], $0x2000  }
0x1ea: {  	[sflag:s19] =	ssyncset.done $0x0  }
0x1eb: {  	[sflag:s19] =	ssyncadd.s32 $0xFFFFE000  }
0x1ec: {  	[tilespmem:s28], [sflag:$0x4] =	stream.indirect.gather [hbm4b:s5+s21], $0x80, s3, s21, $0xb8;
	[tilespmem:$0x1E800] =	vst v63  }
0x1ed: {  	_ =	swait.ge [sflag:s29], $0x2000  }
0x1ee: {  	[sflag:s29] =	ssyncset.done $0x0  }
0x1ef: {  	[sflag:s29] =	ssyncadd.s32 $0xFFFFE000  }
0x1f0: {  	[spmem:s2] =	stream.indirect.scatter.add.f32 [tilespmem:s22], [sflag:$0x5], $0x80, s4, s21, $0xb8;
	[tilespmem:$0x1E800] =	vst v63  }
0x1f1: {  	_ =	swait.ge [sflag:s19], $0x2000  }
0x1f2: {  	[sflag:s19] =	ssyncset.done $0x0  }
0x1f3: {  	[sflag:s19] =	ssyncadd.s32 $0xFFFFE000  }
0x1f4: {  	_ =	swait.ge [sflag:s30], $0x2000  }
0x1f5: {  	[sflag:s30] =	ssyncset.done $0x0  }
0x1f6: {  	[sflag:s30] =	ssyncadd.s32 $0xFFFFE000  }
0x1f7: {  	[spmem:s2] =	stream.indirect.scatter.add.f32 [tilespmem:s24], [sflag:$0x5], $0x80, s6, s21, $0xb8;
	[tilespmem:$0x1E800] =	vst v63  }
0x1f8: {  	_ =	swait.ge [sflag:s19], $0x2000  }
0x1f9: {  	[sflag:s19] =	ssyncset.done $0x0  }
0x1fa: {  	[sflag:s19] =	ssyncadd.s32 $0xFFFFE000  }
0x1fb: {  	_ =	swait.ge [sflag:s31], $0x2000  }
0x1fc: {  	[sflag:s31] =	ssyncset.done $0x0  }
0x1fd: {  	[sflag:s31] =	ssyncadd.s32 $0xFFFFE000  }
0x1fe: {  	[spmem:s2] =	stream.indirect.scatter.add.f32 [tilespmem:s26], [sflag:$0x5], $0x80, s8, s21, $0xb8;
	[tilespmem:$0x1E800] =	vst v63  }
0x1ff: {  	_ =	swait.ge [sflag:s19], $0x2000  }
0x200: {  	[sflag:s19] =	ssyncset.done $0x0  }
0x201: {  	[sflag:s19] =	ssyncadd.s32 $0xFFFFE000  }
0x202: {  	_ =	swait.ge [sflag:s0], $0x2000  }
0x203: {  	[sflag:s0] =	ssyncset.done $0x0  }
0x204: {  	[sflag:s0] =	ssyncadd.s32 $0xFFFFE000  }
0x205: {  	[spmem:s2] =	stream.indirect.scatter.add.f32 [tilespmem:s28], [sflag:$0x5], $0x80, s9, s21, $0xb8;
	[tilespmem:$0x1E800] =	vst v63  }
0x206: {  	_ =	swait.ge [sflag:s19], $0x2000  }
0x207: {  	[sflag:s19] =	ssyncset.done $0x0  }
0x208: {  	s13 =	simm.s32 $0x0;
	s14 =	rddreg [dreg:$0xb];
	[sflag:s19] =	ssyncadd.s32 $0xFFFFE000  }
0x209: {  	[tilespmem:s13], [sflag:$0x5] =	stream.linear.gather [hbm4b:s14+s13], $0x1400, $0x38;
	[tilespmem:$0x1E800] =	vst v63  }
0x20a: {  	_ =	swait.ge [sflag:s19], $0x1400  }
0x20b: {  	[sflag:s19] =	ssyncset.done $0x0  }
0x20c: {  	s15 =	rddreg [dreg:$0xc];
	[sflag:s19] =	ssyncadd.s32 $0xFFFFEC00  }
0x20d: {  	[tilespmem:s20], [sflag:$0x5] =	stream.linear.gather [hbm4b:s15+s13], $0x1400, $0x38;
	[tilespmem:$0x1E800] =	vst v63  }
0x20e: {  	_ =	swait.ge [sflag:s19], $0x1400  }
0x20f: {  	[sflag:s19] =	ssyncset.done $0x0  }
0x210: {  	[sflag:s19] =	ssyncadd.s32 $0xFFFFEC00  }
0x211: {  	[tilespmem:s22], [sflag:$0x1] =	stream.indirect.gather [hbm4b:s5+s21], $0x80, s13, s21, $0xb8;
	[tilespmem:$0x1E800] =	vst v63  }
0x212: {  	_ = 	snop  }
0x213: {  	[tilespmem:s24], [sflag:$0x2] =	stream.indirect.gather [hbm4b:s5+s21], $0x80, s23, s21, $0xb8;
	[tilespmem:$0x1E800] =	vst v63  }
0x214: {  	_ = 	snop  }
0x215: {  	[tilespmem:s26], [sflag:$0x3] =	stream.indirect.gather [hbm4b:s5+s21], $0x80, s25, s21, $0xb8;
	[tilespmem:$0x1E800] =	vst v63  }
0x216: {  	s12 =	simm.s32 $0x180  }
0x217: {  	[tilespmem:s28], [sflag:$0x4] =	stream.indirect.gather [hbm4b:s5+s21], $0x80, s12, s21, $0xb8;
	[tilespmem:$0x1E800] =	vst v63  }
0x218: {  	_ =	swait.ge [sflag:s29], $0x2000  }
0x219: {  	[sflag:s29] =	ssyncset.done $0x0  }
0x21a: {  	s13 =	simm.s32 $0x1400;
	[sflag:s29] =	ssyncadd.s32 $0xFFFFE000  }
0x21b: {  	[spmem:s2] =	stream.indirect.scatter.add.f32 [tilespmem:s22], [sflag:$0x5], $0x80, s13, s21, $0xb8;
	[tilespmem:$0x1E800] =	vst v63  }
0x21c: {  	_ =	swait.ge [sflag:s19], $0x2000  }
0x21d: {  	[sflag:s19] =	ssyncset.done $0x0  }
0x21e: {  	s14 =	simm.s32 $0x200;
	[sflag:s19] =	ssyncadd.s32 $0xFFFFE000  }
0x21f: {  	[tilespmem:s22], [sflag:$0x1] =	stream.indirect.gather [hbm4b:s5+s21], $0x80, s14, s21, $0xb8;
	[tilespmem:$0x1E800] =	vst v63  }
0x220: {  	_ =	swait.ge [sflag:s30], $0x2000  }
0x221: {  	[sflag:s30] =	ssyncset.done $0x0  }
0x222: {  	s15 =	simm.s32 $0x1480;
	[sflag:s30] =	ssyncadd.s32 $0xFFFFE000  }
0x223: {  	[spmem:s2] =	stream.indirect.scatter.add.f32 [tilespmem:s24], [sflag:$0x5], $0x80, s15, s21, $0xb8;
	[tilespmem:$0x1E800] =	vst v63  }
0x224: {  	_ =	swait.ge [sflag:s19], $0x2000  }
0x225: {  	[sflag:s19] =	ssyncset.done $0x0  }
0x226: {  	s12 =	simm.s32 $0x280;
	[sflag:s19] =	ssyncadd.s32 $0xFFFFE000  }
0x227: {  	[tilespmem:s24], [sflag:$0x2] =	stream.indirect.gather [hbm4b:s5+s21], $0x80, s12, s21, $0xb8;
	[tilespmem:$0x1E800] =	vst v63  }
0x228: {  	_ =	swait.ge [sflag:s31], $0x2000  }
0x229: {  	[sflag:s31] =	ssyncset.done $0x0  }
0x22a: {  	s13 =	simm.s32 $0x1500;
	[sflag:s31] =	ssyncadd.s32 $0xFFFFE000  }
0x22b: {  	[spmem:s2] =	stream.indirect.scatter.add.f32 [tilespmem:s26], [sflag:$0x5], $0x80, s13, s21, $0xb8;
	[tilespmem:$0x1E800] =	vst v63  }
0x22c: {  	_ =	swait.ge [sflag:s19], $0x2000  }
0x22d: {  	[sflag:s19] =	ssyncset.done $0x0  }
0x22e: {  	s14 =	simm.s32 $0x300;
	[sflag:s19] =	ssyncadd.s32 $0xFFFFE000  }
0x22f: {  	[tilespmem:s26], [sflag:$0x3] =	stream.indirect.gather [hbm4b:s5+s21], $0x80, s14, s21, $0xb8;
	[tilespmem:$0x1E800] =	vst v63  }
0x230: {  	_ =	swait.ge [sflag:s0], $0x2000  }
0x231: {  	[sflag:s0] =	ssyncset.done $0x0  }
0x232: {  	s15 =	simm.s32 $0x1580;
	[sflag:s0] =	ssyncadd.s32 $0xFFFFE000  }
0x233: {  	[spmem:s2] =	stream.indirect.scatter.add.f32 [tilespmem:s28], [sflag:$0x5], $0x80, s15, s21, $0xb8;
	[tilespmem:$0x1E800] =	vst v63  }
0x234: {  	_ =	swait.ge [sflag:s19], $0x2000  }
0x235: {  	s11 =	simm.s32 $0x200;
	s14 =	simm.s32 $0x1000;
	[sflag:s19] =	ssyncset.done $0x0  }
.LBB2_18:
0x236: {  	s15 =	sadd.s32 $0x180, s11  }
0x237: {  	[sflag:s19] =	ssyncadd.s32 $0xFFFFE000;
	s13 =	smov.u32 s14;
	s12 =	sadd.s32 $0x800, s14  }
0x238: {  	[tilespmem:s28], [sflag:$0x4] =	stream.indirect.gather [hbm4b:s5+s21], $0x80, s15, s21, $0xb8;
	[tilespmem:$0x1E800] =	vst v63  }
0x239: {  	p1 =	sne.s32 s14, $0x4000;
	_ =	swait.ge [sflag:s29], $0x2000  }
0x23a: {  	[sflag:s29] =	ssyncset.done $0x0  }
0x23b: {  	s14 =	sadd.s32 $0x1400, s11;
	[sflag:s29] =	ssyncadd.s32 $0xFFFFE000  }
0x23c: {  	[spmem:s2] =	stream.indirect.scatter.add.f32 [tilespmem:s22], [sflag:$0x5], $0x80, s14, s21, $0xb8;
	[tilespmem:$0x1E800] =	vst v63  }
0x23d: {  	_ =	swait.ge [sflag:s19], $0x2000  }
0x23e: {  	[sflag:s19] =	ssyncset.done $0x0  }
0x23f: {  	s14 =	sadd.s32 $0x200, s11;
	[sflag:s19] =	ssyncadd.s32 $0xFFFFE000  }
0x240: {  	[tilespmem:s22], [sflag:$0x1] =	stream.indirect.gather [hbm4b:s5+s21], $0x80, s14, s21, $0xb8;
	[tilespmem:$0x1E800] =	vst v63  }
0x241: {  	_ =	swait.ge [sflag:s30], $0x2000  }
0x242: {  	[sflag:s30] =	ssyncset.done $0x0  }
0x243: {  	s14 =	sadd.s32 $0x1480, s11;
	[sflag:s30] =	ssyncadd.s32 $0xFFFFE000  }
0x244: {  	[spmem:s2] =	stream.indirect.scatter.add.f32 [tilespmem:s24], [sflag:$0x5], $0x80, s14, s21, $0xb8;
	[tilespmem:$0x1E800] =	vst v63  }
0x245: {  	_ =	swait.ge [sflag:s19], $0x2000  }
0x246: {  	[sflag:s19] =	ssyncset.done $0x0  }
0x247: {  	s14 =	sadd.s32 $0x280, s11;
	[sflag:s19] =	ssyncadd.s32 $0xFFFFE000  }
0x248: {  	[tilespmem:s24], [sflag:$0x2] =	stream.indirect.gather [hbm4b:s5+s21], $0x80, s14, s21, $0xb8;
	[tilespmem:$0x1E800] =	vst v63  }
0x249: {  	_ =	swait.ge [sflag:s31], $0x2000  }
0x24a: {  	[sflag:s31] =	ssyncset.done $0x0  }
0x24b: {  	s14 =	sadd.s32 $0x1500, s11;
	[sflag:s31] =	ssyncadd.s32 $0xFFFFE000  }
0x24c: {  	[spmem:s2] =	stream.indirect.scatter.add.f32 [tilespmem:s26], [sflag:$0x5], $0x80, s14, s21, $0xb8;
	[tilespmem:$0x1E800] =	vst v63  }
0x24d: {  	_ =	swait.ge [sflag:s19], $0x2000  }
0x24e: {  	[sflag:s19] =	ssyncset.done $0x0  }
0x24f: {  	s14 =	sadd.s32 $0x300, s11;
	[sflag:s19] =	ssyncadd.s32 $0xFFFFE000  }
0x250: {  	[tilespmem:s26], [sflag:$0x3] =	stream.indirect.gather [hbm4b:s5+s21], $0x80, s14, s21, $0xb8;
	[tilespmem:$0x1E800] =	vst v63  }
0x251: {  	_ =	swait.ge [sflag:s0], $0x2000  }
.Ltmp6:
0x252: {  	[sflag:s0] =	ssyncset.done $0x0;
	(pc) =	sbr.rel @p1 .LBB2_18-.Ltmp6, $4  }
0x253: {  	s11 =	sadd.s32 $0x1580, s11;
	[sflag:s0] =	ssyncadd.s32 $0xFFFFE000  }
0x254: {  	[spmem:s2] =	stream.indirect.scatter.add.f32 [tilespmem:s28], [sflag:$0x5], $0x80, s11, s21, $0xb8;
	[tilespmem:$0x1E800] =	vst v63  }
0x255: {  	_ =	swait.ge [sflag:s19], $0x2000  }
0x256: {  	s14 =	smov.u32 s12;
	s11 =	sshra.s32 s13, $0x2;
	[sflag:s19] =	ssyncset.done $0x0  }
.Ltmp7:
0x257: {  	_ = 	snop;
	(pc) =	sbr.rel .LBB2_19-.Ltmp7, $1  }
0x258: {  	_ =	sdelay $0x3  }
.LBB2_2:
0x259: {  	[tilespmem:s22], [sflag:$0x1] =	stream.indirect.gather [hbm4b:s1+s21], $0x80, s11, s21, $0xb8;
	[tilespmem:$0x1E800] =	vst v63  }
0x25a: {  	_ = 	snop  }
0x25b: {  	[tilespmem:s24], [sflag:$0x2] =	stream.indirect.gather [hbm4b:s1+s21], $0x80, s23, s21, $0xb8;
	[tilespmem:$0x1E800] =	vst v63  }
0x25c: {  	_ = 	snop  }
0x25d: {  	[tilespmem:s26], [sflag:$0x3] =	stream.indirect.gather [hbm4b:s1+s21], $0x80, s25, s21, $0xb8;
	[tilespmem:$0x1E800] =	vst v63  }
0x25e: {  	s12 =	simm.s32 $0x180  }
0x25f: {  	[tilespmem:s28], [sflag:$0x4] =	stream.indirect.gather [hbm4b:s1+s21], $0x80, s12, s21, $0xb8;
	[tilespmem:$0x1E800] =	vst v63  }
0x260: {  	_ =	swait.ge [sflag:s29], $0x2000  }
0x261: {  	[sflag:s29] =	ssyncset.done $0x0  }
0x262: {  	s13 =	simm.s32 $0x1400;
	[sflag:s29] =	ssyncadd.s32 $0xFFFFE000  }
0x263: {  	[spmem:s2] =	stream.indirect.scatter.add.f32 [tilespmem:s22], [sflag:$0x5], $0x80, s13, s21, $0xb8;
	[tilespmem:$0x1E800] =	vst v63  }
0x264: {  	_ =	swait.ge [sflag:s19], $0x2000  }
0x265: {  	[sflag:s19] =	ssyncset.done $0x0  }
0x266: {  	s14 =	simm.s32 $0x200;
	[sflag:s19] =	ssyncadd.s32 $0xFFFFE000  }
0x267: {  	[tilespmem:s22], [sflag:$0x1] =	stream.indirect.gather [hbm4b:s1+s21], $0x80, s14, s21, $0xb8;
	[tilespmem:$0x1E800] =	vst v63  }
0x268: {  	_ =	swait.ge [sflag:s30], $0x2000  }
0x269: {  	[sflag:s30] =	ssyncset.done $0x0  }
0x26a: {  	s15 =	simm.s32 $0x1480;
	[sflag:s30] =	ssyncadd.s32 $0xFFFFE000  }
0x26b: {  	[spmem:s2] =	stream.indirect.scatter.add.f32 [tilespmem:s24], [sflag:$0x5], $0x80, s15, s21, $0xb8;
	[tilespmem:$0x1E800] =	vst v63  }
0x26c: {  	_ =	swait.ge [sflag:s19], $0x2000  }
0x26d: {  	[sflag:s19] =	ssyncset.done $0x0  }
0x26e: {  	s12 =	simm.s32 $0x280;
	[sflag:s19] =	ssyncadd.s32 $0xFFFFE000  }
0x26f: {  	[tilespmem:s24], [sflag:$0x2] =	stream.indirect.gather [hbm4b:s1+s21], $0x80, s12, s21, $0xb8;
	[tilespmem:$0x1E800] =	vst v63  }
0x270: {  	_ =	swait.ge [sflag:s31], $0x2000  }
0x271: {  	[sflag:s31] =	ssyncset.done $0x0  }
0x272: {  	s13 =	simm.s32 $0x1500;
	[sflag:s31] =	ssyncadd.s32 $0xFFFFE000  }
0x273: {  	[spmem:s2] =	stream.indirect.scatter.add.f32 [tilespmem:s26], [sflag:$0x5], $0x80, s13, s21, $0xb8;
	[tilespmem:$0x1E800] =	vst v63  }
0x274: {  	_ =	swait.ge [sflag:s19], $0x2000  }
0x275: {  	[sflag:s19] =	ssyncset.done $0x0  }
0x276: {  	s14 =	simm.s32 $0x300;
	[sflag:s19] =	ssyncadd.s32 $0xFFFFE000  }
0x277: {  	[tilespmem:s26], [sflag:$0x3] =	stream.indirect.gather [hbm4b:s1+s21], $0x80, s14, s21, $0xb8;
	[tilespmem:$0x1E800] =	vst v63  }
0x278: {  	_ =	swait.ge [sflag:s0], $0x2000  }
0x279: {  	[sflag:s0] =	ssyncset.done $0x0  }
0x27a: {  	s15 =	simm.s32 $0x1580;
	[sflag:s0] =	ssyncadd.s32 $0xFFFFE000  }
0x27b: {  	[spmem:s2] =	stream.indirect.scatter.add.f32 [tilespmem:s28], [sflag:$0x5], $0x80, s15, s21, $0xb8;
	[tilespmem:$0x1E800] =	vst v63  }
0x27c: {  	_ =	swait.ge [sflag:s19], $0x2000  }
0x27d: {  	s11 =	simm.s32 $0x200;
	s12 =	simm.s32 $0x1000;
	[sflag:s19] =	ssyncset.done $0x0  }
.LBB2_3:
0x27e: {  	s15 =	sadd.s32 $0x180, s11  }
0x27f: {  	[sflag:s19] =	ssyncadd.s32 $0xFFFFE000;
	s13 =	smov.u32 s12;
	s14 =	sadd.s32 $0x800, s12  }
0x280: {  	[tilespmem:s28], [sflag:$0x4] =	stream.indirect.gather [hbm4b:s1+s21], $0x80, s15, s21, $0xb8;
	[tilespmem:$0x1E800] =	vst v63  }
0x281: {  	p1 =	sne.s32 s12, $0x4000;
	_ =	swait.ge [sflag:s29], $0x2000  }
0x282: {  	[sflag:s29] =	ssyncset.done $0x0  }
0x283: {  	s12 =	sadd.s32 $0x1400, s11;
	[sflag:s29] =	ssyncadd.s32 $0xFFFFE000  }
0x284: {  	[spmem:s2] =	stream.indirect.scatter.add.f32 [tilespmem:s22], [sflag:$0x5], $0x80, s12, s21, $0xb8;
	[tilespmem:$0x1E800] =	vst v63  }
0x285: {  	_ =	swait.ge [sflag:s19], $0x2000  }
0x286: {  	[sflag:s19] =	ssyncset.done $0x0  }
0x287: {  	s12 =	sadd.s32 $0x200, s11;
	[sflag:s19] =	ssyncadd.s32 $0xFFFFE000  }
0x288: {  	[tilespmem:s22], [sflag:$0x1] =	stream.indirect.gather [hbm4b:s1+s21], $0x80, s12, s21, $0xb8;
	[tilespmem:$0x1E800] =	vst v63  }
0x289: {  	_ =	swait.ge [sflag:s30], $0x2000  }
0x28a: {  	[sflag:s30] =	ssyncset.done $0x0  }
0x28b: {  	s12 =	sadd.s32 $0x1480, s11;
	[sflag:s30] =	ssyncadd.s32 $0xFFFFE000  }
0x28c: {  	[spmem:s2] =	stream.indirect.scatter.add.f32 [tilespmem:s24], [sflag:$0x5], $0x80, s12, s21, $0xb8;
	[tilespmem:$0x1E800] =	vst v63  }
0x28d: {  	_ =	swait.ge [sflag:s19], $0x2000  }
0x28e: {  	[sflag:s19] =	ssyncset.done $0x0  }
0x28f: {  	s12 =	sadd.s32 $0x280, s11;
	[sflag:s19] =	ssyncadd.s32 $0xFFFFE000  }
0x290: {  	[tilespmem:s24], [sflag:$0x2] =	stream.indirect.gather [hbm4b:s1+s21], $0x80, s12, s21, $0xb8;
	[tilespmem:$0x1E800] =	vst v63  }
0x291: {  	_ =	swait.ge [sflag:s31], $0x2000  }
0x292: {  	[sflag:s31] =	ssyncset.done $0x0  }
0x293: {  	s12 =	sadd.s32 $0x1500, s11;
	[sflag:s31] =	ssyncadd.s32 $0xFFFFE000  }
0x294: {  	[spmem:s2] =	stream.indirect.scatter.add.f32 [tilespmem:s26], [sflag:$0x5], $0x80, s12, s21, $0xb8;
	[tilespmem:$0x1E800] =	vst v63  }
0x295: {  	_ =	swait.ge [sflag:s19], $0x2000  }
0x296: {  	[sflag:s19] =	ssyncset.done $0x0  }
0x297: {  	s12 =	sadd.s32 $0x300, s11;
	[sflag:s19] =	ssyncadd.s32 $0xFFFFE000  }
0x298: {  	[tilespmem:s26], [sflag:$0x3] =	stream.indirect.gather [hbm4b:s1+s21], $0x80, s12, s21, $0xb8;
	[tilespmem:$0x1E800] =	vst v63  }
0x299: {  	_ =	swait.ge [sflag:s0], $0x2000  }
.Ltmp8:
0x29a: {  	[sflag:s0] =	ssyncset.done $0x0;
	(pc) =	sbr.rel @p1 .LBB2_3-.Ltmp8, $4  }
0x29b: {  	s11 =	sadd.s32 $0x1580, s11;
	[sflag:s0] =	ssyncadd.s32 $0xFFFFE000  }
0x29c: {  	[spmem:s2] =	stream.indirect.scatter.add.f32 [tilespmem:s28], [sflag:$0x5], $0x80, s11, s21, $0xb8;
	[tilespmem:$0x1E800] =	vst v63  }
0x29d: {  	_ =	swait.ge [sflag:s19], $0x2000  }
0x29e: {  	s12 =	smov.u32 s14;
	s11 =	sshra.s32 s13, $0x2;
	[sflag:s19] =	ssyncset.done $0x0  }
0x29f: {  	s12 =	sadd.s32 $0x180, s11;
	[sflag:s19] =	ssyncadd.s32 $0xFFFFE000  }
0x2a0: {  	[tilespmem:s28], [sflag:$0x4] =	stream.indirect.gather [hbm4b:s1+s21], $0x80, s12, s21, $0xb8;
	[tilespmem:$0x1E800] =	vst v63  }
0x2a1: {  	_ =	swait.ge [sflag:s29], $0x2000  }
0x2a2: {  	[sflag:s29] =	ssyncset.done $0x0  }
0x2a3: {  	s13 =	sadd.s32 $0x1400, s11;
	[sflag:s29] =	ssyncadd.s32 $0xFFFFE000  }
0x2a4: {  	[spmem:s2] =	stream.indirect.scatter.add.f32 [tilespmem:s22], [sflag:$0x5], $0x80, s13, s21, $0xb8;
	[tilespmem:$0x1E800] =	vst v63  }
0x2a5: {  	_ =	swait.ge [sflag:s19], $0x2000  }
0x2a6: {  	[sflag:s19] =	ssyncset.done $0x0  }
0x2a7: {  	s14 =	sadd.s32 $0x200, s11;
	[sflag:s19] =	ssyncadd.s32 $0xFFFFE000  }
0x2a8: {  	[tilespmem:s22], [sflag:$0x1] =	stream.indirect.gather [hbm4b:s1+s21], $0x80, s14, s21, $0xb8;
	[tilespmem:$0x1E800] =	vst v63  }
0x2a9: {  	_ =	swait.ge [sflag:s30], $0x2000  }
0x2aa: {  	[sflag:s30] =	ssyncset.done $0x0  }
0x2ab: {  	s15 =	sadd.s32 $0x1480, s11;
	[sflag:s30] =	ssyncadd.s32 $0xFFFFE000  }
0x2ac: {  	[spmem:s2] =	stream.indirect.scatter.add.f32 [tilespmem:s24], [sflag:$0x5], $0x80, s15, s21, $0xb8;
	[tilespmem:$0x1E800] =	vst v63  }
0x2ad: {  	_ =	swait.ge [sflag:s19], $0x2000  }
0x2ae: {  	[sflag:s19] =	ssyncset.done $0x0  }
0x2af: {  	s13 =	sadd.s32 $0x280, s11;
	[sflag:s19] =	ssyncadd.s32 $0xFFFFE000  }
0x2b0: {  	[tilespmem:s24], [sflag:$0x2] =	stream.indirect.gather [hbm4b:s1+s21], $0x80, s13, s21, $0xb8;
	[tilespmem:$0x1E800] =	vst v63  }
0x2b1: {  	_ =	swait.ge [sflag:s31], $0x2000  }
0x2b2: {  	[sflag:s31] =	ssyncset.done $0x0  }
0x2b3: {  	s14 =	sadd.s32 $0x1500, s11;
	[sflag:s31] =	ssyncadd.s32 $0xFFFFE000  }
0x2b4: {  	[spmem:s2] =	stream.indirect.scatter.add.f32 [tilespmem:s26], [sflag:$0x5], $0x80, s14, s21, $0xb8;
	[tilespmem:$0x1E800] =	vst v63  }
0x2b5: {  	_ =	swait.ge [sflag:s19], $0x2000  }
0x2b6: {  	[sflag:s19] =	ssyncset.done $0x0  }
0x2b7: {  	s15 =	sadd.s32 $0x300, s11;
	[sflag:s19] =	ssyncadd.s32 $0xFFFFE000  }
0x2b8: {  	[tilespmem:s26], [sflag:$0x3] =	stream.indirect.gather [hbm4b:s1+s21], $0x80, s15, s21, $0xb8;
	[tilespmem:$0x1E800] =	vst v63  }
0x2b9: {  	_ =	swait.ge [sflag:s0], $0x2000  }
0x2ba: {  	[sflag:s0] =	ssyncset.done $0x0  }
0x2bb: {  	s12 =	sadd.s32 $0x1580, s11;
	[sflag:s0] =	ssyncadd.s32 $0xFFFFE000  }
0x2bc: {  	[spmem:s2] =	stream.indirect.scatter.add.f32 [tilespmem:s28], [sflag:$0x5], $0x80, s12, s21, $0xb8;
	[tilespmem:$0x1E800] =	vst v63  }
0x2bd: {  	_ =	swait.ge [sflag:s19], $0x2000  }
0x2be: {  	[sflag:s19] =	ssyncset.done $0x0  }
0x2bf: {  	[sflag:s19] =	ssyncadd.s32 $0xFFFFE000  }
0x2c0: {  	[tilespmem:s28], [sflag:$0x4] =	stream.indirect.gather [hbm4b:s1+s21], $0x80, s3, s21, $0xb8;
	[tilespmem:$0x1E800] =	vst v63  }
0x2c1: {  	_ =	swait.ge [sflag:s29], $0x2000  }
0x2c2: {  	[sflag:s29] =	ssyncset.done $0x0  }
0x2c3: {  	[sflag:s29] =	ssyncadd.s32 $0xFFFFE000  }
0x2c4: {  	[spmem:s2] =	stream.indirect.scatter.add.f32 [tilespmem:s22], [sflag:$0x5], $0x80, s4, s21, $0xb8;
	[tilespmem:$0x1E800] =	vst v63  }
0x2c5: {  	_ =	swait.ge [sflag:s19], $0x2000  }
0x2c6: {  	[sflag:s19] =	ssyncset.done $0x0  }
0x2c7: {  	[sflag:s19] =	ssyncadd.s32 $0xFFFFE000  }
0x2c8: {  	_ =	swait.ge [sflag:s30], $0x2000  }
0x2c9: {  	[sflag:s30] =	ssyncset.done $0x0  }
0x2ca: {  	[sflag:s30] =	ssyncadd.s32 $0xFFFFE000  }
0x2cb: {  	[spmem:s2] =	stream.indirect.scatter.add.f32 [tilespmem:s24], [sflag:$0x5], $0x80, s6, s21, $0xb8;
	[tilespmem:$0x1E800] =	vst v63  }
0x2cc: {  	_ =	swait.ge [sflag:s19], $0x2000  }
0x2cd: {  	[sflag:s19] =	ssyncset.done $0x0  }
0x2ce: {  	[sflag:s19] =	ssyncadd.s32 $0xFFFFE000  }
0x2cf: {  	_ =	swait.ge [sflag:s31], $0x2000  }
0x2d0: {  	[sflag:s31] =	ssyncset.done $0x0  }
0x2d1: {  	[sflag:s31] =	ssyncadd.s32 $0xFFFFE000  }
0x2d2: {  	[spmem:s2] =	stream.indirect.scatter.add.f32 [tilespmem:s26], [sflag:$0x5], $0x80, s8, s21, $0xb8;
	[tilespmem:$0x1E800] =	vst v63  }
0x2d3: {  	_ =	swait.ge [sflag:s19], $0x2000  }
0x2d4: {  	[sflag:s19] =	ssyncset.done $0x0  }
0x2d5: {  	[sflag:s19] =	ssyncadd.s32 $0xFFFFE000  }
0x2d6: {  	_ =	swait.ge [sflag:s0], $0x2000  }
0x2d7: {  	[sflag:s0] =	ssyncset.done $0x0  }
0x2d8: {  	[sflag:s0] =	ssyncadd.s32 $0xFFFFE000  }
0x2d9: {  	[spmem:s2] =	stream.indirect.scatter.add.f32 [tilespmem:s28], [sflag:$0x5], $0x80, s9, s21, $0xb8;
	[tilespmem:$0x1E800] =	vst v63  }
0x2da: {  	_ =	swait.ge [sflag:s19], $0x2000  }
0x2db: {  	[sflag:s19] =	ssyncset.done $0x0  }
0x2dc: {  	s13 =	simm.s32 $0x0;
	s14 =	rddreg [dreg:$0x7];
	[sflag:s19] =	ssyncadd.s32 $0xFFFFE000  }
0x2dd: {  	[tilespmem:s13], [sflag:$0x5] =	stream.linear.gather [hbm4b:s14+s13], $0x1400, $0x38;
	[tilespmem:$0x1E800] =	vst v63  }
0x2de: {  	_ =	swait.ge [sflag:s19], $0x1400  }
0x2df: {  	[sflag:s19] =	ssyncset.done $0x0  }
0x2e0: {  	s15 =	rddreg [dreg:$0x8];
	[sflag:s19] =	ssyncadd.s32 $0xFFFFEC00  }
0x2e1: {  	[tilespmem:s20], [sflag:$0x5] =	stream.linear.gather [hbm4b:s15+s13], $0x1400, $0x38;
	[tilespmem:$0x1E800] =	vst v63  }
0x2e2: {  	_ =	swait.ge [sflag:s19], $0x1400  }
0x2e3: {  	[sflag:s19] =	ssyncset.done $0x0  }
0x2e4: {  	[sflag:s19] =	ssyncadd.s32 $0xFFFFEC00  }
0x2e5: {  	[tilespmem:s22], [sflag:$0x1] =	stream.indirect.gather [hbm4b:s1+s21], $0x80, s13, s21, $0xb8;
	[tilespmem:$0x1E800] =	vst v63  }
0x2e6: {  	_ = 	snop  }
0x2e7: {  	[tilespmem:s24], [sflag:$0x2] =	stream.indirect.gather [hbm4b:s1+s21], $0x80, s23, s21, $0xb8;
	[tilespmem:$0x1E800] =	vst v63  }
0x2e8: {  	_ = 	snop  }
0x2e9: {  	[tilespmem:s26], [sflag:$0x3] =	stream.indirect.gather [hbm4b:s1+s21], $0x80, s25, s21, $0xb8;
	[tilespmem:$0x1E800] =	vst v63  }
0x2ea: {  	s12 =	simm.s32 $0x180  }
0x2eb: {  	[tilespmem:s28], [sflag:$0x4] =	stream.indirect.gather [hbm4b:s1+s21], $0x80, s12, s21, $0xb8;
	[tilespmem:$0x1E800] =	vst v63  }
0x2ec: {  	_ =	swait.ge [sflag:s29], $0x2000  }
0x2ed: {  	[sflag:s29] =	ssyncset.done $0x0  }
0x2ee: {  	s13 =	simm.s32 $0x1400;
	[sflag:s29] =	ssyncadd.s32 $0xFFFFE000  }
0x2ef: {  	[spmem:s2] =	stream.indirect.scatter.add.f32 [tilespmem:s22], [sflag:$0x5], $0x80, s13, s21, $0xb8;
	[tilespmem:$0x1E800] =	vst v63  }
0x2f0: {  	_ =	swait.ge [sflag:s19], $0x2000  }
0x2f1: {  	[sflag:s19] =	ssyncset.done $0x0  }
0x2f2: {  	s14 =	simm.s32 $0x200;
	[sflag:s19] =	ssyncadd.s32 $0xFFFFE000  }
0x2f3: {  	[tilespmem:s22], [sflag:$0x1] =	stream.indirect.gather [hbm4b:s1+s21], $0x80, s14, s21, $0xb8;
	[tilespmem:$0x1E800] =	vst v63  }
0x2f4: {  	_ =	swait.ge [sflag:s30], $0x2000  }
0x2f5: {  	[sflag:s30] =	ssyncset.done $0x0  }
0x2f6: {  	s15 =	simm.s32 $0x1480;
	[sflag:s30] =	ssyncadd.s32 $0xFFFFE000  }
0x2f7: {  	[spmem:s2] =	stream.indirect.scatter.add.f32 [tilespmem:s24], [sflag:$0x5], $0x80, s15, s21, $0xb8;
	[tilespmem:$0x1E800] =	vst v63  }
0x2f8: {  	_ =	swait.ge [sflag:s19], $0x2000  }
0x2f9: {  	[sflag:s19] =	ssyncset.done $0x0  }
0x2fa: {  	s12 =	simm.s32 $0x280;
	[sflag:s19] =	ssyncadd.s32 $0xFFFFE000  }
0x2fb: {  	[tilespmem:s24], [sflag:$0x2] =	stream.indirect.gather [hbm4b:s1+s21], $0x80, s12, s21, $0xb8;
	[tilespmem:$0x1E800] =	vst v63  }
0x2fc: {  	_ =	swait.ge [sflag:s31], $0x2000  }
0x2fd: {  	[sflag:s31] =	ssyncset.done $0x0  }
0x2fe: {  	s13 =	simm.s32 $0x1500;
	[sflag:s31] =	ssyncadd.s32 $0xFFFFE000  }
0x2ff: {  	[spmem:s2] =	stream.indirect.scatter.add.f32 [tilespmem:s26], [sflag:$0x5], $0x80, s13, s21, $0xb8;
	[tilespmem:$0x1E800] =	vst v63  }
0x300: {  	_ =	swait.ge [sflag:s19], $0x2000  }
0x301: {  	[sflag:s19] =	ssyncset.done $0x0  }
0x302: {  	s14 =	simm.s32 $0x300;
	[sflag:s19] =	ssyncadd.s32 $0xFFFFE000  }
0x303: {  	[tilespmem:s26], [sflag:$0x3] =	stream.indirect.gather [hbm4b:s1+s21], $0x80, s14, s21, $0xb8;
	[tilespmem:$0x1E800] =	vst v63  }
0x304: {  	_ =	swait.ge [sflag:s0], $0x2000  }
0x305: {  	[sflag:s0] =	ssyncset.done $0x0  }
0x306: {  	s15 =	simm.s32 $0x1580;
	[sflag:s0] =	ssyncadd.s32 $0xFFFFE000  }
0x307: {  	[spmem:s2] =	stream.indirect.scatter.add.f32 [tilespmem:s28], [sflag:$0x5], $0x80, s15, s21, $0xb8;
	[tilespmem:$0x1E800] =	vst v63  }
0x308: {  	_ =	swait.ge [sflag:s19], $0x2000  }
0x309: {  	s11 =	simm.s32 $0x200;
	s14 =	simm.s32 $0x1000;
	[sflag:s19] =	ssyncset.done $0x0  }
.LBB2_5:
0x30a: {  	s15 =	sadd.s32 $0x180, s11  }
0x30b: {  	[sflag:s19] =	ssyncadd.s32 $0xFFFFE000;
	s13 =	smov.u32 s14;
	s12 =	sadd.s32 $0x800, s14  }
0x30c: {  	[tilespmem:s28], [sflag:$0x4] =	stream.indirect.gather [hbm4b:s1+s21], $0x80, s15, s21, $0xb8;
	[tilespmem:$0x1E800] =	vst v63  }
0x30d: {  	p1 =	sne.s32 s14, $0x4000;
	_ =	swait.ge [sflag:s29], $0x2000  }
0x30e: {  	[sflag:s29] =	ssyncset.done $0x0  }
0x30f: {  	s14 =	sadd.s32 $0x1400, s11;
	[sflag:s29] =	ssyncadd.s32 $0xFFFFE000  }
0x310: {  	[spmem:s2] =	stream.indirect.scatter.add.f32 [tilespmem:s22], [sflag:$0x5], $0x80, s14, s21, $0xb8;
	[tilespmem:$0x1E800] =	vst v63  }
0x311: {  	_ =	swait.ge [sflag:s19], $0x2000  }
0x312: {  	[sflag:s19] =	ssyncset.done $0x0  }
0x313: {  	s14 =	sadd.s32 $0x200, s11;
	[sflag:s19] =	ssyncadd.s32 $0xFFFFE000  }
0x314: {  	[tilespmem:s22], [sflag:$0x1] =	stream.indirect.gather [hbm4b:s1+s21], $0x80, s14, s21, $0xb8;
	[tilespmem:$0x1E800] =	vst v63  }
0x315: {  	_ =	swait.ge [sflag:s30], $0x2000  }
0x316: {  	[sflag:s30] =	ssyncset.done $0x0  }
0x317: {  	s14 =	sadd.s32 $0x1480, s11;
	[sflag:s30] =	ssyncadd.s32 $0xFFFFE000  }
0x318: {  	[spmem:s2] =	stream.indirect.scatter.add.f32 [tilespmem:s24], [sflag:$0x5], $0x80, s14, s21, $0xb8;
	[tilespmem:$0x1E800] =	vst v63  }
0x319: {  	_ =	swait.ge [sflag:s19], $0x2000  }
0x31a: {  	[sflag:s19] =	ssyncset.done $0x0  }
0x31b: {  	s14 =	sadd.s32 $0x280, s11;
	[sflag:s19] =	ssyncadd.s32 $0xFFFFE000  }
0x31c: {  	[tilespmem:s24], [sflag:$0x2] =	stream.indirect.gather [hbm4b:s1+s21], $0x80, s14, s21, $0xb8;
	[tilespmem:$0x1E800] =	vst v63  }
0x31d: {  	_ =	swait.ge [sflag:s31], $0x2000  }
0x31e: {  	[sflag:s31] =	ssyncset.done $0x0  }
0x31f: {  	s14 =	sadd.s32 $0x1500, s11;
	[sflag:s31] =	ssyncadd.s32 $0xFFFFE000  }
0x320: {  	[spmem:s2] =	stream.indirect.scatter.add.f32 [tilespmem:s26], [sflag:$0x5], $0x80, s14, s21, $0xb8;
	[tilespmem:$0x1E800] =	vst v63  }
0x321: {  	_ =	swait.ge [sflag:s19], $0x2000  }
0x322: {  	[sflag:s19] =	ssyncset.done $0x0  }
0x323: {  	s14 =	sadd.s32 $0x300, s11;
	[sflag:s19] =	ssyncadd.s32 $0xFFFFE000  }
0x324: {  	[tilespmem:s26], [sflag:$0x3] =	stream.indirect.gather [hbm4b:s1+s21], $0x80, s14, s21, $0xb8;
	[tilespmem:$0x1E800] =	vst v63  }
0x325: {  	_ =	swait.ge [sflag:s0], $0x2000  }
.Ltmp9:
0x326: {  	[sflag:s0] =	ssyncset.done $0x0;
	(pc) =	sbr.rel @p1 .LBB2_5-.Ltmp9, $4  }
0x327: {  	s11 =	sadd.s32 $0x1580, s11;
	[sflag:s0] =	ssyncadd.s32 $0xFFFFE000  }
0x328: {  	[spmem:s2] =	stream.indirect.scatter.add.f32 [tilespmem:s28], [sflag:$0x5], $0x80, s11, s21, $0xb8;
	[tilespmem:$0x1E800] =	vst v63  }
0x329: {  	_ =	swait.ge [sflag:s19], $0x2000  }
0x32a: {  	s14 =	smov.u32 s12;
	s11 =	sshra.s32 s13, $0x2;
	[sflag:s19] =	ssyncset.done $0x0  }
0x32b: {  	s12 =	sadd.s32 $0x180, s11;
	[sflag:s19] =	ssyncadd.s32 $0xFFFFE000  }
0x32c: {  	[tilespmem:s28], [sflag:$0x4] =	stream.indirect.gather [hbm4b:s1+s21], $0x80, s12, s21, $0xb8;
	[tilespmem:$0x1E800] =	vst v63  }
0x32d: {  	_ =	swait.ge [sflag:s29], $0x2000  }
0x32e: {  	[sflag:s29] =	ssyncset.done $0x0  }
0x32f: {  	s13 =	sadd.s32 $0x1400, s11;
	[sflag:s29] =	ssyncadd.s32 $0xFFFFE000  }
0x330: {  	[spmem:s2] =	stream.indirect.scatter.add.f32 [tilespmem:s22], [sflag:$0x5], $0x80, s13, s21, $0xb8;
	[tilespmem:$0x1E800] =	vst v63  }
0x331: {  	_ =	swait.ge [sflag:s19], $0x2000  }
0x332: {  	[sflag:s19] =	ssyncset.done $0x0  }
0x333: {  	s14 =	sadd.s32 $0x200, s11;
	[sflag:s19] =	ssyncadd.s32 $0xFFFFE000  }
0x334: {  	[tilespmem:s22], [sflag:$0x1] =	stream.indirect.gather [hbm4b:s1+s21], $0x80, s14, s21, $0xb8;
	[tilespmem:$0x1E800] =	vst v63  }
0x335: {  	_ =	swait.ge [sflag:s30], $0x2000  }
0x336: {  	[sflag:s30] =	ssyncset.done $0x0  }
0x337: {  	s15 =	sadd.s32 $0x1480, s11;
	[sflag:s30] =	ssyncadd.s32 $0xFFFFE000  }
0x338: {  	[spmem:s2] =	stream.indirect.scatter.add.f32 [tilespmem:s24], [sflag:$0x5], $0x80, s15, s21, $0xb8;
	[tilespmem:$0x1E800] =	vst v63  }
0x339: {  	_ =	swait.ge [sflag:s19], $0x2000  }
0x33a: {  	[sflag:s19] =	ssyncset.done $0x0  }
0x33b: {  	s13 =	sadd.s32 $0x280, s11;
	[sflag:s19] =	ssyncadd.s32 $0xFFFFE000  }
0x33c: {  	[tilespmem:s24], [sflag:$0x2] =	stream.indirect.gather [hbm4b:s1+s21], $0x80, s13, s21, $0xb8;
	[tilespmem:$0x1E800] =	vst v63  }
0x33d: {  	_ =	swait.ge [sflag:s31], $0x2000  }
0x33e: {  	[sflag:s31] =	ssyncset.done $0x0  }
0x33f: {  	s14 =	sadd.s32 $0x1500, s11;
	[sflag:s31] =	ssyncadd.s32 $0xFFFFE000  }
0x340: {  	[spmem:s2] =	stream.indirect.scatter.add.f32 [tilespmem:s26], [sflag:$0x5], $0x80, s14, s21, $0xb8;
	[tilespmem:$0x1E800] =	vst v63  }
0x341: {  	_ =	swait.ge [sflag:s19], $0x2000  }
0x342: {  	[sflag:s19] =	ssyncset.done $0x0  }
0x343: {  	s15 =	sadd.s32 $0x300, s11;
	[sflag:s19] =	ssyncadd.s32 $0xFFFFE000  }
0x344: {  	[tilespmem:s26], [sflag:$0x3] =	stream.indirect.gather [hbm4b:s1+s21], $0x80, s15, s21, $0xb8;
	[tilespmem:$0x1E800] =	vst v63  }
0x345: {  	_ =	swait.ge [sflag:s0], $0x2000  }
0x346: {  	[sflag:s0] =	ssyncset.done $0x0  }
0x347: {  	s12 =	sadd.s32 $0x1580, s11;
	[sflag:s0] =	ssyncadd.s32 $0xFFFFE000  }
0x348: {  	[spmem:s2] =	stream.indirect.scatter.add.f32 [tilespmem:s28], [sflag:$0x5], $0x80, s12, s21, $0xb8;
	[tilespmem:$0x1E800] =	vst v63  }
0x349: {  	_ =	swait.ge [sflag:s19], $0x2000  }
0x34a: {  	[sflag:s19] =	ssyncset.done $0x0  }
0x34b: {  	[sflag:s19] =	ssyncadd.s32 $0xFFFFE000  }
0x34c: {  	[tilespmem:s28], [sflag:$0x4] =	stream.indirect.gather [hbm4b:s1+s21], $0x80, s3, s21, $0xb8;
	[tilespmem:$0x1E800] =	vst v63  }
0x34d: {  	_ =	swait.ge [sflag:s29], $0x2000  }
0x34e: {  	[sflag:s29] =	ssyncset.done $0x0  }
0x34f: {  	[sflag:s29] =	ssyncadd.s32 $0xFFFFE000  }
0x350: {  	[spmem:s2] =	stream.indirect.scatter.add.f32 [tilespmem:s22], [sflag:$0x5], $0x80, s4, s21, $0xb8;
	[tilespmem:$0x1E800] =	vst v63  }
0x351: {  	_ =	swait.ge [sflag:s19], $0x2000  }
0x352: {  	[sflag:s19] =	ssyncset.done $0x0  }
0x353: {  	[sflag:s19] =	ssyncadd.s32 $0xFFFFE000  }
0x354: {  	_ =	swait.ge [sflag:s30], $0x2000  }
0x355: {  	[sflag:s30] =	ssyncset.done $0x0  }
0x356: {  	[sflag:s30] =	ssyncadd.s32 $0xFFFFE000  }
0x357: {  	[spmem:s2] =	stream.indirect.scatter.add.f32 [tilespmem:s24], [sflag:$0x5], $0x80, s6, s21, $0xb8;
	[tilespmem:$0x1E800] =	vst v63  }
0x358: {  	_ =	swait.ge [sflag:s19], $0x2000  }
0x359: {  	[sflag:s19] =	ssyncset.done $0x0  }
0x35a: {  	[sflag:s19] =	ssyncadd.s32 $0xFFFFE000  }
0x35b: {  	_ =	swait.ge [sflag:s31], $0x2000  }
0x35c: {  	[sflag:s31] =	ssyncset.done $0x0  }
0x35d: {  	[sflag:s31] =	ssyncadd.s32 $0xFFFFE000  }
0x35e: {  	[spmem:s2] =	stream.indirect.scatter.add.f32 [tilespmem:s26], [sflag:$0x5], $0x80, s8, s21, $0xb8;
	[tilespmem:$0x1E800] =	vst v63  }
0x35f: {  	_ =	swait.ge [sflag:s19], $0x2000  }
0x360: {  	[sflag:s19] =	ssyncset.done $0x0  }
0x361: {  	[sflag:s19] =	ssyncadd.s32 $0xFFFFE000  }
0x362: {  	_ =	swait.ge [sflag:s0], $0x2000  }
0x363: {  	[sflag:s0] =	ssyncset.done $0x0  }
0x364: {  	[sflag:s0] =	ssyncadd.s32 $0xFFFFE000  }
0x365: {  	[spmem:s2] =	stream.indirect.scatter.add.f32 [tilespmem:s28], [sflag:$0x5], $0x80, s9, s21, $0xb8;
	[tilespmem:$0x1E800] =	vst v63  }
0x366: {  	_ =	swait.ge [sflag:s19], $0x2000  }
0x367: {  	[sflag:s19] =	ssyncset.done $0x0  }
0x368: {  	s13 =	simm.s32 $0x0;
	s14 =	rddreg [dreg:$0x9];
	[sflag:s19] =	ssyncadd.s32 $0xFFFFE000  }
0x369: {  	[tilespmem:s13], [sflag:$0x5] =	stream.linear.gather [hbm4b:s14+s13], $0x1400, $0x38;
	[tilespmem:$0x1E800] =	vst v63  }
0x36a: {  	_ =	swait.ge [sflag:s19], $0x1400  }
0x36b: {  	[sflag:s19] =	ssyncset.done $0x0  }
0x36c: {  	s15 =	rddreg [dreg:$0xa];
	[sflag:s19] =	ssyncadd.s32 $0xFFFFEC00  }
0x36d: {  	[tilespmem:s20], [sflag:$0x5] =	stream.linear.gather [hbm4b:s15+s13], $0x1400, $0x38;
	[tilespmem:$0x1E800] =	vst v63  }
0x36e: {  	_ =	swait.ge [sflag:s19], $0x1400  }
0x36f: {  	[sflag:s19] =	ssyncset.done $0x0  }
0x370: {  	[sflag:s19] =	ssyncadd.s32 $0xFFFFEC00  }
0x371: {  	[tilespmem:s22], [sflag:$0x1] =	stream.indirect.gather [hbm4b:s1+s21], $0x80, s13, s21, $0xb8;
	[tilespmem:$0x1E800] =	vst v63  }
0x372: {  	_ = 	snop  }
0x373: {  	[tilespmem:s24], [sflag:$0x2] =	stream.indirect.gather [hbm4b:s1+s21], $0x80, s23, s21, $0xb8;
	[tilespmem:$0x1E800] =	vst v63  }
0x374: {  	_ = 	snop  }
0x375: {  	[tilespmem:s26], [sflag:$0x3] =	stream.indirect.gather [hbm4b:s1+s21], $0x80, s25, s21, $0xb8;
	[tilespmem:$0x1E800] =	vst v63  }
0x376: {  	s12 =	simm.s32 $0x180  }
0x377: {  	[tilespmem:s28], [sflag:$0x4] =	stream.indirect.gather [hbm4b:s1+s21], $0x80, s12, s21, $0xb8;
	[tilespmem:$0x1E800] =	vst v63  }
0x378: {  	_ =	swait.ge [sflag:s29], $0x2000  }
0x379: {  	[sflag:s29] =	ssyncset.done $0x0  }
0x37a: {  	s13 =	simm.s32 $0x1400;
	[sflag:s29] =	ssyncadd.s32 $0xFFFFE000  }
0x37b: {  	[spmem:s2] =	stream.indirect.scatter.add.f32 [tilespmem:s22], [sflag:$0x5], $0x80, s13, s21, $0xb8;
	[tilespmem:$0x1E800] =	vst v63  }
0x37c: {  	_ =	swait.ge [sflag:s19], $0x2000  }
0x37d: {  	[sflag:s19] =	ssyncset.done $0x0  }
0x37e: {  	s14 =	simm.s32 $0x200;
	[sflag:s19] =	ssyncadd.s32 $0xFFFFE000  }
0x37f: {  	[tilespmem:s22], [sflag:$0x1] =	stream.indirect.gather [hbm4b:s1+s21], $0x80, s14, s21, $0xb8;
	[tilespmem:$0x1E800] =	vst v63  }
0x380: {  	_ =	swait.ge [sflag:s30], $0x2000  }
0x381: {  	[sflag:s30] =	ssyncset.done $0x0  }
0x382: {  	s15 =	simm.s32 $0x1480;
	[sflag:s30] =	ssyncadd.s32 $0xFFFFE000  }
0x383: {  	[spmem:s2] =	stream.indirect.scatter.add.f32 [tilespmem:s24], [sflag:$0x5], $0x80, s15, s21, $0xb8;
	[tilespmem:$0x1E800] =	vst v63  }
0x384: {  	_ =	swait.ge [sflag:s19], $0x2000  }
0x385: {  	[sflag:s19] =	ssyncset.done $0x0  }
0x386: {  	s12 =	simm.s32 $0x280;
	[sflag:s19] =	ssyncadd.s32 $0xFFFFE000  }
0x387: {  	[tilespmem:s24], [sflag:$0x2] =	stream.indirect.gather [hbm4b:s1+s21], $0x80, s12, s21, $0xb8;
	[tilespmem:$0x1E800] =	vst v63  }
0x388: {  	_ =	swait.ge [sflag:s31], $0x2000  }
0x389: {  	[sflag:s31] =	ssyncset.done $0x0  }
0x38a: {  	s13 =	simm.s32 $0x1500;
	[sflag:s31] =	ssyncadd.s32 $0xFFFFE000  }
0x38b: {  	[spmem:s2] =	stream.indirect.scatter.add.f32 [tilespmem:s26], [sflag:$0x5], $0x80, s13, s21, $0xb8;
	[tilespmem:$0x1E800] =	vst v63  }
0x38c: {  	_ =	swait.ge [sflag:s19], $0x2000  }
0x38d: {  	[sflag:s19] =	ssyncset.done $0x0  }
0x38e: {  	s14 =	simm.s32 $0x300;
	[sflag:s19] =	ssyncadd.s32 $0xFFFFE000  }
0x38f: {  	[tilespmem:s26], [sflag:$0x3] =	stream.indirect.gather [hbm4b:s1+s21], $0x80, s14, s21, $0xb8;
	[tilespmem:$0x1E800] =	vst v63  }
0x390: {  	_ =	swait.ge [sflag:s0], $0x2000  }
0x391: {  	[sflag:s0] =	ssyncset.done $0x0  }
0x392: {  	s15 =	simm.s32 $0x1580;
	[sflag:s0] =	ssyncadd.s32 $0xFFFFE000  }
0x393: {  	[spmem:s2] =	stream.indirect.scatter.add.f32 [tilespmem:s28], [sflag:$0x5], $0x80, s15, s21, $0xb8;
	[tilespmem:$0x1E800] =	vst v63  }
0x394: {  	_ =	swait.ge [sflag:s19], $0x2000  }
0x395: {  	s11 =	simm.s32 $0x200;
	s14 =	simm.s32 $0x1000;
	[sflag:s19] =	ssyncset.done $0x0  }
.LBB2_7:
0x396: {  	s15 =	sadd.s32 $0x180, s11  }
0x397: {  	[sflag:s19] =	ssyncadd.s32 $0xFFFFE000;
	s13 =	smov.u32 s14;
	s12 =	sadd.s32 $0x800, s14  }
0x398: {  	[tilespmem:s28], [sflag:$0x4] =	stream.indirect.gather [hbm4b:s1+s21], $0x80, s15, s21, $0xb8;
	[tilespmem:$0x1E800] =	vst v63  }
0x399: {  	p1 =	sne.s32 s14, $0x4000;
	_ =	swait.ge [sflag:s29], $0x2000  }
0x39a: {  	[sflag:s29] =	ssyncset.done $0x0  }
0x39b: {  	s14 =	sadd.s32 $0x1400, s11;
	[sflag:s29] =	ssyncadd.s32 $0xFFFFE000  }
0x39c: {  	[spmem:s2] =	stream.indirect.scatter.add.f32 [tilespmem:s22], [sflag:$0x5], $0x80, s14, s21, $0xb8;
	[tilespmem:$0x1E800] =	vst v63  }
0x39d: {  	_ =	swait.ge [sflag:s19], $0x2000  }
0x39e: {  	[sflag:s19] =	ssyncset.done $0x0  }
0x39f: {  	s14 =	sadd.s32 $0x200, s11;
	[sflag:s19] =	ssyncadd.s32 $0xFFFFE000  }
0x3a0: {  	[tilespmem:s22], [sflag:$0x1] =	stream.indirect.gather [hbm4b:s1+s21], $0x80, s14, s21, $0xb8;
	[tilespmem:$0x1E800] =	vst v63  }
0x3a1: {  	_ =	swait.ge [sflag:s30], $0x2000  }
0x3a2: {  	[sflag:s30] =	ssyncset.done $0x0  }
0x3a3: {  	s14 =	sadd.s32 $0x1480, s11;
	[sflag:s30] =	ssyncadd.s32 $0xFFFFE000  }
0x3a4: {  	[spmem:s2] =	stream.indirect.scatter.add.f32 [tilespmem:s24], [sflag:$0x5], $0x80, s14, s21, $0xb8;
	[tilespmem:$0x1E800] =	vst v63  }
0x3a5: {  	_ =	swait.ge [sflag:s19], $0x2000  }
0x3a6: {  	[sflag:s19] =	ssyncset.done $0x0  }
0x3a7: {  	s14 =	sadd.s32 $0x280, s11;
	[sflag:s19] =	ssyncadd.s32 $0xFFFFE000  }
0x3a8: {  	[tilespmem:s24], [sflag:$0x2] =	stream.indirect.gather [hbm4b:s1+s21], $0x80, s14, s21, $0xb8;
	[tilespmem:$0x1E800] =	vst v63  }
0x3a9: {  	_ =	swait.ge [sflag:s31], $0x2000  }
0x3aa: {  	[sflag:s31] =	ssyncset.done $0x0  }
0x3ab: {  	s14 =	sadd.s32 $0x1500, s11;
	[sflag:s31] =	ssyncadd.s32 $0xFFFFE000  }
0x3ac: {  	[spmem:s2] =	stream.indirect.scatter.add.f32 [tilespmem:s26], [sflag:$0x5], $0x80, s14, s21, $0xb8;
	[tilespmem:$0x1E800] =	vst v63  }
0x3ad: {  	_ =	swait.ge [sflag:s19], $0x2000  }
0x3ae: {  	[sflag:s19] =	ssyncset.done $0x0  }
0x3af: {  	s14 =	sadd.s32 $0x300, s11;
	[sflag:s19] =	ssyncadd.s32 $0xFFFFE000  }
0x3b0: {  	[tilespmem:s26], [sflag:$0x3] =	stream.indirect.gather [hbm4b:s1+s21], $0x80, s14, s21, $0xb8;
	[tilespmem:$0x1E800] =	vst v63  }
0x3b1: {  	_ =	swait.ge [sflag:s0], $0x2000  }
.Ltmp10:
0x3b2: {  	[sflag:s0] =	ssyncset.done $0x0;
	(pc) =	sbr.rel @p1 .LBB2_7-.Ltmp10, $4  }
0x3b3: {  	s11 =	sadd.s32 $0x1580, s11;
	[sflag:s0] =	ssyncadd.s32 $0xFFFFE000  }
0x3b4: {  	[spmem:s2] =	stream.indirect.scatter.add.f32 [tilespmem:s28], [sflag:$0x5], $0x80, s11, s21, $0xb8;
	[tilespmem:$0x1E800] =	vst v63  }
0x3b5: {  	_ =	swait.ge [sflag:s19], $0x2000  }
0x3b6: {  	s14 =	smov.u32 s12;
	s11 =	sshra.s32 s13, $0x2;
	[sflag:s19] =	ssyncset.done $0x0  }
0x3b7: {  	s12 =	sadd.s32 $0x180, s11;
	[sflag:s19] =	ssyncadd.s32 $0xFFFFE000  }
0x3b8: {  	[tilespmem:s28], [sflag:$0x4] =	stream.indirect.gather [hbm4b:s1+s21], $0x80, s12, s21, $0xb8;
	[tilespmem:$0x1E800] =	vst v63  }
0x3b9: {  	_ =	swait.ge [sflag:s29], $0x2000  }
0x3ba: {  	[sflag:s29] =	ssyncset.done $0x0  }
0x3bb: {  	s13 =	sadd.s32 $0x1400, s11;
	[sflag:s29] =	ssyncadd.s32 $0xFFFFE000  }
0x3bc: {  	[spmem:s2] =	stream.indirect.scatter.add.f32 [tilespmem:s22], [sflag:$0x5], $0x80, s13, s21, $0xb8;
	[tilespmem:$0x1E800] =	vst v63  }
0x3bd: {  	_ =	swait.ge [sflag:s19], $0x2000  }
0x3be: {  	[sflag:s19] =	ssyncset.done $0x0  }
0x3bf: {  	s14 =	sadd.s32 $0x200, s11;
	[sflag:s19] =	ssyncadd.s32 $0xFFFFE000  }
0x3c0: {  	[tilespmem:s22], [sflag:$0x1] =	stream.indirect.gather [hbm4b:s1+s21], $0x80, s14, s21, $0xb8;
	[tilespmem:$0x1E800] =	vst v63  }
0x3c1: {  	_ =	swait.ge [sflag:s30], $0x2000  }
0x3c2: {  	[sflag:s30] =	ssyncset.done $0x0  }
0x3c3: {  	s15 =	sadd.s32 $0x1480, s11;
	[sflag:s30] =	ssyncadd.s32 $0xFFFFE000  }
0x3c4: {  	[spmem:s2] =	stream.indirect.scatter.add.f32 [tilespmem:s24], [sflag:$0x5], $0x80, s15, s21, $0xb8;
	[tilespmem:$0x1E800] =	vst v63  }
0x3c5: {  	_ =	swait.ge [sflag:s19], $0x2000  }
0x3c6: {  	[sflag:s19] =	ssyncset.done $0x0  }
0x3c7: {  	s13 =	sadd.s32 $0x280, s11;
	[sflag:s19] =	ssyncadd.s32 $0xFFFFE000  }
0x3c8: {  	[tilespmem:s24], [sflag:$0x2] =	stream.indirect.gather [hbm4b:s1+s21], $0x80, s13, s21, $0xb8;
	[tilespmem:$0x1E800] =	vst v63  }
0x3c9: {  	_ =	swait.ge [sflag:s31], $0x2000  }
0x3ca: {  	[sflag:s31] =	ssyncset.done $0x0  }
0x3cb: {  	s14 =	sadd.s32 $0x1500, s11;
	[sflag:s31] =	ssyncadd.s32 $0xFFFFE000  }
0x3cc: {  	[spmem:s2] =	stream.indirect.scatter.add.f32 [tilespmem:s26], [sflag:$0x5], $0x80, s14, s21, $0xb8;
	[tilespmem:$0x1E800] =	vst v63  }
0x3cd: {  	_ =	swait.ge [sflag:s19], $0x2000  }
0x3ce: {  	[sflag:s19] =	ssyncset.done $0x0  }
0x3cf: {  	s15 =	sadd.s32 $0x300, s11;
	[sflag:s19] =	ssyncadd.s32 $0xFFFFE000  }
0x3d0: {  	[tilespmem:s26], [sflag:$0x3] =	stream.indirect.gather [hbm4b:s1+s21], $0x80, s15, s21, $0xb8;
	[tilespmem:$0x1E800] =	vst v63  }
0x3d1: {  	_ =	swait.ge [sflag:s0], $0x2000  }
0x3d2: {  	[sflag:s0] =	ssyncset.done $0x0  }
0x3d3: {  	s12 =	sadd.s32 $0x1580, s11;
	[sflag:s0] =	ssyncadd.s32 $0xFFFFE000  }
0x3d4: {  	[spmem:s2] =	stream.indirect.scatter.add.f32 [tilespmem:s28], [sflag:$0x5], $0x80, s12, s21, $0xb8;
	[tilespmem:$0x1E800] =	vst v63  }
0x3d5: {  	_ =	swait.ge [sflag:s19], $0x2000  }
0x3d6: {  	[sflag:s19] =	ssyncset.done $0x0  }
0x3d7: {  	[sflag:s19] =	ssyncadd.s32 $0xFFFFE000  }
0x3d8: {  	[tilespmem:s28], [sflag:$0x4] =	stream.indirect.gather [hbm4b:s1+s21], $0x80, s3, s21, $0xb8;
	[tilespmem:$0x1E800] =	vst v63  }
0x3d9: {  	_ =	swait.ge [sflag:s29], $0x2000  }
0x3da: {  	[sflag:s29] =	ssyncset.done $0x0  }
0x3db: {  	[sflag:s29] =	ssyncadd.s32 $0xFFFFE000  }
0x3dc: {  	[spmem:s2] =	stream.indirect.scatter.add.f32 [tilespmem:s22], [sflag:$0x5], $0x80, s4, s21, $0xb8;
	[tilespmem:$0x1E800] =	vst v63  }
0x3dd: {  	_ =	swait.ge [sflag:s19], $0x2000  }
0x3de: {  	[sflag:s19] =	ssyncset.done $0x0  }
0x3df: {  	[sflag:s19] =	ssyncadd.s32 $0xFFFFE000  }
0x3e0: {  	_ =	swait.ge [sflag:s30], $0x2000  }
0x3e1: {  	[sflag:s30] =	ssyncset.done $0x0  }
0x3e2: {  	[sflag:s30] =	ssyncadd.s32 $0xFFFFE000  }
0x3e3: {  	[spmem:s2] =	stream.indirect.scatter.add.f32 [tilespmem:s24], [sflag:$0x5], $0x80, s6, s21, $0xb8;
	[tilespmem:$0x1E800] =	vst v63  }
0x3e4: {  	_ =	swait.ge [sflag:s19], $0x2000  }
0x3e5: {  	[sflag:s19] =	ssyncset.done $0x0  }
0x3e6: {  	[sflag:s19] =	ssyncadd.s32 $0xFFFFE000  }
0x3e7: {  	_ =	swait.ge [sflag:s31], $0x2000  }
0x3e8: {  	[sflag:s31] =	ssyncset.done $0x0  }
0x3e9: {  	[sflag:s31] =	ssyncadd.s32 $0xFFFFE000  }
0x3ea: {  	[spmem:s2] =	stream.indirect.scatter.add.f32 [tilespmem:s26], [sflag:$0x5], $0x80, s8, s21, $0xb8;
	[tilespmem:$0x1E800] =	vst v63  }
0x3eb: {  	_ =	swait.ge [sflag:s19], $0x2000  }
0x3ec: {  	[sflag:s19] =	ssyncset.done $0x0  }
0x3ed: {  	[sflag:s19] =	ssyncadd.s32 $0xFFFFE000  }
0x3ee: {  	_ =	swait.ge [sflag:s0], $0x2000  }
0x3ef: {  	[sflag:s0] =	ssyncset.done $0x0  }
0x3f0: {  	[sflag:s0] =	ssyncadd.s32 $0xFFFFE000  }
0x3f1: {  	[spmem:s2] =	stream.indirect.scatter.add.f32 [tilespmem:s28], [sflag:$0x5], $0x80, s9, s21, $0xb8;
	[tilespmem:$0x1E800] =	vst v63  }
0x3f2: {  	_ =	swait.ge [sflag:s19], $0x2000  }
0x3f3: {  	[sflag:s19] =	ssyncset.done $0x0  }
0x3f4: {  	s13 =	simm.s32 $0x0;
	s14 =	rddreg [dreg:$0xb];
	[sflag:s19] =	ssyncadd.s32 $0xFFFFE000  }
0x3f5: {  	[tilespmem:s13], [sflag:$0x5] =	stream.linear.gather [hbm4b:s14+s13], $0x1400, $0x38;
	[tilespmem:$0x1E800] =	vst v63  }
0x3f6: {  	_ =	swait.ge [sflag:s19], $0x1400  }
0x3f7: {  	[sflag:s19] =	ssyncset.done $0x0  }
0x3f8: {  	s15 =	rddreg [dreg:$0xc];
	[sflag:s19] =	ssyncadd.s32 $0xFFFFEC00  }
0x3f9: {  	[tilespmem:s20], [sflag:$0x5] =	stream.linear.gather [hbm4b:s15+s13], $0x1400, $0x38;
	[tilespmem:$0x1E800] =	vst v63  }
0x3fa: {  	_ =	swait.ge [sflag:s19], $0x1400  }
0x3fb: {  	[sflag:s19] =	ssyncset.done $0x0  }
0x3fc: {  	[sflag:s19] =	ssyncadd.s32 $0xFFFFEC00  }
0x3fd: {  	[tilespmem:s22], [sflag:$0x1] =	stream.indirect.gather [hbm4b:s1+s21], $0x80, s13, s21, $0xb8;
	[tilespmem:$0x1E800] =	vst v63  }
0x3fe: {  	_ = 	snop  }
0x3ff: {  	[tilespmem:s24], [sflag:$0x2] =	stream.indirect.gather [hbm4b:s1+s21], $0x80, s23, s21, $0xb8;
	[tilespmem:$0x1E800] =	vst v63  }
0x400: {  	_ = 	snop  }
0x401: {  	[tilespmem:s26], [sflag:$0x3] =	stream.indirect.gather [hbm4b:s1+s21], $0x80, s25, s21, $0xb8;
	[tilespmem:$0x1E800] =	vst v63  }
0x402: {  	s12 =	simm.s32 $0x180  }
0x403: {  	[tilespmem:s28], [sflag:$0x4] =	stream.indirect.gather [hbm4b:s1+s21], $0x80, s12, s21, $0xb8;
	[tilespmem:$0x1E800] =	vst v63  }
0x404: {  	_ =	swait.ge [sflag:s29], $0x2000  }
0x405: {  	[sflag:s29] =	ssyncset.done $0x0  }
0x406: {  	s13 =	simm.s32 $0x1400;
	[sflag:s29] =	ssyncadd.s32 $0xFFFFE000  }
0x407: {  	[spmem:s2] =	stream.indirect.scatter.add.f32 [tilespmem:s22], [sflag:$0x5], $0x80, s13, s21, $0xb8;
	[tilespmem:$0x1E800] =	vst v63  }
0x408: {  	_ =	swait.ge [sflag:s19], $0x2000  }
0x409: {  	[sflag:s19] =	ssyncset.done $0x0  }
0x40a: {  	s14 =	simm.s32 $0x200;
	[sflag:s19] =	ssyncadd.s32 $0xFFFFE000  }
0x40b: {  	[tilespmem:s22], [sflag:$0x1] =	stream.indirect.gather [hbm4b:s1+s21], $0x80, s14, s21, $0xb8;
	[tilespmem:$0x1E800] =	vst v63  }
0x40c: {  	_ =	swait.ge [sflag:s30], $0x2000  }
0x40d: {  	[sflag:s30] =	ssyncset.done $0x0  }
0x40e: {  	s15 =	simm.s32 $0x1480;
	[sflag:s30] =	ssyncadd.s32 $0xFFFFE000  }
0x40f: {  	[spmem:s2] =	stream.indirect.scatter.add.f32 [tilespmem:s24], [sflag:$0x5], $0x80, s15, s21, $0xb8;
	[tilespmem:$0x1E800] =	vst v63  }
0x410: {  	_ =	swait.ge [sflag:s19], $0x2000  }
0x411: {  	[sflag:s19] =	ssyncset.done $0x0  }
0x412: {  	s12 =	simm.s32 $0x280;
	[sflag:s19] =	ssyncadd.s32 $0xFFFFE000  }
0x413: {  	[tilespmem:s24], [sflag:$0x2] =	stream.indirect.gather [hbm4b:s1+s21], $0x80, s12, s21, $0xb8;
	[tilespmem:$0x1E800] =	vst v63  }
0x414: {  	_ =	swait.ge [sflag:s31], $0x2000  }
0x415: {  	[sflag:s31] =	ssyncset.done $0x0  }
0x416: {  	s13 =	simm.s32 $0x1500;
	[sflag:s31] =	ssyncadd.s32 $0xFFFFE000  }
0x417: {  	[spmem:s2] =	stream.indirect.scatter.add.f32 [tilespmem:s26], [sflag:$0x5], $0x80, s13, s21, $0xb8;
	[tilespmem:$0x1E800] =	vst v63  }
0x418: {  	_ =	swait.ge [sflag:s19], $0x2000  }
0x419: {  	[sflag:s19] =	ssyncset.done $0x0  }
0x41a: {  	s14 =	simm.s32 $0x300;
	[sflag:s19] =	ssyncadd.s32 $0xFFFFE000  }
0x41b: {  	[tilespmem:s26], [sflag:$0x3] =	stream.indirect.gather [hbm4b:s1+s21], $0x80, s14, s21, $0xb8;
	[tilespmem:$0x1E800] =	vst v63  }
0x41c: {  	_ =	swait.ge [sflag:s0], $0x2000  }
0x41d: {  	[sflag:s0] =	ssyncset.done $0x0  }
0x41e: {  	s15 =	simm.s32 $0x1580;
	[sflag:s0] =	ssyncadd.s32 $0xFFFFE000  }
0x41f: {  	[spmem:s2] =	stream.indirect.scatter.add.f32 [tilespmem:s28], [sflag:$0x5], $0x80, s15, s21, $0xb8;
	[tilespmem:$0x1E800] =	vst v63  }
0x420: {  	_ =	swait.ge [sflag:s19], $0x2000  }
0x421: {  	s11 =	simm.s32 $0x200;
	s14 =	simm.s32 $0x1000;
	[sflag:s19] =	ssyncset.done $0x0  }
.LBB2_9:
0x422: {  	s15 =	sadd.s32 $0x180, s11  }
0x423: {  	[sflag:s19] =	ssyncadd.s32 $0xFFFFE000;
	s13 =	smov.u32 s14;
	s12 =	sadd.s32 $0x800, s14  }
0x424: {  	[tilespmem:s28], [sflag:$0x4] =	stream.indirect.gather [hbm4b:s1+s21], $0x80, s15, s21, $0xb8;
	[tilespmem:$0x1E800] =	vst v63  }
0x425: {  	p1 =	seq.s32 s14, $0x4000;
	_ =	swait.ge [sflag:s29], $0x2000  }
0x426: {  	[sflag:s29] =	ssyncset.done $0x0  }
0x427: {  	s14 =	sadd.s32 $0x1400, s11;
	[sflag:s29] =	ssyncadd.s32 $0xFFFFE000  }
0x428: {  	[spmem:s2] =	stream.indirect.scatter.add.f32 [tilespmem:s22], [sflag:$0x5], $0x80, s14, s21, $0xb8;
	[tilespmem:$0x1E800] =	vst v63  }
0x429: {  	_ =	swait.ge [sflag:s19], $0x2000  }
0x42a: {  	[sflag:s19] =	ssyncset.done $0x0  }
0x42b: {  	s14 =	sadd.s32 $0x200, s11;
	[sflag:s19] =	ssyncadd.s32 $0xFFFFE000  }
0x42c: {  	[tilespmem:s22], [sflag:$0x1] =	stream.indirect.gather [hbm4b:s1+s21], $0x80, s14, s21, $0xb8;
	[tilespmem:$0x1E800] =	vst v63  }
0x42d: {  	_ =	swait.ge [sflag:s30], $0x2000  }
0x42e: {  	[sflag:s30] =	ssyncset.done $0x0  }
0x42f: {  	s14 =	sadd.s32 $0x1480, s11;
	[sflag:s30] =	ssyncadd.s32 $0xFFFFE000  }
0x430: {  	[spmem:s2] =	stream.indirect.scatter.add.f32 [tilespmem:s24], [sflag:$0x5], $0x80, s14, s21, $0xb8;
	[tilespmem:$0x1E800] =	vst v63  }
0x431: {  	_ =	swait.ge [sflag:s19], $0x2000  }
0x432: {  	[sflag:s19] =	ssyncset.done $0x0  }
0x433: {  	s14 =	sadd.s32 $0x280, s11;
	[sflag:s19] =	ssyncadd.s32 $0xFFFFE000  }
0x434: {  	[tilespmem:s24], [sflag:$0x2] =	stream.indirect.gather [hbm4b:s1+s21], $0x80, s14, s21, $0xb8;
	[tilespmem:$0x1E800] =	vst v63  }
0x435: {  	_ =	swait.ge [sflag:s31], $0x2000  }
0x436: {  	[sflag:s31] =	ssyncset.done $0x0  }
0x437: {  	s14 =	sadd.s32 $0x1500, s11;
	[sflag:s31] =	ssyncadd.s32 $0xFFFFE000  }
0x438: {  	[spmem:s2] =	stream.indirect.scatter.add.f32 [tilespmem:s26], [sflag:$0x5], $0x80, s14, s21, $0xb8;
	[tilespmem:$0x1E800] =	vst v63  }
0x439: {  	_ =	swait.ge [sflag:s19], $0x2000  }
0x43a: {  	[sflag:s19] =	ssyncset.done $0x0  }
0x43b: {  	s14 =	sadd.s32 $0x300, s11;
	[sflag:s19] =	ssyncadd.s32 $0xFFFFE000  }
0x43c: {  	[tilespmem:s26], [sflag:$0x3] =	stream.indirect.gather [hbm4b:s1+s21], $0x80, s14, s21, $0xb8;
	[tilespmem:$0x1E800] =	vst v63  }
0x43d: {  	_ =	swait.ge [sflag:s0], $0x2000  }
.Ltmp11:
0x43e: {  	[sflag:s0] =	ssyncset.done $0x0;
	(pc) =	sbr.rel @!p1 .LBB2_9-.Ltmp11, $4  }
0x43f: {  	s11 =	sadd.s32 $0x1580, s11;
	[sflag:s0] =	ssyncadd.s32 $0xFFFFE000  }
0x440: {  	[spmem:s2] =	stream.indirect.scatter.add.f32 [tilespmem:s28], [sflag:$0x5], $0x80, s11, s21, $0xb8;
	[tilespmem:$0x1E800] =	vst v63  }
0x441: {  	_ =	swait.ge [sflag:s19], $0x2000  }
0x442: {  	s14 =	smov.u32 s12;
	s11 =	sshra.s32 s13, $0x2;
	[sflag:s19] =	ssyncset.done $0x0  }
0x443: {  	s12 =	sadd.s32 $0x180, s11;
	[sflag:s19] =	ssyncadd.s32 $0xFFFFE000  }
0x444: {  	[tilespmem:s28], [sflag:$0x4] =	stream.indirect.gather [hbm4b:s1+s21], $0x80, s12, s21, $0xb8;
	[tilespmem:$0x1E800] =	vst v63  }
0x445: {  	_ =	swait.ge [sflag:s29], $0x2000  }
0x446: {  	[sflag:s29] =	ssyncset.done $0x0  }
0x447: {  	s15 =	sadd.s32 $0x1400, s11;
	[sflag:s29] =	ssyncadd.s32 $0xFFFFE000  }
0x448: {  	[spmem:s2] =	stream.indirect.scatter.add.f32 [tilespmem:s22], [sflag:$0x5], $0x80, s15, s21, $0xb8;
	[tilespmem:$0x1E800] =	vst v63  }
0x449: {  	_ =	swait.ge [sflag:s19], $0x2000  }
0x44a: {  	[sflag:s19] =	ssyncset.done $0x0  }
0x44b: {  	s13 =	sadd.s32 $0x200, s11;
	[sflag:s19] =	ssyncadd.s32 $0xFFFFE000  }
0x44c: {  	[tilespmem:s22], [sflag:$0x1] =	stream.indirect.gather [hbm4b:s1+s21], $0x80, s13, s21, $0xb8;
	[tilespmem:$0x1E800] =	vst v63  }
0x44d: {  	_ =	swait.ge [sflag:s30], $0x2000  }
0x44e: {  	[sflag:s30] =	ssyncset.done $0x0  }
0x44f: {  	s14 =	sadd.s32 $0x1480, s11;
	[sflag:s30] =	ssyncadd.s32 $0xFFFFE000  }
0x450: {  	[spmem:s2] =	stream.indirect.scatter.add.f32 [tilespmem:s24], [sflag:$0x5], $0x80, s14, s21, $0xb8;
	[tilespmem:$0x1E800] =	vst v63  }
0x451: {  	_ =	swait.ge [sflag:s19], $0x2000  }
0x452: {  	[sflag:s19] =	ssyncset.done $0x0  }
0x453: {  	s15 =	sadd.s32 $0x280, s11;
	[sflag:s19] =	ssyncadd.s32 $0xFFFFE000  }
0x454: {  	[tilespmem:s24], [sflag:$0x2] =	stream.indirect.gather [hbm4b:s1+s21], $0x80, s15, s21, $0xb8;
	[tilespmem:$0x1E800] =	vst v63  }
0x455: {  	_ =	swait.ge [sflag:s31], $0x2000  }
0x456: {  	[sflag:s31] =	ssyncset.done $0x0  }
0x457: {  	s13 =	sadd.s32 $0x1500, s11;
	[sflag:s31] =	ssyncadd.s32 $0xFFFFE000  }
0x458: {  	[spmem:s2] =	stream.indirect.scatter.add.f32 [tilespmem:s26], [sflag:$0x5], $0x80, s13, s21, $0xb8;
	[tilespmem:$0x1E800] =	vst v63  }
0x459: {  	_ =	swait.ge [sflag:s19], $0x2000  }
0x45a: {  	[sflag:s19] =	ssyncset.done $0x0  }
0x45b: {  	s14 =	sadd.s32 $0x300, s11;
	[sflag:s19] =	ssyncadd.s32 $0xFFFFE000  }
0x45c: {  	[tilespmem:s26], [sflag:$0x3] =	stream.indirect.gather [hbm4b:s1+s21], $0x80, s14, s21, $0xb8;
	[tilespmem:$0x1E800] =	vst v63  }
0x45d: {  	_ =	swait.ge [sflag:s0], $0x2000  }
0x45e: {  	[sflag:s0] =	ssyncset.done $0x0  }
0x45f: {  	s15 =	sadd.s32 $0x1580, s11;
	[sflag:s0] =	ssyncadd.s32 $0xFFFFE000  }
0x460: {  	[spmem:s2] =	stream.indirect.scatter.add.f32 [tilespmem:s28], [sflag:$0x5], $0x80, s15, s21, $0xb8;
	[tilespmem:$0x1E800] =	vst v63  }
.Ltmp12:
0x461: {  	_ = 	snop;
	(pc) =	sbr.rel .LBB2_20-.Ltmp12, $4  }
0x462: {  	_ =	swait.ge [sflag:s19], $0x2000  }
0x463: {  	[sflag:s19] =	ssyncset.done $0x0  }
0x464: {  	[sflag:s19] =	ssyncadd.s32 $0xFFFFE000  }
0x465: {  	[tilespmem:s28], [sflag:$0x4] =	stream.indirect.gather [hbm4b:s1+s21], $0x80, s3, s21, $0xb8;
	[tilespmem:$0x1E800] =	vst v63  }
.LBB2_21:
0x466: {  	_ =	sfence.sel $0x180000  }
0x467: {  	[bflag:$0x0] =	sbarrier.arrive $0xFFFF  }
0x468: {  	_ =	strace $0x9000004A  }
0x469: {  	s0 =	stileid.u32;
	[bflag:$0x2] =	sbarrier.arrive $0xFFFF  }
0x46a: {  	p0 =	sne.s32 s0, $0x0;
	s0 =	rddreg [dreg:$0x3]  }
0x46b: {  	s0 =	sadd.s32 @!p0 $0x100000, s0  }
0x46c: {  	[sflag:s0] =	ssyncadd.tile.s32 @!p0 $0x1;
	_ =	shalt  }
.Lfunc_end2:
_tile_overlayer_lowered:
.L_overlay_start_2:
0x46d: {  	(tag) =	ssettag $0x2  }
0x46e: {  	s0 =	rddreg [dreg:$0x0];
	s2 =	stileid.u32  }
0x46f: {  	s1 =	rddreg [dreg:$0x1];
	p0 =	sne.s32 s2, $0x0  }
0x470: {  	s3 =	rddreg [dreg:$0x2];
	[bflag:$0x3] =	sbarrier.arrive $0xFFFF;
	s2 =	simm.s32 @!p0 $0x1C05  }
0x471: {  	[timem:s3], [sflag:s2] =	dma.local @!p0 [hbm:s0], s1  }
0x472: {  	s0 =	simm.s32 @!p0 $0x5  }
0x473: {  	_ =	swait.ge @!p0 [sflag:s0], s1  }
0x474: {  	s1 =	ssub.s32 @!p0 $0x0, s1;
	[sflag:s0] =	ssyncset.done @!p0 $0x0  }
0x475: {  	[sflag:s0] =	ssyncadd.s32 @!p0 s1  }
0x476: {  	[bflag:$0x3] =	sbarrier.arrive $0xFFFF  }
0x477: {  	_ =	shalt  }

// kernel: kernel.7.cloned.1.call-start
scs
__scs_entry_jumppad:
0x0: {  	(pc) =	sbr.rel $0x88, $3  }
0x1: {  	(tag) =	ssettag $0x0;
	lr =	simm.s32 $0x1  }
0x2: {  	[smem:$0x3F9B] =	sst lr;
	_ =	strace $0xD0000000  }
0x3: {  	_ = 	snop  }
0x4: {  	_ = 	snop  }
0x5: {  	_ = 	snop  }
0x6: {  	_ = 	snop  }
0x7: {  	_ = 	snop  }
__scs_overlays_trampoline_lowered:
0x8: {  	[smem:$0x3FAA] =	sst s0  }
0x9: {  	[smem:$0x3FAB] =	sst s1  }
0xa: {  	[smem:$0x3FAC] =	sst s2  }
0xb: {  	[smem:$0x3FAD] =	sst s3  }
0xc: {  	[smem:$0x3FAE] =	sst s4  }
0xd: {  	[smem:$0x3FAF] =	sst s5  }
0xe: {  	[smem:$0x3FB0] =	sst s6  }
0xf: {  	[smem:$0x3FB1] =	sst s7  }
0x10: {  	[smem:$0x3FB2] =	sst s8  }
0x11: {  	[smem:$0x3FB3] =	sst s9;
	s0 =	simm.s32 @!p0 $0x0  }
0x12: {  	s1 =	sld [smem:$0x3F99];
	s0 =	simm.s32 @p0 $0x1  }
0x13: {  	[smem:$0x3FB4] =	sst s0;
	s0 =	simm.s32 @!p1 $0x0  }
0x14: {  	s2 =	sld [smem:$0x3F98];
	s0 =	simm.s32 @p1 $0x1  }
0x15: {  	[smem:$0x3FB5] =	sst s0;
	s0 =	simm.s32 @!p2 $0x0  }
0x16: {  	s3 =	sld [smem:$0x3FDB];
	s0 =	simm.s32 @p2 $0x1  }
0x17: {  	s4 =	simm.s32 $0x1BF5;
	[smem:$0x3FB7] =	sst s0  }
0x18: {  	s0 =	sld [smem:$0x3F9A];
	_ =	swait.ge [sflag:s4], $0x0  }
0x19: {  	s7 =	sld [smem:$0x3F9B]  }
0x1a: {  	s8 =	sadd.s32 $0xFFFFE003, lr  }
0x1b: {  	s9 =	sadd.s32 $0xFFFFFEF7, lr;
	s5 =	simm.s32 $0xFFFFFFFF;
	p2 =	slt.u32 s8, $0xFFFFF086  }
0x1c: {  	p1 =	slt.u32 s9, $0xF7A;
	s5 =	simm.s32 @!p2 $0x0  }
0x1d: {  	s5 =	simm.s32 @p1 $0x1;
	p0 =	seq.s32 s7, s2  }
0x1e: {  	s7 =	smul.u32 @!p0 $0xF7A, s2;
	p2 =	seq.s32 @!p0 s5, $0x0  }
0x1f: {  	s9 =	smul.u32 $0xF7A, s1;
	s8 =	simm.s32 @!p0 $0x1BF5;
	p2 =	por !p2, p0  }
0x20: {  	[sflag:s8] =	ssyncset.s32 @!p0 $0xFFFFF086;
	s6 =	sadd.s32 @!p0 s3, s7;
	s7 =	simm.s32 @!p0 $0x108  }
0x21: {  	s3 =	sadd.s32 s3, s9;
	s6 =	sadd.s32 @!p0 $0x88, s6;
	s7 =	simm.s32 @p2 $0x1082  }
0x22: {  	[simem:s7], [sflag:s8] =	dma.local @!p0 [hbm:s6], $0xF7A  }
0x23: {  	s9 =	sor.u32 $0xD0000000, s2;
	s6 =	simm.s32 $0x108;
	_ =	swait.ge @!p0 [sflag:s8], $0x0  }
0x24: {  	s3 =	sadd.s32 $0x88, s3;
	s6 =	simm.s32 @!p1 $0x1082;
	[sflag:s4] =	ssyncset.s32 $0xFFFFF086  }
0x25: {  	[simem:s6], [sflag:s4] =	dma.local [hbm:s3], $0xF7A  }
0x26: {  	[smem:$0x3F9B] =	sst s1;
	(tag) =	ssettag s2;
	_ =	strace s9  }
0x27: {  	s1 =	sld [smem:$0x3FAB]  }
0x28: {  	s2 =	sld [smem:$0x3FAC]  }
0x29: {  	s4 =	sld [smem:$0x3FAE]  }
0x2a: {  	p0 =	seq.s32 s5, $0x0;
	s5 =	sld [smem:$0x3FAF]  }
0x2b: {  	s6 =	sld [smem:$0x3FB0]  }
0x2c: {  	s7 =	sld [smem:$0x3FB1]  }
0x2d: {  	s3 =	simm.s32 $0x108;
	s8 =	sld [smem:$0x3FB2]  }
0x2e: {  	s3 =	simm.s32 @!p0 $0x1082;
	s9 =	sld [smem:$0x3FB3]  }
0x2f: {  	lr =	sadd.s32 s0, s3;
	s0 =	sld [smem:$0x3FAA]  }
0x30: {  	s3 =	sld [smem:$0x3FAD]  }
0x31: {  	[smem:$0x3FB6] =	sst s10  }
0x32: {  	s10 =	sld [smem:$0x3FB4];
	_ =	sdelay $0x3  }
0x33: {  	p0 =	seq.s32 s10, $0x1;
	s10 =	sld [smem:$0x3FB6];
	_ =	sdelay $0x3  }
0x34: {  	[smem:$0x3FB6] =	sst s10  }
0x35: {  	s10 =	sld [smem:$0x3FB5];
	_ =	sdelay $0x3  }
0x36: {  	p1 =	seq.s32 s10, $0x1;
	s10 =	sld [smem:$0x3FB6];
	_ =	sdelay $0x3  }
0x37: {  	[smem:$0x3FB6] =	sst s10  }
0x38: {  	s10 =	sld [smem:$0x3FB7]  }
0x39: {  	_ = 	snop;
	(pc) =	sbr.ind lr, $3  }
0x3a: {  	_ = 	snop  }
0x3b: {  	_ = 	snop  }
0x3c: {  	p2 =	seq.s32 s10, $0x1;
	s10 =	sld [smem:$0x3FB6]  }
0x3d: {  	_ =	shalt  }
0x3e: {  	_ =	shalt  }
0x3f: {  	_ =	shalt  }
0x40: {  	_ =	shalt  }
0x41: {  	_ =	shalt  }
0x42: {  	_ =	shalt  }
0x43: {  	_ =	shalt  }
0x44: {  	_ =	shalt  }
0x45: {  	_ =	shalt  }
0x46: {  	_ =	shalt  }
0x47: {  	_ =	shalt  }
0x48: {  	_ =	shalt  }
0x49: {  	_ =	shalt  }
0x4a: {  	_ =	shalt  }
0x4b: {  	_ =	shalt  }
0x4c: {  	_ =	shalt  }
0x4d: {  	_ =	shalt  }
0x4e: {  	_ =	shalt  }
0x4f: {  	_ =	shalt  }
0x50: {  	_ =	shalt  }
0x51: {  	_ =	shalt  }
0x52: {  	_ =	shalt  }
0x53: {  	_ =	shalt  }
0x54: {  	_ =	shalt  }
0x55: {  	_ =	shalt  }
0x56: {  	_ =	shalt  }
0x57: {  	_ =	shalt  }
0x58: {  	_ =	shalt  }
0x59: {  	_ =	shalt  }
0x5a: {  	_ =	shalt  }
0x5b: {  	_ =	shalt  }
0x5c: {  	_ =	shalt  }
0x5d: {  	_ =	shalt  }
0x5e: {  	_ =	shalt  }
0x5f: {  	_ =	shalt  }
0x60: {  	_ =	shalt  }
0x61: {  	_ =	shalt  }
0x62: {  	_ =	shalt  }
0x63: {  	_ =	shalt  }
0x64: {  	_ =	shalt  }
0x65: {  	_ =	shalt  }
0x66: {  	_ =	shalt  }
0x67: {  	_ =	shalt  }
0x68: {  	_ =	shalt  }
0x69: {  	_ =	shalt  }
0x6a: {  	_ =	shalt  }
0x6b: {  	_ =	shalt  }
0x6c: {  	_ =	shalt  }
0x6d: {  	_ =	shalt  }
0x6e: {  	_ =	shalt  }
0x6f: {  	_ =	shalt  }
0x70: {  	_ =	shalt  }
0x71: {  	_ =	shalt  }
0x72: {  	_ =	shalt  }
0x73: {  	_ =	shalt  }
0x74: {  	_ =	shalt  }
0x75: {  	_ =	shalt  }
0x76: {  	_ =	shalt  }
0x77: {  	_ =	shalt  }
0x78: {  	_ =	shalt  }
0x79: {  	_ =	shalt  }
0x7a: {  	_ =	shalt  }
0x7b: {  	_ =	shalt  }
0x7c: {  	_ =	shalt  }
0x7d: {  	_ =	shalt  }
0x7e: {  	_ =	shalt  }
0x7f: {  	_ =	shalt  }
0x80: {  	_ =	shalt  }
0x81: {  	_ =	shalt  }
0x82: {  	_ =	shalt  }
0x83: {  	_ =	shalt  }
0x84: {  	_ =	shalt  }
0x85: {  	_ =	shalt  }
0x86: {  	_ =	shalt  }
0x87: {  	_ =	shalt  }
.Lfunc_end0:
.L_simem_size_0:
called_computation_lowered:
.L_overlay_start_0:
0x88: {  	s2 =	sld [smem:$0x3FD9]  }
0x89: {  	s3 =	sld [smem:$0x3FFE];
	_ =	sdelay $0x1  }
0x8a: {  	s1 =	srdreg.scid  }
0x8b: {  	s0 =	sand.u32 $0x1, s1  }
0x8c: {  	s14 =	sshll.u32 s0, $0xA;
	s2 =	sadd.s32 s3, s2  }
0x8d: {  	s2 =	sadd.s32 s2, s14  }
0x8e: {  	[smem:$0x3FC2] =	sst s2  }
0x8f: {  	_ = 	snop  }
0x90: {  	s2 =	sld [smem:$0x3FD0];
	_ =	sdelay $0x2  }
0x91: {  	s15 =	simm.s32 $0xA;
	s4 =	simm.s32 $0x10  }
0x92: {  	[smem:s4], [sflag:s15] =	dma.local [hbm:s2], $0x1  }
0x93: {  	_ =	swait.eq [sflag:s15], $0x1  }
0x94: {  	[sflag:s15] =	ssyncset.done $0x0  }
0x95: {  	[sflag:s15] =	ssyncadd.s32 $0xFFFFFFFF  }
0x96: {  	s16 =	sld [smem:$0x11];
	(tm) =	ssettm $0x1  }
0x97: {  	s17 =	sld [smem:$0x3FFB];
	_ =	sdelay $0x3  }
0x98: {  	_ =	strace s17  }
0x99: {  	s3 =	sld [smem:$0x3FFC];
	_ =	sdelay $0x3  }
0x9a: {  	_ =	strace s3  }
0x9b: {  	s3 =	sld [smem:$0x3FFD];
	_ =	sdelay $0x3  }
0x9c: {  	_ =	strace s3  }
0x9d: {  	_ =	strace $0x8FFFFFFF  }
0x9e: {  	s18 =	sld [smem:$0x3FDB];
	_ =	sdelay $0x1  }
0x9f: {  	s19 =	simm.s32 $_scs_section_size  }
0xa0: {  	s5 =	simm.s32 $_size__tile_overlayer_lowered;
	s6 =	simm.s32 $_tile_overlayer_lowered  }
0xa1: {  	s22 =	simm.s32 $0x1BFF;
	s21 =	sshll.u32 s6, $0x1;
	s3 =	sadd.s32 s19, s18  }
0xa2: {  	s7 =	simm.s32 $0x0;
	s20 =	sshll.u32 s5, $0x1;
	s5 =	sadd.s32 s21, s3  }
0xa3: {  	[timem:s7], [sflag:s22] =	dma.local [hbm:s5], s20  }
0xa4: {  	_ =	swait.ge [sflag:s22], s20  }
0xa5: {  	s4 =	ssub.s32 $0x0, s20;
	[sflag:s22] =	ssyncset.done $0x0  }
0xa6: {  	[sflag:s22] =	ssyncadd.s32 s4;
	_ =	sdelay $0x1  }
0xa7: {  	s23 =	simm.s32 $0x1B8B  }
0xa8: {  	_ =	swait.ge [sflag:s23], $0x1  }
0xa9: {  	[sflag:s23] =	ssyncset.done $0x0  }
0xaa: {  	s25 =	simm.s32 $0x1B8E;
	s24 =	sld [smem:$0x3FFE];
	[sflag:s23] =	ssyncadd.s32 $0xFFFFFFFF  }
0xab: {  	s26 =	simm.s32 $execute0_lowered;
	[smem:$0x3FD2] =	sst s25  }
0xac: {  	s5 =	sshll.u32 s26, $0x1;
	_ =	strace $0x80000046;
	[dreg:$0x1] =	wrdreg $0xFFFFFFFF  }
0xad: {  	s28 =	simm.s32 $_size_execute0_lowered;
	s3 =	sadd.s32 s3, s5;
	[dreg:$0x0] =	wrdreg $0x0  }
0xae: {  	s5 =	sshll.u32 s28, $0x1;
	[dreg:$0x2] =	wrdreg s3  }
0xaf: {  	[dreg:$0x3] =	wrdreg s5  }
0xb0: {  	[dreg:$0x4] =	wrdreg $0xC0  }
0xb1: {  	_ =	task [dreg:s7], $0x5FFFF  }
0xb2: {  	[dreg:$0x1] =	wrdreg $0xFFFFFFFF  }
0xb3: {  	[dreg:$0x0] =	wrdreg $0x60  }
0xb4: {  	[dreg:$0x2] =	wrdreg s24  }
0xb5: {  	[dreg:$0x3] =	wrdreg s16  }
0xb6: {  	[dreg:$0x4] =	wrdreg $0x14800  }
0xb7: {  	[dreg:$0x5] =	wrdreg $0x9  }
0xb8: {  	_ =	task.clear_ibuf [dreg:s7], $0x6FFFF;
	_ =	strace $0x90000046  }
0xb9: {  	s29 =	simm.s32 $0x9;
	_ =	strace $0x80000048  }
0xba: {  	_ =	swait.ge [sflag:s29], $0x1  }
0xbb: {  	[sflag:s29] =	ssyncadd.s32 $0xFFFFFFFF  }
0xbc: {  	_ =	strace $0x90000048  }
0xbd: {  	_ =	sfence  }
0xbe: {  	s30 =	sld [smem:$0x0];
	_ =	sdelay $0x2  }
0xbf: {  	s31 =	sshll.u32 s1, $0xD;
	s1 =	sshrl.u32 s1, $0x2  }
0xc0: {  	s3 =	sand.u32 $0x4000, s31;
	s1 =	sadd.s32 s1, s30  }
0xc1: {  	s0 =	sor.u32 s3, s0;
	s1 =	sshll.u32 s1, $0x11  }
0xc2: {  	s0 =	sor.u32 s1, s0  }
0xc3: {  	s0 =	sadd.s32 $0x8F2B, s0  }
0xc4: {  	[sflag:s0] =	ssyncadd.remote.s32 $0x1  }
0xc5: {  	_ =	sfence.sel $0xFFFF  }
0xc6: {  	[dreg:$0x0] =	wrdreg $0xFFFFFFFF;
	(pc) =	sbr.abs _section_cstart, $3  }
0xc7: {  	[dreg:$0x1] =	wrdreg $0xFFFFFFFF  }
0xc8: {  	_ =	task.clear_ibuf [dreg:s7], $0x2FFFF;
	_ =	strace $0x9FFFFFFF  }
0xc9: {  	(tm) =	ssettm $0x7FFFFFFF  }
tec
execute0_lowered:
.L_overlay_start_1:
0x0: {  	(tag) =	ssettag $0x1  }
0x1: {  	s0 =	rddreg [dreg:$0x0];
	s1 =	srdreg.scid  }
0x2: {  	s8 =	stileid.u32;
	s2 =	rddreg [dreg:$0x2]  }
0x3: {  	s3 =	simm.s32 $0x0;
	s9 =	simm.s32 $0x80;
	s12 =	simm.s32 $0xC80  }
0x4: {  	s13 =	simm.s32 $0xD00;
	s14 =	simm.s32 $0xD80;
	s15 =	simm.s32 $0xE00  }
0x5: {  	s16 =	simm.s32 $0xE80;
	s17 =	simm.s32 $0xF00;
	s18 =	simm.s32 $0xF80  }
0x6: {  	s19 =	simm.s32 $0x1000;
	s20 =	simm.s32 $0x1080;
	s21 =	simm.s32 $0x1100  }
0x7: {  	s22 =	simm.s32 $0x1180;
	s23 =	simm.s32 $0x1200;
	s24 =	simm.s32 $0x1280  }
0x8: {  	s25 =	simm.s32 $0x1300;
	s26 =	simm.s32 $0x1380;
	s28 =	simm.s32 $0x1400  }
0x9: {  	s29 =	simm.s32 $0x1;
	s30 =	simm.s32 $0x0;
	s1 =	sand.u32 $0x1, s1  }
0xa: {  	s4 =	sshll.u32 s8, $0x1;
	[smem:$0x7FF] =	sst s3;
	p0 =	sne.s32 s8, $0x0  }
0xb: {  	s8 =	simm.s32 $0x2;
	s4 =	sor.u32 s1, s4;
	s5 =	ssub.s32 $0x2, s1  }
0xc: {  	_ =	strace $0x80000047;
	s4 =	smul.u32 $0x280, s4;
	s7 =	sshrl.u32 s5, $0x1  }
0xd: {  	s1 =	sshll.u32 s1, $0x4;
	s10 =	sshrl.u32 @!p0 s2, $0x3;
	s31 =	ssub.s32 s5, s7  }
0xe: {  	s6 =	sadd.s32 s4, s0;
	s4 =	sadd.s32 $0x6800, s0;
	s0 =	sadd.s32 s1, s0  }
0xf: {  	s7 =	smax.u32 s31, $0x1;
	s5 =	sadd.s32 $0x1800, s6;
	s6 =	sadd.s32 $0x6E00, s0  }
.LBB2_1:
0x10: {  	s0 =	rddreg [dreg:$0x1]  }
0x11: {  	[tilespmem:s3], [sflag:$0x2] =	stream.linear.gather [hbm4b:s0+s3], $0x80, $0x38;
	[tilespmem:$0x1700] =	vst v63  }
0x12: {  	_ =	swait.ge [sflag:s8], $0x80  }
0x13: {  	[sflag:s8] =	ssyncset.done $0x0  }
0x14: {  	[sflag:s8] =	ssyncadd.s32 $0xFFFFFF80  }
0x15: {  	[tilespmem:s9], [sflag:$0x2] =	stream.linear.gather [hbm4b:s5+s3], $0x1400, $0x38;
	[tilespmem:$0x1700] =	vst v63  }
0x16: {  	_ =	swait.ge [sflag:s8], $0x1400  }
0x17: {  	[sflag:s8] =	ssyncset.done $0x0  }
0x18: {  	s31 =	simm.s32 @!p0 $0x1C02;
	[sflag:s8] =	ssyncadd.s32 $0xFFFFEC00  }
0x19: {  	[spmem:s10], [sflag:s31] =	dma.local @!p0 [hbm:s4], $0x500  }
0x1a: {  	s31 =	simm.s32 @!p0 $0x2  }
0x1b: {  	_ =	swait.ge @!p0 [sflag:s31], $0x500  }
0x1c: {  	[sflag:s31] =	ssyncset.done @!p0 $0x0  }
0x1d: {  	[sflag:s31] =	ssyncadd.s32 @!p0 $0xFFFFFB00  }
0x1e: {  	[bflag:$0x0] =	sbarrier.arrive $0xFFFF  }
0x1f: {  	[spmem:s2] =	stream.indirect.scatter.add.f32 [tilespmem:s3], [sflag:$0x1], $0x1, s9, s9, $0xb8;
	[tilespmem:$0x1700] =	vst v63  }
0x20: {  	s11 =	simm.s32 $0x100  }
0x21: {  	[spmem:s2] =	stream.indirect.scatter.add.f32 [tilespmem:s3], [sflag:$0x1], $0x1, s11, s9, $0xb8;
	[tilespmem:$0x1700] =	vst v63  }
0x22: {  	s1 =	simm.s32 $0x180  }
0x23: {  	[spmem:s2] =	stream.indirect.scatter.add.f32 [tilespmem:s3], [sflag:$0x1], $0x1, s1, s9, $0xb8;
	[tilespmem:$0x1700] =	vst v63  }
0x24: {  	s11 =	simm.s32 $0x200  }
0x25: {  	[spmem:s2] =	stream.indirect.scatter.add.f32 [tilespmem:s3], [sflag:$0x1], $0x1, s11, s9, $0xb8;
	[tilespmem:$0x1700] =	vst v63  }
0x26: {  	s1 =	simm.s32 $0x280  }
0x27: {  	[spmem:s2] =	stream.indirect.scatter.add.f32 [tilespmem:s3], [sflag:$0x1], $0x1, s1, s9, $0xb8;
	[tilespmem:$0x1700] =	vst v63  }
0x28: {  	s11 =	simm.s32 $0x300  }
0x29: {  	[spmem:s2] =	stream.indirect.scatter.add.f32 [tilespmem:s3], [sflag:$0x1], $0x1, s11, s9, $0xb8;
	[tilespmem:$0x1700] =	vst v63  }
0x2a: {  	s1 =	simm.s32 $0x380  }
0x2b: {  	[spmem:s2] =	stream.indirect.scatter.add.f32 [tilespmem:s3], [sflag:$0x1], $0x1, s1, s9, $0xb8;
	[tilespmem:$0x1700] =	vst v63  }
0x2c: {  	s11 =	simm.s32 $0x400  }
0x2d: {  	[spmem:s2] =	stream.indirect.scatter.add.f32 [tilespmem:s3], [sflag:$0x1], $0x1, s11, s9, $0xb8;
	[tilespmem:$0x1700] =	vst v63  }
0x2e: {  	s1 =	simm.s32 $0x480  }
0x2f: {  	[spmem:s2] =	stream.indirect.scatter.add.f32 [tilespmem:s3], [sflag:$0x1], $0x1, s1, s9, $0xb8;
	[tilespmem:$0x1700] =	vst v63  }
0x30: {  	s11 =	simm.s32 $0x500  }
0x31: {  	[spmem:s2] =	stream.indirect.scatter.add.f32 [tilespmem:s3], [sflag:$0x1], $0x1, s11, s9, $0xb8;
	[tilespmem:$0x1700] =	vst v63  }
0x32: {  	s1 =	simm.s32 $0x580  }
0x33: {  	[spmem:s2] =	stream.indirect.scatter.add.f32 [tilespmem:s3], [sflag:$0x1], $0x1, s1, s9, $0xb8;
	[tilespmem:$0x1700] =	vst v63  }
0x34: {  	s11 =	simm.s32 $0x600  }
0x35: {  	[spmem:s2] =	stream.indirect.scatter.add.f32 [tilespmem:s3], [sflag:$0x1], $0x1, s11, s9, $0xb8;
	[tilespmem:$0x1700] =	vst v63  }
0x36: {  	s1 =	simm.s32 $0x680  }
0x37: {  	[spmem:s2] =	stream.indirect.scatter.add.f32 [tilespmem:s3], [sflag:$0x1], $0x1, s1, s9, $0xb8;
	[tilespmem:$0x1700] =	vst v63  }
0x38: {  	s11 =	simm.s32 $0x700  }
0x39: {  	[spmem:s2] =	stream.indirect.scatter.add.f32 [tilespmem:s3], [sflag:$0x1], $0x1, s11, s9, $0xb8;
	[tilespmem:$0x1700] =	vst v63  }
0x3a: {  	s1 =	simm.s32 $0x780  }
0x3b: {  	[spmem:s2] =	stream.indirect.scatter.add.f32 [tilespmem:s3], [sflag:$0x1], $0x1, s1, s9, $0xb8;
	[tilespmem:$0x1700] =	vst v63  }
0x3c: {  	s11 =	simm.s32 $0x800  }
0x3d: {  	[spmem:s2] =	stream.indirect.scatter.add.f32 [tilespmem:s3], [sflag:$0x1], $0x1, s11, s9, $0xb8;
	[tilespmem:$0x1700] =	vst v63  }
0x3e: {  	s1 =	simm.s32 $0x880  }
0x3f: {  	[spmem:s2] =	stream.indirect.scatter.add.f32 [tilespmem:s3], [sflag:$0x1], $0x1, s1, s9, $0xb8;
	[tilespmem:$0x1700] =	vst v63  }
0x40: {  	s11 =	simm.s32 $0x900  }
0x41: {  	[spmem:s2] =	stream.indirect.scatter.add.f32 [tilespmem:s3], [sflag:$0x1], $0x1, s11, s9, $0xb8;
	[tilespmem:$0x1700] =	vst v63  }
0x42: {  	s1 =	simm.s32 $0x980  }
0x43: {  	[spmem:s2] =	stream.indirect.scatter.add.f32 [tilespmem:s3], [sflag:$0x1], $0x1, s1, s9, $0xb8;
	[tilespmem:$0x1700] =	vst v63  }
0x44: {  	s11 =	simm.s32 $0xA00  }
0x45: {  	[spmem:s2] =	stream.indirect.scatter.add.f32 [tilespmem:s3], [sflag:$0x1], $0x1, s11, s9, $0xb8;
	[tilespmem:$0x1700] =	vst v63  }
0x46: {  	s1 =	simm.s32 $0xA80  }
0x47: {  	[spmem:s2] =	stream.indirect.scatter.add.f32 [tilespmem:s3], [sflag:$0x1], $0x1, s1, s9, $0xb8;
	[tilespmem:$0x1700] =	vst v63  }
0x48: {  	s11 =	simm.s32 $0xB00  }
0x49: {  	[spmem:s2] =	stream.indirect.scatter.add.f32 [tilespmem:s3], [sflag:$0x1], $0x1, s11, s9, $0xb8;
	[tilespmem:$0x1700] =	vst v63  }
0x4a: {  	s1 =	simm.s32 $0xB80  }
0x4b: {  	[spmem:s2] =	stream.indirect.scatter.add.f32 [tilespmem:s3], [sflag:$0x1], $0x1, s1, s9, $0xb8;
	[tilespmem:$0x1700] =	vst v63  }
0x4c: {  	s11 =	simm.s32 $0xC00  }
0x4d: {  	[spmem:s2] =	stream.indirect.scatter.add.f32 [tilespmem:s3], [sflag:$0x1], $0x1, s11, s9, $0xb8;
	[tilespmem:$0x1700] =	vst v63  }
0x4e: {  	_ = 	snop  }
0x4f: {  	[spmem:s2] =	stream.indirect.scatter.add.f32 [tilespmem:s3], [sflag:$0x1], $0x1, s12, s9, $0xb8;
	[tilespmem:$0x1700] =	vst v63  }
0x50: {  	_ = 	snop  }
0x51: {  	[spmem:s2] =	stream.indirect.scatter.add.f32 [tilespmem:s3], [sflag:$0x1], $0x1, s13, s9, $0xb8;
	[tilespmem:$0x1700] =	vst v63  }
0x52: {  	_ = 	snop  }
0x53: {  	[spmem:s2] =	stream.indirect.scatter.add.f32 [tilespmem:s3], [sflag:$0x1], $0x1, s14, s9, $0xb8;
	[tilespmem:$0x1700] =	vst v63  }
0x54: {  	_ = 	snop  }
0x55: {  	[spmem:s2] =	stream.indirect.scatter.add.f32 [tilespmem:s3], [sflag:$0x1], $0x1, s15, s9, $0xb8;
	[tilespmem:$0x1700] =	vst v63  }
0x56: {  	_ = 	snop  }
0x57: {  	[spmem:s2] =	stream.indirect.scatter.add.f32 [tilespmem:s3], [sflag:$0x1], $0x1, s16, s9, $0xb8;
	[tilespmem:$0x1700] =	vst v63  }
0x58: {  	_ = 	snop  }
0x59: {  	[spmem:s2] =	stream.indirect.scatter.add.f32 [tilespmem:s3], [sflag:$0x1], $0x1, s17, s9, $0xb8;
	[tilespmem:$0x1700] =	vst v63  }
0x5a: {  	_ = 	snop  }
0x5b: {  	[spmem:s2] =	stream.indirect.scatter.add.f32 [tilespmem:s3], [sflag:$0x1], $0x1, s18, s9, $0xb8;
	[tilespmem:$0x1700] =	vst v63  }
0x5c: {  	_ = 	snop  }
0x5d: {  	[spmem:s2] =	stream.indirect.scatter.add.f32 [tilespmem:s3], [sflag:$0x1], $0x1, s19, s9, $0xb8;
	[tilespmem:$0x1700] =	vst v63  }
0x5e: {  	_ = 	snop  }
0x5f: {  	[spmem:s2] =	stream.indirect.scatter.add.f32 [tilespmem:s3], [sflag:$0x1], $0x1, s20, s9, $0xb8;
	[tilespmem:$0x1700] =	vst v63  }
0x60: {  	_ = 	snop  }
0x61: {  	[spmem:s2] =	stream.indirect.scatter.add.f32 [tilespmem:s3], [sflag:$0x1], $0x1, s21, s9, $0xb8;
	[tilespmem:$0x1700] =	vst v63  }
0x62: {  	_ = 	snop  }
0x63: {  	[spmem:s2] =	stream.indirect.scatter.add.f32 [tilespmem:s3], [sflag:$0x1], $0x1, s22, s9, $0xb8;
	[tilespmem:$0x1700] =	vst v63  }
0x64: {  	_ = 	snop  }
0x65: {  	[spmem:s2] =	stream.indirect.scatter.add.f32 [tilespmem:s3], [sflag:$0x1], $0x1, s23, s9, $0xb8;
	[tilespmem:$0x1700] =	vst v63  }
0x66: {  	_ = 	snop  }
0x67: {  	[spmem:s2] =	stream.indirect.scatter.add.f32 [tilespmem:s3], [sflag:$0x1], $0x1, s24, s9, $0xb8;
	[tilespmem:$0x1700] =	vst v63  }
0x68: {  	_ = 	snop  }
0x69: {  	[spmem:s2] =	stream.indirect.scatter.add.f32 [tilespmem:s3], [sflag:$0x1], $0x1, s25, s9, $0xb8;
	[tilespmem:$0x1700] =	vst v63  }
0x6a: {  	_ = 	snop  }
0x6b: {  	[spmem:s2] =	stream.indirect.scatter.add.f32 [tilespmem:s3], [sflag:$0x1], $0x1, s26, s9, $0xb8;
	[tilespmem:$0x1700] =	vst v63  }
0x6c: {  	_ = 	snop  }
0x6d: {  	[spmem:s2] =	stream.indirect.scatter.add.f32 [tilespmem:s3], [sflag:$0x1], $0x1, s28, s9, $0xb8;
	[tilespmem:$0x1700] =	vst v63  }
0x6e: {  	_ =	swait.ge [sflag:s29], $0x80  }
0x6f: {  	s31 =	simm.s32 $0x27;
	[sflag:s29] =	ssyncset.done $0x0  }
.LBB2_2:
0x70: {  	p1 =	sne.s32 s31, $0x1;
	s31 =	sadd.s32 $0xFFFFFFFF, s31;
	[sflag:s29] =	ssyncadd.s32 $0xFFFFFF80  }
.Ltmp0:
0x71: {  	(pc) =	sbr.rel @p1 .LBB2_2-.Ltmp0, $3  }
0x72: {  	_ =	sdelay $0x1  }
0x73: {  	_ =	swait.ge [sflag:s29], $0x80  }
0x74: {  	[sflag:s29] =	ssyncset.done $0x0  }
0x75: {  	[sflag:s29] =	ssyncadd.s32 $0xFFFFFF80;
	s31 =	simm.s32 @!p0 $0x1  }
0x76: {  	s1 =	simm.s32 @!p0 $0x20;
	s0 =	simm.s32 @!p0 $0x10;
	s30 =	sadd.s32 $0x1, s30  }
0x77: {  	s11 =	simm.s32 @!p0 $0x1C02;
	[bflag:$0x0] =	sbarrier.arrive $0xFFFF;
	p1 =	sne.s32 s30, s7  }
0x78: {  	[hbm:s6@s1], [sflag:s11] =	dma.strided @!p0 [spmem:s10@s0], $0x500, s31, $0x10   }
.Ltmp1:
0x79: {  	_ = 	snop;
	(pc) =	sbr.rel @p1 .LBB2_1-.Ltmp1, $4  }
0x7a: {  	s0 =	simm.s32 @!p0 $0x2  }
0x7b: {  	_ =	swait.ge @!p0 [sflag:s0], $0x500  }
0x7c: {  	[sflag:s0] =	ssyncset.done @!p0 $0x0  }
0x7d: {  	[sflag:s0] =	ssyncadd.s32 @!p0 $0xFFFFFB00  }
0x7e: {  	_ =	sfence.sel $0x180000  }
0x7f: {  	[bflag:$0x0] =	sbarrier.arrive $0xFFFF  }
0x80: {  	_ =	strace $0x90000047  }
0x81: {  	[bflag:$0x2] =	sbarrier.arrive $0xFFFF  }
0x82: {  	s0 =	rddreg [dreg:$0x3]  }
0x83: {  	s0 =	sadd.s32 @!p0 $0x100000, s0  }
0x84: {  	[sflag:s0] =	ssyncadd.tile.s32 @!p0 $0x1;
	_ =	shalt  }
.Lfunc_end2:
_tile_overlayer_lowered:
.L_overlay_start_2:
0x85: {  	(tag) =	ssettag $0x2  }
0x86: {  	s0 =	rddreg [dreg:$0x0];
	s2 =	stileid.u32  }
0x87: {  	s1 =	rddreg [dreg:$0x1];
	p0 =	sne.s32 s2, $0x0  }
0x88: {  	s3 =	rddreg [dreg:$0x2];
	[bflag:$0x3] =	sbarrier.arrive $0xFFFF;
	s2 =	simm.s32 @!p0 $0x1C02  }
0x89: {  	[timem:s3], [sflag:s2] =	dma.local @!p0 [hbm:s0], s1  }
0x8a: {  	s0 =	simm.s32 @!p0 $0x2  }
0x8b: {  	_ =	swait.ge @!p0 [sflag:s0], s1  }
0x8c: {  	s1 =	ssub.s32 @!p0 $0x0, s1;
	[sflag:s0] =	ssyncset.done @!p0 $0x0  }
0x8d: {  	[sflag:s0] =	ssyncadd.s32 @!p0 s1  }
0x8e: {  	[bflag:$0x3] =	sbarrier.arrive $0xFFFF  }
0x8f: {  	_ =	shalt  }

</sc_bundles>
